<compile_context>
chip_gen: v7x
topology: tpu7x:2x2x1
jax: 0.10.2.dev20260603
libtpu: 0.0.44.dev20260713+nightly
codegen_flags: <defaults>
</compile_context>

<pallas_src>
import functools

import jax
import jax.numpy as jnp
from jax import lax
from jax.experimental import pallas as pl
from jax.experimental.pallas import tpu as pltpu
from jax.experimental.pallas import tpu_sc as plsc

N = 10000
D = 128
EPS = 0.1
NC = 2
NS = 16
NW = NC * NS
CHUNK = 128
GS = 8
NP = 10240
ROWS_PER_TILE = NP // NS
ZROWS = 128


def _alpha_body(x_ref, a_ref, o_ref):
    o_ref[...] = jnp.dot(x_ref[...], a_ref[...],
                         preferred_element_type=jnp.float32)


def _alpha_call(x, a2):
    return pl.pallas_call(
        _alpha_body,
        out_shape=jax.ShapeDtypeStruct((N, 128), jnp.float32),
        grid=(10,),
        in_specs=[
            pl.BlockSpec((N // 10, D), lambda i: (i, 0)),
            pl.BlockSpec((D, 128), lambda i: (0, 0)),
        ],
        out_specs=pl.BlockSpec((N // 10, 128), lambda i: (i, 0)),
    )(x, a2)


def _sc_mesh():
    return plsc.VectorSubcoreMesh(core_axis_name="c", subcore_axis_name="s")


def _coef_body(nch, al_hbm, ar_hbm, src_hbm, dst_hbm, w_hbm, cf_hbm,
               al_v, ar_v, srcg, dstg, wg, cfg):
    cid = lax.axis_index("c")
    sid = lax.axis_index("s")
    wid = cid * NS + sid

    pltpu.sync_copy(al_hbm, al_v)
    pltpu.sync_copy(ar_hbm, ar_v)

    def group_body(g, carry):
        gsl = pl.ds(g * GS, GS)
        pltpu.sync_copy(src_hbm.at[wid, gsl], srcg)
        pltpu.sync_copy(dst_hbm.at[wid, gsl], dstg)
        pltpu.sync_copy(w_hbm.at[wid, gsl], wg)
        for k in range(GS):
            for j in range(8):
                sl = pl.ds(j * 16, 16)
                sv = srcg[k, sl]
                dv = dstg[k, sl]
                wv = wg[k, sl]
                al = plsc.load_gather(al_v, [sv])
                ar = plsc.load_gather(ar_v, [dv])
                t = 1.0 - 2.0 / (1.0 + jnp.exp(2.0 * (al + ar)))
                cfg[k, sl] = t * wv
        pltpu.sync_copy(cfg, cf_hbm.at[wid, gsl])
        return carry

    lax.fori_loop(0, nch // GS, group_body, 0)


def _coef_call(nch, al, ar, srcs, dsts, ws):
    return pl.kernel(
        functools.partial(_coef_body, nch),
        out_type=jax.ShapeDtypeStruct((NW, nch, CHUNK), jnp.float32),
        mesh=_sc_mesh(),
        compiler_params=pltpu.CompilerParams(needs_layout_passes=False),
        scratch_types=[
            pltpu.VMEM((N,), jnp.float32),
            pltpu.VMEM((N,), jnp.float32),
            pltpu.VMEM((GS, CHUNK), jnp.int32),
            pltpu.VMEM((GS, CHUNK), jnp.int32),
            pltpu.VMEM((GS, CHUNK), jnp.float32),
            pltpu.VMEM((GS, CHUNK), jnp.float32),
        ],
    )(al, ar, srcs, dsts, ws)


def _sc_body(nch, x_hbm, src_hbm, dst_hbm, cf_hbm, out_hbm,
             src_v, dst_v, cf_v, rows0, rows1, acc, sg0, sg1, si):
    cid = lax.axis_index("c")
    sid = lax.axis_index("s")
    wid = cid * NS + sid
    ngroups = nch // GS

    pltpu.sync_copy(src_hbm.at[wid], src_v)

    zeros16 = jnp.zeros((16,), jnp.float32)

    def zrow(i, carry):
        for j in range(8):
            rows0[i, pl.ds(j * 16, 16)] = zeros16
        return carry

    lax.fori_loop(0, ZROWS, zrow, 0)
    base = sid * ROWS_PER_TILE
    for k in range(ROWS_PER_TILE // ZROWS):
        pltpu.sync_copy(rows0.at[pl.ds(0, ZROWS)],
                        acc.at[pl.ds(base + k * ZROWS, ZROWS)])
    plsc.subcore_barrier()

    pltpu.sync_copy(dst_hbm.at[wid, pl.ds(0, GS)], dst_v.at[0])
    pltpu.sync_copy(cf_hbm.at[wid, pl.ds(0, GS)], cf_v.at[0])
    pltpu.async_copy(x_hbm.at[src_v.at[0]], rows0, sg0)

    bufs = (rows0, rows1)
    sems = (sg0, sg1)

    def group_body(g, carry):
        p = lax.rem(g, 2)
        @pl.when(g + 1 < ngroups)
        def _():
            nsl = pl.ds((g + 1) * GS, GS)
            pltpu.async_copy(dst_hbm.at[wid, nsl], dst_v.at[1 - p], si)
            pltpu.async_copy(cf_hbm.at[wid, nsl], cf_v.at[1 - p], si)

        for k in range(GS):
            c = g * GS + k
            buf = bufs[k % 2]
            sem = sems[k % 2]
            nbuf = bufs[(k + 1) % 2]
            nsem = sems[(k + 1) % 2]
            if k + 1 < GS:
                pltpu.async_copy(x_hbm.at[src_v.at[c + 1]], nbuf, nsem)
            else:
                @pl.when(g + 1 < ngroups)
                def _():
                    pltpu.async_copy(x_hbm.at[src_v.at[c + 1]], nbuf, nsem)
            pltpu.make_async_copy(x_hbm.at[src_v.at[c]], buf, sem).wait()

            def scale_row(i, carry2):
                cs = plsc.load_gather(
                    cf_v, [jnp.full((16,), p, jnp.int32),
                           jnp.full((16,), k, jnp.int32),
                           jnp.full((16,), i, jnp.int32)])
                for j in range(8):
                    sl = pl.ds(j * 16, 16)
                    buf[i, sl] = buf[i, sl] * cs
                return carry2

            lax.fori_loop(0, CHUNK, scale_row, 0)
            pltpu.sync_copy(buf, acc.at[dst_v.at[p, k]], add=True)

        @pl.when(g + 1 < ngroups)
        def _():
            pltpu.make_async_copy(dst_hbm.at[wid, pl.ds(0, GS)],
                                  dst_v.at[1 - p], si).wait()
            pltpu.make_async_copy(cf_hbm.at[wid, pl.ds(0, GS)],
                                  cf_v.at[1 - p], si).wait()
        return carry

    lax.fori_loop(0, ngroups, group_body, 0)

    plsc.subcore_barrier()
    pltpu.sync_copy(acc.at[pl.ds(base, ROWS_PER_TILE)],
                    out_hbm.at[pl.ds(cid * NP + base, ROWS_PER_TILE)])


def _sc_call(nch, x, srcs, dsts, cfs):
    return pl.kernel(
        functools.partial(_sc_body, nch),
        out_type=jax.ShapeDtypeStruct((NC * NP, D), jnp.float32),
        mesh=_sc_mesh(),
        compiler_params=pltpu.CompilerParams(needs_layout_passes=False),
        scratch_types=[
            pltpu.VMEM((nch, CHUNK), jnp.int32),
            pltpu.VMEM((2, GS, CHUNK), jnp.int32),
            pltpu.VMEM((2, GS, CHUNK), jnp.float32),
            pltpu.VMEM((CHUNK, D), jnp.float32),
            pltpu.VMEM((CHUNK, D), jnp.float32),
            pltpu.VMEM_SHARED((NP, D), jnp.float32),
            pltpu.SemaphoreType.DMA,
            pltpu.SemaphoreType.DMA,
            pltpu.SemaphoreType.DMA,
        ],
    )(x, srcs, dsts, cfs)


def _out_body(p0_ref, p1_ref, x0_ref, w_ref, b_ref, o_ref):
    s = p0_ref[...] + p1_ref[...] + EPS * x0_ref[...]
    h = jnp.maximum(s, 0.0)
    o_ref[...] = jnp.dot(h, w_ref[...],
                         preferred_element_type=jnp.float32) + b_ref[...]


def _out_call(parts, x_0, W, b2):
    blk = N // 10
    return pl.pallas_call(
        _out_body,
        out_shape=jax.ShapeDtypeStruct((N, D), jnp.float32),
        grid=(10,),
        in_specs=[
            pl.BlockSpec((None, blk, D), lambda i: (0, i, 0)),
            pl.BlockSpec((None, blk, D), lambda i: (1, i, 0)),
            pl.BlockSpec((blk, D), lambda i: (i, 0)),
            pl.BlockSpec((D, D), lambda i: (0, 0)),
            pl.BlockSpec((1, D), lambda i: (0, 0)),
        ],
        out_specs=pl.BlockSpec((blk, D), lambda i: (i, 0)),
    )(parts, parts, x_0, W, b2)


def kernel(x, x_0, edge_index, edge_weight, a_l, a_r, W, b):
    e = edge_index.shape[1]
    nch = -(-e // (NW * CHUNK))
    nch = -(-nch // GS) * GS
    pad = NW * nch * CHUNK - e
    src = edge_index[0].astype(jnp.int32)
    dst = edge_index[1].astype(jnp.int32)
    ew = edge_weight.astype(jnp.float32)
    if pad:
        zi = jnp.zeros((pad,), jnp.int32)
        src = jnp.concatenate([src, zi])
        dst = jnp.concatenate([dst, zi])
        ew = jnp.concatenate([ew, jnp.zeros((pad,), jnp.float32)])
    srcs = src.reshape(NW, nch, CHUNK)
    dsts = dst.reshape(NW, nch, CHUNK)
    ws = ew.reshape(NW, nch, CHUNK)

    a2 = jnp.zeros((D, 128), jnp.float32)
    a2 = a2.at[:, 0].set(a_l).at[:, 1].set(a_r)
    alphas = _alpha_call(x, a2)
    al = alphas[:, 0]
    ar = alphas[:, 1]

    cfs = _coef_call(nch, al, ar, srcs, dsts, ws)
    parts = _sc_call(nch, x, srcs, dsts, cfs).reshape(2, NP, D)
    return _out_call(parts, x_0, W, b2=b.reshape(1, D))

# --- scband reference (transcript-rebuilt; emitter-appended) ---
"""Pipeline reference for scband-faconv-gnn-86938728005836 (READ-ONLY COPY).

The authoritative reference and input builder live on the scoring server;
editing this copy changes nothing except your own understanding.
"""

import jax, jax.numpy as jnp
import numpy as np

N = 10000
E = 320000
D = 128
EPS = 0.1  # FAConv default eps

def setup_inputs(seed: int = 0) -> dict:
    key = jax.random.key(seed)
    ks = jax.random.split(key, 8)
    x = jax.random.normal(ks[0], (N, D), dtype=jnp.float32)
    x_0 = jax.random.normal(ks[1], (N, D), dtype=jnp.float32)
    edge_index = jax.random.randint(ks[2], (2, E), 0, N)
    edge_weight = jax.random.uniform(ks[3], (E,), dtype=jnp.float32)
    # FAConv attention params: att_l, att_r are Linear(channels, 1, bias=False)
    a_l = jax.random.normal(ks[4], (D,), dtype=jnp.float32) * 0.1
    a_r = jax.random.normal(ks[5], (D,), dtype=jnp.float32) * 0.1
    # final nn.Linear(in_channels, out_channels)
    W = jax.random.normal(ks[6], (D, D), dtype=jnp.float32) * (1.0 / np.sqrt(D))
    b = jax.random.normal(ks[7], (D,), dtype=jnp.float32) * 0.01
    return {"x": x, "x_0": x_0, "edge_index": edge_index, "edge_weight": edge_weight,
            "a_l": a_l, "a_r": a_r, "W": W, "b": b}

def reference(x, x_0, edge_index, edge_weight, a_l, a_r, W, b):
    src = edge_index[0]
    dst = edge_index[1]
    # FAConv: alpha_l = att_l(x), alpha_r = att_r(x)
    alpha_l = x @ a_l  # [N]
    alpha_r = x @ a_r  # [N]
    # message(x_j, alpha_j, alpha_i, edge_weight):
    #   alpha = tanh(alpha_j + alpha_i); return x_j * (alpha * edge_weight)[:, None]
    alpha = jnp.tanh(alpha_l[src] + alpha_r[dst])  # [E]
    msg = x[src] * (alpha * edge_weight)[:, None]  # [E, D]
    # sum aggregation at destination nodes
    out = jax.ops.segment_sum(msg, dst, num_segments=N)  # [N, D]
    # out = out + eps * x_0
    out = out + EPS * x_0
    # relu then linear
    out = jax.nn.relu(out)
    out = out @ W + b
    return out

if __name__ == "__main__":
    import jax
    _d = setup_inputs()
    print(jax.jit(kernel)(*tuple(_d.values())))

</pallas_src>

<mosaic_0001>
#map = affine_map<(d0, d1) -> (0)>
#map1 = affine_map<(d0, d1) -> (0, 0, 0)>
module attributes {stable_mosaic.version = 14 : i64} {
  func.func @_coef_body(%arg0: i32, %arg1: i32, %arg2: memref<10000xf32, #tpu.memory_space<hbm>>, %arg3: memref<10000xf32, #tpu.memory_space<hbm>>, %arg4: memref<32x80x128xi32, #tpu.memory_space<hbm>>, %arg5: memref<32x80x128xi32, #tpu.memory_space<hbm>>, %arg6: memref<32x80x128xf32, #tpu.memory_space<hbm>>, %arg7: memref<32x80x128xf32, #tpu.memory_space<hbm>>, %arg8: memref<10000xf32, #tpu.memory_space<vmem>>, %arg9: memref<10000xf32, #tpu.memory_space<vmem>>, %arg10: memref<8x128xi32, #tpu.memory_space<vmem>>, %arg11: memref<8x128xi32, #tpu.memory_space<vmem>>, %arg12: memref<8x128xf32, #tpu.memory_space<vmem>>, %arg13: memref<8x128xf32, #tpu.memory_space<vmem>>) attributes {dimension_semantics = [#tpu.dimension_semantics<core_parallel>, #tpu.dimension_semantics<subcore_parallel>], iteration_bounds = array<i64: 2, 16>, scalar_prefetch = 0 : i64, scratch_operands = 6 : i64, tpu.core_type = #tpu.core_type<sc_vector_subcore>, window_params = [{transform_indices = #map}, {transform_indices = #map}, {transform_indices = #map1}, {transform_indices = #map1}, {transform_indices = #map1}, {transform_indices = #map1}]} {
    %mul3A = arith.constant 16 : i32
    %mul3A_0 = arith.muli %arg0, %mul3A : i32
    %add3A = arith.addi %mul3A_0, %arg1 : i32
    "tpu.region"() ({
      %run_scoped3A = tpu.sem_alloc : memref<!tpu.dma_semaphore, #tpu.memory_space<semaphore_mem>>
      tpu.enqueue_dma source(%arg2 : memref<10000xf32, #tpu.memory_space<hbm>>) target(%arg8 : memref<10000xf32, #tpu.memory_space<vmem>>) target_semaphore(%run_scoped3A : memref<!tpu.dma_semaphore, #tpu.memory_space<semaphore_mem>>)
      tpu.wait_dma2 semaphore(%run_scoped3A : memref<!tpu.dma_semaphore, #tpu.memory_space<semaphore_mem>>) src(%arg2 : memref<10000xf32, #tpu.memory_space<hbm>>) dst(%arg8 : memref<10000xf32, #tpu.memory_space<vmem>>)
      tpu.yield
    }) : () -> ()
    "tpu.region"() ({
      %run_scoped3A = tpu.sem_alloc : memref<!tpu.dma_semaphore, #tpu.memory_space<semaphore_mem>>
      tpu.enqueue_dma source(%arg3 : memref<10000xf32, #tpu.memory_space<hbm>>) target(%arg9 : memref<10000xf32, #tpu.memory_space<vmem>>) target_semaphore(%run_scoped3A : memref<!tpu.dma_semaphore, #tpu.memory_space<semaphore_mem>>)
      tpu.wait_dma2 semaphore(%run_scoped3A : memref<!tpu.dma_semaphore, #tpu.memory_space<semaphore_mem>>) src(%arg3 : memref<10000xf32, #tpu.memory_space<hbm>>) dst(%arg9 : memref<10000xf32, #tpu.memory_space<vmem>>)
      tpu.yield
    }) : () -> ()
    %scan3A = arith.constant 0 : i32
    %scan3A_1 = arith.constant 0 : i32
    %scan3A_2 = arith.constant 10 : i32
    %scan3A_3 = arith.addi %scan3A_1, %scan3A_2 : i32
    %scan3A_4 = arith.constant 1 : i32
    scf.for %scan3A_6 = %scan3A_1 to %scan3A_3 step %scan3A_4  : i32 {
      %mul3A_7 = arith.constant 8 : i32
      %mul3A_8 = arith.muli %scan3A_6, %mul3A_7 : i32
      "tpu.region"() ({
        %run_scoped3A = tpu.sem_alloc : memref<!tpu.dma_semaphore, #tpu.memory_space<semaphore_mem>>
        %dma_start3A = arith.constant 0 : i32
        %dma_start3A_2115 = tpu.memref_slice %arg4[%add3A, %mul3A_8, %dma_start3A] : memref<32x80x128xi32, #tpu.memory_space<hbm>> -> memref<1x8x128xi32, #tpu.memory_space<hbm>>
        %dma_start3A_2116 = tpu.memref_squeeze %dma_start3A_2115 : memref<1x8x128xi32, #tpu.memory_space<hbm>> -> memref<8x128xi32, #tpu.memory_space<hbm>>
        %dma_start3A_2117 = arith.constant 0 : i32
        %dma_start3A_2118 = tpu.memref_slice %arg4[%add3A, %mul3A_8, %dma_start3A_2117] : memref<32x80x128xi32, #tpu.memory_space<hbm>> -> memref<1x8x128xi32, #tpu.memory_space<hbm>>
        %dma_start3A_2119 = tpu.memref_squeeze %dma_start3A_2118 : memref<1x8x128xi32, #tpu.memory_space<hbm>> -> memref<8x128xi32, #tpu.memory_space<hbm>>
        tpu.enqueue_dma source(%dma_start3A_2119 : memref<8x128xi32, #tpu.memory_space<hbm>>) target(%arg10 : memref<8x128xi32, #tpu.memory_space<vmem>>) target_semaphore(%run_scoped3A : memref<!tpu.dma_semaphore, #tpu.memory_space<semaphore_mem>>)
        %dma_wait3A = arith.constant 0 : i32
        %dma_wait3A_2120 = tpu.memref_slice %arg4[%add3A, %mul3A_8, %dma_wait3A] : memref<32x80x128xi32, #tpu.memory_space<hbm>> -> memref<1x8x128xi32, #tpu.memory_space<hbm>>
        %dma_wait3A_2121 = tpu.memref_squeeze %dma_wait3A_2120 : memref<1x8x128xi32, #tpu.memory_space<hbm>> -> memref<8x128xi32, #tpu.memory_space<hbm>>
        %dma_wait3A_2122 = arith.constant 0 : i32
        %dma_wait3A_2123 = tpu.memref_slice %arg4[%add3A, %mul3A_8, %dma_wait3A_2122] : memref<32x80x128xi32, #tpu.memory_space<hbm>> -> memref<1x8x128xi32, #tpu.memory_space<hbm>>
        %dma_wait3A_2124 = tpu.memref_squeeze %dma_wait3A_2123 : memref<1x8x128xi32, #tpu.memory_space<hbm>> -> memref<8x128xi32, #tpu.memory_space<hbm>>
        tpu.wait_dma2 semaphore(%run_scoped3A : memref<!tpu.dma_semaphore, #tpu.memory_space<semaphore_mem>>) src(%dma_wait3A_2124 : memref<8x128xi32, #tpu.memory_space<hbm>>) dst(%arg10 : memref<8x128xi32, #tpu.memory_space<vmem>>)
        tpu.yield
      }) : () -> ()
      "tpu.region"() ({
        %run_scoped3A = tpu.sem_alloc : memref<!tpu.dma_semaphore, #tpu.memory_space<semaphore_mem>>
        %dma_start3A = arith.constant 0 : i32
        %dma_start3A_2115 = tpu.memref_slice %arg5[%add3A, %mul3A_8, %dma_start3A] : memref<32x80x128xi32, #tpu.memory_space<hbm>> -> memref<1x8x128xi32, #tpu.memory_space<hbm>>
        %dma_start3A_2116 = tpu.memref_squeeze %dma_start3A_2115 : memref<1x8x128xi32, #tpu.memory_space<hbm>> -> memref<8x128xi32, #tpu.memory_space<hbm>>
        %dma_start3A_2117 = arith.constant 0 : i32
        %dma_start3A_2118 = tpu.memref_slice %arg5[%add3A, %mul3A_8, %dma_start3A_2117] : memref<32x80x128xi32, #tpu.memory_space<hbm>> -> memref<1x8x128xi32, #tpu.memory_space<hbm>>
        %dma_start3A_2119 = tpu.memref_squeeze %dma_start3A_2118 : memref<1x8x128xi32, #tpu.memory_space<hbm>> -> memref<8x128xi32, #tpu.memory_space<hbm>>
        tpu.enqueue_dma source(%dma_start3A_2119 : memref<8x128xi32, #tpu.memory_space<hbm>>) target(%arg11 : memref<8x128xi32, #tpu.memory_space<vmem>>) target_semaphore(%run_scoped3A : memref<!tpu.dma_semaphore, #tpu.memory_space<semaphore_mem>>)
        %dma_wait3A = arith.constant 0 : i32
        %dma_wait3A_2120 = tpu.memref_slice %arg5[%add3A, %mul3A_8, %dma_wait3A] : memref<32x80x128xi32, #tpu.memory_space<hbm>> -> memref<1x8x128xi32, #tpu.memory_space<hbm>>
        %dma_wait3A_2121 = tpu.memref_squeeze %dma_wait3A_2120 : memref<1x8x128xi32, #tpu.memory_space<hbm>> -> memref<8x128xi32, #tpu.memory_space<hbm>>
        %dma_wait3A_2122 = arith.constant 0 : i32
        %dma_wait3A_2123 = tpu.memref_slice %arg5[%add3A, %mul3A_8, %dma_wait3A_2122] : memref<32x80x128xi32, #tpu.memory_space<hbm>> -> memref<1x8x128xi32, #tpu.memory_space<hbm>>
        %dma_wait3A_2124 = tpu.memref_squeeze %dma_wait3A_2123 : memref<1x8x128xi32, #tpu.memory_space<hbm>> -> memref<8x128xi32, #tpu.memory_space<hbm>>
        tpu.wait_dma2 semaphore(%run_scoped3A : memref<!tpu.dma_semaphore, #tpu.memory_space<semaphore_mem>>) src(%dma_wait3A_2124 : memref<8x128xi32, #tpu.memory_space<hbm>>) dst(%arg11 : memref<8x128xi32, #tpu.memory_space<vmem>>)
        tpu.yield
      }) : () -> ()
      "tpu.region"() ({
        %run_scoped3A = tpu.sem_alloc : memref<!tpu.dma_semaphore, #tpu.memory_space<semaphore_mem>>
        %dma_start3A = arith.constant 0 : i32
        %dma_start3A_2115 = tpu.memref_slice %arg6[%add3A, %mul3A_8, %dma_start3A] : memref<32x80x128xf32, #tpu.memory_space<hbm>> -> memref<1x8x128xf32, #tpu.memory_space<hbm>>
        %dma_start3A_2116 = tpu.memref_squeeze %dma_start3A_2115 : memref<1x8x128xf32, #tpu.memory_space<hbm>> -> memref<8x128xf32, #tpu.memory_space<hbm>>
        %dma_start3A_2117 = arith.constant 0 : i32
        %dma_start3A_2118 = tpu.memref_slice %arg6[%add3A, %mul3A_8, %dma_start3A_2117] : memref<32x80x128xf32, #tpu.memory_space<hbm>> -> memref<1x8x128xf32, #tpu.memory_space<hbm>>
        %dma_start3A_2119 = tpu.memref_squeeze %dma_start3A_2118 : memref<1x8x128xf32, #tpu.memory_space<hbm>> -> memref<8x128xf32, #tpu.memory_space<hbm>>
        tpu.enqueue_dma source(%dma_start3A_2119 : memref<8x128xf32, #tpu.memory_space<hbm>>) target(%arg12 : memref<8x128xf32, #tpu.memory_space<vmem>>) target_semaphore(%run_scoped3A : memref<!tpu.dma_semaphore, #tpu.memory_space<semaphore_mem>>)
        %dma_wait3A = arith.constant 0 : i32
        %dma_wait3A_2120 = tpu.memref_slice %arg6[%add3A, %mul3A_8, %dma_wait3A] : memref<32x80x128xf32, #tpu.memory_space<hbm>> -> memref<1x8x128xf32, #tpu.memory_space<hbm>>
        %dma_wait3A_2121 = tpu.memref_squeeze %dma_wait3A_2120 : memref<1x8x128xf32, #tpu.memory_space<hbm>> -> memref<8x128xf32, #tpu.memory_space<hbm>>
        %dma_wait3A_2122 = arith.constant 0 : i32
        %dma_wait3A_2123 = tpu.memref_slice %arg6[%add3A, %mul3A_8, %dma_wait3A_2122] : memref<32x80x128xf32, #tpu.memory_space<hbm>> -> memref<1x8x128xf32, #tpu.memory_space<hbm>>
        %dma_wait3A_2124 = tpu.memref_squeeze %dma_wait3A_2123 : memref<1x8x128xf32, #tpu.memory_space<hbm>> -> memref<8x128xf32, #tpu.memory_space<hbm>>
        tpu.wait_dma2 semaphore(%run_scoped3A : memref<!tpu.dma_semaphore, #tpu.memory_space<semaphore_mem>>) src(%dma_wait3A_2124 : memref<8x128xf32, #tpu.memory_space<hbm>>) dst(%arg12 : memref<8x128xf32, #tpu.memory_space<vmem>>)
        tpu.yield
      }) : () -> ()
      %get3A = arith.constant 0 : i32
      %get3A_9 = arith.index_cast %get3A : i32 to index
      %get3A_10 = arith.constant 0 : index
      %get3A_11 = tpu.vector_load %arg10[%get3A_9, %get3A_10] {strides = array<i32>} : memref<8x128xi32, #tpu.memory_space<vmem>>, vector<16xi32>,
      %get3A_12 = arith.constant 0 : i32
      %get3A_13 = arith.index_cast %get3A_12 : i32 to index
      %get3A_14 = arith.constant 0 : index
      %get3A_15 = tpu.vector_load %arg11[%get3A_13, %get3A_14] {strides = array<i32>} : memref<8x128xi32, #tpu.memory_space<vmem>>, vector<16xi32>,
      %get3A_16 = arith.constant 0 : i32
      %get3A_17 = arith.index_cast %get3A_16 : i32 to index
      %get3A_18 = arith.constant 0 : index
      %get3A_19 = tpu.vector_load %arg12[%get3A_17, %get3A_18] {strides = array<i32>} : memref<8x128xf32, #tpu.memory_space<vmem>>, vector<16xf32>,
      %gather3A = tpu.vector_load_idx %arg8[%get3A_11] : memref<10000xf32, #tpu.memory_space<vmem>>[vector<16xi32>], vector<16xf32>,
      %gather3A_20 = tpu.vector_load_idx %arg9[%get3A_15] : memref<10000xf32, #tpu.memory_space<vmem>>[vector<16xi32>], vector<16xf32>,
      %add3A_21 = arith.addf %gather3A, %gather3A_20 : vector<16xf32>
      %mul3A_22 = arith.constant 2.000000e+00 : f32
      %mul3A_23 = vector.broadcast %mul3A_22 : f32 to vector<16xf32>
      %mul3A_24 = arith.mulf %mul3A_23, %add3A_21 : vector<16xf32>
      %exp3A = math.exp %mul3A_24 : vector<16xf32>
      %add3A_25 = arith.constant 1.000000e+00 : f32
      %add3A_26 = vector.broadcast %add3A_25 : f32 to vector<16xf32>
      %add3A_27 = arith.addf %add3A_26, %exp3A : vector<16xf32>
      %div3A = arith.constant 2.000000e+00 : f32
      %div3A_28 = vector.broadcast %div3A : f32 to vector<16xf32>
      %div3A_29 = arith.divf %div3A_28, %add3A_27 : vector<16xf32>
      %sub3A = arith.constant 1.000000e+00 : f32
      %sub3A_30 = vector.broadcast %sub3A : f32 to vector<16xf32>
      %sub3A_31 = arith.subf %sub3A_30, %div3A_29 : vector<16xf32>
      %mul3A_32 = arith.mulf %sub3A_31, %get3A_19 : vector<16xf32>
      %swap3A = arith.constant 0 : i32
      %swap3A_33 = arith.index_cast %swap3A : i32 to index
      %swap3A_34 = arith.constant 0 : index
      %swap3A_35 = tpu.vector_load %arg13[%swap3A_33, %swap3A_34] {strides = array<i32>} : memref<8x128xf32, #tpu.memory_space<vmem>>, vector<16xf32>,
      tpu.vector_store %arg13[%swap3A_33, %swap3A_34], %mul3A_32 {strides = array<i32>} : memref<8x128xf32, #tpu.memory_space<vmem>>, vector<16xf32>,
      %get3A_36 = arith.constant 0 : i32
      %get3A_37 = arith.index_cast %get3A_36 : i32 to index
      %get3A_38 = arith.constant 16 : index
      %get3A_39 = tpu.vector_load %arg10[%get3A_37, %get3A_38] {strides = array<i32>} : memref<8x128xi32, #tpu.memory_space<vmem>>, vector<16xi32>,
      %get3A_40 = arith.constant 0 : i32
      %get3A_41 = arith.index_cast %get3A_40 : i32 to index
      %get3A_42 = arith.constant 16 : index
      %get3A_43 = tpu.vector_load %arg11[%get3A_41, %get3A_42] {strides = array<i32>} : memref<8x128xi32, #tpu.memory_space<vmem>>, vector<16xi32>,
      %get3A_44 = arith.constant 0 : i32
      %get3A_45 = arith.index_cast %get3A_44 : i32 to index
      %get3A_46 = arith.constant 16 : index
      %get3A_47 = tpu.vector_load %arg12[%get3A_45, %get3A_46] {strides = array<i32>} : memref<8x128xf32, #tpu.memory_space<vmem>>, vector<16xf32>,
      %gather3A_48 = tpu.vector_load_idx %arg8[%get3A_39] : memref<10000xf32, #tpu.memory_space<vmem>>[vector<16xi32>], vector<16xf32>,
      %gather3A_49 = tpu.vector_load_idx %arg9[%get3A_43] : memref<10000xf32, #tpu.memory_space<vmem>>[vector<16xi32>], vector<16xf32>,
      %add3A_50 = arith.addf %gather3A_48, %gather3A_49 : vector<16xf32>
      %mul3A_51 = arith.constant 2.000000e+00 : f32
      %mul3A_52 = vector.broadcast %mul3A_51 : f32 to vector<16xf32>
      %mul3A_53 = arith.mulf %mul3A_52, %add3A_50 : vector<16xf32>
      %exp3A_54 = math.exp %mul3A_53 : vector<16xf32>
      %add3A_55 = arith.constant 1.000000e+00 : f32
      %add3A_56 = vector.broadcast %add3A_55 : f32 to vector<16xf32>
      %add3A_57 = arith.addf %add3A_56, %exp3A_54 : vector<16xf32>
      %div3A_58 = arith.constant 2.000000e+00 : f32
      %div3A_59 = vector.broadcast %div3A_58 : f32 to vector<16xf32>
      %div3A_60 = arith.divf %div3A_59, %add3A_57 : vector<16xf32>
      %sub3A_61 = arith.constant 1.000000e+00 : f32
      %sub3A_62 = vector.broadcast %sub3A_61 : f32 to vector<16xf32>
      %sub3A_63 = arith.subf %sub3A_62, %div3A_60 : vector<16xf32>
      %mul3A_64 = arith.mulf %sub3A_63, %get3A_47 : vector<16xf32>
      %swap3A_65 = arith.constant 0 : i32
      %swap3A_66 = arith.index_cast %swap3A_65 : i32 to index
      %swap3A_67 = arith.constant 16 : index
      %swap3A_68 = tpu.vector_load %arg13[%swap3A_66, %swap3A_67] {strides = array<i32>} : memref<8x128xf32, #tpu.memory_space<vmem>>, vector<16xf32>,
      tpu.vector_store %arg13[%swap3A_66, %swap3A_67], %mul3A_64 {strides = array<i32>} : memref<8x128xf32, #tpu.memory_space<vmem>>, vector<16xf32>,
      %get3A_69 = arith.constant 0 : i32
      %get3A_70 = arith.index_cast %get3A_69 : i32 to index
      %get3A_71 = arith.constant 32 : index
      %get3A_72 = tpu.vector_load %arg10[%get3A_70, %get3A_71] {strides = array<i32>} : memref<8x128xi32, #tpu.memory_space<vmem>>, vector<16xi32>,
      %get3A_73 = arith.constant 0 : i32
      %get3A_74 = arith.index_cast %get3A_73 : i32 to index
      %get3A_75 = arith.constant 32 : index
      %get3A_76 = tpu.vector_load %arg11[%get3A_74, %get3A_75] {strides = array<i32>} : memref<8x128xi32, #tpu.memory_space<vmem>>, vector<16xi32>,
      %get3A_77 = arith.constant 0 : i32
      %get3A_78 = arith.index_cast %get3A_77 : i32 to index
      %get3A_79 = arith.constant 32 : index
      %get3A_80 = tpu.vector_load %arg12[%get3A_78, %get3A_79] {strides = array<i32>} : memref<8x128xf32, #tpu.memory_space<vmem>>, vector<16xf32>,
      %gather3A_81 = tpu.vector_load_idx %arg8[%get3A_72] : memref<10000xf32, #tpu.memory_space<vmem>>[vector<16xi32>], vector<16xf32>,
      %gather3A_82 = tpu.vector_load_idx %arg9[%get3A_76] : memref<10000xf32, #tpu.memory_space<vmem>>[vector<16xi32>], vector<16xf32>,
      %add3A_83 = arith.addf %gather3A_81, %gather3A_82 : vector<16xf32>
      %mul3A_84 = arith.constant 2.000000e+00 : f32
      %mul3A_85 = vector.broadcast %mul3A_84 : f32 to vector<16xf32>
      %mul3A_86 = arith.mulf %mul3A_85, %add3A_83 : vector<16xf32>
      %exp3A_87 = math.exp %mul3A_86 : vector<16xf32>
      %add3A_88 = arith.constant 1.000000e+00 : f32
      %add3A_89 = vector.broadcast %add3A_88 : f32 to vector<16xf32>
      %add3A_90 = arith.addf %add3A_89, %exp3A_87 : vector<16xf32>
      %div3A_91 = arith.constant 2.000000e+00 : f32
      %div3A_92 = vector.broadcast %div3A_91 : f32 to vector<16xf32>
      %div3A_93 = arith.divf %div3A_92, %add3A_90 : vector<16xf32>
      %sub3A_94 = arith.constant 1.000000e+00 : f32
      %sub3A_95 = vector.broadcast %sub3A_94 : f32 to vector<16xf32>
      %sub3A_96 = arith.subf %sub3A_95, %div3A_93 : vector<16xf32>
      %mul3A_97 = arith.mulf %sub3A_96, %get3A_80 : vector<16xf32>
      %swap3A_98 = arith.constant 0 : i32
      %swap3A_99 = arith.index_cast %swap3A_98 : i32 to index
      %swap3A_100 = arith.constant 32 : index
      %swap3A_101 = tpu.vector_load %arg13[%swap3A_99, %swap3A_100] {strides = array<i32>} : memref<8x128xf32, #tpu.memory_space<vmem>>, vector<16xf32>,
      tpu.vector_store %arg13[%swap3A_99, %swap3A_100], %mul3A_97 {strides = array<i32>} : memref<8x128xf32, #tpu.memory_space<vmem>>, vector<16xf32>,
      %get3A_102 = arith.constant 0 : i32
      %get3A_103 = arith.index_cast %get3A_102 : i32 to index
      %get3A_104 = arith.constant 48 : index
      %get3A_105 = tpu.vector_load %arg10[%get3A_103, %get3A_104] {strides = array<i32>} : memref<8x128xi32, #tpu.memory_space<vmem>>, vector<16xi32>,
      %get3A_106 = arith.constant 0 : i32
      %get3A_107 = arith.index_cast %get3A_106 : i32 to index
      %get3A_108 = arith.constant 48 : index
      %get3A_109 = tpu.vector_load %arg11[%get3A_107, %get3A_108] {strides = array<i32>} : memref<8x128xi32, #tpu.memory_space<vmem>>, vector<16xi32>,
      %get3A_110 = arith.constant 0 : i32
      %get3A_111 = arith.index_cast %get3A_110 : i32 to index
      %get3A_112 = arith.constant 48 : index
      %get3A_113 = tpu.vector_load %arg12[%get3A_111, %get3A_112] {strides = array<i32>} : memref<8x128xf32, #tpu.memory_space<vmem>>, vector<16xf32>,
      %gather3A_114 = tpu.vector_load_idx %arg8[%get3A_105] : memref<10000xf32, #tpu.memory_space<vmem>>[vector<16xi32>], vector<16xf32>,
      %gather3A_115 = tpu.vector_load_idx %arg9[%get3A_109] : memref<10000xf32, #tpu.memory_space<vmem>>[vector<16xi32>], vector<16xf32>,
      %add3A_116 = arith.addf %gather3A_114, %gather3A_115 : vector<16xf32>
      %mul3A_117 = arith.constant 2.000000e+00 : f32
      %mul3A_118 = vector.broadcast %mul3A_117 : f32 to vector<16xf32>
      %mul3A_119 = arith.mulf %mul3A_118, %add3A_116 : vector<16xf32>
      %exp3A_120 = math.exp %mul3A_119 : vector<16xf32>
      %add3A_121 = arith.constant 1.000000e+00 : f32
      %add3A_122 = vector.broadcast %add3A_121 : f32 to vector<16xf32>
      %add3A_123 = arith.addf %add3A_122, %exp3A_120 : vector<16xf32>
      %div3A_124 = arith.constant 2.000000e+00 : f32
      %div3A_125 = vector.broadcast %div3A_124 : f32 to vector<16xf32>
      %div3A_126 = arith.divf %div3A_125, %add3A_123 : vector<16xf32>
      %sub3A_127 = arith.constant 1.000000e+00 : f32
      %sub3A_128 = vector.broadcast %sub3A_127 : f32 to vector<16xf32>
      %sub3A_129 = arith.subf %sub3A_128, %div3A_126 : vector<16xf32>
      %mul3A_130 = arith.mulf %sub3A_129, %get3A_113 : vector<16xf32>
      %swap3A_131 = arith.constant 0 : i32
      %swap3A_132 = arith.index_cast %swap3A_131 : i32 to index
      %swap3A_133 = arith.constant 48 : index
      %swap3A_134 = tpu.vector_load %arg13[%swap3A_132, %swap3A_133] {strides = array<i32>} : memref<8x128xf32, #tpu.memory_space<vmem>>, vector<16xf32>,
      tpu.vector_store %arg13[%swap3A_132, %swap3A_133], %mul3A_130 {strides = array<i32>} : memref<8x128xf32, #tpu.memory_space<vmem>>, vector<16xf32>,
      %get3A_135 = arith.constant 0 : i32
      %get3A_136 = arith.index_cast %get3A_135 : i32 to index
      %get3A_137 = arith.constant 64 : index
      %get3A_138 = tpu.vector_load %arg10[%get3A_136, %get3A_137] {strides = array<i32>} : memref<8x128xi32, #tpu.memory_space<vmem>>, vector<16xi32>,
      %get3A_139 = arith.constant 0 : i32
      %get3A_140 = arith.index_cast %get3A_139 : i32 to index
      %get3A_141 = arith.constant 64 : index
      %get3A_142 = tpu.vector_load %arg11[%get3A_140, %get3A_141] {strides = array<i32>} : memref<8x128xi32, #tpu.memory_space<vmem>>, vector<16xi32>,
      %get3A_143 = arith.constant 0 : i32
      %get3A_144 = arith.index_cast %get3A_143 : i32 to index
      %get3A_145 = arith.constant 64 : index
      %get3A_146 = tpu.vector_load %arg12[%get3A_144, %get3A_145] {strides = array<i32>} : memref<8x128xf32, #tpu.memory_space<vmem>>, vector<16xf32>,
      %gather3A_147 = tpu.vector_load_idx %arg8[%get3A_138] : memref<10000xf32, #tpu.memory_space<vmem>>[vector<16xi32>], vector<16xf32>,
      %gather3A_148 = tpu.vector_load_idx %arg9[%get3A_142] : memref<10000xf32, #tpu.memory_space<vmem>>[vector<16xi32>], vector<16xf32>,
      %add3A_149 = arith.addf %gather3A_147, %gather3A_148 : vector<16xf32>
      %mul3A_150 = arith.constant 2.000000e+00 : f32
      %mul3A_151 = vector.broadcast %mul3A_150 : f32 to vector<16xf32>
      %mul3A_152 = arith.mulf %mul3A_151, %add3A_149 : vector<16xf32>
      %exp3A_153 = math.exp %mul3A_152 : vector<16xf32>
      %add3A_154 = arith.constant 1.000000e+00 : f32
      %add3A_155 = vector.broadcast %add3A_154 : f32 to vector<16xf32>
      %add3A_156 = arith.addf %add3A_155, %exp3A_153 : vector<16xf32>
      %div3A_157 = arith.constant 2.000000e+00 : f32
      %div3A_158 = vector.broadcast %div3A_157 : f32 to vector<16xf32>
      %div3A_159 = arith.divf %div3A_158, %add3A_156 : vector<16xf32>
      %sub3A_160 = arith.constant 1.000000e+00 : f32
      %sub3A_161 = vector.broadcast %sub3A_160 : f32 to vector<16xf32>
      %sub3A_162 = arith.subf %sub3A_161, %div3A_159 : vector<16xf32>
      %mul3A_163 = arith.mulf %sub3A_162, %get3A_146 : vector<16xf32>
      %swap3A_164 = arith.constant 0 : i32
      %swap3A_165 = arith.index_cast %swap3A_164 : i32 to index
      %swap3A_166 = arith.constant 64 : index
      %swap3A_167 = tpu.vector_load %arg13[%swap3A_165, %swap3A_166] {strides = array<i32>} : memref<8x128xf32, #tpu.memory_space<vmem>>, vector<16xf32>,
      tpu.vector_store %arg13[%swap3A_165, %swap3A_166], %mul3A_163 {strides = array<i32>} : memref<8x128xf32, #tpu.memory_space<vmem>>, vector<16xf32>,
      %get3A_168 = arith.constant 0 : i32
      %get3A_169 = arith.index_cast %get3A_168 : i32 to index
      %get3A_170 = arith.constant 80 : index
      %get3A_171 = tpu.vector_load %arg10[%get3A_169, %get3A_170] {strides = array<i32>} : memref<8x128xi32, #tpu.memory_space<vmem>>, vector<16xi32>,
      %get3A_172 = arith.constant 0 : i32
      %get3A_173 = arith.index_cast %get3A_172 : i32 to index
      %get3A_174 = arith.constant 80 : index
      %get3A_175 = tpu.vector_load %arg11[%get3A_173, %get3A_174] {strides = array<i32>} : memref<8x128xi32, #tpu.memory_space<vmem>>, vector<16xi32>,
      %get3A_176 = arith.constant 0 : i32
      %get3A_177 = arith.index_cast %get3A_176 : i32 to index
      %get3A_178 = arith.constant 80 : index
      %get3A_179 = tpu.vector_load %arg12[%get3A_177, %get3A_178] {strides = array<i32>} : memref<8x128xf32, #tpu.memory_space<vmem>>, vector<16xf32>,
      %gather3A_180 = tpu.vector_load_idx %arg8[%get3A_171] : memref<10000xf32, #tpu.memory_space<vmem>>[vector<16xi32>], vector<16xf32>,
      %gather3A_181 = tpu.vector_load_idx %arg9[%get3A_175] : memref<10000xf32, #tpu.memory_space<vmem>>[vector<16xi32>], vector<16xf32>,
      %add3A_182 = arith.addf %gather3A_180, %gather3A_181 : vector<16xf32>
      %mul3A_183 = arith.constant 2.000000e+00 : f32
      %mul3A_184 = vector.broadcast %mul3A_183 : f32 to vector<16xf32>
      %mul3A_185 = arith.mulf %mul3A_184, %add3A_182 : vector<16xf32>
      %exp3A_186 = math.exp %mul3A_185 : vector<16xf32>
      %add3A_187 = arith.constant 1.000000e+00 : f32
      %add3A_188 = vector.broadcast %add3A_187 : f32 to vector<16xf32>
      %add3A_189 = arith.addf %add3A_188, %exp3A_186 : vector<16xf32>
      %div3A_190 = arith.constant 2.000000e+00 : f32
      %div3A_191 = vector.broadcast %div3A_190 : f32 to vector<16xf32>
      %div3A_192 = arith.divf %div3A_191, %add3A_189 : vector<16xf32>
      %sub3A_193 = arith.constant 1.000000e+00 : f32
      %sub3A_194 = vector.broadcast %sub3A_193 : f32 to vector<16xf32>
      %sub3A_195 = arith.subf %sub3A_194, %div3A_192 : vector<16xf32>
      %mul3A_196 = arith.mulf %sub3A_195, %get3A_179 : vector<16xf32>
      %swap3A_197 = arith.constant 0 : i32
      %swap3A_198 = arith.index_cast %swap3A_197 : i32 to index
      %swap3A_199 = arith.constant 80 : index
      %swap3A_200 = tpu.vector_load %arg13[%swap3A_198, %swap3A_199] {strides = array<i32>} : memref<8x128xf32, #tpu.memory_space<vmem>>, vector<16xf32>,
      tpu.vector_store %arg13[%swap3A_198, %swap3A_199], %mul3A_196 {strides = array<i32>} : memref<8x128xf32, #tpu.memory_space<vmem>>, vector<16xf32>,
      %get3A_201 = arith.constant 0 : i32
      %get3A_202 = arith.index_cast %get3A_201 : i32 to index
      %get3A_203 = arith.constant 96 : index
      %get3A_204 = tpu.vector_load %arg10[%get3A_202, %get3A_203] {strides = array<i32>} : memref<8x128xi32, #tpu.memory_space<vmem>>, vector<16xi32>,
      %get3A_205 = arith.constant 0 : i32
      %get3A_206 = arith.index_cast %get3A_205 : i32 to index
      %get3A_207 = arith.constant 96 : index
      %get3A_208 = tpu.vector_load %arg11[%get3A_206, %get3A_207] {strides = array<i32>} : memref<8x128xi32, #tpu.memory_space<vmem>>, vector<16xi32>,
      %get3A_209 = arith.constant 0 : i32
      %get3A_210 = arith.index_cast %get3A_209 : i32 to index
      %get3A_211 = arith.constant 96 : index
      %get3A_212 = tpu.vector_load %arg12[%get3A_210, %get3A_211] {strides = array<i32>} : memref<8x128xf32, #tpu.memory_space<vmem>>, vector<16xf32>,
      %gather3A_213 = tpu.vector_load_idx %arg8[%get3A_204] : memref<10000xf32, #tpu.memory_space<vmem>>[vector<16xi32>], vector<16xf32>,
      %gather3A_214 = tpu.vector_load_idx %arg9[%get3A_208] : memref<10000xf32, #tpu.memory_space<vmem>>[vector<16xi32>], vector<16xf32>,
      %add3A_215 = arith.addf %gather3A_213, %gather3A_214 : vector<16xf32>
      %mul3A_216 = arith.constant 2.000000e+00 : f32
      %mul3A_217 = vector.broadcast %mul3A_216 : f32 to vector<16xf32>
      %mul3A_218 = arith.mulf %mul3A_217, %add3A_215 : vector<16xf32>
      %exp3A_219 = math.exp %mul3A_218 : vector<16xf32>
      %add3A_220 = arith.constant 1.000000e+00 : f32
      %add3A_221 = vector.broadcast %add3A_220 : f32 to vector<16xf32>
      %add3A_222 = arith.addf %add3A_221, %exp3A_219 : vector<16xf32>
      %div3A_223 = arith.constant 2.000000e+00 : f32
      %div3A_224 = vector.broadcast %div3A_223 : f32 to vector<16xf32>
      %div3A_225 = arith.divf %div3A_224, %add3A_222 : vector<16xf32>
      %sub3A_226 = arith.constant 1.000000e+00 : f32
      %sub3A_227 = vector.broadcast %sub3A_226 : f32 to vector<16xf32>
      %sub3A_228 = arith.subf %sub3A_227, %div3A_225 : vector<16xf32>
      %mul3A_229 = arith.mulf %sub3A_228, %get3A_212 : vector<16xf32>
      %swap3A_230 = arith.constant 0 : i32
      %swap3A_231 = arith.index_cast %swap3A_230 : i32 to index
      %swap3A_232 = arith.constant 96 : index
      %swap3A_233 = tpu.vector_load %arg13[%swap3A_231, %swap3A_232] {strides = array<i32>} : memref<8x128xf32, #tpu.memory_space<vmem>>, vector<16xf32>,
      tpu.vector_store %arg13[%swap3A_231, %swap3A_232], %mul3A_229 {strides = array<i32>} : memref<8x128xf32, #tpu.memory_space<vmem>>, vector<16xf32>,
      %get3A_234 = arith.constant 0 : i32
      %get3A_235 = arith.index_cast %get3A_234 : i32 to index
      %get3A_236 = arith.constant 112 : index
      %get3A_237 = tpu.vector_load %arg10[%get3A_235, %get3A_236] {strides = array<i32>} : memref<8x128xi32, #tpu.memory_space<vmem>>, vector<16xi32>,
      %get3A_238 = arith.constant 0 : i32
      %get3A_239 = arith.index_cast %get3A_238 : i32 to index
      %get3A_240 = arith.constant 112 : index
      %get3A_241 = tpu.vector_load %arg11[%get3A_239, %get3A_240] {strides = array<i32>} : memref<8x128xi32, #tpu.memory_space<vmem>>, vector<16xi32>,
      %get3A_242 = arith.constant 0 : i32
      %get3A_243 = arith.index_cast %get3A_242 : i32 to index
      %get3A_244 = arith.constant 112 : index
      %get3A_245 = tpu.vector_load %arg12[%get3A_243, %get3A_244] {strides = array<i32>} : memref<8x128xf32, #tpu.memory_space<vmem>>, vector<16xf32>,
      %gather3A_246 = tpu.vector_load_idx %arg8[%get3A_237] : memref<10000xf32, #tpu.memory_space<vmem>>[vector<16xi32>], vector<16xf32>,
      %gather3A_247 = tpu.vector_load_idx %arg9[%get3A_241] : memref<10000xf32, #tpu.memory_space<vmem>>[vector<16xi32>], vector<16xf32>,
      %add3A_248 = arith.addf %gather3A_246, %gather3A_247 : vector<16xf32>
      %mul3A_249 = arith.constant 2.000000e+00 : f32
      %mul3A_250 = vector.broadcast %mul3A_249 : f32 to vector<16xf32>
      %mul3A_251 = arith.mulf %mul3A_250, %add3A_248 : vector<16xf32>
      %exp3A_252 = math.exp %mul3A_251 : vector<16xf32>
      %add3A_253 = arith.constant 1.000000e+00 : f32
      %add3A_254 = vector.broadcast %add3A_253 : f32 to vector<16xf32>
      %add3A_255 = arith.addf %add3A_254, %exp3A_252 : vector<16xf32>
      %div3A_256 = arith.constant 2.000000e+00 : f32
      %div3A_257 = vector.broadcast %div3A_256 : f32 to vector<16xf32>
      %div3A_258 = arith.divf %div3A_257, %add3A_255 : vector<16xf32>
      %sub3A_259 = arith.constant 1.000000e+00 : f32
      %sub3A_260 = vector.broadcast %sub3A_259 : f32 to vector<16xf32>
      %sub3A_261 = arith.subf %sub3A_260, %div3A_258 : vector<16xf32>
      %mul3A_262 = arith.mulf %sub3A_261, %get3A_245 : vector<16xf32>
      %swap3A_263 = arith.constant 0 : i32
      %swap3A_264 = arith.index_cast %swap3A_263 : i32 to index
      %swap3A_265 = arith.constant 112 : index
      %swap3A_266 = tpu.vector_load %arg13[%swap3A_264, %swap3A_265] {strides = array<i32>} : memref<8x128xf32, #tpu.memory_space<vmem>>, vector<16xf32>,
      tpu.vector_store %arg13[%swap3A_264, %swap3A_265], %mul3A_262 {strides = array<i32>} : memref<8x128xf32, #tpu.memory_space<vmem>>, vector<16xf32>,
      %get3A_267 = arith.constant 1 : i32
      %get3A_268 = arith.index_cast %get3A_267 : i32 to index
      %get3A_269 = arith.constant 0 : index
      %get3A_270 = tpu.vector_load %arg10[%get3A_268, %get3A_269] {strides = array<i32>} : memref<8x128xi32, #tpu.memory_space<vmem>>, vector<16xi32>,
      %get3A_271 = arith.constant 1 : i32
      %get3A_272 = arith.index_cast %get3A_271 : i32 to index
      %get3A_273 = arith.constant 0 : index
      %get3A_274 = tpu.vector_load %arg11[%get3A_272, %get3A_273] {strides = array<i32>} : memref<8x128xi32, #tpu.memory_space<vmem>>, vector<16xi32>,
      %get3A_275 = arith.constant 1 : i32
      %get3A_276 = arith.index_cast %get3A_275 : i32 to index
      %get3A_277 = arith.constant 0 : index
      %get3A_278 = tpu.vector_load %arg12[%get3A_276, %get3A_277] {strides = array<i32>} : memref<8x128xf32, #tpu.memory_space<vmem>>, vector<16xf32>,
      %gather3A_279 = tpu.vector_load_idx %arg8[%get3A_270] : memref<10000xf32, #tpu.memory_space<vmem>>[vector<16xi32>], vector<16xf32>,
      %gather3A_280 = tpu.vector_load_idx %arg9[%get3A_274] : memref<10000xf32, #tpu.memory_space<vmem>>[vector<16xi32>], vector<16xf32>,
      %add3A_281 = arith.addf %gather3A_279, %gather3A_280 : vector<16xf32>
      %mul3A_282 = arith.constant 2.000000e+00 : f32
      %mul3A_283 = vector.broadcast %mul3A_282 : f32 to vector<16xf32>
      %mul3A_284 = arith.mulf %mul3A_283, %add3A_281 : vector<16xf32>
      %exp3A_285 = math.exp %mul3A_284 : vector<16xf32>
      %add3A_286 = arith.constant 1.000000e+00 : f32
      %add3A_287 = vector.broadcast %add3A_286 : f32 to vector<16xf32>
      %add3A_288 = arith.addf %add3A_287, %exp3A_285 : vector<16xf32>
      %div3A_289 = arith.constant 2.000000e+00 : f32
      %div3A_290 = vector.broadcast %div3A_289 : f32 to vector<16xf32>
      %div3A_291 = arith.divf %div3A_290, %add3A_288 : vector<16xf32>
      %sub3A_292 = arith.constant 1.000000e+00 : f32
      %sub3A_293 = vector.broadcast %sub3A_292 : f32 to vector<16xf32>
      %sub3A_294 = arith.subf %sub3A_293, %div3A_291 : vector<16xf32>
      %mul3A_295 = arith.mulf %sub3A_294, %get3A_278 : vector<16xf32>
      %swap3A_296 = arith.constant 1 : i32
      %swap3A_297 = arith.index_cast %swap3A_296 : i32 to index
      %swap3A_298 = arith.constant 0 : index
      %swap3A_299 = tpu.vector_load %arg13[%swap3A_297, %swap3A_298] {strides = array<i32>} : memref<8x128xf32, #tpu.memory_space<vmem>>, vector<16xf32>,
      tpu.vector_store %arg13[%swap3A_297, %swap3A_298], %mul3A_295 {strides = array<i32>} : memref<8x128xf32, #tpu.memory_space<vmem>>, vector<16xf32>,
      %get3A_300 = arith.constant 1 : i32
      %get3A_301 = arith.index_cast %get3A_300 : i32 to index
      %get3A_302 = arith.constant 16 : index
      %get3A_303 = tpu.vector_load %arg10[%get3A_301, %get3A_302] {strides = array<i32>} : memref<8x128xi32, #tpu.memory_space<vmem>>, vector<16xi32>,
      %get3A_304 = arith.constant 1 : i32
      %get3A_305 = arith.index_cast %get3A_304 : i32 to index
      %get3A_306 = arith.constant 16 : index
      %get3A_307 = tpu.vector_load %arg11[%get3A_305, %get3A_306] {strides = array<i32>} : memref<8x128xi32, #tpu.memory_space<vmem>>, vector<16xi32>,
      %get3A_308 = arith.constant 1 : i32
      %get3A_309 = arith.index_cast %get3A_308 : i32 to index
      %get3A_310 = arith.constant 16 : index
      %get3A_311 = tpu.vector_load %arg12[%get3A_309, %get3A_310] {strides = array<i32>} : memref<8x128xf32, #tpu.memory_space<vmem>>, vector<16xf32>,
      %gather3A_312 = tpu.vector_load_idx %arg8[%get3A_303] : memref<10000xf32, #tpu.memory_space<vmem>>[vector<16xi32>], vector<16xf32>,
      %gather3A_313 = tpu.vector_load_idx %arg9[%get3A_307] : memref<10000xf32, #tpu.memory_space<vmem>>[vector<16xi32>], vector<16xf32>,
      %add3A_314 = arith.addf %gather3A_312, %gather3A_313 : vector<16xf32>
      %mul3A_315 = arith.constant 2.000000e+00 : f32
      %mul3A_316 = vector.broadcast %mul3A_315 : f32 to vector<16xf32>
      %mul3A_317 = arith.mulf %mul3A_316, %add3A_314 : vector<16xf32>
      %exp3A_318 = math.exp %mul3A_317 : vector<16xf32>
      %add3A_319 = arith.constant 1.000000e+00 : f32
      %add3A_320 = vector.broadcast %add3A_319 : f32 to vector<16xf32>
      %add3A_321 = arith.addf %add3A_320, %exp3A_318 : vector<16xf32>
      %div3A_322 = arith.constant 2.000000e+00 : f32
      %div3A_323 = vector.broadcast %div3A_322 : f32 to vector<16xf32>
      %div3A_324 = arith.divf %div3A_323, %add3A_321 : vector<16xf32>
      %sub3A_325 = arith.constant 1.000000e+00 : f32
      %sub3A_326 = vector.broadcast %sub3A_325 : f32 to vector<16xf32>
      %sub3A_327 = arith.subf %sub3A_326, %div3A_324 : vector<16xf32>
      %mul3A_328 = arith.mulf %sub3A_327, %get3A_311 : vector<16xf32>
      %swap3A_329 = arith.constant 1 : i32
      %swap3A_330 = arith.index_cast %swap3A_329 : i32 to index
      %swap3A_331 = arith.constant 16 : index
      %swap3A_332 = tpu.vector_load %arg13[%swap3A_330, %swap3A_331] {strides = array<i32>} : memref<8x128xf32, #tpu.memory_space<vmem>>, vector<16xf32>,
      tpu.vector_store %arg13[%swap3A_330, %swap3A_331], %mul3A_328 {strides = array<i32>} : memref<8x128xf32, #tpu.memory_space<vmem>>, vector<16xf32>,
      %get3A_333 = arith.constant 1 : i32
      %get3A_334 = arith.index_cast %get3A_333 : i32 to index
      %get3A_335 = arith.constant 32 : index
      %get3A_336 = tpu.vector_load %arg10[%get3A_334, %get3A_335] {strides = array<i32>} : memref<8x128xi32, #tpu.memory_space<vmem>>, vector<16xi32>,
      %get3A_337 = arith.constant 1 : i32
      %get3A_338 = arith.index_cast %get3A_337 : i32 to index
      %get3A_339 = arith.constant 32 : index
      %get3A_340 = tpu.vector_load %arg11[%get3A_338, %get3A_339] {strides = array<i32>} : memref<8x128xi32, #tpu.memory_space<vmem>>, vector<16xi32>,
      %get3A_341 = arith.constant 1 : i32
      %get3A_342 = arith.index_cast %get3A_341 : i32 to index
      %get3A_343 = arith.constant 32 : index
      %get3A_344 = tpu.vector_load %arg12[%get3A_342, %get3A_343] {strides = array<i32>} : memref<8x128xf32, #tpu.memory_space<vmem>>, vector<16xf32>,
      %gather3A_345 = tpu.vector_load_idx %arg8[%get3A_336] : memref<10000xf32, #tpu.memory_space<vmem>>[vector<16xi32>], vector<16xf32>,
      %gather3A_346 = tpu.vector_load_idx %arg9[%get3A_340] : memref<10000xf32, #tpu.memory_space<vmem>>[vector<16xi32>], vector<16xf32>,
      %add3A_347 = arith.addf %gather3A_345, %gather3A_346 : vector<16xf32>
      %mul3A_348 = arith.constant 2.000000e+00 : f32
      %mul3A_349 = vector.broadcast %mul3A_348 : f32 to vector<16xf32>
      %mul3A_350 = arith.mulf %mul3A_349, %add3A_347 : vector<16xf32>
      %exp3A_351 = math.exp %mul3A_350 : vector<16xf32>
      %add3A_352 = arith.constant 1.000000e+00 : f32
      %add3A_353 = vector.broadcast %add3A_352 : f32 to vector<16xf32>
      %add3A_354 = arith.addf %add3A_353, %exp3A_351 : vector<16xf32>
      %div3A_355 = arith.constant 2.000000e+00 : f32
      %div3A_356 = vector.broadcast %div3A_355 : f32 to vector<16xf32>
      %div3A_357 = arith.divf %div3A_356, %add3A_354 : vector<16xf32>
      %sub3A_358 = arith.constant 1.000000e+00 : f32
      %sub3A_359 = vector.broadcast %sub3A_358 : f32 to vector<16xf32>
      %sub3A_360 = arith.subf %sub3A_359, %div3A_357 : vector<16xf32>
      %mul3A_361 = arith.mulf %sub3A_360, %get3A_344 : vector<16xf32>
      %swap3A_362 = arith.constant 1 : i32
      %swap3A_363 = arith.index_cast %swap3A_362 : i32 to index
      %swap3A_364 = arith.constant 32 : index
      %swap3A_365 = tpu.vector_load %arg13[%swap3A_363, %swap3A_364] {strides = array<i32>} : memref<8x128xf32, #tpu.memory_space<vmem>>, vector<16xf32>,
      tpu.vector_store %arg13[%swap3A_363, %swap3A_364], %mul3A_361 {strides = array<i32>} : memref<8x128xf32, #tpu.memory_space<vmem>>, vector<16xf32>,
      %get3A_366 = arith.constant 1 : i32
      %get3A_367 = arith.index_cast %get3A_366 : i32 to index
      %get3A_368 = arith.constant 48 : index
      %get3A_369 = tpu.vector_load %arg10[%get3A_367, %get3A_368] {strides = array<i32>} : memref<8x128xi32, #tpu.memory_space<vmem>>, vector<16xi32>,
      %get3A_370 = arith.constant 1 : i32
      %get3A_371 = arith.index_cast %get3A_370 : i32 to index
      %get3A_372 = arith.constant 48 : index
      %get3A_373 = tpu.vector_load %arg11[%get3A_371, %get3A_372] {strides = array<i32>} : memref<8x128xi32, #tpu.memory_space<vmem>>, vector<16xi32>,
      %get3A_374 = arith.constant 1 : i32
      %get3A_375 = arith.index_cast %get3A_374 : i32 to index
      %get3A_376 = arith.constant 48 : index
      %get3A_377 = tpu.vector_load %arg12[%get3A_375, %get3A_376] {strides = array<i32>} : memref<8x128xf32, #tpu.memory_space<vmem>>, vector<16xf32>,
      %gather3A_378 = tpu.vector_load_idx %arg8[%get3A_369] : memref<10000xf32, #tpu.memory_space<vmem>>[vector<16xi32>], vector<16xf32>,
      %gather3A_379 = tpu.vector_load_idx %arg9[%get3A_373] : memref<10000xf32, #tpu.memory_space<vmem>>[vector<16xi32>], vector<16xf32>,
      %add3A_380 = arith.addf %gather3A_378, %gather3A_379 : vector<16xf32>
      %mul3A_381 = arith.constant 2.000000e+00 : f32
      %mul3A_382 = vector.broadcast %mul3A_381 : f32 to vector<16xf32>
      %mul3A_383 = arith.mulf %mul3A_382, %add3A_380 : vector<16xf32>
      %exp3A_384 = math.exp %mul3A_383 : vector<16xf32>
      %add3A_385 = arith.constant 1.000000e+00 : f32
      %add3A_386 = vector.broadcast %add3A_385 : f32 to vector<16xf32>
      %add3A_387 = arith.addf %add3A_386, %exp3A_384 : vector<16xf32>
      %div3A_388 = arith.constant 2.000000e+00 : f32
      %div3A_389 = vector.broadcast %div3A_388 : f32 to vector<16xf32>
      %div3A_390 = arith.divf %div3A_389, %add3A_387 : vector<16xf32>
      %sub3A_391 = arith.constant 1.000000e+00 : f32
      %sub3A_392 = vector.broadcast %sub3A_391 : f32 to vector<16xf32>
      %sub3A_393 = arith.subf %sub3A_392, %div3A_390 : vector<16xf32>
      %mul3A_394 = arith.mulf %sub3A_393, %get3A_377 : vector<16xf32>
      %swap3A_395 = arith.constant 1 : i32
      %swap3A_396 = arith.index_cast %swap3A_395 : i32 to index
      %swap3A_397 = arith.constant 48 : index
      %swap3A_398 = tpu.vector_load %arg13[%swap3A_396, %swap3A_397] {strides = array<i32>} : memref<8x128xf32, #tpu.memory_space<vmem>>, vector<16xf32>,
      tpu.vector_store %arg13[%swap3A_396, %swap3A_397], %mul3A_394 {strides = array<i32>} : memref<8x128xf32, #tpu.memory_space<vmem>>, vector<16xf32>,
      %get3A_399 = arith.constant 1 : i32
      %get3A_400 = arith.index_cast %get3A_399 : i32 to index
      %get3A_401 = arith.constant 64 : index
      %get3A_402 = tpu.vector_load %arg10[%get3A_400, %get3A_401] {strides = array<i32>} : memref<8x128xi32, #tpu.memory_space<vmem>>, vector<16xi32>,
      %get3A_403 = arith.constant 1 : i32
      %get3A_404 = arith.index_cast %get3A_403 : i32 to index
      %get3A_405 = arith.constant 64 : index
      %get3A_406 = tpu.vector_load %arg11[%get3A_404, %get3A_405] {strides = array<i32>} : memref<8x128xi32, #tpu.memory_space<vmem>>, vector<16xi32>,
      %get3A_407 = arith.constant 1 : i32
      %get3A_408 = arith.index_cast %get3A_407 : i32 to index
      %get3A_409 = arith.constant 64 : index
      %get3A_410 = tpu.vector_load %arg12[%get3A_408, %get3A_409] {strides = array<i32>} : memref<8x128xf32, #tpu.memory_space<vmem>>, vector<16xf32>,
      %gather3A_411 = tpu.vector_load_idx %arg8[%get3A_402] : memref<10000xf32, #tpu.memory_space<vmem>>[vector<16xi32>], vector<16xf32>,
      %gather3A_412 = tpu.vector_load_idx %arg9[%get3A_406] : memref<10000xf32, #tpu.memory_space<vmem>>[vector<16xi32>], vector<16xf32>,
      %add3A_413 = arith.addf %gather3A_411, %gather3A_412 : vector<16xf32>
      %mul3A_414 = arith.constant 2.000000e+00 : f32
      %mul3A_415 = vector.broadcast %mul3A_414 : f32 to vector<16xf32>
      %mul3A_416 = arith.mulf %mul3A_415, %add3A_413 : vector<16xf32>
      %exp3A_417 = math.exp %mul3A_416 : vector<16xf32>
      %add3A_418 = arith.constant 1.000000e+00 : f32
      %add3A_419 = vector.broadcast %add3A_418 : f32 to vector<16xf32>
      %add3A_420 = arith.addf %add3A_419, %exp3A_417 : vector<16xf32>
      %div3A_421 = arith.constant 2.000000e+00 : f32
      %div3A_422 = vector.broadcast %div3A_421 : f32 to vector<16xf32>
      %div3A_423 = arith.divf %div3A_422, %add3A_420 : vector<16xf32>
      %sub3A_424 = arith.constant 1.000000e+00 : f32
      %sub3A_425 = vector.broadcast %sub3A_424 : f32 to vector<16xf32>
      %sub3A_426 = arith.subf %sub3A_425, %div3A_423 : vector<16xf32>
      %mul3A_427 = arith.mulf %sub3A_426, %get3A_410 : vector<16xf32>
      %swap3A_428 = arith.constant 1 : i32
      %swap3A_429 = arith.index_cast %swap3A_428 : i32 to index
      %swap3A_430 = arith.constant 64 : index
      %swap3A_431 = tpu.vector_load %arg13[%swap3A_429, %swap3A_430] {strides = array<i32>} : memref<8x128xf32, #tpu.memory_space<vmem>>, vector<16xf32>,
      tpu.vector_store %arg13[%swap3A_429, %swap3A_430], %mul3A_427 {strides = array<i32>} : memref<8x128xf32, #tpu.memory_space<vmem>>, vector<16xf32>,
      %get3A_432 = arith.constant 1 : i32
      %get3A_433 = arith.index_cast %get3A_432 : i32 to index
      %get3A_434 = arith.constant 80 : index
      %get3A_435 = tpu.vector_load %arg10[%get3A_433, %get3A_434] {strides = array<i32>} : memref<8x128xi32, #tpu.memory_space<vmem>>, vector<16xi32>,
      %get3A_436 = arith.constant 1 : i32
      %get3A_437 = arith.index_cast %get3A_436 : i32 to index
      %get3A_438 = arith.constant 80 : index
      %get3A_439 = tpu.vector_load %arg11[%get3A_437, %get3A_438] {strides = array<i32>} : memref<8x128xi32, #tpu.memory_space<vmem>>, vector<16xi32>,
      %get3A_440 = arith.constant 1 : i32
      %get3A_441 = arith.index_cast %get3A_440 : i32 to index
      %get3A_442 = arith.constant 80 : index
      %get3A_443 = tpu.vector_load %arg12[%get3A_441, %get3A_442] {strides = array<i32>} : memref<8x128xf32, #tpu.memory_space<vmem>>, vector<16xf32>,
      %gather3A_444 = tpu.vector_load_idx %arg8[%get3A_435] : memref<10000xf32, #tpu.memory_space<vmem>>[vector<16xi32>], vector<16xf32>,
      %gather3A_445 = tpu.vector_load_idx %arg9[%get3A_439] : memref<10000xf32, #tpu.memory_space<vmem>>[vector<16xi32>], vector<16xf32>,
      %add3A_446 = arith.addf %gather3A_444, %gather3A_445 : vector<16xf32>
      %mul3A_447 = arith.constant 2.000000e+00 : f32
      %mul3A_448 = vector.broadcast %mul3A_447 : f32 to vector<16xf32>
      %mul3A_449 = arith.mulf %mul3A_448, %add3A_446 : vector<16xf32>
      %exp3A_450 = math.exp %mul3A_449 : vector<16xf32>
      %add3A_451 = arith.constant 1.000000e+00 : f32
      %add3A_452 = vector.broadcast %add3A_451 : f32 to vector<16xf32>
      %add3A_453 = arith.addf %add3A_452, %exp3A_450 : vector<16xf32>
      %div3A_454 = arith.constant 2.000000e+00 : f32
      %div3A_455 = vector.broadcast %div3A_454 : f32 to vector<16xf32>
      %div3A_456 = arith.divf %div3A_455, %add3A_453 : vector<16xf32>
      %sub3A_457 = arith.constant 1.000000e+00 : f32
      %sub3A_458 = vector.broadcast %sub3A_457 : f32 to vector<16xf32>
      %sub3A_459 = arith.subf %sub3A_458, %div3A_456 : vector<16xf32>
      %mul3A_460 = arith.mulf %sub3A_459, %get3A_443 : vector<16xf32>
      %swap3A_461 = arith.constant 1 : i32
      %swap3A_462 = arith.index_cast %swap3A_461 : i32 to index
      %swap3A_463 = arith.constant 80 : index
      %swap3A_464 = tpu.vector_load %arg13[%swap3A_462, %swap3A_463] {strides = array<i32>} : memref<8x128xf32, #tpu.memory_space<vmem>>, vector<16xf32>,
      tpu.vector_store %arg13[%swap3A_462, %swap3A_463], %mul3A_460 {strides = array<i32>} : memref<8x128xf32, #tpu.memory_space<vmem>>, vector<16xf32>,
      %get3A_465 = arith.constant 1 : i32
      %get3A_466 = arith.index_cast %get3A_465 : i32 to index
      %get3A_467 = arith.constant 96 : index
      %get3A_468 = tpu.vector_load %arg10[%get3A_466, %get3A_467] {strides = array<i32>} : memref<8x128xi32, #tpu.memory_space<vmem>>, vector<16xi32>,
      %get3A_469 = arith.constant 1 : i32
      %get3A_470 = arith.index_cast %get3A_469 : i32 to index
      %get3A_471 = arith.constant 96 : index
      %get3A_472 = tpu.vector_load %arg11[%get3A_470, %get3A_471] {strides = array<i32>} : memref<8x128xi32, #tpu.memory_space<vmem>>, vector<16xi32>,
      %get3A_473 = arith.constant 1 : i32
      %get3A_474 = arith.index_cast %get3A_473 : i32 to index
      %get3A_475 = arith.constant 96 : index
      %get3A_476 = tpu.vector_load %arg12[%get3A_474, %get3A_475] {strides = array<i32>} : memref<8x128xf32, #tpu.memory_space<vmem>>, vector<16xf32>,
      %gather3A_477 = tpu.vector_load_idx %arg8[%get3A_468] : memref<10000xf32, #tpu.memory_space<vmem>>[vector<16xi32>], vector<16xf32>,
      %gather3A_478 = tpu.vector_load_idx %arg9[%get3A_472] : memref<10000xf32, #tpu.memory_space<vmem>>[vector<16xi32>], vector<16xf32>,
      %add3A_479 = arith.addf %gather3A_477, %gather3A_478 : vector<16xf32>
      %mul3A_480 = arith.constant 2.000000e+00 : f32
      %mul3A_481 = vector.broadcast %mul3A_480 : f32 to vector<16xf32>
      %mul3A_482 = arith.mulf %mul3A_481, %add3A_479 : vector<16xf32>
      %exp3A_483 = math.exp %mul3A_482 : vector<16xf32>
      %add3A_484 = arith.constant 1.000000e+00 : f32
      %add3A_485 = vector.broadcast %add3A_484 : f32 to vector<16xf32>
      %add3A_486 = arith.addf %add3A_485, %exp3A_483 : vector<16xf32>
      %div3A_487 = arith.constant 2.000000e+00 : f32
      %div3A_488 = vector.broadcast %div3A_487 : f32 to vector<16xf32>
      %div3A_489 = arith.divf %div3A_488, %add3A_486 : vector<16xf32>
      %sub3A_490 = arith.constant 1.000000e+00 : f32
      %sub3A_491 = vector.broadcast %sub3A_490 : f32 to vector<16xf32>
      %sub3A_492 = arith.subf %sub3A_491, %div3A_489 : vector<16xf32>
      %mul3A_493 = arith.mulf %sub3A_492, %get3A_476 : vector<16xf32>
      %swap3A_494 = arith.constant 1 : i32
      %swap3A_495 = arith.index_cast %swap3A_494 : i32 to index
      %swap3A_496 = arith.constant 96 : index
      %swap3A_497 = tpu.vector_load %arg13[%swap3A_495, %swap3A_496] {strides = array<i32>} : memref<8x128xf32, #tpu.memory_space<vmem>>, vector<16xf32>,
      tpu.vector_store %arg13[%swap3A_495, %swap3A_496], %mul3A_493 {strides = array<i32>} : memref<8x128xf32, #tpu.memory_space<vmem>>, vector<16xf32>,
      %get3A_498 = arith.constant 1 : i32
      %get3A_499 = arith.index_cast %get3A_498 : i32 to index
      %get3A_500 = arith.constant 112 : index
      %get3A_501 = tpu.vector_load %arg10[%get3A_499, %get3A_500] {strides = array<i32>} : memref<8x128xi32, #tpu.memory_space<vmem>>, vector<16xi32>,
      %get3A_502 = arith.constant 1 : i32
      %get3A_503 = arith.index_cast %get3A_502 : i32 to index
      %get3A_504 = arith.constant 112 : index
      %get3A_505 = tpu.vector_load %arg11[%get3A_503, %get3A_504] {strides = array<i32>} : memref<8x128xi32, #tpu.memory_space<vmem>>, vector<16xi32>,
      %get3A_506 = arith.constant 1 : i32
      %get3A_507 = arith.index_cast %get3A_506 : i32 to index
      %get3A_508 = arith.constant 112 : index
      %get3A_509 = tpu.vector_load %arg12[%get3A_507, %get3A_508] {strides = array<i32>} : memref<8x128xf32, #tpu.memory_space<vmem>>, vector<16xf32>,
      %gather3A_510 = tpu.vector_load_idx %arg8[%get3A_501] : memref<10000xf32, #tpu.memory_space<vmem>>[vector<16xi32>], vector<16xf32>,
      %gather3A_511 = tpu.vector_load_idx %arg9[%get3A_505] : memref<10000xf32, #tpu.memory_space<vmem>>[vector<16xi32>], vector<16xf32>,
      %add3A_512 = arith.addf %gather3A_510, %gather3A_511 : vector<16xf32>
      %mul3A_513 = arith.constant 2.000000e+00 : f32
      %mul3A_514 = vector.broadcast %mul3A_513 : f32 to vector<16xf32>
      %mul3A_515 = arith.mulf %mul3A_514, %add3A_512 : vector<16xf32>
      %exp3A_516 = math.exp %mul3A_515 : vector<16xf32>
      %add3A_517 = arith.constant 1.000000e+00 : f32
      %add3A_518 = vector.broadcast %add3A_517 : f32 to vector<16xf32>
      %add3A_519 = arith.addf %add3A_518, %exp3A_516 : vector<16xf32>
      %div3A_520 = arith.constant 2.000000e+00 : f32
      %div3A_521 = vector.broadcast %div3A_520 : f32 to vector<16xf32>
      %div3A_522 = arith.divf %div3A_521, %add3A_519 : vector<16xf32>
      %sub3A_523 = arith.constant 1.000000e+00 : f32
      %sub3A_524 = vector.broadcast %sub3A_523 : f32 to vector<16xf32>
      %sub3A_525 = arith.subf %sub3A_524, %div3A_522 : vector<16xf32>
      %mul3A_526 = arith.mulf %sub3A_525, %get3A_509 : vector<16xf32>
      %swap3A_527 = arith.constant 1 : i32
      %swap3A_528 = arith.index_cast %swap3A_527 : i32 to index
      %swap3A_529 = arith.constant 112 : index
      %swap3A_530 = tpu.vector_load %arg13[%swap3A_528, %swap3A_529] {strides = array<i32>} : memref<8x128xf32, #tpu.memory_space<vmem>>, vector<16xf32>,
      tpu.vector_store %arg13[%swap3A_528, %swap3A_529], %mul3A_526 {strides = array<i32>} : memref<8x128xf32, #tpu.memory_space<vmem>>, vector<16xf32>,
      %get3A_531 = arith.constant 2 : i32
      %get3A_532 = arith.index_cast %get3A_531 : i32 to index
      %get3A_533 = arith.constant 0 : index
      %get3A_534 = tpu.vector_load %arg10[%get3A_532, %get3A_533] {strides = array<i32>} : memref<8x128xi32, #tpu.memory_space<vmem>>, vector<16xi32>,
      %get3A_535 = arith.constant 2 : i32
      %get3A_536 = arith.index_cast %get3A_535 : i32 to index
      %get3A_537 = arith.constant 0 : index
      %get3A_538 = tpu.vector_load %arg11[%get3A_536, %get3A_537] {strides = array<i32>} : memref<8x128xi32, #tpu.memory_space<vmem>>, vector<16xi32>,
      %get3A_539 = arith.constant 2 : i32
      %get3A_540 = arith.index_cast %get3A_539 : i32 to index
      %get3A_541 = arith.constant 0 : index
      %get3A_542 = tpu.vector_load %arg12[%get3A_540, %get3A_541] {strides = array<i32>} : memref<8x128xf32, #tpu.memory_space<vmem>>, vector<16xf32>,
      %gather3A_543 = tpu.vector_load_idx %arg8[%get3A_534] : memref<10000xf32, #tpu.memory_space<vmem>>[vector<16xi32>], vector<16xf32>,
      %gather3A_544 = tpu.vector_load_idx %arg9[%get3A_538] : memref<10000xf32, #tpu.memory_space<vmem>>[vector<16xi32>], vector<16xf32>,
      %add3A_545 = arith.addf %gather3A_543, %gather3A_544 : vector<16xf32>
      %mul3A_546 = arith.constant 2.000000e+00 : f32
      %mul3A_547 = vector.broadcast %mul3A_546 : f32 to vector<16xf32>
      %mul3A_548 = arith.mulf %mul3A_547, %add3A_545 : vector<16xf32>
      %exp3A_549 = math.exp %mul3A_548 : vector<16xf32>
      %add3A_550 = arith.constant 1.000000e+00 : f32
      %add3A_551 = vector.broadcast %add3A_550 : f32 to vector<16xf32>
      %add3A_552 = arith.addf %add3A_551, %exp3A_549 : vector<16xf32>
      %div3A_553 = arith.constant 2.000000e+00 : f32
      %div3A_554 = vector.broadcast %div3A_553 : f32 to vector<16xf32>
      %div3A_555 = arith.divf %div3A_554, %add3A_552 : vector<16xf32>
      %sub3A_556 = arith.constant 1.000000e+00 : f32
      %sub3A_557 = vector.broadcast %sub3A_556 : f32 to vector<16xf32>
      %sub3A_558 = arith.subf %sub3A_557, %div3A_555 : vector<16xf32>
      %mul3A_559 = arith.mulf %sub3A_558, %get3A_542 : vector<16xf32>
      %swap3A_560 = arith.constant 2 : i32
      %swap3A_561 = arith.index_cast %swap3A_560 : i32 to index
      %swap3A_562 = arith.constant 0 : index
      %swap3A_563 = tpu.vector_load %arg13[%swap3A_561, %swap3A_562] {strides = array<i32>} : memref<8x128xf32, #tpu.memory_space<vmem>>, vector<16xf32>,
      tpu.vector_store %arg13[%swap3A_561, %swap3A_562], %mul3A_559 {strides = array<i32>} : memref<8x128xf32, #tpu.memory_space<vmem>>, vector<16xf32>,
      %get3A_564 = arith.constant 2 : i32
      %get3A_565 = arith.index_cast %get3A_564 : i32 to index
      %get3A_566 = arith.constant 16 : index
      %get3A_567 = tpu.vector_load %arg10[%get3A_565, %get3A_566] {strides = array<i32>} : memref<8x128xi32, #tpu.memory_space<vmem>>, vector<16xi32>,
      %get3A_568 = arith.constant 2 : i32
      %get3A_569 = arith.index_cast %get3A_568 : i32 to index
      %get3A_570 = arith.constant 16 : index
      %get3A_571 = tpu.vector_load %arg11[%get3A_569, %get3A_570] {strides = array<i32>} : memref<8x128xi32, #tpu.memory_space<vmem>>, vector<16xi32>,
      %get3A_572 = arith.constant 2 : i32
      %get3A_573 = arith.index_cast %get3A_572 : i32 to index
      %get3A_574 = arith.constant 16 : index
      %get3A_575 = tpu.vector_load %arg12[%get3A_573, %get3A_574] {strides = array<i32>} : memref<8x128xf32, #tpu.memory_space<vmem>>, vector<16xf32>,
      %gather3A_576 = tpu.vector_load_idx %arg8[%get3A_567] : memref<10000xf32, #tpu.memory_space<vmem>>[vector<16xi32>], vector<16xf32>,
      %gather3A_577 = tpu.vector_load_idx %arg9[%get3A_571] : memref<10000xf32, #tpu.memory_space<vmem>>[vector<16xi32>], vector<16xf32>,
      %add3A_578 = arith.addf %gather3A_576, %gather3A_577 : vector<16xf32>
      %mul3A_579 = arith.constant 2.000000e+00 : f32
      %mul3A_580 = vector.broadcast %mul3A_579 : f32 to vector<16xf32>
      %mul3A_581 = arith.mulf %mul3A_580, %add3A_578 : vector<16xf32>
      %exp3A_582 = math.exp %mul3A_581 : vector<16xf32>
      %add3A_583 = arith.constant 1.000000e+00 : f32
      %add3A_584 = vector.broadcast %add3A_583 : f32 to vector<16xf32>
      %add3A_585 = arith.addf %add3A_584, %exp3A_582 : vector<16xf32>
      %div3A_586 = arith.constant 2.000000e+00 : f32
      %div3A_587 = vector.broadcast %div3A_586 : f32 to vector<16xf32>
      %div3A_588 = arith.divf %div3A_587, %add3A_585 : vector<16xf32>
      %sub3A_589 = arith.constant 1.000000e+00 : f32
      %sub3A_590 = vector.broadcast %sub3A_589 : f32 to vector<16xf32>
      %sub3A_591 = arith.subf %sub3A_590, %div3A_588 : vector<16xf32>
      %mul3A_592 = arith.mulf %sub3A_591, %get3A_575 : vector<16xf32>
      %swap3A_593 = arith.constant 2 : i32
      %swap3A_594 = arith.index_cast %swap3A_593 : i32 to index
      %swap3A_595 = arith.constant 16 : index
      %swap3A_596 = tpu.vector_load %arg13[%swap3A_594, %swap3A_595] {strides = array<i32>} : memref<8x128xf32, #tpu.memory_space<vmem>>, vector<16xf32>,
      tpu.vector_store %arg13[%swap3A_594, %swap3A_595], %mul3A_592 {strides = array<i32>} : memref<8x128xf32, #tpu.memory_space<vmem>>, vector<16xf32>,
      %get3A_597 = arith.constant 2 : i32
      %get3A_598 = arith.index_cast %get3A_597 : i32 to index
      %get3A_599 = arith.constant 32 : index
      %get3A_600 = tpu.vector_load %arg10[%get3A_598, %get3A_599] {strides = array<i32>} : memref<8x128xi32, #tpu.memory_space<vmem>>, vector<16xi32>,
      %get3A_601 = arith.constant 2 : i32
      %get3A_602 = arith.index_cast %get3A_601 : i32 to index
      %get3A_603 = arith.constant 32 : index
      %get3A_604 = tpu.vector_load %arg11[%get3A_602, %get3A_603] {strides = array<i32>} : memref<8x128xi32, #tpu.memory_space<vmem>>, vector<16xi32>,
      %get3A_605 = arith.constant 2 : i32
      %get3A_606 = arith.index_cast %get3A_605 : i32 to index
      %get3A_607 = arith.constant 32 : index
      %get3A_608 = tpu.vector_load %arg12[%get3A_606, %get3A_607] {strides = array<i32>} : memref<8x128xf32, #tpu.memory_space<vmem>>, vector<16xf32>,
      %gather3A_609 = tpu.vector_load_idx %arg8[%get3A_600] : memref<10000xf32, #tpu.memory_space<vmem>>[vector<16xi32>], vector<16xf32>,
      %gather3A_610 = tpu.vector_load_idx %arg9[%get3A_604] : memref<10000xf32, #tpu.memory_space<vmem>>[vector<16xi32>], vector<16xf32>,
      %add3A_611 = arith.addf %gather3A_609, %gather3A_610 : vector<16xf32>
      %mul3A_612 = arith.constant 2.000000e+00 : f32
      %mul3A_613 = vector.broadcast %mul3A_612 : f32 to vector<16xf32>
      %mul3A_614 = arith.mulf %mul3A_613, %add3A_611 : vector<16xf32>
      %exp3A_615 = math.exp %mul3A_614 : vector<16xf32>
      %add3A_616 = arith.constant 1.000000e+00 : f32
      %add3A_617 = vector.broadcast %add3A_616 : f32 to vector<16xf32>
      %add3A_618 = arith.addf %add3A_617, %exp3A_615 : vector<16xf32>
      %div3A_619 = arith.constant 2.000000e+00 : f32
      %div3A_620 = vector.broadcast %div3A_619 : f32 to vector<16xf32>
      %div3A_621 = arith.divf %div3A_620, %add3A_618 : vector<16xf32>
      %sub3A_622 = arith.constant 1.000000e+00 : f32
      %sub3A_623 = vector.broadcast %sub3A_622 : f32 to vector<16xf32>
      %sub3A_624 = arith.subf %sub3A_623, %div3A_621 : vector<16xf32>
      %mul3A_625 = arith.mulf %sub3A_624, %get3A_608 : vector<16xf32>
      %swap3A_626 = arith.constant 2 : i32
      %swap3A_627 = arith.index_cast %swap3A_626 : i32 to index
      %swap3A_628 = arith.constant 32 : index
      %swap3A_629 = tpu.vector_load %arg13[%swap3A_627, %swap3A_628] {strides = array<i32>} : memref<8x128xf32, #tpu.memory_space<vmem>>, vector<16xf32>,
      tpu.vector_store %arg13[%swap3A_627, %swap3A_628], %mul3A_625 {strides = array<i32>} : memref<8x128xf32, #tpu.memory_space<vmem>>, vector<16xf32>,
      %get3A_630 = arith.constant 2 : i32
      %get3A_631 = arith.index_cast %get3A_630 : i32 to index
      %get3A_632 = arith.constant 48 : index
      %get3A_633 = tpu.vector_load %arg10[%get3A_631, %get3A_632] {strides = array<i32>} : memref<8x128xi32, #tpu.memory_space<vmem>>, vector<16xi32>,
      %get3A_634 = arith.constant 2 : i32
      %get3A_635 = arith.index_cast %get3A_634 : i32 to index
      %get3A_636 = arith.constant 48 : index
      %get3A_637 = tpu.vector_load %arg11[%get3A_635, %get3A_636] {strides = array<i32>} : memref<8x128xi32, #tpu.memory_space<vmem>>, vector<16xi32>,
      %get3A_638 = arith.constant 2 : i32
      %get3A_639 = arith.index_cast %get3A_638 : i32 to index
      %get3A_640 = arith.constant 48 : index
      %get3A_641 = tpu.vector_load %arg12[%get3A_639, %get3A_640] {strides = array<i32>} : memref<8x128xf32, #tpu.memory_space<vmem>>, vector<16xf32>,
      %gather3A_642 = tpu.vector_load_idx %arg8[%get3A_633] : memref<10000xf32, #tpu.memory_space<vmem>>[vector<16xi32>], vector<16xf32>,
      %gather3A_643 = tpu.vector_load_idx %arg9[%get3A_637] : memref<10000xf32, #tpu.memory_space<vmem>>[vector<16xi32>], vector<16xf32>,
      %add3A_644 = arith.addf %gather3A_642, %gather3A_643 : vector<16xf32>
      %mul3A_645 = arith.constant 2.000000e+00 : f32
      %mul3A_646 = vector.broadcast %mul3A_645 : f32 to vector<16xf32>
      %mul3A_647 = arith.mulf %mul3A_646, %add3A_644 : vector<16xf32>
      %exp3A_648 = math.exp %mul3A_647 : vector<16xf32>
      %add3A_649 = arith.constant 1.000000e+00 : f32
      %add3A_650 = vector.broadcast %add3A_649 : f32 to vector<16xf32>
      %add3A_651 = arith.addf %add3A_650, %exp3A_648 : vector<16xf32>
      %div3A_652 = arith.constant 2.000000e+00 : f32
      %div3A_653 = vector.broadcast %div3A_652 : f32 to vector<16xf32>
      %div3A_654 = arith.divf %div3A_653, %add3A_651 : vector<16xf32>
      %sub3A_655 = arith.constant 1.000000e+00 : f32
      %sub3A_656 = vector.broadcast %sub3A_655 : f32 to vector<16xf32>
      %sub3A_657 = arith.subf %sub3A_656, %div3A_654 : vector<16xf32>
      %mul3A_658 = arith.mulf %sub3A_657, %get3A_641 : vector<16xf32>
      %swap3A_659 = arith.constant 2 : i32
      %swap3A_660 = arith.index_cast %swap3A_659 : i32 to index
      %swap3A_661 = arith.constant 48 : index
      %swap3A_662 = tpu.vector_load %arg13[%swap3A_660, %swap3A_661] {strides = array<i32>} : memref<8x128xf32, #tpu.memory_space<vmem>>, vector<16xf32>,
      tpu.vector_store %arg13[%swap3A_660, %swap3A_661], %mul3A_658 {strides = array<i32>} : memref<8x128xf32, #tpu.memory_space<vmem>>, vector<16xf32>,
      %get3A_663 = arith.constant 2 : i32
      %get3A_664 = arith.index_cast %get3A_663 : i32 to index
      %get3A_665 = arith.constant 64 : index
      %get3A_666 = tpu.vector_load %arg10[%get3A_664, %get3A_665] {strides = array<i32>} : memref<8x128xi32, #tpu.memory_space<vmem>>, vector<16xi32>,
      %get3A_667 = arith.constant 2 : i32
      %get3A_668 = arith.index_cast %get3A_667 : i32 to index
      %get3A_669 = arith.constant 64 : index
      %get3A_670 = tpu.vector_load %arg11[%get3A_668, %get3A_669] {strides = array<i32>} : memref<8x128xi32, #tpu.memory_space<vmem>>, vector<16xi32>,
      %get3A_671 = arith.constant 2 : i32
      %get3A_672 = arith.index_cast %get3A_671 : i32 to index
      %get3A_673 = arith.constant 64 : index
      %get3A_674 = tpu.vector_load %arg12[%get3A_672, %get3A_673] {strides = array<i32>} : memref<8x128xf32, #tpu.memory_space<vmem>>, vector<16xf32>,
      %gather3A_675 = tpu.vector_load_idx %arg8[%get3A_666] : memref<10000xf32, #tpu.memory_space<vmem>>[vector<16xi32>], vector<16xf32>,
      %gather3A_676 = tpu.vector_load_idx %arg9[%get3A_670] : memref<10000xf32, #tpu.memory_space<vmem>>[vector<16xi32>], vector<16xf32>,
      %add3A_677 = arith.addf %gather3A_675, %gather3A_676 : vector<16xf32>
      %mul3A_678 = arith.constant 2.000000e+00 : f32
      %mul3A_679 = vector.broadcast %mul3A_678 : f32 to vector<16xf32>
      %mul3A_680 = arith.mulf %mul3A_679, %add3A_677 : vector<16xf32>
      %exp3A_681 = math.exp %mul3A_680 : vector<16xf32>
      %add3A_682 = arith.constant 1.000000e+00 : f32
      %add3A_683 = vector.broadcast %add3A_682 : f32 to vector<16xf32>
      %add3A_684 = arith.addf %add3A_683, %exp3A_681 : vector<16xf32>
      %div3A_685 = arith.constant 2.000000e+00 : f32
      %div3A_686 = vector.broadcast %div3A_685 : f32 to vector<16xf32>
      %div3A_687 = arith.divf %div3A_686, %add3A_684 : vector<16xf32>
      %sub3A_688 = arith.constant 1.000000e+00 : f32
      %sub3A_689 = vector.broadcast %sub3A_688 : f32 to vector<16xf32>
      %sub3A_690 = arith.subf %sub3A_689, %div3A_687 : vector<16xf32>
      %mul3A_691 = arith.mulf %sub3A_690, %get3A_674 : vector<16xf32>
      %swap3A_692 = arith.constant 2 : i32
      %swap3A_693 = arith.index_cast %swap3A_692 : i32 to index
      %swap3A_694 = arith.constant 64 : index
      %swap3A_695 = tpu.vector_load %arg13[%swap3A_693, %swap3A_694] {strides = array<i32>} : memref<8x128xf32, #tpu.memory_space<vmem>>, vector<16xf32>,
      tpu.vector_store %arg13[%swap3A_693, %swap3A_694], %mul3A_691 {strides = array<i32>} : memref<8x128xf32, #tpu.memory_space<vmem>>, vector<16xf32>,
      %get3A_696 = arith.constant 2 : i32
      %get3A_697 = arith.index_cast %get3A_696 : i32 to index
      %get3A_698 = arith.constant 80 : index
      %get3A_699 = tpu.vector_load %arg10[%get3A_697, %get3A_698] {strides = array<i32>} : memref<8x128xi32, #tpu.memory_space<vmem>>, vector<16xi32>,
      %get3A_700 = arith.constant 2 : i32
      %get3A_701 = arith.index_cast %get3A_700 : i32 to index
      %get3A_702 = arith.constant 80 : index
      %get3A_703 = tpu.vector_load %arg11[%get3A_701, %get3A_702] {strides = array<i32>} : memref<8x128xi32, #tpu.memory_space<vmem>>, vector<16xi32>,
      %get3A_704 = arith.constant 2 : i32
      %get3A_705 = arith.index_cast %get3A_704 : i32 to index
      %get3A_706 = arith.constant 80 : index
      %get3A_707 = tpu.vector_load %arg12[%get3A_705, %get3A_706] {strides = array<i32>} : memref<8x128xf32, #tpu.memory_space<vmem>>, vector<16xf32>,
      %gather3A_708 = tpu.vector_load_idx %arg8[%get3A_699] : memref<10000xf32, #tpu.memory_space<vmem>>[vector<16xi32>], vector<16xf32>,
      %gather3A_709 = tpu.vector_load_idx %arg9[%get3A_703] : memref<10000xf32, #tpu.memory_space<vmem>>[vector<16xi32>], vector<16xf32>,
      %add3A_710 = arith.addf %gather3A_708, %gather3A_709 : vector<16xf32>
      %mul3A_711 = arith.constant 2.000000e+00 : f32
      %mul3A_712 = vector.broadcast %mul3A_711 : f32 to vector<16xf32>
      %mul3A_713 = arith.mulf %mul3A_712, %add3A_710 : vector<16xf32>
      %exp3A_714 = math.exp %mul3A_713 : vector<16xf32>
      %add3A_715 = arith.constant 1.000000e+00 : f32
      %add3A_716 = vector.broadcast %add3A_715 : f32 to vector<16xf32>
      %add3A_717 = arith.addf %add3A_716, %exp3A_714 : vector<16xf32>
      %div3A_718 = arith.constant 2.000000e+00 : f32
      %div3A_719 = vector.broadcast %div3A_718 : f32 to vector<16xf32>
      %div3A_720 = arith.divf %div3A_719, %add3A_717 : vector<16xf32>
      %sub3A_721 = arith.constant 1.000000e+00 : f32
      %sub3A_722 = vector.broadcast %sub3A_721 : f32 to vector<16xf32>
      %sub3A_723 = arith.subf %sub3A_722, %div3A_720 : vector<16xf32>
      %mul3A_724 = arith.mulf %sub3A_723, %get3A_707 : vector<16xf32>
      %swap3A_725 = arith.constant 2 : i32
      %swap3A_726 = arith.index_cast %swap3A_725 : i32 to index
      %swap3A_727 = arith.constant 80 : index
      %swap3A_728 = tpu.vector_load %arg13[%swap3A_726, %swap3A_727] {strides = array<i32>} : memref<8x128xf32, #tpu.memory_space<vmem>>, vector<16xf32>,
      tpu.vector_store %arg13[%swap3A_726, %swap3A_727], %mul3A_724 {strides = array<i32>} : memref<8x128xf32, #tpu.memory_space<vmem>>, vector<16xf32>,
      %get3A_729 = arith.constant 2 : i32
      %get3A_730 = arith.index_cast %get3A_729 : i32 to index
      %get3A_731 = arith.constant 96 : index
      %get3A_732 = tpu.vector_load %arg10[%get3A_730, %get3A_731] {strides = array<i32>} : memref<8x128xi32, #tpu.memory_space<vmem>>, vector<16xi32>,
      %get3A_733 = arith.constant 2 : i32
      %get3A_734 = arith.index_cast %get3A_733 : i32 to index
      %get3A_735 = arith.constant 96 : index
      %get3A_736 = tpu.vector_load %arg11[%get3A_734, %get3A_735] {strides = array<i32>} : memref<8x128xi32, #tpu.memory_space<vmem>>, vector<16xi32>,
      %get3A_737 = arith.constant 2 : i32
      %get3A_738 = arith.index_cast %get3A_737 : i32 to index
      %get3A_739 = arith.constant 96 : index
      %get3A_740 = tpu.vector_load %arg12[%get3A_738, %get3A_739] {strides = array<i32>} : memref<8x128xf32, #tpu.memory_space<vmem>>, vector<16xf32>,
      %gather3A_741 = tpu.vector_load_idx %arg8[%get3A_732] : memref<10000xf32, #tpu.memory_space<vmem>>[vector<16xi32>], vector<16xf32>,
      %gather3A_742 = tpu.vector_load_idx %arg9[%get3A_736] : memref<10000xf32, #tpu.memory_space<vmem>>[vector<16xi32>], vector<16xf32>,
      %add3A_743 = arith.addf %gather3A_741, %gather3A_742 : vector<16xf32>
      %mul3A_744 = arith.constant 2.000000e+00 : f32
      %mul3A_745 = vector.broadcast %mul3A_744 : f32 to vector<16xf32>
      %mul3A_746 = arith.mulf %mul3A_745, %add3A_743 : vector<16xf32>
      %exp3A_747 = math.exp %mul3A_746 : vector<16xf32>
      %add3A_748 = arith.constant 1.000000e+00 : f32
      %add3A_749 = vector.broadcast %add3A_748 : f32 to vector<16xf32>
      %add3A_750 = arith.addf %add3A_749, %exp3A_747 : vector<16xf32>
      %div3A_751 = arith.constant 2.000000e+00 : f32
      %div3A_752 = vector.broadcast %div3A_751 : f32 to vector<16xf32>
      %div3A_753 = arith.divf %div3A_752, %add3A_750 : vector<16xf32>
      %sub3A_754 = arith.constant 1.000000e+00 : f32
      %sub3A_755 = vector.broadcast %sub3A_754 : f32 to vector<16xf32>
      %sub3A_756 = arith.subf %sub3A_755, %div3A_753 : vector<16xf32>
      %mul3A_757 = arith.mulf %sub3A_756, %get3A_740 : vector<16xf32>
      %swap3A_758 = arith.constant 2 : i32
      %swap3A_759 = arith.index_cast %swap3A_758 : i32 to index
      %swap3A_760 = arith.constant 96 : index
      %swap3A_761 = tpu.vector_load %arg13[%swap3A_759, %swap3A_760] {strides = array<i32>} : memref<8x128xf32, #tpu.memory_space<vmem>>, vector<16xf32>,
      tpu.vector_store %arg13[%swap3A_759, %swap3A_760], %mul3A_757 {strides = array<i32>} : memref<8x128xf32, #tpu.memory_space<vmem>>, vector<16xf32>,
      %get3A_762 = arith.constant 2 : i32
      %get3A_763 = arith.index_cast %get3A_762 : i32 to index
      %get3A_764 = arith.constant 112 : index
      %get3A_765 = tpu.vector_load %arg10[%get3A_763, %get3A_764] {strides = array<i32>} : memref<8x128xi32, #tpu.memory_space<vmem>>, vector<16xi32>,
      %get3A_766 = arith.constant 2 : i32
      %get3A_767 = arith.index_cast %get3A_766 : i32 to index
      %get3A_768 = arith.constant 112 : index
      %get3A_769 = tpu.vector_load %arg11[%get3A_767, %get3A_768] {strides = array<i32>} : memref<8x128xi32, #tpu.memory_space<vmem>>, vector<16xi32>,
      %get3A_770 = arith.constant 2 : i32
      %get3A_771 = arith.index_cast %get3A_770 : i32 to index
      %get3A_772 = arith.constant 112 : index
      %get3A_773 = tpu.vector_load %arg12[%get3A_771, %get3A_772] {strides = array<i32>} : memref<8x128xf32, #tpu.memory_space<vmem>>, vector<16xf32>,
      %gather3A_774 = tpu.vector_load_idx %arg8[%get3A_765] : memref<10000xf32, #tpu.memory_space<vmem>>[vector<16xi32>], vector<16xf32>,
      %gather3A_775 = tpu.vector_load_idx %arg9[%get3A_769] : memref<10000xf32, #tpu.memory_space<vmem>>[vector<16xi32>], vector<16xf32>,
      %add3A_776 = arith.addf %gather3A_774, %gather3A_775 : vector<16xf32>
      %mul3A_777 = arith.constant 2.000000e+00 : f32
      %mul3A_778 = vector.broadcast %mul3A_777 : f32 to vector<16xf32>
      %mul3A_779 = arith.mulf %mul3A_778, %add3A_776 : vector<16xf32>
      %exp3A_780 = math.exp %mul3A_779 : vector<16xf32>
      %add3A_781 = arith.constant 1.000000e+00 : f32
      %add3A_782 = vector.broadcast %add3A_781 : f32 to vector<16xf32>
      %add3A_783 = arith.addf %add3A_782, %exp3A_780 : vector<16xf32>
      %div3A_784 = arith.constant 2.000000e+00 : f32
      %div3A_785 = vector.broadcast %div3A_784 : f32 to vector<16xf32>
      %div3A_786 = arith.divf %div3A_785, %add3A_783 : vector<16xf32>
      %sub3A_787 = arith.constant 1.000000e+00 : f32
      %sub3A_788 = vector.broadcast %sub3A_787 : f32 to vector<16xf32>
      %sub3A_789 = arith.subf %sub3A_788, %div3A_786 : vector<16xf32>
      %mul3A_790 = arith.mulf %sub3A_789, %get3A_773 : vector<16xf32>
      %swap3A_791 = arith.constant 2 : i32
      %swap3A_792 = arith.index_cast %swap3A_791 : i32 to index
      %swap3A_793 = arith.constant 112 : index
      %swap3A_794 = tpu.vector_load %arg13[%swap3A_792, %swap3A_793] {strides = array<i32>} : memref<8x128xf32, #tpu.memory_space<vmem>>, vector<16xf32>,
      tpu.vector_store %arg13[%swap3A_792, %swap3A_793], %mul3A_790 {strides = array<i32>} : memref<8x128xf32, #tpu.memory_space<vmem>>, vector<16xf32>,
      %get3A_795 = arith.constant 3 : i32
      %get3A_796 = arith.index_cast %get3A_795 : i32 to index
      %get3A_797 = arith.constant 0 : index
      %get3A_798 = tpu.vector_load %arg10[%get3A_796, %get3A_797] {strides = array<i32>} : memref<8x128xi32, #tpu.memory_space<vmem>>, vector<16xi32>,
      %get3A_799 = arith.constant 3 : i32
      %get3A_800 = arith.index_cast %get3A_799 : i32 to index
      %get3A_801 = arith.constant 0 : index
      %get3A_802 = tpu.vector_load %arg11[%get3A_800, %get3A_801] {strides = array<i32>} : memref<8x128xi32, #tpu.memory_space<vmem>>, vector<16xi32>,
      %get3A_803 = arith.constant 3 : i32
      %get3A_804 = arith.index_cast %get3A_803 : i32 to index
      %get3A_805 = arith.constant 0 : index
      %get3A_806 = tpu.vector_load %arg12[%get3A_804, %get3A_805] {strides = array<i32>} : memref<8x128xf32, #tpu.memory_space<vmem>>, vector<16xf32>,
      %gather3A_807 = tpu.vector_load_idx %arg8[%get3A_798] : memref<10000xf32, #tpu.memory_space<vmem>>[vector<16xi32>], vector<16xf32>,
      %gather3A_808 = tpu.vector_load_idx %arg9[%get3A_802] : memref<10000xf32, #tpu.memory_space<vmem>>[vector<16xi32>], vector<16xf32>,
      %add3A_809 = arith.addf %gather3A_807, %gather3A_808 : vector<16xf32>
      %mul3A_810 = arith.constant 2.000000e+00 : f32
      %mul3A_811 = vector.broadcast %mul3A_810 : f32 to vector<16xf32>
      %mul3A_812 = arith.mulf %mul3A_811, %add3A_809 : vector<16xf32>
      %exp3A_813 = math.exp %mul3A_812 : vector<16xf32>
      %add3A_814 = arith.constant 1.000000e+00 : f32
      %add3A_815 = vector.broadcast %add3A_814 : f32 to vector<16xf32>
      %add3A_816 = arith.addf %add3A_815, %exp3A_813 : vector<16xf32>
      %div3A_817 = arith.constant 2.000000e+00 : f32
      %div3A_818 = vector.broadcast %div3A_817 : f32 to vector<16xf32>
      %div3A_819 = arith.divf %div3A_818, %add3A_816 : vector<16xf32>
      %sub3A_820 = arith.constant 1.000000e+00 : f32
      %sub3A_821 = vector.broadcast %sub3A_820 : f32 to vector<16xf32>
      %sub3A_822 = arith.subf %sub3A_821, %div3A_819 : vector<16xf32>
      %mul3A_823 = arith.mulf %sub3A_822, %get3A_806 : vector<16xf32>
      %swap3A_824 = arith.constant 3 : i32
      %swap3A_825 = arith.index_cast %swap3A_824 : i32 to index
      %swap3A_826 = arith.constant 0 : index
      %swap3A_827 = tpu.vector_load %arg13[%swap3A_825, %swap3A_826] {strides = array<i32>} : memref<8x128xf32, #tpu.memory_space<vmem>>, vector<16xf32>,
      tpu.vector_store %arg13[%swap3A_825, %swap3A_826], %mul3A_823 {strides = array<i32>} : memref<8x128xf32, #tpu.memory_space<vmem>>, vector<16xf32>,
      %get3A_828 = arith.constant 3 : i32
      %get3A_829 = arith.index_cast %get3A_828 : i32 to index
      %get3A_830 = arith.constant 16 : index
      %get3A_831 = tpu.vector_load %arg10[%get3A_829, %get3A_830] {strides = array<i32>} : memref<8x128xi32, #tpu.memory_space<vmem>>, vector<16xi32>,
      %get3A_832 = arith.constant 3 : i32
      %get3A_833 = arith.index_cast %get3A_832 : i32 to index
      %get3A_834 = arith.constant 16 : index
      %get3A_835 = tpu.vector_load %arg11[%get3A_833, %get3A_834] {strides = array<i32>} : memref<8x128xi32, #tpu.memory_space<vmem>>, vector<16xi32>,
      %get3A_836 = arith.constant 3 : i32
      %get3A_837 = arith.index_cast %get3A_836 : i32 to index
      %get3A_838 = arith.constant 16 : index
      %get3A_839 = tpu.vector_load %arg12[%get3A_837, %get3A_838] {strides = array<i32>} : memref<8x128xf32, #tpu.memory_space<vmem>>, vector<16xf32>,
      %gather3A_840 = tpu.vector_load_idx %arg8[%get3A_831] : memref<10000xf32, #tpu.memory_space<vmem>>[vector<16xi32>], vector<16xf32>,
      %gather3A_841 = tpu.vector_load_idx %arg9[%get3A_835] : memref<10000xf32, #tpu.memory_space<vmem>>[vector<16xi32>], vector<16xf32>,
      %add3A_842 = arith.addf %gather3A_840, %gather3A_841 : vector<16xf32>
      %mul3A_843 = arith.constant 2.000000e+00 : f32
      %mul3A_844 = vector.broadcast %mul3A_843 : f32 to vector<16xf32>
      %mul3A_845 = arith.mulf %mul3A_844, %add3A_842 : vector<16xf32>
      %exp3A_846 = math.exp %mul3A_845 : vector<16xf32>
      %add3A_847 = arith.constant 1.000000e+00 : f32
      %add3A_848 = vector.broadcast %add3A_847 : f32 to vector<16xf32>
      %add3A_849 = arith.addf %add3A_848, %exp3A_846 : vector<16xf32>
      %div3A_850 = arith.constant 2.000000e+00 : f32
      %div3A_851 = vector.broadcast %div3A_850 : f32 to vector<16xf32>
      %div3A_852 = arith.divf %div3A_851, %add3A_849 : vector<16xf32>
      %sub3A_853 = arith.constant 1.000000e+00 : f32
      %sub3A_854 = vector.broadcast %sub3A_853 : f32 to vector<16xf32>
      %sub3A_855 = arith.subf %sub3A_854, %div3A_852 : vector<16xf32>
      %mul3A_856 = arith.mulf %sub3A_855, %get3A_839 : vector<16xf32>
      %swap3A_857 = arith.constant 3 : i32
      %swap3A_858 = arith.index_cast %swap3A_857 : i32 to index
      %swap3A_859 = arith.constant 16 : index
      %swap3A_860 = tpu.vector_load %arg13[%swap3A_858, %swap3A_859] {strides = array<i32>} : memref<8x128xf32, #tpu.memory_space<vmem>>, vector<16xf32>,
      tpu.vector_store %arg13[%swap3A_858, %swap3A_859], %mul3A_856 {strides = array<i32>} : memref<8x128xf32, #tpu.memory_space<vmem>>, vector<16xf32>,
      %get3A_861 = arith.constant 3 : i32
      %get3A_862 = arith.index_cast %get3A_861 : i32 to index
      %get3A_863 = arith.constant 32 : index
      %get3A_864 = tpu.vector_load %arg10[%get3A_862, %get3A_863] {strides = array<i32>} : memref<8x128xi32, #tpu.memory_space<vmem>>, vector<16xi32>,
      %get3A_865 = arith.constant 3 : i32
      %get3A_866 = arith.index_cast %get3A_865 : i32 to index
      %get3A_867 = arith.constant 32 : index
      %get3A_868 = tpu.vector_load %arg11[%get3A_866, %get3A_867] {strides = array<i32>} : memref<8x128xi32, #tpu.memory_space<vmem>>, vector<16xi32>,
      %get3A_869 = arith.constant 3 : i32
      %get3A_870 = arith.index_cast %get3A_869 : i32 to index
      %get3A_871 = arith.constant 32 : index
      %get3A_872 = tpu.vector_load %arg12[%get3A_870, %get3A_871] {strides = array<i32>} : memref<8x128xf32, #tpu.memory_space<vmem>>, vector<16xf32>,
      %gather3A_873 = tpu.vector_load_idx %arg8[%get3A_864] : memref<10000xf32, #tpu.memory_space<vmem>>[vector<16xi32>], vector<16xf32>,
      %gather3A_874 = tpu.vector_load_idx %arg9[%get3A_868] : memref<10000xf32, #tpu.memory_space<vmem>>[vector<16xi32>], vector<16xf32>,
      %add3A_875 = arith.addf %gather3A_873, %gather3A_874 : vector<16xf32>
      %mul3A_876 = arith.constant 2.000000e+00 : f32
      %mul3A_877 = vector.broadcast %mul3A_876 : f32 to vector<16xf32>
      %mul3A_878 = arith.mulf %mul3A_877, %add3A_875 : vector<16xf32>
      %exp3A_879 = math.exp %mul3A_878 : vector<16xf32>
      %add3A_880 = arith.constant 1.000000e+00 : f32
      %add3A_881 = vector.broadcast %add3A_880 : f32 to vector<16xf32>
      %add3A_882 = arith.addf %add3A_881, %exp3A_879 : vector<16xf32>
      %div3A_883 = arith.constant 2.000000e+00 : f32
      %div3A_884 = vector.broadcast %div3A_883 : f32 to vector<16xf32>
      %div3A_885 = arith.divf %div3A_884, %add3A_882 : vector<16xf32>
      %sub3A_886 = arith.constant 1.000000e+00 : f32
      %sub3A_887 = vector.broadcast %sub3A_886 : f32 to vector<16xf32>
      %sub3A_888 = arith.subf %sub3A_887, %div3A_885 : vector<16xf32>
      %mul3A_889 = arith.mulf %sub3A_888, %get3A_872 : vector<16xf32>
      %swap3A_890 = arith.constant 3 : i32
      %swap3A_891 = arith.index_cast %swap3A_890 : i32 to index
      %swap3A_892 = arith.constant 32 : index
      %swap3A_893 = tpu.vector_load %arg13[%swap3A_891, %swap3A_892] {strides = array<i32>} : memref<8x128xf32, #tpu.memory_space<vmem>>, vector<16xf32>,
      tpu.vector_store %arg13[%swap3A_891, %swap3A_892], %mul3A_889 {strides = array<i32>} : memref<8x128xf32, #tpu.memory_space<vmem>>, vector<16xf32>,
      %get3A_894 = arith.constant 3 : i32
      %get3A_895 = arith.index_cast %get3A_894 : i32 to index
      %get3A_896 = arith.constant 48 : index
      %get3A_897 = tpu.vector_load %arg10[%get3A_895, %get3A_896] {strides = array<i32>} : memref<8x128xi32, #tpu.memory_space<vmem>>, vector<16xi32>,
      %get3A_898 = arith.constant 3 : i32
      %get3A_899 = arith.index_cast %get3A_898 : i32 to index
      %get3A_900 = arith.constant 48 : index
      %get3A_901 = tpu.vector_load %arg11[%get3A_899, %get3A_900] {strides = array<i32>} : memref<8x128xi32, #tpu.memory_space<vmem>>, vector<16xi32>,
      %get3A_902 = arith.constant 3 : i32
      %get3A_903 = arith.index_cast %get3A_902 : i32 to index
      %get3A_904 = arith.constant 48 : index
      %get3A_905 = tpu.vector_load %arg12[%get3A_903, %get3A_904] {strides = array<i32>} : memref<8x128xf32, #tpu.memory_space<vmem>>, vector<16xf32>,
      %gather3A_906 = tpu.vector_load_idx %arg8[%get3A_897] : memref<10000xf32, #tpu.memory_space<vmem>>[vector<16xi32>], vector<16xf32>,
      %gather3A_907 = tpu.vector_load_idx %arg9[%get3A_901] : memref<10000xf32, #tpu.memory_space<vmem>>[vector<16xi32>], vector<16xf32>,
      %add3A_908 = arith.addf %gather3A_906, %gather3A_907 : vector<16xf32>
      %mul3A_909 = arith.constant 2.000000e+00 : f32
      %mul3A_910 = vector.broadcast %mul3A_909 : f32 to vector<16xf32>
      %mul3A_911 = arith.mulf %mul3A_910, %add3A_908 : vector<16xf32>
      %exp3A_912 = math.exp %mul3A_911 : vector<16xf32>
      %add3A_913 = arith.constant 1.000000e+00 : f32
      %add3A_914 = vector.broadcast %add3A_913 : f32 to vector<16xf32>
      %add3A_915 = arith.addf %add3A_914, %exp3A_912 : vector<16xf32>
      %div3A_916 = arith.constant 2.000000e+00 : f32
      %div3A_917 = vector.broadcast %div3A_916 : f32 to vector<16xf32>
      %div3A_918 = arith.divf %div3A_917, %add3A_915 : vector<16xf32>
      %sub3A_919 = arith.constant 1.000000e+00 : f32
      %sub3A_920 = vector.broadcast %sub3A_919 : f32 to vector<16xf32>
      %sub3A_921 = arith.subf %sub3A_920, %div3A_918 : vector<16xf32>
      %mul3A_922 = arith.mulf %sub3A_921, %get3A_905 : vector<16xf32>
      %swap3A_923 = arith.constant 3 : i32
      %swap3A_924 = arith.index_cast %swap3A_923 : i32 to index
      %swap3A_925 = arith.constant 48 : index
      %swap3A_926 = tpu.vector_load %arg13[%swap3A_924, %swap3A_925] {strides = array<i32>} : memref<8x128xf32, #tpu.memory_space<vmem>>, vector<16xf32>,
      tpu.vector_store %arg13[%swap3A_924, %swap3A_925], %mul3A_922 {strides = array<i32>} : memref<8x128xf32, #tpu.memory_space<vmem>>, vector<16xf32>,
      %get3A_927 = arith.constant 3 : i32
      %get3A_928 = arith.index_cast %get3A_927 : i32 to index
      %get3A_929 = arith.constant 64 : index
      %get3A_930 = tpu.vector_load %arg10[%get3A_928, %get3A_929] {strides = array<i32>} : memref<8x128xi32, #tpu.memory_space<vmem>>, vector<16xi32>,
      %get3A_931 = arith.constant 3 : i32
      %get3A_932 = arith.index_cast %get3A_931 : i32 to index
      %get3A_933 = arith.constant 64 : index
      %get3A_934 = tpu.vector_load %arg11[%get3A_932, %get3A_933] {strides = array<i32>} : memref<8x128xi32, #tpu.memory_space<vmem>>, vector<16xi32>,
      %get3A_935 = arith.constant 3 : i32
      %get3A_936 = arith.index_cast %get3A_935 : i32 to index
      %get3A_937 = arith.constant 64 : index
      %get3A_938 = tpu.vector_load %arg12[%get3A_936, %get3A_937] {strides = array<i32>} : memref<8x128xf32, #tpu.memory_space<vmem>>, vector<16xf32>,
      %gather3A_939 = tpu.vector_load_idx %arg8[%get3A_930] : memref<10000xf32, #tpu.memory_space<vmem>>[vector<16xi32>], vector<16xf32>,
      %gather3A_940 = tpu.vector_load_idx %arg9[%get3A_934] : memref<10000xf32, #tpu.memory_space<vmem>>[vector<16xi32>], vector<16xf32>,
      %add3A_941 = arith.addf %gather3A_939, %gather3A_940 : vector<16xf32>
      %mul3A_942 = arith.constant 2.000000e+00 : f32
      %mul3A_943 = vector.broadcast %mul3A_942 : f32 to vector<16xf32>
      %mul3A_944 = arith.mulf %mul3A_943, %add3A_941 : vector<16xf32>
      %exp3A_945 = math.exp %mul3A_944 : vector<16xf32>
      %add3A_946 = arith.constant 1.000000e+00 : f32
      %add3A_947 = vector.broadcast %add3A_946 : f32 to vector<16xf32>
      %add3A_948 = arith.addf %add3A_947, %exp3A_945 : vector<16xf32>
      %div3A_949 = arith.constant 2.000000e+00 : f32
      %div3A_950 = vector.broadcast %div3A_949 : f32 to vector<16xf32>
      %div3A_951 = arith.divf %div3A_950, %add3A_948 : vector<16xf32>
      %sub3A_952 = arith.constant 1.000000e+00 : f32
      %sub3A_953 = vector.broadcast %sub3A_952 : f32 to vector<16xf32>
      %sub3A_954 = arith.subf %sub3A_953, %div3A_951 : vector<16xf32>
      %mul3A_955 = arith.mulf %sub3A_954, %get3A_938 : vector<16xf32>
      %swap3A_956 = arith.constant 3 : i32
      %swap3A_957 = arith.index_cast %swap3A_956 : i32 to index
      %swap3A_958 = arith.constant 64 : index
      %swap3A_959 = tpu.vector_load %arg13[%swap3A_957, %swap3A_958] {strides = array<i32>} : memref<8x128xf32, #tpu.memory_space<vmem>>, vector<16xf32>,
      tpu.vector_store %arg13[%swap3A_957, %swap3A_958], %mul3A_955 {strides = array<i32>} : memref<8x128xf32, #tpu.memory_space<vmem>>, vector<16xf32>,
      %get3A_960 = arith.constant 3 : i32
      %get3A_961 = arith.index_cast %get3A_960 : i32 to index
      %get3A_962 = arith.constant 80 : index
      %get3A_963 = tpu.vector_load %arg10[%get3A_961, %get3A_962] {strides = array<i32>} : memref<8x128xi32, #tpu.memory_space<vmem>>, vector<16xi32>,
      %get3A_964 = arith.constant 3 : i32
      %get3A_965 = arith.index_cast %get3A_964 : i32 to index
      %get3A_966 = arith.constant 80 : index
      %get3A_967 = tpu.vector_load %arg11[%get3A_965, %get3A_966] {strides = array<i32>} : memref<8x128xi32, #tpu.memory_space<vmem>>, vector<16xi32>,
      %get3A_968 = arith.constant 3 : i32
      %get3A_969 = arith.index_cast %get3A_968 : i32 to index
      %get3A_970 = arith.constant 80 : index
      %get3A_971 = tpu.vector_load %arg12[%get3A_969, %get3A_970] {strides = array<i32>} : memref<8x128xf32, #tpu.memory_space<vmem>>, vector<16xf32>,
      %gather3A_972 = tpu.vector_load_idx %arg8[%get3A_963] : memref<10000xf32, #tpu.memory_space<vmem>>[vector<16xi32>], vector<16xf32>,
      %gather3A_973 = tpu.vector_load_idx %arg9[%get3A_967] : memref<10000xf32, #tpu.memory_space<vmem>>[vector<16xi32>], vector<16xf32>,
      %add3A_974 = arith.addf %gather3A_972, %gather3A_973 : vector<16xf32>
      %mul3A_975 = arith.constant 2.000000e+00 : f32
      %mul3A_976 = vector.broadcast %mul3A_975 : f32 to vector<16xf32>
      %mul3A_977 = arith.mulf %mul3A_976, %add3A_974 : vector<16xf32>
      %exp3A_978 = math.exp %mul3A_977 : vector<16xf32>
      %add3A_979 = arith.constant 1.000000e+00 : f32
      %add3A_980 = vector.broadcast %add3A_979 : f32 to vector<16xf32>
      %add3A_981 = arith.addf %add3A_980, %exp3A_978 : vector<16xf32>
      %div3A_982 = arith.constant 2.000000e+00 : f32
      %div3A_983 = vector.broadcast %div3A_982 : f32 to vector<16xf32>
      %div3A_984 = arith.divf %div3A_983, %add3A_981 : vector<16xf32>
      %sub3A_985 = arith.constant 1.000000e+00 : f32
      %sub3A_986 = vector.broadcast %sub3A_985 : f32 to vector<16xf32>
      %sub3A_987 = arith.subf %sub3A_986, %div3A_984 : vector<16xf32>
      %mul3A_988 = arith.mulf %sub3A_987, %get3A_971 : vector<16xf32>
      %swap3A_989 = arith.constant 3 : i32
      %swap3A_990 = arith.index_cast %swap3A_989 : i32 to index
      %swap3A_991 = arith.constant 80 : index
      %swap3A_992 = tpu.vector_load %arg13[%swap3A_990, %swap3A_991] {strides = array<i32>} : memref<8x128xf32, #tpu.memory_space<vmem>>, vector<16xf32>,
      tpu.vector_store %arg13[%swap3A_990, %swap3A_991], %mul3A_988 {strides = array<i32>} : memref<8x128xf32, #tpu.memory_space<vmem>>, vector<16xf32>,
      %get3A_993 = arith.constant 3 : i32
      %get3A_994 = arith.index_cast %get3A_993 : i32 to index
      %get3A_995 = arith.constant 96 : index
      %get3A_996 = tpu.vector_load %arg10[%get3A_994, %get3A_995] {strides = array<i32>} : memref<8x128xi32, #tpu.memory_space<vmem>>, vector<16xi32>,
      %get3A_997 = arith.constant 3 : i32
      %get3A_998 = arith.index_cast %get3A_997 : i32 to index
      %get3A_999 = arith.constant 96 : index
      %get3A_1000 = tpu.vector_load %arg11[%get3A_998, %get3A_999] {strides = array<i32>} : memref<8x128xi32, #tpu.memory_space<vmem>>, vector<16xi32>,
      %get3A_1001 = arith.constant 3 : i32
      %get3A_1002 = arith.index_cast %get3A_1001 : i32 to index
      %get3A_1003 = arith.constant 96 : index
      %get3A_1004 = tpu.vector_load %arg12[%get3A_1002, %get3A_1003] {strides = array<i32>} : memref<8x128xf32, #tpu.memory_space<vmem>>, vector<16xf32>,
      %gather3A_1005 = tpu.vector_load_idx %arg8[%get3A_996] : memref<10000xf32, #tpu.memory_space<vmem>>[vector<16xi32>], vector<16xf32>,
      %gather3A_1006 = tpu.vector_load_idx %arg9[%get3A_1000] : memref<10000xf32, #tpu.memory_space<vmem>>[vector<16xi32>], vector<16xf32>,
      %add3A_1007 = arith.addf %gather3A_1005, %gather3A_1006 : vector<16xf32>
      %mul3A_1008 = arith.constant 2.000000e+00 : f32
      %mul3A_1009 = vector.broadcast %mul3A_1008 : f32 to vector<16xf32>
      %mul3A_1010 = arith.mulf %mul3A_1009, %add3A_1007 : vector<16xf32>
      %exp3A_1011 = math.exp %mul3A_1010 : vector<16xf32>
      %add3A_1012 = arith.constant 1.000000e+00 : f32
      %add3A_1013 = vector.broadcast %add3A_1012 : f32 to vector<16xf32>
      %add3A_1014 = arith.addf %add3A_1013, %exp3A_1011 : vector<16xf32>
      %div3A_1015 = arith.constant 2.000000e+00 : f32
      %div3A_1016 = vector.broadcast %div3A_1015 : f32 to vector<16xf32>
      %div3A_1017 = arith.divf %div3A_1016, %add3A_1014 : vector<16xf32>
      %sub3A_1018 = arith.constant 1.000000e+00 : f32
      %sub3A_1019 = vector.broadcast %sub3A_1018 : f32 to vector<16xf32>
      %sub3A_1020 = arith.subf %sub3A_1019, %div3A_1017 : vector<16xf32>
      %mul3A_1021 = arith.mulf %sub3A_1020, %get3A_1004 : vector<16xf32>
      %swap3A_1022 = arith.constant 3 : i32
      %swap3A_1023 = arith.index_cast %swap3A_1022 : i32 to index
      %swap3A_1024 = arith.constant 96 : index
      %swap3A_1025 = tpu.vector_load %arg13[%swap3A_1023, %swap3A_1024] {strides = array<i32>} : memref<8x128xf32, #tpu.memory_space<vmem>>, vector<16xf32>,
      tpu.vector_store %arg13[%swap3A_1023, %swap3A_1024], %mul3A_1021 {strides = array<i32>} : memref<8x128xf32, #tpu.memory_space<vmem>>, vector<16xf32>,
      %get3A_1026 = arith.constant 3 : i32
      %get3A_1027 = arith.index_cast %get3A_1026 : i32 to index
      %get3A_1028 = arith.constant 112 : index
      %get3A_1029 = tpu.vector_load %arg10[%get3A_1027, %get3A_1028] {strides = array<i32>} : memref<8x128xi32, #tpu.memory_space<vmem>>, vector<16xi32>,
      %get3A_1030 = arith.constant 3 : i32
      %get3A_1031 = arith.index_cast %get3A_1030 : i32 to index
      %get3A_1032 = arith.constant 112 : index
      %get3A_1033 = tpu.vector_load %arg11[%get3A_1031, %get3A_1032] {strides = array<i32>} : memref<8x128xi32, #tpu.memory_space<vmem>>, vector<16xi32>,
      %get3A_1034 = arith.constant 3 : i32
      %get3A_1035 = arith.index_cast %get3A_1034 : i32 to index
      %get3A_1036 = arith.constant 112 : index
      %get3A_1037 = tpu.vector_load %arg12[%get3A_1035, %get3A_1036] {strides = array<i32>} : memref<8x128xf32, #tpu.memory_space<vmem>>, vector<16xf32>,
      %gather3A_1038 = tpu.vector_load_idx %arg8[%get3A_1029] : memref<10000xf32, #tpu.memory_space<vmem>>[vector<16xi32>], vector<16xf32>,
      %gather3A_1039 = tpu.vector_load_idx %arg9[%get3A_1033] : memref<10000xf32, #tpu.memory_space<vmem>>[vector<16xi32>], vector<16xf32>,
      %add3A_1040 = arith.addf %gather3A_1038, %gather3A_1039 : vector<16xf32>
      %mul3A_1041 = arith.constant 2.000000e+00 : f32
      %mul3A_1042 = vector.broadcast %mul3A_1041 : f32 to vector<16xf32>
      %mul3A_1043 = arith.mulf %mul3A_1042, %add3A_1040 : vector<16xf32>
      %exp3A_1044 = math.exp %mul3A_1043 : vector<16xf32>
      %add3A_1045 = arith.constant 1.000000e+00 : f32
      %add3A_1046 = vector.broadcast %add3A_1045 : f32 to vector<16xf32>
      %add3A_1047 = arith.addf %add3A_1046, %exp3A_1044 : vector<16xf32>
      %div3A_1048 = arith.constant 2.000000e+00 : f32
      %div3A_1049 = vector.broadcast %div3A_1048 : f32 to vector<16xf32>
      %div3A_1050 = arith.divf %div3A_1049, %add3A_1047 : vector<16xf32>
      %sub3A_1051 = arith.constant 1.000000e+00 : f32
      %sub3A_1052 = vector.broadcast %sub3A_1051 : f32 to vector<16xf32>
      %sub3A_1053 = arith.subf %sub3A_1052, %div3A_1050 : vector<16xf32>
      %mul3A_1054 = arith.mulf %sub3A_1053, %get3A_1037 : vector<16xf32>
      %swap3A_1055 = arith.constant 3 : i32
      %swap3A_1056 = arith.index_cast %swap3A_1055 : i32 to index
      %swap3A_1057 = arith.constant 112 : index
      %swap3A_1058 = tpu.vector_load %arg13[%swap3A_1056, %swap3A_1057] {strides = array<i32>} : memref<8x128xf32, #tpu.memory_space<vmem>>, vector<16xf32>,
      tpu.vector_store %arg13[%swap3A_1056, %swap3A_1057], %mul3A_1054 {strides = array<i32>} : memref<8x128xf32, #tpu.memory_space<vmem>>, vector<16xf32>,
      %get3A_1059 = arith.constant 4 : i32
      %get3A_1060 = arith.index_cast %get3A_1059 : i32 to index
      %get3A_1061 = arith.constant 0 : index
      %get3A_1062 = tpu.vector_load %arg10[%get3A_1060, %get3A_1061] {strides = array<i32>} : memref<8x128xi32, #tpu.memory_space<vmem>>, vector<16xi32>,
      %get3A_1063 = arith.constant 4 : i32
      %get3A_1064 = arith.index_cast %get3A_1063 : i32 to index
      %get3A_1065 = arith.constant 0 : index
      %get3A_1066 = tpu.vector_load %arg11[%get3A_1064, %get3A_1065] {strides = array<i32>} : memref<8x128xi32, #tpu.memory_space<vmem>>, vector<16xi32>,
      %get3A_1067 = arith.constant 4 : i32
      %get3A_1068 = arith.index_cast %get3A_1067 : i32 to index
      %get3A_1069 = arith.constant 0 : index
      %get3A_1070 = tpu.vector_load %arg12[%get3A_1068, %get3A_1069] {strides = array<i32>} : memref<8x128xf32, #tpu.memory_space<vmem>>, vector<16xf32>,
      %gather3A_1071 = tpu.vector_load_idx %arg8[%get3A_1062] : memref<10000xf32, #tpu.memory_space<vmem>>[vector<16xi32>], vector<16xf32>,
      %gather3A_1072 = tpu.vector_load_idx %arg9[%get3A_1066] : memref<10000xf32, #tpu.memory_space<vmem>>[vector<16xi32>], vector<16xf32>,
      %add3A_1073 = arith.addf %gather3A_1071, %gather3A_1072 : vector<16xf32>
      %mul3A_1074 = arith.constant 2.000000e+00 : f32
      %mul3A_1075 = vector.broadcast %mul3A_1074 : f32 to vector<16xf32>
      %mul3A_1076 = arith.mulf %mul3A_1075, %add3A_1073 : vector<16xf32>
      %exp3A_1077 = math.exp %mul3A_1076 : vector<16xf32>
      %add3A_1078 = arith.constant 1.000000e+00 : f32
      %add3A_1079 = vector.broadcast %add3A_1078 : f32 to vector<16xf32>
      %add3A_1080 = arith.addf %add3A_1079, %exp3A_1077 : vector<16xf32>
      %div3A_1081 = arith.constant 2.000000e+00 : f32
      %div3A_1082 = vector.broadcast %div3A_1081 : f32 to vector<16xf32>
      %div3A_1083 = arith.divf %div3A_1082, %add3A_1080 : vector<16xf32>
      %sub3A_1084 = arith.constant 1.000000e+00 : f32
      %sub3A_1085 = vector.broadcast %sub3A_1084 : f32 to vector<16xf32>
      %sub3A_1086 = arith.subf %sub3A_1085, %div3A_1083 : vector<16xf32>
      %mul3A_1087 = arith.mulf %sub3A_1086, %get3A_1070 : vector<16xf32>
      %swap3A_1088 = arith.constant 4 : i32
      %swap3A_1089 = arith.index_cast %swap3A_1088 : i32 to index
      %swap3A_1090 = arith.constant 0 : index
      %swap3A_1091 = tpu.vector_load %arg13[%swap3A_1089, %swap3A_1090] {strides = array<i32>} : memref<8x128xf32, #tpu.memory_space<vmem>>, vector<16xf32>,
      tpu.vector_store %arg13[%swap3A_1089, %swap3A_1090], %mul3A_1087 {strides = array<i32>} : memref<8x128xf32, #tpu.memory_space<vmem>>, vector<16xf32>,
      %get3A_1092 = arith.constant 4 : i32
      %get3A_1093 = arith.index_cast %get3A_1092 : i32 to index
      %get3A_1094 = arith.constant 16 : index
      %get3A_1095 = tpu.vector_load %arg10[%get3A_1093, %get3A_1094] {strides = array<i32>} : memref<8x128xi32, #tpu.memory_space<vmem>>, vector<16xi32>,
      %get3A_1096 = arith.constant 4 : i32
      %get3A_1097 = arith.index_cast %get3A_1096 : i32 to index
      %get3A_1098 = arith.constant 16 : index
      %get3A_1099 = tpu.vector_load %arg11[%get3A_1097, %get3A_1098] {strides = array<i32>} : memref<8x128xi32, #tpu.memory_space<vmem>>, vector<16xi32>,
      %get3A_1100 = arith.constant 4 : i32
      %get3A_1101 = arith.index_cast %get3A_1100 : i32 to index
      %get3A_1102 = arith.constant 16 : index
      %get3A_1103 = tpu.vector_load %arg12[%get3A_1101, %get3A_1102] {strides = array<i32>} : memref<8x128xf32, #tpu.memory_space<vmem>>, vector<16xf32>,
      %gather3A_1104 = tpu.vector_load_idx %arg8[%get3A_1095] : memref<10000xf32, #tpu.memory_space<vmem>>[vector<16xi32>], vector<16xf32>,
      %gather3A_1105 = tpu.vector_load_idx %arg9[%get3A_1099] : memref<10000xf32, #tpu.memory_space<vmem>>[vector<16xi32>], vector<16xf32>,
      %add3A_1106 = arith.addf %gather3A_1104, %gather3A_1105 : vector<16xf32>
      %mul3A_1107 = arith.constant 2.000000e+00 : f32
      %mul3A_1108 = vector.broadcast %mul3A_1107 : f32 to vector<16xf32>
      %mul3A_1109 = arith.mulf %mul3A_1108, %add3A_1106 : vector<16xf32>
      %exp3A_1110 = math.exp %mul3A_1109 : vector<16xf32>
      %add3A_1111 = arith.constant 1.000000e+00 : f32
      %add3A_1112 = vector.broadcast %add3A_1111 : f32 to vector<16xf32>
      %add3A_1113 = arith.addf %add3A_1112, %exp3A_1110 : vector<16xf32>
      %div3A_1114 = arith.constant 2.000000e+00 : f32
      %div3A_1115 = vector.broadcast %div3A_1114 : f32 to vector<16xf32>
      %div3A_1116 = arith.divf %div3A_1115, %add3A_1113 : vector<16xf32>
      %sub3A_1117 = arith.constant 1.000000e+00 : f32
      %sub3A_1118 = vector.broadcast %sub3A_1117 : f32 to vector<16xf32>
      %sub3A_1119 = arith.subf %sub3A_1118, %div3A_1116 : vector<16xf32>
      %mul3A_1120 = arith.mulf %sub3A_1119, %get3A_1103 : vector<16xf32>
      %swap3A_1121 = arith.constant 4 : i32
      %swap3A_1122 = arith.index_cast %swap3A_1121 : i32 to index
      %swap3A_1123 = arith.constant 16 : index
      %swap3A_1124 = tpu.vector_load %arg13[%swap3A_1122, %swap3A_1123] {strides = array<i32>} : memref<8x128xf32, #tpu.memory_space<vmem>>, vector<16xf32>,
      tpu.vector_store %arg13[%swap3A_1122, %swap3A_1123], %mul3A_1120 {strides = array<i32>} : memref<8x128xf32, #tpu.memory_space<vmem>>, vector<16xf32>,
      %get3A_1125 = arith.constant 4 : i32
      %get3A_1126 = arith.index_cast %get3A_1125 : i32 to index
      %get3A_1127 = arith.constant 32 : index
      %get3A_1128 = tpu.vector_load %arg10[%get3A_1126, %get3A_1127] {strides = array<i32>} : memref<8x128xi32, #tpu.memory_space<vmem>>, vector<16xi32>,
      %get3A_1129 = arith.constant 4 : i32
      %get3A_1130 = arith.index_cast %get3A_1129 : i32 to index
      %get3A_1131 = arith.constant 32 : index
      %get3A_1132 = tpu.vector_load %arg11[%get3A_1130, %get3A_1131] {strides = array<i32>} : memref<8x128xi32, #tpu.memory_space<vmem>>, vector<16xi32>,
      %get3A_1133 = arith.constant 4 : i32
      %get3A_1134 = arith.index_cast %get3A_1133 : i32 to index
      %get3A_1135 = arith.constant 32 : index
      %get3A_1136 = tpu.vector_load %arg12[%get3A_1134, %get3A_1135] {strides = array<i32>} : memref<8x128xf32, #tpu.memory_space<vmem>>, vector<16xf32>,
      %gather3A_1137 = tpu.vector_load_idx %arg8[%get3A_1128] : memref<10000xf32, #tpu.memory_space<vmem>>[vector<16xi32>], vector<16xf32>,
      %gather3A_1138 = tpu.vector_load_idx %arg9[%get3A_1132] : memref<10000xf32, #tpu.memory_space<vmem>>[vector<16xi32>], vector<16xf32>,
      %add3A_1139 = arith.addf %gather3A_1137, %gather3A_1138 : vector<16xf32>
      %mul3A_1140 = arith.constant 2.000000e+00 : f32
      %mul3A_1141 = vector.broadcast %mul3A_1140 : f32 to vector<16xf32>
      %mul3A_1142 = arith.mulf %mul3A_1141, %add3A_1139 : vector<16xf32>
      %exp3A_1143 = math.exp %mul3A_1142 : vector<16xf32>
      %add3A_1144 = arith.constant 1.000000e+00 : f32
      %add3A_1145 = vector.broadcast %add3A_1144 : f32 to vector<16xf32>
      %add3A_1146 = arith.addf %add3A_1145, %exp3A_1143 : vector<16xf32>
      %div3A_1147 = arith.constant 2.000000e+00 : f32
      %div3A_1148 = vector.broadcast %div3A_1147 : f32 to vector<16xf32>
      %div3A_1149 = arith.divf %div3A_1148, %add3A_1146 : vector<16xf32>
      %sub3A_1150 = arith.constant 1.000000e+00 : f32
      %sub3A_1151 = vector.broadcast %sub3A_1150 : f32 to vector<16xf32>
      %sub3A_1152 = arith.subf %sub3A_1151, %div3A_1149 : vector<16xf32>
      %mul3A_1153 = arith.mulf %sub3A_1152, %get3A_1136 : vector<16xf32>
      %swap3A_1154 = arith.constant 4 : i32
      %swap3A_1155 = arith.index_cast %swap3A_1154 : i32 to index
      %swap3A_1156 = arith.constant 32 : index
      %swap3A_1157 = tpu.vector_load %arg13[%swap3A_1155, %swap3A_1156] {strides = array<i32>} : memref<8x128xf32, #tpu.memory_space<vmem>>, vector<16xf32>,
      tpu.vector_store %arg13[%swap3A_1155, %swap3A_1156], %mul3A_1153 {strides = array<i32>} : memref<8x128xf32, #tpu.memory_space<vmem>>, vector<16xf32>,
      %get3A_1158 = arith.constant 4 : i32
      %get3A_1159 = arith.index_cast %get3A_1158 : i32 to index
      %get3A_1160 = arith.constant 48 : index
      %get3A_1161 = tpu.vector_load %arg10[%get3A_1159, %get3A_1160] {strides = array<i32>} : memref<8x128xi32, #tpu.memory_space<vmem>>, vector<16xi32>,
      %get3A_1162 = arith.constant 4 : i32
      %get3A_1163 = arith.index_cast %get3A_1162 : i32 to index
      %get3A_1164 = arith.constant 48 : index
      %get3A_1165 = tpu.vector_load %arg11[%get3A_1163, %get3A_1164] {strides = array<i32>} : memref<8x128xi32, #tpu.memory_space<vmem>>, vector<16xi32>,
      %get3A_1166 = arith.constant 4 : i32
      %get3A_1167 = arith.index_cast %get3A_1166 : i32 to index
      %get3A_1168 = arith.constant 48 : index
      %get3A_1169 = tpu.vector_load %arg12[%get3A_1167, %get3A_1168] {strides = array<i32>} : memref<8x128xf32, #tpu.memory_space<vmem>>, vector<16xf32>,
      %gather3A_1170 = tpu.vector_load_idx %arg8[%get3A_1161] : memref<10000xf32, #tpu.memory_space<vmem>>[vector<16xi32>], vector<16xf32>,
      %gather3A_1171 = tpu.vector_load_idx %arg9[%get3A_1165] : memref<10000xf32, #tpu.memory_space<vmem>>[vector<16xi32>], vector<16xf32>,
      %add3A_1172 = arith.addf %gather3A_1170, %gather3A_1171 : vector<16xf32>
      %mul3A_1173 = arith.constant 2.000000e+00 : f32
      %mul3A_1174 = vector.broadcast %mul3A_1173 : f32 to vector<16xf32>
      %mul3A_1175 = arith.mulf %mul3A_1174, %add3A_1172 : vector<16xf32>
      %exp3A_1176 = math.exp %mul3A_1175 : vector<16xf32>
      %add3A_1177 = arith.constant 1.000000e+00 : f32
      %add3A_1178 = vector.broadcast %add3A_1177 : f32 to vector<16xf32>
      %add3A_1179 = arith.addf %add3A_1178, %exp3A_1176 : vector<16xf32>
      %div3A_1180 = arith.constant 2.000000e+00 : f32
      %div3A_1181 = vector.broadcast %div3A_1180 : f32 to vector<16xf32>
      %div3A_1182 = arith.divf %div3A_1181, %add3A_1179 : vector<16xf32>
      %sub3A_1183 = arith.constant 1.000000e+00 : f32
      %sub3A_1184 = vector.broadcast %sub3A_1183 : f32 to vector<16xf32>
      %sub3A_1185 = arith.subf %sub3A_1184, %div3A_1182 : vector<16xf32>
      %mul3A_1186 = arith.mulf %sub3A_1185, %get3A_1169 : vector<16xf32>
      %swap3A_1187 = arith.constant 4 : i32
      %swap3A_1188 = arith.index_cast %swap3A_1187 : i32 to index
      %swap3A_1189 = arith.constant 48 : index
      %swap3A_1190 = tpu.vector_load %arg13[%swap3A_1188, %swap3A_1189] {strides = array<i32>} : memref<8x128xf32, #tpu.memory_space<vmem>>, vector<16xf32>,
      tpu.vector_store %arg13[%swap3A_1188, %swap3A_1189], %mul3A_1186 {strides = array<i32>} : memref<8x128xf32, #tpu.memory_space<vmem>>, vector<16xf32>,
      %get3A_1191 = arith.constant 4 : i32
      %get3A_1192 = arith.index_cast %get3A_1191 : i32 to index
      %get3A_1193 = arith.constant 64 : index
      %get3A_1194 = tpu.vector_load %arg10[%get3A_1192, %get3A_1193] {strides = array<i32>} : memref<8x128xi32, #tpu.memory_space<vmem>>, vector<16xi32>,
      %get3A_1195 = arith.constant 4 : i32
      %get3A_1196 = arith.index_cast %get3A_1195 : i32 to index
      %get3A_1197 = arith.constant 64 : index
      %get3A_1198 = tpu.vector_load %arg11[%get3A_1196, %get3A_1197] {strides = array<i32>} : memref<8x128xi32, #tpu.memory_space<vmem>>, vector<16xi32>,
      %get3A_1199 = arith.constant 4 : i32
      %get3A_1200 = arith.index_cast %get3A_1199 : i32 to index
      %get3A_1201 = arith.constant 64 : index
      %get3A_1202 = tpu.vector_load %arg12[%get3A_1200, %get3A_1201] {strides = array<i32>} : memref<8x128xf32, #tpu.memory_space<vmem>>, vector<16xf32>,
      %gather3A_1203 = tpu.vector_load_idx %arg8[%get3A_1194] : memref<10000xf32, #tpu.memory_space<vmem>>[vector<16xi32>], vector<16xf32>,
      %gather3A_1204 = tpu.vector_load_idx %arg9[%get3A_1198] : memref<10000xf32, #tpu.memory_space<vmem>>[vector<16xi32>], vector<16xf32>,
      %add3A_1205 = arith.addf %gather3A_1203, %gather3A_1204 : vector<16xf32>
      %mul3A_1206 = arith.constant 2.000000e+00 : f32
      %mul3A_1207 = vector.broadcast %mul3A_1206 : f32 to vector<16xf32>
      %mul3A_1208 = arith.mulf %mul3A_1207, %add3A_1205 : vector<16xf32>
      %exp3A_1209 = math.exp %mul3A_1208 : vector<16xf32>
      %add3A_1210 = arith.constant 1.000000e+00 : f32
      %add3A_1211 = vector.broadcast %add3A_1210 : f32 to vector<16xf32>
      %add3A_1212 = arith.addf %add3A_1211, %exp3A_1209 : vector<16xf32>
      %div3A_1213 = arith.constant 2.000000e+00 : f32
      %div3A_1214 = vector.broadcast %div3A_1213 : f32 to vector<16xf32>
      %div3A_1215 = arith.divf %div3A_1214, %add3A_1212 : vector<16xf32>
      %sub3A_1216 = arith.constant 1.000000e+00 : f32
      %sub3A_1217 = vector.broadcast %sub3A_1216 : f32 to vector<16xf32>
      %sub3A_1218 = arith.subf %sub3A_1217, %div3A_1215 : vector<16xf32>
      %mul3A_1219 = arith.mulf %sub3A_1218, %get3A_1202 : vector<16xf32>
      %swap3A_1220 = arith.constant 4 : i32
      %swap3A_1221 = arith.index_cast %swap3A_1220 : i32 to index
      %swap3A_1222 = arith.constant 64 : index
      %swap3A_1223 = tpu.vector_load %arg13[%swap3A_1221, %swap3A_1222] {strides = array<i32>} : memref<8x128xf32, #tpu.memory_space<vmem>>, vector<16xf32>,
      tpu.vector_store %arg13[%swap3A_1221, %swap3A_1222], %mul3A_1219 {strides = array<i32>} : memref<8x128xf32, #tpu.memory_space<vmem>>, vector<16xf32>,
      %get3A_1224 = arith.constant 4 : i32
      %get3A_1225 = arith.index_cast %get3A_1224 : i32 to index
      %get3A_1226 = arith.constant 80 : index
      %get3A_1227 = tpu.vector_load %arg10[%get3A_1225, %get3A_1226] {strides = array<i32>} : memref<8x128xi32, #tpu.memory_space<vmem>>, vector<16xi32>,
      %get3A_1228 = arith.constant 4 : i32
      %get3A_1229 = arith.index_cast %get3A_1228 : i32 to index
      %get3A_1230 = arith.constant 80 : index
      %get3A_1231 = tpu.vector_load %arg11[%get3A_1229, %get3A_1230] {strides = array<i32>} : memref<8x128xi32, #tpu.memory_space<vmem>>, vector<16xi32>,
      %get3A_1232 = arith.constant 4 : i32
      %get3A_1233 = arith.index_cast %get3A_1232 : i32 to index
      %get3A_1234 = arith.constant 80 : index
      %get3A_1235 = tpu.vector_load %arg12[%get3A_1233, %get3A_1234] {strides = array<i32>} : memref<8x128xf32, #tpu.memory_space<vmem>>, vector<16xf32>,
      %gather3A_1236 = tpu.vector_load_idx %arg8[%get3A_1227] : memref<10000xf32, #tpu.memory_space<vmem>>[vector<16xi32>], vector<16xf32>,
      %gather3A_1237 = tpu.vector_load_idx %arg9[%get3A_1231] : memref<10000xf32, #tpu.memory_space<vmem>>[vector<16xi32>], vector<16xf32>,
      %add3A_1238 = arith.addf %gather3A_1236, %gather3A_1237 : vector<16xf32>
      %mul3A_1239 = arith.constant 2.000000e+00 : f32
      %mul3A_1240 = vector.broadcast %mul3A_1239 : f32 to vector<16xf32>
      %mul3A_1241 = arith.mulf %mul3A_1240, %add3A_1238 : vector<16xf32>
      %exp3A_1242 = math.exp %mul3A_1241 : vector<16xf32>
      %add3A_1243 = arith.constant 1.000000e+00 : f32
      %add3A_1244 = vector.broadcast %add3A_1243 : f32 to vector<16xf32>
      %add3A_1245 = arith.addf %add3A_1244, %exp3A_1242 : vector<16xf32>
      %div3A_1246 = arith.constant 2.000000e+00 : f32
      %div3A_1247 = vector.broadcast %div3A_1246 : f32 to vector<16xf32>
      %div3A_1248 = arith.divf %div3A_1247, %add3A_1245 : vector<16xf32>
      %sub3A_1249 = arith.constant 1.000000e+00 : f32
      %sub3A_1250 = vector.broadcast %sub3A_1249 : f32 to vector<16xf32>
      %sub3A_1251 = arith.subf %sub3A_1250, %div3A_1248 : vector<16xf32>
      %mul3A_1252 = arith.mulf %sub3A_1251, %get3A_1235 : vector<16xf32>
      %swap3A_1253 = arith.constant 4 : i32
      %swap3A_1254 = arith.index_cast %swap3A_1253 : i32 to index
      %swap3A_1255 = arith.constant 80 : index
      %swap3A_1256 = tpu.vector_load %arg13[%swap3A_1254, %swap3A_1255] {strides = array<i32>} : memref<8x128xf32, #tpu.memory_space<vmem>>, vector<16xf32>,
      tpu.vector_store %arg13[%swap3A_1254, %swap3A_1255], %mul3A_1252 {strides = array<i32>} : memref<8x128xf32, #tpu.memory_space<vmem>>, vector<16xf32>,
      %get3A_1257 = arith.constant 4 : i32
      %get3A_1258 = arith.index_cast %get3A_1257 : i32 to index
      %get3A_1259 = arith.constant 96 : index
      %get3A_1260 = tpu.vector_load %arg10[%get3A_1258, %get3A_1259] {strides = array<i32>} : memref<8x128xi32, #tpu.memory_space<vmem>>, vector<16xi32>,
      %get3A_1261 = arith.constant 4 : i32
      %get3A_1262 = arith.index_cast %get3A_1261 : i32 to index
      %get3A_1263 = arith.constant 96 : index
      %get3A_1264 = tpu.vector_load %arg11[%get3A_1262, %get3A_1263] {strides = array<i32>} : memref<8x128xi32, #tpu.memory_space<vmem>>, vector<16xi32>,
      %get3A_1265 = arith.constant 4 : i32
      %get3A_1266 = arith.index_cast %get3A_1265 : i32 to index
      %get3A_1267 = arith.constant 96 : index
      %get3A_1268 = tpu.vector_load %arg12[%get3A_1266, %get3A_1267] {strides = array<i32>} : memref<8x128xf32, #tpu.memory_space<vmem>>, vector<16xf32>,
      %gather3A_1269 = tpu.vector_load_idx %arg8[%get3A_1260] : memref<10000xf32, #tpu.memory_space<vmem>>[vector<16xi32>], vector<16xf32>,
      %gather3A_1270 = tpu.vector_load_idx %arg9[%get3A_1264] : memref<10000xf32, #tpu.memory_space<vmem>>[vector<16xi32>], vector<16xf32>,
      %add3A_1271 = arith.addf %gather3A_1269, %gather3A_1270 : vector<16xf32>
      %mul3A_1272 = arith.constant 2.000000e+00 : f32
      %mul3A_1273 = vector.broadcast %mul3A_1272 : f32 to vector<16xf32>
      %mul3A_1274 = arith.mulf %mul3A_1273, %add3A_1271 : vector<16xf32>
      %exp3A_1275 = math.exp %mul3A_1274 : vector<16xf32>
      %add3A_1276 = arith.constant 1.000000e+00 : f32
      %add3A_1277 = vector.broadcast %add3A_1276 : f32 to vector<16xf32>
      %add3A_1278 = arith.addf %add3A_1277, %exp3A_1275 : vector<16xf32>
      %div3A_1279 = arith.constant 2.000000e+00 : f32
      %div3A_1280 = vector.broadcast %div3A_1279 : f32 to vector<16xf32>
      %div3A_1281 = arith.divf %div3A_1280, %add3A_1278 : vector<16xf32>
      %sub3A_1282 = arith.constant 1.000000e+00 : f32
      %sub3A_1283 = vector.broadcast %sub3A_1282 : f32 to vector<16xf32>
      %sub3A_1284 = arith.subf %sub3A_1283, %div3A_1281 : vector<16xf32>
      %mul3A_1285 = arith.mulf %sub3A_1284, %get3A_1268 : vector<16xf32>
      %swap3A_1286 = arith.constant 4 : i32
      %swap3A_1287 = arith.index_cast %swap3A_1286 : i32 to index
      %swap3A_1288 = arith.constant 96 : index
      %swap3A_1289 = tpu.vector_load %arg13[%swap3A_1287, %swap3A_1288] {strides = array<i32>} : memref<8x128xf32, #tpu.memory_space<vmem>>, vector<16xf32>,
      tpu.vector_store %arg13[%swap3A_1287, %swap3A_1288], %mul3A_1285 {strides = array<i32>} : memref<8x128xf32, #tpu.memory_space<vmem>>, vector<16xf32>,
      %get3A_1290 = arith.constant 4 : i32
      %get3A_1291 = arith.index_cast %get3A_1290 : i32 to index
      %get3A_1292 = arith.constant 112 : index
      %get3A_1293 = tpu.vector_load %arg10[%get3A_1291, %get3A_1292] {strides = array<i32>} : memref<8x128xi32, #tpu.memory_space<vmem>>, vector<16xi32>,
      %get3A_1294 = arith.constant 4 : i32
      %get3A_1295 = arith.index_cast %get3A_1294 : i32 to index
      %get3A_1296 = arith.constant 112 : index
      %get3A_1297 = tpu.vector_load %arg11[%get3A_1295, %get3A_1296] {strides = array<i32>} : memref<8x128xi32, #tpu.memory_space<vmem>>, vector<16xi32>,
      %get3A_1298 = arith.constant 4 : i32
      %get3A_1299 = arith.index_cast %get3A_1298 : i32 to index
      %get3A_1300 = arith.constant 112 : index
      %get3A_1301 = tpu.vector_load %arg12[%get3A_1299, %get3A_1300] {strides = array<i32>} : memref<8x128xf32, #tpu.memory_space<vmem>>, vector<16xf32>,
      %gather3A_1302 = tpu.vector_load_idx %arg8[%get3A_1293] : memref<10000xf32, #tpu.memory_space<vmem>>[vector<16xi32>], vector<16xf32>,
      %gather3A_1303 = tpu.vector_load_idx %arg9[%get3A_1297] : memref<10000xf32, #tpu.memory_space<vmem>>[vector<16xi32>], vector<16xf32>,
      %add3A_1304 = arith.addf %gather3A_1302, %gather3A_1303 : vector<16xf32>
      %mul3A_1305 = arith.constant 2.000000e+00 : f32
      %mul3A_1306 = vector.broadcast %mul3A_1305 : f32 to vector<16xf32>
      %mul3A_1307 = arith.mulf %mul3A_1306, %add3A_1304 : vector<16xf32>
      %exp3A_1308 = math.exp %mul3A_1307 : vector<16xf32>
      %add3A_1309 = arith.constant 1.000000e+00 : f32
      %add3A_1310 = vector.broadcast %add3A_1309 : f32 to vector<16xf32>
      %add3A_1311 = arith.addf %add3A_1310, %exp3A_1308 : vector<16xf32>
      %div3A_1312 = arith.constant 2.000000e+00 : f32
      %div3A_1313 = vector.broadcast %div3A_1312 : f32 to vector<16xf32>
      %div3A_1314 = arith.divf %div3A_1313, %add3A_1311 : vector<16xf32>
      %sub3A_1315 = arith.constant 1.000000e+00 : f32
      %sub3A_1316 = vector.broadcast %sub3A_1315 : f32 to vector<16xf32>
      %sub3A_1317 = arith.subf %sub3A_1316, %div3A_1314 : vector<16xf32>
      %mul3A_1318 = arith.mulf %sub3A_1317, %get3A_1301 : vector<16xf32>
      %swap3A_1319 = arith.constant 4 : i32
      %swap3A_1320 = arith.index_cast %swap3A_1319 : i32 to index
      %swap3A_1321 = arith.constant 112 : index
      %swap3A_1322 = tpu.vector_load %arg13[%swap3A_1320, %swap3A_1321] {strides = array<i32>} : memref<8x128xf32, #tpu.memory_space<vmem>>, vector<16xf32>,
      tpu.vector_store %arg13[%swap3A_1320, %swap3A_1321], %mul3A_1318 {strides = array<i32>} : memref<8x128xf32, #tpu.memory_space<vmem>>, vector<16xf32>,
      %get3A_1323 = arith.constant 5 : i32
      %get3A_1324 = arith.index_cast %get3A_1323 : i32 to index
      %get3A_1325 = arith.constant 0 : index
      %get3A_1326 = tpu.vector_load %arg10[%get3A_1324, %get3A_1325] {strides = array<i32>} : memref<8x128xi32, #tpu.memory_space<vmem>>, vector<16xi32>,
      %get3A_1327 = arith.constant 5 : i32
      %get3A_1328 = arith.index_cast %get3A_1327 : i32 to index
      %get3A_1329 = arith.constant 0 : index
      %get3A_1330 = tpu.vector_load %arg11[%get3A_1328, %get3A_1329] {strides = array<i32>} : memref<8x128xi32, #tpu.memory_space<vmem>>, vector<16xi32>,
      %get3A_1331 = arith.constant 5 : i32
      %get3A_1332 = arith.index_cast %get3A_1331 : i32 to index
      %get3A_1333 = arith.constant 0 : index
      %get3A_1334 = tpu.vector_load %arg12[%get3A_1332, %get3A_1333] {strides = array<i32>} : memref<8x128xf32, #tpu.memory_space<vmem>>, vector<16xf32>,
      %gather3A_1335 = tpu.vector_load_idx %arg8[%get3A_1326] : memref<10000xf32, #tpu.memory_space<vmem>>[vector<16xi32>], vector<16xf32>,
      %gather3A_1336 = tpu.vector_load_idx %arg9[%get3A_1330] : memref<10000xf32, #tpu.memory_space<vmem>>[vector<16xi32>], vector<16xf32>,
      %add3A_1337 = arith.addf %gather3A_1335, %gather3A_1336 : vector<16xf32>
      %mul3A_1338 = arith.constant 2.000000e+00 : f32
      %mul3A_1339 = vector.broadcast %mul3A_1338 : f32 to vector<16xf32>
      %mul3A_1340 = arith.mulf %mul3A_1339, %add3A_1337 : vector<16xf32>
      %exp3A_1341 = math.exp %mul3A_1340 : vector<16xf32>
      %add3A_1342 = arith.constant 1.000000e+00 : f32
      %add3A_1343 = vector.broadcast %add3A_1342 : f32 to vector<16xf32>
      %add3A_1344 = arith.addf %add3A_1343, %exp3A_1341 : vector<16xf32>
      %div3A_1345 = arith.constant 2.000000e+00 : f32
      %div3A_1346 = vector.broadcast %div3A_1345 : f32 to vector<16xf32>
      %div3A_1347 = arith.divf %div3A_1346, %add3A_1344 : vector<16xf32>
      %sub3A_1348 = arith.constant 1.000000e+00 : f32
      %sub3A_1349 = vector.broadcast %sub3A_1348 : f32 to vector<16xf32>
      %sub3A_1350 = arith.subf %sub3A_1349, %div3A_1347 : vector<16xf32>
      %mul3A_1351 = arith.mulf %sub3A_1350, %get3A_1334 : vector<16xf32>
      %swap3A_1352 = arith.constant 5 : i32
      %swap3A_1353 = arith.index_cast %swap3A_1352 : i32 to index
      %swap3A_1354 = arith.constant 0 : index
      %swap3A_1355 = tpu.vector_load %arg13[%swap3A_1353, %swap3A_1354] {strides = array<i32>} : memref<8x128xf32, #tpu.memory_space<vmem>>, vector<16xf32>,
      tpu.vector_store %arg13[%swap3A_1353, %swap3A_1354], %mul3A_1351 {strides = array<i32>} : memref<8x128xf32, #tpu.memory_space<vmem>>, vector<16xf32>,
      %get3A_1356 = arith.constant 5 : i32
      %get3A_1357 = arith.index_cast %get3A_1356 : i32 to index
      %get3A_1358 = arith.constant 16 : index
      %get3A_1359 = tpu.vector_load %arg10[%get3A_1357, %get3A_1358] {strides = array<i32>} : memref<8x128xi32, #tpu.memory_space<vmem>>, vector<16xi32>,
      %get3A_1360 = arith.constant 5 : i32
      %get3A_1361 = arith.index_cast %get3A_1360 : i32 to index
      %get3A_1362 = arith.constant 16 : index
      %get3A_1363 = tpu.vector_load %arg11[%get3A_1361, %get3A_1362] {strides = array<i32>} : memref<8x128xi32, #tpu.memory_space<vmem>>, vector<16xi32>,
      %get3A_1364 = arith.constant 5 : i32
      %get3A_1365 = arith.index_cast %get3A_1364 : i32 to index
      %get3A_1366 = arith.constant 16 : index
      %get3A_1367 = tpu.vector_load %arg12[%get3A_1365, %get3A_1366] {strides = array<i32>} : memref<8x128xf32, #tpu.memory_space<vmem>>, vector<16xf32>,
      %gather3A_1368 = tpu.vector_load_idx %arg8[%get3A_1359] : memref<10000xf32, #tpu.memory_space<vmem>>[vector<16xi32>], vector<16xf32>,
      %gather3A_1369 = tpu.vector_load_idx %arg9[%get3A_1363] : memref<10000xf32, #tpu.memory_space<vmem>>[vector<16xi32>], vector<16xf32>,
      %add3A_1370 = arith.addf %gather3A_1368, %gather3A_1369 : vector<16xf32>
      %mul3A_1371 = arith.constant 2.000000e+00 : f32
      %mul3A_1372 = vector.broadcast %mul3A_1371 : f32 to vector<16xf32>
      %mul3A_1373 = arith.mulf %mul3A_1372, %add3A_1370 : vector<16xf32>
      %exp3A_1374 = math.exp %mul3A_1373 : vector<16xf32>
      %add3A_1375 = arith.constant 1.000000e+00 : f32
      %add3A_1376 = vector.broadcast %add3A_1375 : f32 to vector<16xf32>
      %add3A_1377 = arith.addf %add3A_1376, %exp3A_1374 : vector<16xf32>
      %div3A_1378 = arith.constant 2.000000e+00 : f32
      %div3A_1379 = vector.broadcast %div3A_1378 : f32 to vector<16xf32>
      %div3A_1380 = arith.divf %div3A_1379, %add3A_1377 : vector<16xf32>
      %sub3A_1381 = arith.constant 1.000000e+00 : f32
      %sub3A_1382 = vector.broadcast %sub3A_1381 : f32 to vector<16xf32>
      %sub3A_1383 = arith.subf %sub3A_1382, %div3A_1380 : vector<16xf32>
      %mul3A_1384 = arith.mulf %sub3A_1383, %get3A_1367 : vector<16xf32>
      %swap3A_1385 = arith.constant 5 : i32
      %swap3A_1386 = arith.index_cast %swap3A_1385 : i32 to index
      %swap3A_1387 = arith.constant 16 : index
      %swap3A_1388 = tpu.vector_load %arg13[%swap3A_1386, %swap3A_1387] {strides = array<i32>} : memref<8x128xf32, #tpu.memory_space<vmem>>, vector<16xf32>,
      tpu.vector_store %arg13[%swap3A_1386, %swap3A_1387], %mul3A_1384 {strides = array<i32>} : memref<8x128xf32, #tpu.memory_space<vmem>>, vector<16xf32>,
      %get3A_1389 = arith.constant 5 : i32
      %get3A_1390 = arith.index_cast %get3A_1389 : i32 to index
      %get3A_1391 = arith.constant 32 : index
      %get3A_1392 = tpu.vector_load %arg10[%get3A_1390, %get3A_1391] {strides = array<i32>} : memref<8x128xi32, #tpu.memory_space<vmem>>, vector<16xi32>,
      %get3A_1393 = arith.constant 5 : i32
      %get3A_1394 = arith.index_cast %get3A_1393 : i32 to index
      %get3A_1395 = arith.constant 32 : index
      %get3A_1396 = tpu.vector_load %arg11[%get3A_1394, %get3A_1395] {strides = array<i32>} : memref<8x128xi32, #tpu.memory_space<vmem>>, vector<16xi32>,
      %get3A_1397 = arith.constant 5 : i32
      %get3A_1398 = arith.index_cast %get3A_1397 : i32 to index
      %get3A_1399 = arith.constant 32 : index
      %get3A_1400 = tpu.vector_load %arg12[%get3A_1398, %get3A_1399] {strides = array<i32>} : memref<8x128xf32, #tpu.memory_space<vmem>>, vector<16xf32>,
      %gather3A_1401 = tpu.vector_load_idx %arg8[%get3A_1392] : memref<10000xf32, #tpu.memory_space<vmem>>[vector<16xi32>], vector<16xf32>,
      %gather3A_1402 = tpu.vector_load_idx %arg9[%get3A_1396] : memref<10000xf32, #tpu.memory_space<vmem>>[vector<16xi32>], vector<16xf32>,
      %add3A_1403 = arith.addf %gather3A_1401, %gather3A_1402 : vector<16xf32>
      %mul3A_1404 = arith.constant 2.000000e+00 : f32
      %mul3A_1405 = vector.broadcast %mul3A_1404 : f32 to vector<16xf32>
      %mul3A_1406 = arith.mulf %mul3A_1405, %add3A_1403 : vector<16xf32>
      %exp3A_1407 = math.exp %mul3A_1406 : vector<16xf32>
      %add3A_1408 = arith.constant 1.000000e+00 : f32
      %add3A_1409 = vector.broadcast %add3A_1408 : f32 to vector<16xf32>
      %add3A_1410 = arith.addf %add3A_1409, %exp3A_1407 : vector<16xf32>
      %div3A_1411 = arith.constant 2.000000e+00 : f32
      %div3A_1412 = vector.broadcast %div3A_1411 : f32 to vector<16xf32>
      %div3A_1413 = arith.divf %div3A_1412, %add3A_1410 : vector<16xf32>
      %sub3A_1414 = arith.constant 1.000000e+00 : f32
      %sub3A_1415 = vector.broadcast %sub3A_1414 : f32 to vector<16xf32>
      %sub3A_1416 = arith.subf %sub3A_1415, %div3A_1413 : vector<16xf32>
      %mul3A_1417 = arith.mulf %sub3A_1416, %get3A_1400 : vector<16xf32>
      %swap3A_1418 = arith.constant 5 : i32
      %swap3A_1419 = arith.index_cast %swap3A_1418 : i32 to index
      %swap3A_1420 = arith.constant 32 : index
      %swap3A_1421 = tpu.vector_load %arg13[%swap3A_1419, %swap3A_1420] {strides = array<i32>} : memref<8x128xf32, #tpu.memory_space<vmem>>, vector<16xf32>,
      tpu.vector_store %arg13[%swap3A_1419, %swap3A_1420], %mul3A_1417 {strides = array<i32>} : memref<8x128xf32, #tpu.memory_space<vmem>>, vector<16xf32>,
      %get3A_1422 = arith.constant 5 : i32
      %get3A_1423 = arith.index_cast %get3A_1422 : i32 to index
      %get3A_1424 = arith.constant 48 : index
      %get3A_1425 = tpu.vector_load %arg10[%get3A_1423, %get3A_1424] {strides = array<i32>} : memref<8x128xi32, #tpu.memory_space<vmem>>, vector<16xi32>,
      %get3A_1426 = arith.constant 5 : i32
      %get3A_1427 = arith.index_cast %get3A_1426 : i32 to index
      %get3A_1428 = arith.constant 48 : index
      %get3A_1429 = tpu.vector_load %arg11[%get3A_1427, %get3A_1428] {strides = array<i32>} : memref<8x128xi32, #tpu.memory_space<vmem>>, vector<16xi32>,
      %get3A_1430 = arith.constant 5 : i32
      %get3A_1431 = arith.index_cast %get3A_1430 : i32 to index
      %get3A_1432 = arith.constant 48 : index
      %get3A_1433 = tpu.vector_load %arg12[%get3A_1431, %get3A_1432] {strides = array<i32>} : memref<8x128xf32, #tpu.memory_space<vmem>>, vector<16xf32>,
      %gather3A_1434 = tpu.vector_load_idx %arg8[%get3A_1425] : memref<10000xf32, #tpu.memory_space<vmem>>[vector<16xi32>], vector<16xf32>,
      %gather3A_1435 = tpu.vector_load_idx %arg9[%get3A_1429] : memref<10000xf32, #tpu.memory_space<vmem>>[vector<16xi32>], vector<16xf32>,
      %add3A_1436 = arith.addf %gather3A_1434, %gather3A_1435 : vector<16xf32>
      %mul3A_1437 = arith.constant 2.000000e+00 : f32
      %mul3A_1438 = vector.broadcast %mul3A_1437 : f32 to vector<16xf32>
      %mul3A_1439 = arith.mulf %mul3A_1438, %add3A_1436 : vector<16xf32>
      %exp3A_1440 = math.exp %mul3A_1439 : vector<16xf32>
      %add3A_1441 = arith.constant 1.000000e+00 : f32
      %add3A_1442 = vector.broadcast %add3A_1441 : f32 to vector<16xf32>
      %add3A_1443 = arith.addf %add3A_1442, %exp3A_1440 : vector<16xf32>
      %div3A_1444 = arith.constant 2.000000e+00 : f32
      %div3A_1445 = vector.broadcast %div3A_1444 : f32 to vector<16xf32>
      %div3A_1446 = arith.divf %div3A_1445, %add3A_1443 : vector<16xf32>
      %sub3A_1447 = arith.constant 1.000000e+00 : f32
      %sub3A_1448 = vector.broadcast %sub3A_1447 : f32 to vector<16xf32>
      %sub3A_1449 = arith.subf %sub3A_1448, %div3A_1446 : vector<16xf32>
      %mul3A_1450 = arith.mulf %sub3A_1449, %get3A_1433 : vector<16xf32>
      %swap3A_1451 = arith.constant 5 : i32
      %swap3A_1452 = arith.index_cast %swap3A_1451 : i32 to index
      %swap3A_1453 = arith.constant 48 : index
      %swap3A_1454 = tpu.vector_load %arg13[%swap3A_1452, %swap3A_1453] {strides = array<i32>} : memref<8x128xf32, #tpu.memory_space<vmem>>, vector<16xf32>,
      tpu.vector_store %arg13[%swap3A_1452, %swap3A_1453], %mul3A_1450 {strides = array<i32>} : memref<8x128xf32, #tpu.memory_space<vmem>>, vector<16xf32>,
      %get3A_1455 = arith.constant 5 : i32
      %get3A_1456 = arith.index_cast %get3A_1455 : i32 to index
      %get3A_1457 = arith.constant 64 : index
      %get3A_1458 = tpu.vector_load %arg10[%get3A_1456, %get3A_1457] {strides = array<i32>} : memref<8x128xi32, #tpu.memory_space<vmem>>, vector<16xi32>,
      %get3A_1459 = arith.constant 5 : i32
      %get3A_1460 = arith.index_cast %get3A_1459 : i32 to index
      %get3A_1461 = arith.constant 64 : index
      %get3A_1462 = tpu.vector_load %arg11[%get3A_1460, %get3A_1461] {strides = array<i32>} : memref<8x128xi32, #tpu.memory_space<vmem>>, vector<16xi32>,
      %get3A_1463 = arith.constant 5 : i32
      %get3A_1464 = arith.index_cast %get3A_1463 : i32 to index
      %get3A_1465 = arith.constant 64 : index
      %get3A_1466 = tpu.vector_load %arg12[%get3A_1464, %get3A_1465] {strides = array<i32>} : memref<8x128xf32, #tpu.memory_space<vmem>>, vector<16xf32>,
      %gather3A_1467 = tpu.vector_load_idx %arg8[%get3A_1458] : memref<10000xf32, #tpu.memory_space<vmem>>[vector<16xi32>], vector<16xf32>,
      %gather3A_1468 = tpu.vector_load_idx %arg9[%get3A_1462] : memref<10000xf32, #tpu.memory_space<vmem>>[vector<16xi32>], vector<16xf32>,
      %add3A_1469 = arith.addf %gather3A_1467, %gather3A_1468 : vector<16xf32>
      %mul3A_1470 = arith.constant 2.000000e+00 : f32
      %mul3A_1471 = vector.broadcast %mul3A_1470 : f32 to vector<16xf32>
      %mul3A_1472 = arith.mulf %mul3A_1471, %add3A_1469 : vector<16xf32>
      %exp3A_1473 = math.exp %mul3A_1472 : vector<16xf32>
      %add3A_1474 = arith.constant 1.000000e+00 : f32
      %add3A_1475 = vector.broadcast %add3A_1474 : f32 to vector<16xf32>
      %add3A_1476 = arith.addf %add3A_1475, %exp3A_1473 : vector<16xf32>
      %div3A_1477 = arith.constant 2.000000e+00 : f32
      %div3A_1478 = vector.broadcast %div3A_1477 : f32 to vector<16xf32>
      %div3A_1479 = arith.divf %div3A_1478, %add3A_1476 : vector<16xf32>
      %sub3A_1480 = arith.constant 1.000000e+00 : f32
      %sub3A_1481 = vector.broadcast %sub3A_1480 : f32 to vector<16xf32>
      %sub3A_1482 = arith.subf %sub3A_1481, %div3A_1479 : vector<16xf32>
      %mul3A_1483 = arith.mulf %sub3A_1482, %get3A_1466 : vector<16xf32>
      %swap3A_1484 = arith.constant 5 : i32
      %swap3A_1485 = arith.index_cast %swap3A_1484 : i32 to index
      %swap3A_1486 = arith.constant 64 : index
      %swap3A_1487 = tpu.vector_load %arg13[%swap3A_1485, %swap3A_1486] {strides = array<i32>} : memref<8x128xf32, #tpu.memory_space<vmem>>, vector<16xf32>,
      tpu.vector_store %arg13[%swap3A_1485, %swap3A_1486], %mul3A_1483 {strides = array<i32>} : memref<8x128xf32, #tpu.memory_space<vmem>>, vector<16xf32>,
      %get3A_1488 = arith.constant 5 : i32
      %get3A_1489 = arith.index_cast %get3A_1488 : i32 to index
      %get3A_1490 = arith.constant 80 : index
      %get3A_1491 = tpu.vector_load %arg10[%get3A_1489, %get3A_1490] {strides = array<i32>} : memref<8x128xi32, #tpu.memory_space<vmem>>, vector<16xi32>,
      %get3A_1492 = arith.constant 5 : i32
      %get3A_1493 = arith.index_cast %get3A_1492 : i32 to index
      %get3A_1494 = arith.constant 80 : index
      %get3A_1495 = tpu.vector_load %arg11[%get3A_1493, %get3A_1494] {strides = array<i32>} : memref<8x128xi32, #tpu.memory_space<vmem>>, vector<16xi32>,
      %get3A_1496 = arith.constant 5 : i32
      %get3A_1497 = arith.index_cast %get3A_1496 : i32 to index
      %get3A_1498 = arith.constant 80 : index
      %get3A_1499 = tpu.vector_load %arg12[%get3A_1497, %get3A_1498] {strides = array<i32>} : memref<8x128xf32, #tpu.memory_space<vmem>>, vector<16xf32>,
      %gather3A_1500 = tpu.vector_load_idx %arg8[%get3A_1491] : memref<10000xf32, #tpu.memory_space<vmem>>[vector<16xi32>], vector<16xf32>,
      %gather3A_1501 = tpu.vector_load_idx %arg9[%get3A_1495] : memref<10000xf32, #tpu.memory_space<vmem>>[vector<16xi32>], vector<16xf32>,
      %add3A_1502 = arith.addf %gather3A_1500, %gather3A_1501 : vector<16xf32>
      %mul3A_1503 = arith.constant 2.000000e+00 : f32
      %mul3A_1504 = vector.broadcast %mul3A_1503 : f32 to vector<16xf32>
      %mul3A_1505 = arith.mulf %mul3A_1504, %add3A_1502 : vector<16xf32>
      %exp3A_1506 = math.exp %mul3A_1505 : vector<16xf32>
      %add3A_1507 = arith.constant 1.000000e+00 : f32
      %add3A_1508 = vector.broadcast %add3A_1507 : f32 to vector<16xf32>
      %add3A_1509 = arith.addf %add3A_1508, %exp3A_1506 : vector<16xf32>
      %div3A_1510 = arith.constant 2.000000e+00 : f32
      %div3A_1511 = vector.broadcast %div3A_1510 : f32 to vector<16xf32>
      %div3A_1512 = arith.divf %div3A_1511, %add3A_1509 : vector<16xf32>
      %sub3A_1513 = arith.constant 1.000000e+00 : f32
      %sub3A_1514 = vector.broadcast %sub3A_1513 : f32 to vector<16xf32>
      %sub3A_1515 = arith.subf %sub3A_1514, %div3A_1512 : vector<16xf32>
      %mul3A_1516 = arith.mulf %sub3A_1515, %get3A_1499 : vector<16xf32>
      %swap3A_1517 = arith.constant 5 : i32
      %swap3A_1518 = arith.index_cast %swap3A_1517 : i32 to index
      %swap3A_1519 = arith.constant 80 : index
      %swap3A_1520 = tpu.vector_load %arg13[%swap3A_1518, %swap3A_1519] {strides = array<i32>} : memref<8x128xf32, #tpu.memory_space<vmem>>, vector<16xf32>,
      tpu.vector_store %arg13[%swap3A_1518, %swap3A_1519], %mul3A_1516 {strides = array<i32>} : memref<8x128xf32, #tpu.memory_space<vmem>>, vector<16xf32>,
      %get3A_1521 = arith.constant 5 : i32
      %get3A_1522 = arith.index_cast %get3A_1521 : i32 to index
      %get3A_1523 = arith.constant 96 : index
      %get3A_1524 = tpu.vector_load %arg10[%get3A_1522, %get3A_1523] {strides = array<i32>} : memref<8x128xi32, #tpu.memory_space<vmem>>, vector<16xi32>,
      %get3A_1525 = arith.constant 5 : i32
      %get3A_1526 = arith.index_cast %get3A_1525 : i32 to index
      %get3A_1527 = arith.constant 96 : index
      %get3A_1528 = tpu.vector_load %arg11[%get3A_1526, %get3A_1527] {strides = array<i32>} : memref<8x128xi32, #tpu.memory_space<vmem>>, vector<16xi32>,
      %get3A_1529 = arith.constant 5 : i32
      %get3A_1530 = arith.index_cast %get3A_1529 : i32 to index
      %get3A_1531 = arith.constant 96 : index
      %get3A_1532 = tpu.vector_load %arg12[%get3A_1530, %get3A_1531] {strides = array<i32>} : memref<8x128xf32, #tpu.memory_space<vmem>>, vector<16xf32>,
      %gather3A_1533 = tpu.vector_load_idx %arg8[%get3A_1524] : memref<10000xf32, #tpu.memory_space<vmem>>[vector<16xi32>], vector<16xf32>,
      %gather3A_1534 = tpu.vector_load_idx %arg9[%get3A_1528] : memref<10000xf32, #tpu.memory_space<vmem>>[vector<16xi32>], vector<16xf32>,
      %add3A_1535 = arith.addf %gather3A_1533, %gather3A_1534 : vector<16xf32>
      %mul3A_1536 = arith.constant 2.000000e+00 : f32
      %mul3A_1537 = vector.broadcast %mul3A_1536 : f32 to vector<16xf32>
      %mul3A_1538 = arith.mulf %mul3A_1537, %add3A_1535 : vector<16xf32>
      %exp3A_1539 = math.exp %mul3A_1538 : vector<16xf32>
      %add3A_1540 = arith.constant 1.000000e+00 : f32
      %add3A_1541 = vector.broadcast %add3A_1540 : f32 to vector<16xf32>
      %add3A_1542 = arith.addf %add3A_1541, %exp3A_1539 : vector<16xf32>
      %div3A_1543 = arith.constant 2.000000e+00 : f32
      %div3A_1544 = vector.broadcast %div3A_1543 : f32 to vector<16xf32>
      %div3A_1545 = arith.divf %div3A_1544, %add3A_1542 : vector<16xf32>
      %sub3A_1546 = arith.constant 1.000000e+00 : f32
      %sub3A_1547 = vector.broadcast %sub3A_1546 : f32 to vector<16xf32>
      %sub3A_1548 = arith.subf %sub3A_1547, %div3A_1545 : vector<16xf32>
      %mul3A_1549 = arith.mulf %sub3A_1548, %get3A_1532 : vector<16xf32>
      %swap3A_1550 = arith.constant 5 : i32
      %swap3A_1551 = arith.index_cast %swap3A_1550 : i32 to index
      %swap3A_1552 = arith.constant 96 : index
      %swap3A_1553 = tpu.vector_load %arg13[%swap3A_1551, %swap3A_1552] {strides = array<i32>} : memref<8x128xf32, #tpu.memory_space<vmem>>, vector<16xf32>,
      tpu.vector_store %arg13[%swap3A_1551, %swap3A_1552], %mul3A_1549 {strides = array<i32>} : memref<8x128xf32, #tpu.memory_space<vmem>>, vector<16xf32>,
      %get3A_1554 = arith.constant 5 : i32
      %get3A_1555 = arith.index_cast %get3A_1554 : i32 to index
      %get3A_1556 = arith.constant 112 : index
      %get3A_1557 = tpu.vector_load %arg10[%get3A_1555, %get3A_1556] {strides = array<i32>} : memref<8x128xi32, #tpu.memory_space<vmem>>, vector<16xi32>,
      %get3A_1558 = arith.constant 5 : i32
      %get3A_1559 = arith.index_cast %get3A_1558 : i32 to index
      %get3A_1560 = arith.constant 112 : index
      %get3A_1561 = tpu.vector_load %arg11[%get3A_1559, %get3A_1560] {strides = array<i32>} : memref<8x128xi32, #tpu.memory_space<vmem>>, vector<16xi32>,
      %get3A_1562 = arith.constant 5 : i32
      %get3A_1563 = arith.index_cast %get3A_1562 : i32 to index
      %get3A_1564 = arith.constant 112 : index
      %get3A_1565 = tpu.vector_load %arg12[%get3A_1563, %get3A_1564] {strides = array<i32>} : memref<8x128xf32, #tpu.memory_space<vmem>>, vector<16xf32>,
      %gather3A_1566 = tpu.vector_load_idx %arg8[%get3A_1557] : memref<10000xf32, #tpu.memory_space<vmem>>[vector<16xi32>], vector<16xf32>,
      %gather3A_1567 = tpu.vector_load_idx %arg9[%get3A_1561] : memref<10000xf32, #tpu.memory_space<vmem>>[vector<16xi32>], vector<16xf32>,
      %add3A_1568 = arith.addf %gather3A_1566, %gather3A_1567 : vector<16xf32>
      %mul3A_1569 = arith.constant 2.000000e+00 : f32
      %mul3A_1570 = vector.broadcast %mul3A_1569 : f32 to vector<16xf32>
      %mul3A_1571 = arith.mulf %mul3A_1570, %add3A_1568 : vector<16xf32>
      %exp3A_1572 = math.exp %mul3A_1571 : vector<16xf32>
      %add3A_1573 = arith.constant 1.000000e+00 : f32
      %add3A_1574 = vector.broadcast %add3A_1573 : f32 to vector<16xf32>
      %add3A_1575 = arith.addf %add3A_1574, %exp3A_1572 : vector<16xf32>
      %div3A_1576 = arith.constant 2.000000e+00 : f32
      %div3A_1577 = vector.broadcast %div3A_1576 : f32 to vector<16xf32>
      %div3A_1578 = arith.divf %div3A_1577, %add3A_1575 : vector<16xf32>
      %sub3A_1579 = arith.constant 1.000000e+00 : f32
      %sub3A_1580 = vector.broadcast %sub3A_1579 : f32 to vector<16xf32>
      %sub3A_1581 = arith.subf %sub3A_1580, %div3A_1578 : vector<16xf32>
      %mul3A_1582 = arith.mulf %sub3A_1581, %get3A_1565 : vector<16xf32>
      %swap3A_1583 = arith.constant 5 : i32
      %swap3A_1584 = arith.index_cast %swap3A_1583 : i32 to index
      %swap3A_1585 = arith.constant 112 : index
      %swap3A_1586 = tpu.vector_load %arg13[%swap3A_1584, %swap3A_1585] {strides = array<i32>} : memref<8x128xf32, #tpu.memory_space<vmem>>, vector<16xf32>,
      tpu.vector_store %arg13[%swap3A_1584, %swap3A_1585], %mul3A_1582 {strides = array<i32>} : memref<8x128xf32, #tpu.memory_space<vmem>>, vector<16xf32>,
      %get3A_1587 = arith.constant 6 : i32
      %get3A_1588 = arith.index_cast %get3A_1587 : i32 to index
      %get3A_1589 = arith.constant 0 : index
      %get3A_1590 = tpu.vector_load %arg10[%get3A_1588, %get3A_1589] {strides = array<i32>} : memref<8x128xi32, #tpu.memory_space<vmem>>, vector<16xi32>,
      %get3A_1591 = arith.constant 6 : i32
      %get3A_1592 = arith.index_cast %get3A_1591 : i32 to index
      %get3A_1593 = arith.constant 0 : index
      %get3A_1594 = tpu.vector_load %arg11[%get3A_1592, %get3A_1593] {strides = array<i32>} : memref<8x128xi32, #tpu.memory_space<vmem>>, vector<16xi32>,
      %get3A_1595 = arith.constant 6 : i32
      %get3A_1596 = arith.index_cast %get3A_1595 : i32 to index
      %get3A_1597 = arith.constant 0 : index
      %get3A_1598 = tpu.vector_load %arg12[%get3A_1596, %get3A_1597] {strides = array<i32>} : memref<8x128xf32, #tpu.memory_space<vmem>>, vector<16xf32>,
      %gather3A_1599 = tpu.vector_load_idx %arg8[%get3A_1590] : memref<10000xf32, #tpu.memory_space<vmem>>[vector<16xi32>], vector<16xf32>,
      %gather3A_1600 = tpu.vector_load_idx %arg9[%get3A_1594] : memref<10000xf32, #tpu.memory_space<vmem>>[vector<16xi32>], vector<16xf32>,
      %add3A_1601 = arith.addf %gather3A_1599, %gather3A_1600 : vector<16xf32>
      %mul3A_1602 = arith.constant 2.000000e+00 : f32
      %mul3A_1603 = vector.broadcast %mul3A_1602 : f32 to vector<16xf32>
      %mul3A_1604 = arith.mulf %mul3A_1603, %add3A_1601 : vector<16xf32>
      %exp3A_1605 = math.exp %mul3A_1604 : vector<16xf32>
      %add3A_1606 = arith.constant 1.000000e+00 : f32
      %add3A_1607 = vector.broadcast %add3A_1606 : f32 to vector<16xf32>
      %add3A_1608 = arith.addf %add3A_1607, %exp3A_1605 : vector<16xf32>
      %div3A_1609 = arith.constant 2.000000e+00 : f32
      %div3A_1610 = vector.broadcast %div3A_1609 : f32 to vector<16xf32>
      %div3A_1611 = arith.divf %div3A_1610, %add3A_1608 : vector<16xf32>
      %sub3A_1612 = arith.constant 1.000000e+00 : f32
      %sub3A_1613 = vector.broadcast %sub3A_1612 : f32 to vector<16xf32>
      %sub3A_1614 = arith.subf %sub3A_1613, %div3A_1611 : vector<16xf32>
      %mul3A_1615 = arith.mulf %sub3A_1614, %get3A_1598 : vector<16xf32>
      %swap3A_1616 = arith.constant 6 : i32
      %swap3A_1617 = arith.index_cast %swap3A_1616 : i32 to index
      %swap3A_1618 = arith.constant 0 : index
      %swap3A_1619 = tpu.vector_load %arg13[%swap3A_1617, %swap3A_1618] {strides = array<i32>} : memref<8x128xf32, #tpu.memory_space<vmem>>, vector<16xf32>,
      tpu.vector_store %arg13[%swap3A_1617, %swap3A_1618], %mul3A_1615 {strides = array<i32>} : memref<8x128xf32, #tpu.memory_space<vmem>>, vector<16xf32>,
      %get3A_1620 = arith.constant 6 : i32
      %get3A_1621 = arith.index_cast %get3A_1620 : i32 to index
      %get3A_1622 = arith.constant 16 : index
      %get3A_1623 = tpu.vector_load %arg10[%get3A_1621, %get3A_1622] {strides = array<i32>} : memref<8x128xi32, #tpu.memory_space<vmem>>, vector<16xi32>,
      %get3A_1624 = arith.constant 6 : i32
      %get3A_1625 = arith.index_cast %get3A_1624 : i32 to index
      %get3A_1626 = arith.constant 16 : index
      %get3A_1627 = tpu.vector_load %arg11[%get3A_1625, %get3A_1626] {strides = array<i32>} : memref<8x128xi32, #tpu.memory_space<vmem>>, vector<16xi32>,
      %get3A_1628 = arith.constant 6 : i32
      %get3A_1629 = arith.index_cast %get3A_1628 : i32 to index
      %get3A_1630 = arith.constant 16 : index
      %get3A_1631 = tpu.vector_load %arg12[%get3A_1629, %get3A_1630] {strides = array<i32>} : memref<8x128xf32, #tpu.memory_space<vmem>>, vector<16xf32>,
      %gather3A_1632 = tpu.vector_load_idx %arg8[%get3A_1623] : memref<10000xf32, #tpu.memory_space<vmem>>[vector<16xi32>], vector<16xf32>,
      %gather3A_1633 = tpu.vector_load_idx %arg9[%get3A_1627] : memref<10000xf32, #tpu.memory_space<vmem>>[vector<16xi32>], vector<16xf32>,
      %add3A_1634 = arith.addf %gather3A_1632, %gather3A_1633 : vector<16xf32>
      %mul3A_1635 = arith.constant 2.000000e+00 : f32
      %mul3A_1636 = vector.broadcast %mul3A_1635 : f32 to vector<16xf32>
      %mul3A_1637 = arith.mulf %mul3A_1636, %add3A_1634 : vector<16xf32>
      %exp3A_1638 = math.exp %mul3A_1637 : vector<16xf32>
      %add3A_1639 = arith.constant 1.000000e+00 : f32
      %add3A_1640 = vector.broadcast %add3A_1639 : f32 to vector<16xf32>
      %add3A_1641 = arith.addf %add3A_1640, %exp3A_1638 : vector<16xf32>
      %div3A_1642 = arith.constant 2.000000e+00 : f32
      %div3A_1643 = vector.broadcast %div3A_1642 : f32 to vector<16xf32>
      %div3A_1644 = arith.divf %div3A_1643, %add3A_1641 : vector<16xf32>
      %sub3A_1645 = arith.constant 1.000000e+00 : f32
      %sub3A_1646 = vector.broadcast %sub3A_1645 : f32 to vector<16xf32>
      %sub3A_1647 = arith.subf %sub3A_1646, %div3A_1644 : vector<16xf32>
      %mul3A_1648 = arith.mulf %sub3A_1647, %get3A_1631 : vector<16xf32>
      %swap3A_1649 = arith.constant 6 : i32
      %swap3A_1650 = arith.index_cast %swap3A_1649 : i32 to index
      %swap3A_1651 = arith.constant 16 : index
      %swap3A_1652 = tpu.vector_load %arg13[%swap3A_1650, %swap3A_1651] {strides = array<i32>} : memref<8x128xf32, #tpu.memory_space<vmem>>, vector<16xf32>,
      tpu.vector_store %arg13[%swap3A_1650, %swap3A_1651], %mul3A_1648 {strides = array<i32>} : memref<8x128xf32, #tpu.memory_space<vmem>>, vector<16xf32>,
      %get3A_1653 = arith.constant 6 : i32
      %get3A_1654 = arith.index_cast %get3A_1653 : i32 to index
      %get3A_1655 = arith.constant 32 : index
      %get3A_1656 = tpu.vector_load %arg10[%get3A_1654, %get3A_1655] {strides = array<i32>} : memref<8x128xi32, #tpu.memory_space<vmem>>, vector<16xi32>,
      %get3A_1657 = arith.constant 6 : i32
      %get3A_1658 = arith.index_cast %get3A_1657 : i32 to index
      %get3A_1659 = arith.constant 32 : index
      %get3A_1660 = tpu.vector_load %arg11[%get3A_1658, %get3A_1659] {strides = array<i32>} : memref<8x128xi32, #tpu.memory_space<vmem>>, vector<16xi32>,
      %get3A_1661 = arith.constant 6 : i32
      %get3A_1662 = arith.index_cast %get3A_1661 : i32 to index
      %get3A_1663 = arith.constant 32 : index
      %get3A_1664 = tpu.vector_load %arg12[%get3A_1662, %get3A_1663] {strides = array<i32>} : memref<8x128xf32, #tpu.memory_space<vmem>>, vector<16xf32>,
      %gather3A_1665 = tpu.vector_load_idx %arg8[%get3A_1656] : memref<10000xf32, #tpu.memory_space<vmem>>[vector<16xi32>], vector<16xf32>,
      %gather3A_1666 = tpu.vector_load_idx %arg9[%get3A_1660] : memref<10000xf32, #tpu.memory_space<vmem>>[vector<16xi32>], vector<16xf32>,
      %add3A_1667 = arith.addf %gather3A_1665, %gather3A_1666 : vector<16xf32>
      %mul3A_1668 = arith.constant 2.000000e+00 : f32
      %mul3A_1669 = vector.broadcast %mul3A_1668 : f32 to vector<16xf32>
      %mul3A_1670 = arith.mulf %mul3A_1669, %add3A_1667 : vector<16xf32>
      %exp3A_1671 = math.exp %mul3A_1670 : vector<16xf32>
      %add3A_1672 = arith.constant 1.000000e+00 : f32
      %add3A_1673 = vector.broadcast %add3A_1672 : f32 to vector<16xf32>
      %add3A_1674 = arith.addf %add3A_1673, %exp3A_1671 : vector<16xf32>
      %div3A_1675 = arith.constant 2.000000e+00 : f32
      %div3A_1676 = vector.broadcast %div3A_1675 : f32 to vector<16xf32>
      %div3A_1677 = arith.divf %div3A_1676, %add3A_1674 : vector<16xf32>
      %sub3A_1678 = arith.constant 1.000000e+00 : f32
      %sub3A_1679 = vector.broadcast %sub3A_1678 : f32 to vector<16xf32>
      %sub3A_1680 = arith.subf %sub3A_1679, %div3A_1677 : vector<16xf32>
      %mul3A_1681 = arith.mulf %sub3A_1680, %get3A_1664 : vector<16xf32>
      %swap3A_1682 = arith.constant 6 : i32
      %swap3A_1683 = arith.index_cast %swap3A_1682 : i32 to index
      %swap3A_1684 = arith.constant 32 : index
      %swap3A_1685 = tpu.vector_load %arg13[%swap3A_1683, %swap3A_1684] {strides = array<i32>} : memref<8x128xf32, #tpu.memory_space<vmem>>, vector<16xf32>,
      tpu.vector_store %arg13[%swap3A_1683, %swap3A_1684], %mul3A_1681 {strides = array<i32>} : memref<8x128xf32, #tpu.memory_space<vmem>>, vector<16xf32>,
      %get3A_1686 = arith.constant 6 : i32
      %get3A_1687 = arith.index_cast %get3A_1686 : i32 to index
      %get3A_1688 = arith.constant 48 : index
      %get3A_1689 = tpu.vector_load %arg10[%get3A_1687, %get3A_1688] {strides = array<i32>} : memref<8x128xi32, #tpu.memory_space<vmem>>, vector<16xi32>,
      %get3A_1690 = arith.constant 6 : i32
      %get3A_1691 = arith.index_cast %get3A_1690 : i32 to index
      %get3A_1692 = arith.constant 48 : index
      %get3A_1693 = tpu.vector_load %arg11[%get3A_1691, %get3A_1692] {strides = array<i32>} : memref<8x128xi32, #tpu.memory_space<vmem>>, vector<16xi32>,
      %get3A_1694 = arith.constant 6 : i32
      %get3A_1695 = arith.index_cast %get3A_1694 : i32 to index
      %get3A_1696 = arith.constant 48 : index
      %get3A_1697 = tpu.vector_load %arg12[%get3A_1695, %get3A_1696] {strides = array<i32>} : memref<8x128xf32, #tpu.memory_space<vmem>>, vector<16xf32>,
      %gather3A_1698 = tpu.vector_load_idx %arg8[%get3A_1689] : memref<10000xf32, #tpu.memory_space<vmem>>[vector<16xi32>], vector<16xf32>,
      %gather3A_1699 = tpu.vector_load_idx %arg9[%get3A_1693] : memref<10000xf32, #tpu.memory_space<vmem>>[vector<16xi32>], vector<16xf32>,
      %add3A_1700 = arith.addf %gather3A_1698, %gather3A_1699 : vector<16xf32>
      %mul3A_1701 = arith.constant 2.000000e+00 : f32
      %mul3A_1702 = vector.broadcast %mul3A_1701 : f32 to vector<16xf32>
      %mul3A_1703 = arith.mulf %mul3A_1702, %add3A_1700 : vector<16xf32>
      %exp3A_1704 = math.exp %mul3A_1703 : vector<16xf32>
      %add3A_1705 = arith.constant 1.000000e+00 : f32
      %add3A_1706 = vector.broadcast %add3A_1705 : f32 to vector<16xf32>
      %add3A_1707 = arith.addf %add3A_1706, %exp3A_1704 : vector<16xf32>
      %div3A_1708 = arith.constant 2.000000e+00 : f32
      %div3A_1709 = vector.broadcast %div3A_1708 : f32 to vector<16xf32>
      %div3A_1710 = arith.divf %div3A_1709, %add3A_1707 : vector<16xf32>
      %sub3A_1711 = arith.constant 1.000000e+00 : f32
      %sub3A_1712 = vector.broadcast %sub3A_1711 : f32 to vector<16xf32>
      %sub3A_1713 = arith.subf %sub3A_1712, %div3A_1710 : vector<16xf32>
      %mul3A_1714 = arith.mulf %sub3A_1713, %get3A_1697 : vector<16xf32>
      %swap3A_1715 = arith.constant 6 : i32
      %swap3A_1716 = arith.index_cast %swap3A_1715 : i32 to index
      %swap3A_1717 = arith.constant 48 : index
      %swap3A_1718 = tpu.vector_load %arg13[%swap3A_1716, %swap3A_1717] {strides = array<i32>} : memref<8x128xf32, #tpu.memory_space<vmem>>, vector<16xf32>,
      tpu.vector_store %arg13[%swap3A_1716, %swap3A_1717], %mul3A_1714 {strides = array<i32>} : memref<8x128xf32, #tpu.memory_space<vmem>>, vector<16xf32>,
      %get3A_1719 = arith.constant 6 : i32
      %get3A_1720 = arith.index_cast %get3A_1719 : i32 to index
      %get3A_1721 = arith.constant 64 : index
      %get3A_1722 = tpu.vector_load %arg10[%get3A_1720, %get3A_1721] {strides = array<i32>} : memref<8x128xi32, #tpu.memory_space<vmem>>, vector<16xi32>,
      %get3A_1723 = arith.constant 6 : i32
      %get3A_1724 = arith.index_cast %get3A_1723 : i32 to index
      %get3A_1725 = arith.constant 64 : index
      %get3A_1726 = tpu.vector_load %arg11[%get3A_1724, %get3A_1725] {strides = array<i32>} : memref<8x128xi32, #tpu.memory_space<vmem>>, vector<16xi32>,
      %get3A_1727 = arith.constant 6 : i32
      %get3A_1728 = arith.index_cast %get3A_1727 : i32 to index
      %get3A_1729 = arith.constant 64 : index
      %get3A_1730 = tpu.vector_load %arg12[%get3A_1728, %get3A_1729] {strides = array<i32>} : memref<8x128xf32, #tpu.memory_space<vmem>>, vector<16xf32>,
      %gather3A_1731 = tpu.vector_load_idx %arg8[%get3A_1722] : memref<10000xf32, #tpu.memory_space<vmem>>[vector<16xi32>], vector<16xf32>,
      %gather3A_1732 = tpu.vector_load_idx %arg9[%get3A_1726] : memref<10000xf32, #tpu.memory_space<vmem>>[vector<16xi32>], vector<16xf32>,
      %add3A_1733 = arith.addf %gather3A_1731, %gather3A_1732 : vector<16xf32>
      %mul3A_1734 = arith.constant 2.000000e+00 : f32
      %mul3A_1735 = vector.broadcast %mul3A_1734 : f32 to vector<16xf32>
      %mul3A_1736 = arith.mulf %mul3A_1735, %add3A_1733 : vector<16xf32>
      %exp3A_1737 = math.exp %mul3A_1736 : vector<16xf32>
      %add3A_1738 = arith.constant 1.000000e+00 : f32
      %add3A_1739 = vector.broadcast %add3A_1738 : f32 to vector<16xf32>
      %add3A_1740 = arith.addf %add3A_1739, %exp3A_1737 : vector<16xf32>
      %div3A_1741 = arith.constant 2.000000e+00 : f32
      %div3A_1742 = vector.broadcast %div3A_1741 : f32 to vector<16xf32>
      %div3A_1743 = arith.divf %div3A_1742, %add3A_1740 : vector<16xf32>
      %sub3A_1744 = arith.constant 1.000000e+00 : f32
      %sub3A_1745 = vector.broadcast %sub3A_1744 : f32 to vector<16xf32>
      %sub3A_1746 = arith.subf %sub3A_1745, %div3A_1743 : vector<16xf32>
      %mul3A_1747 = arith.mulf %sub3A_1746, %get3A_1730 : vector<16xf32>
      %swap3A_1748 = arith.constant 6 : i32
      %swap3A_1749 = arith.index_cast %swap3A_1748 : i32 to index
      %swap3A_1750 = arith.constant 64 : index
      %swap3A_1751 = tpu.vector_load %arg13[%swap3A_1749, %swap3A_1750] {strides = array<i32>} : memref<8x128xf32, #tpu.memory_space<vmem>>, vector<16xf32>,
      tpu.vector_store %arg13[%swap3A_1749, %swap3A_1750], %mul3A_1747 {strides = array<i32>} : memref<8x128xf32, #tpu.memory_space<vmem>>, vector<16xf32>,
      %get3A_1752 = arith.constant 6 : i32
      %get3A_1753 = arith.index_cast %get3A_1752 : i32 to index
      %get3A_1754 = arith.constant 80 : index
      %get3A_1755 = tpu.vector_load %arg10[%get3A_1753, %get3A_1754] {strides = array<i32>} : memref<8x128xi32, #tpu.memory_space<vmem>>, vector<16xi32>,
      %get3A_1756 = arith.constant 6 : i32
      %get3A_1757 = arith.index_cast %get3A_1756 : i32 to index
      %get3A_1758 = arith.constant 80 : index
      %get3A_1759 = tpu.vector_load %arg11[%get3A_1757, %get3A_1758] {strides = array<i32>} : memref<8x128xi32, #tpu.memory_space<vmem>>, vector<16xi32>,
      %get3A_1760 = arith.constant 6 : i32
      %get3A_1761 = arith.index_cast %get3A_1760 : i32 to index
      %get3A_1762 = arith.constant 80 : index
      %get3A_1763 = tpu.vector_load %arg12[%get3A_1761, %get3A_1762] {strides = array<i32>} : memref<8x128xf32, #tpu.memory_space<vmem>>, vector<16xf32>,
      %gather3A_1764 = tpu.vector_load_idx %arg8[%get3A_1755] : memref<10000xf32, #tpu.memory_space<vmem>>[vector<16xi32>], vector<16xf32>,
      %gather3A_1765 = tpu.vector_load_idx %arg9[%get3A_1759] : memref<10000xf32, #tpu.memory_space<vmem>>[vector<16xi32>], vector<16xf32>,
      %add3A_1766 = arith.addf %gather3A_1764, %gather3A_1765 : vector<16xf32>
      %mul3A_1767 = arith.constant 2.000000e+00 : f32
      %mul3A_1768 = vector.broadcast %mul3A_1767 : f32 to vector<16xf32>
      %mul3A_1769 = arith.mulf %mul3A_1768, %add3A_1766 : vector<16xf32>
      %exp3A_1770 = math.exp %mul3A_1769 : vector<16xf32>
      %add3A_1771 = arith.constant 1.000000e+00 : f32
      %add3A_1772 = vector.broadcast %add3A_1771 : f32 to vector<16xf32>
      %add3A_1773 = arith.addf %add3A_1772, %exp3A_1770 : vector<16xf32>
      %div3A_1774 = arith.constant 2.000000e+00 : f32
      %div3A_1775 = vector.broadcast %div3A_1774 : f32 to vector<16xf32>
      %div3A_1776 = arith.divf %div3A_1775, %add3A_1773 : vector<16xf32>
      %sub3A_1777 = arith.constant 1.000000e+00 : f32
      %sub3A_1778 = vector.broadcast %sub3A_1777 : f32 to vector<16xf32>
      %sub3A_1779 = arith.subf %sub3A_1778, %div3A_1776 : vector<16xf32>
      %mul3A_1780 = arith.mulf %sub3A_1779, %get3A_1763 : vector<16xf32>
      %swap3A_1781 = arith.constant 6 : i32
      %swap3A_1782 = arith.index_cast %swap3A_1781 : i32 to index
      %swap3A_1783 = arith.constant 80 : index
      %swap3A_1784 = tpu.vector_load %arg13[%swap3A_1782, %swap3A_1783] {strides = array<i32>} : memref<8x128xf32, #tpu.memory_space<vmem>>, vector<16xf32>,
      tpu.vector_store %arg13[%swap3A_1782, %swap3A_1783], %mul3A_1780 {strides = array<i32>} : memref<8x128xf32, #tpu.memory_space<vmem>>, vector<16xf32>,
      %get3A_1785 = arith.constant 6 : i32
      %get3A_1786 = arith.index_cast %get3A_1785 : i32 to index
      %get3A_1787 = arith.constant 96 : index
      %get3A_1788 = tpu.vector_load %arg10[%get3A_1786, %get3A_1787] {strides = array<i32>} : memref<8x128xi32, #tpu.memory_space<vmem>>, vector<16xi32>,
      %get3A_1789 = arith.constant 6 : i32
      %get3A_1790 = arith.index_cast %get3A_1789 : i32 to index
      %get3A_1791 = arith.constant 96 : index
      %get3A_1792 = tpu.vector_load %arg11[%get3A_1790, %get3A_1791] {strides = array<i32>} : memref<8x128xi32, #tpu.memory_space<vmem>>, vector<16xi32>,
      %get3A_1793 = arith.constant 6 : i32
      %get3A_1794 = arith.index_cast %get3A_1793 : i32 to index
      %get3A_1795 = arith.constant 96 : index
      %get3A_1796 = tpu.vector_load %arg12[%get3A_1794, %get3A_1795] {strides = array<i32>} : memref<8x128xf32, #tpu.memory_space<vmem>>, vector<16xf32>,
      %gather3A_1797 = tpu.vector_load_idx %arg8[%get3A_1788] : memref<10000xf32, #tpu.memory_space<vmem>>[vector<16xi32>], vector<16xf32>,
      %gather3A_1798 = tpu.vector_load_idx %arg9[%get3A_1792] : memref<10000xf32, #tpu.memory_space<vmem>>[vector<16xi32>], vector<16xf32>,
      %add3A_1799 = arith.addf %gather3A_1797, %gather3A_1798 : vector<16xf32>
      %mul3A_1800 = arith.constant 2.000000e+00 : f32
      %mul3A_1801 = vector.broadcast %mul3A_1800 : f32 to vector<16xf32>
      %mul3A_1802 = arith.mulf %mul3A_1801, %add3A_1799 : vector<16xf32>
      %exp3A_1803 = math.exp %mul3A_1802 : vector<16xf32>
      %add3A_1804 = arith.constant 1.000000e+00 : f32
      %add3A_1805 = vector.broadcast %add3A_1804 : f32 to vector<16xf32>
      %add3A_1806 = arith.addf %add3A_1805, %exp3A_1803 : vector<16xf32>
      %div3A_1807 = arith.constant 2.000000e+00 : f32
      %div3A_1808 = vector.broadcast %div3A_1807 : f32 to vector<16xf32>
      %div3A_1809 = arith.divf %div3A_1808, %add3A_1806 : vector<16xf32>
      %sub3A_1810 = arith.constant 1.000000e+00 : f32
      %sub3A_1811 = vector.broadcast %sub3A_1810 : f32 to vector<16xf32>
      %sub3A_1812 = arith.subf %sub3A_1811, %div3A_1809 : vector<16xf32>
      %mul3A_1813 = arith.mulf %sub3A_1812, %get3A_1796 : vector<16xf32>
      %swap3A_1814 = arith.constant 6 : i32
      %swap3A_1815 = arith.index_cast %swap3A_1814 : i32 to index
      %swap3A_1816 = arith.constant 96 : index
      %swap3A_1817 = tpu.vector_load %arg13[%swap3A_1815, %swap3A_1816] {strides = array<i32>} : memref<8x128xf32, #tpu.memory_space<vmem>>, vector<16xf32>,
      tpu.vector_store %arg13[%swap3A_1815, %swap3A_1816], %mul3A_1813 {strides = array<i32>} : memref<8x128xf32, #tpu.memory_space<vmem>>, vector<16xf32>,
      %get3A_1818 = arith.constant 6 : i32
      %get3A_1819 = arith.index_cast %get3A_1818 : i32 to index
      %get3A_1820 = arith.constant 112 : index
      %get3A_1821 = tpu.vector_load %arg10[%get3A_1819, %get3A_1820] {strides = array<i32>} : memref<8x128xi32, #tpu.memory_space<vmem>>, vector<16xi32>,
      %get3A_1822 = arith.constant 6 : i32
      %get3A_1823 = arith.index_cast %get3A_1822 : i32 to index
      %get3A_1824 = arith.constant 112 : index
      %get3A_1825 = tpu.vector_load %arg11[%get3A_1823, %get3A_1824] {strides = array<i32>} : memref<8x128xi32, #tpu.memory_space<vmem>>, vector<16xi32>,
      %get3A_1826 = arith.constant 6 : i32
      %get3A_1827 = arith.index_cast %get3A_1826 : i32 to index
      %get3A_1828 = arith.constant 112 : index
      %get3A_1829 = tpu.vector_load %arg12[%get3A_1827, %get3A_1828] {strides = array<i32>} : memref<8x128xf32, #tpu.memory_space<vmem>>, vector<16xf32>,
      %gather3A_1830 = tpu.vector_load_idx %arg8[%get3A_1821] : memref<10000xf32, #tpu.memory_space<vmem>>[vector<16xi32>], vector<16xf32>,
      %gather3A_1831 = tpu.vector_load_idx %arg9[%get3A_1825] : memref<10000xf32, #tpu.memory_space<vmem>>[vector<16xi32>], vector<16xf32>,
      %add3A_1832 = arith.addf %gather3A_1830, %gather3A_1831 : vector<16xf32>
      %mul3A_1833 = arith.constant 2.000000e+00 : f32
      %mul3A_1834 = vector.broadcast %mul3A_1833 : f32 to vector<16xf32>
      %mul3A_1835 = arith.mulf %mul3A_1834, %add3A_1832 : vector<16xf32>
      %exp3A_1836 = math.exp %mul3A_1835 : vector<16xf32>
      %add3A_1837 = arith.constant 1.000000e+00 : f32
      %add3A_1838 = vector.broadcast %add3A_1837 : f32 to vector<16xf32>
      %add3A_1839 = arith.addf %add3A_1838, %exp3A_1836 : vector<16xf32>
      %div3A_1840 = arith.constant 2.000000e+00 : f32
      %div3A_1841 = vector.broadcast %div3A_1840 : f32 to vector<16xf32>
      %div3A_1842 = arith.divf %div3A_1841, %add3A_1839 : vector<16xf32>
      %sub3A_1843 = arith.constant 1.000000e+00 : f32
      %sub3A_1844 = vector.broadcast %sub3A_1843 : f32 to vector<16xf32>
      %sub3A_1845 = arith.subf %sub3A_1844, %div3A_1842 : vector<16xf32>
      %mul3A_1846 = arith.mulf %sub3A_1845, %get3A_1829 : vector<16xf32>
      %swap3A_1847 = arith.constant 6 : i32
      %swap3A_1848 = arith.index_cast %swap3A_1847 : i32 to index
      %swap3A_1849 = arith.constant 112 : index
      %swap3A_1850 = tpu.vector_load %arg13[%swap3A_1848, %swap3A_1849] {strides = array<i32>} : memref<8x128xf32, #tpu.memory_space<vmem>>, vector<16xf32>,
      tpu.vector_store %arg13[%swap3A_1848, %swap3A_1849], %mul3A_1846 {strides = array<i32>} : memref<8x128xf32, #tpu.memory_space<vmem>>, vector<16xf32>,
      %get3A_1851 = arith.constant 7 : i32
      %get3A_1852 = arith.index_cast %get3A_1851 : i32 to index
      %get3A_1853 = arith.constant 0 : index
      %get3A_1854 = tpu.vector_load %arg10[%get3A_1852, %get3A_1853] {strides = array<i32>} : memref<8x128xi32, #tpu.memory_space<vmem>>, vector<16xi32>,
      %get3A_1855 = arith.constant 7 : i32
      %get3A_1856 = arith.index_cast %get3A_1855 : i32 to index
      %get3A_1857 = arith.constant 0 : index
      %get3A_1858 = tpu.vector_load %arg11[%get3A_1856, %get3A_1857] {strides = array<i32>} : memref<8x128xi32, #tpu.memory_space<vmem>>, vector<16xi32>,
      %get3A_1859 = arith.constant 7 : i32
      %get3A_1860 = arith.index_cast %get3A_1859 : i32 to index
      %get3A_1861 = arith.constant 0 : index
      %get3A_1862 = tpu.vector_load %arg12[%get3A_1860, %get3A_1861] {strides = array<i32>} : memref<8x128xf32, #tpu.memory_space<vmem>>, vector<16xf32>,
      %gather3A_1863 = tpu.vector_load_idx %arg8[%get3A_1854] : memref<10000xf32, #tpu.memory_space<vmem>>[vector<16xi32>], vector<16xf32>,
      %gather3A_1864 = tpu.vector_load_idx %arg9[%get3A_1858] : memref<10000xf32, #tpu.memory_space<vmem>>[vector<16xi32>], vector<16xf32>,
      %add3A_1865 = arith.addf %gather3A_1863, %gather3A_1864 : vector<16xf32>
      %mul3A_1866 = arith.constant 2.000000e+00 : f32
      %mul3A_1867 = vector.broadcast %mul3A_1866 : f32 to vector<16xf32>
      %mul3A_1868 = arith.mulf %mul3A_1867, %add3A_1865 : vector<16xf32>
      %exp3A_1869 = math.exp %mul3A_1868 : vector<16xf32>
      %add3A_1870 = arith.constant 1.000000e+00 : f32
      %add3A_1871 = vector.broadcast %add3A_1870 : f32 to vector<16xf32>
      %add3A_1872 = arith.addf %add3A_1871, %exp3A_1869 : vector<16xf32>
      %div3A_1873 = arith.constant 2.000000e+00 : f32
      %div3A_1874 = vector.broadcast %div3A_1873 : f32 to vector<16xf32>
      %div3A_1875 = arith.divf %div3A_1874, %add3A_1872 : vector<16xf32>
      %sub3A_1876 = arith.constant 1.000000e+00 : f32
      %sub3A_1877 = vector.broadcast %sub3A_1876 : f32 to vector<16xf32>
      %sub3A_1878 = arith.subf %sub3A_1877, %div3A_1875 : vector<16xf32>
      %mul3A_1879 = arith.mulf %sub3A_1878, %get3A_1862 : vector<16xf32>
      %swap3A_1880 = arith.constant 7 : i32
      %swap3A_1881 = arith.index_cast %swap3A_1880 : i32 to index
      %swap3A_1882 = arith.constant 0 : index
      %swap3A_1883 = tpu.vector_load %arg13[%swap3A_1881, %swap3A_1882] {strides = array<i32>} : memref<8x128xf32, #tpu.memory_space<vmem>>, vector<16xf32>,
      tpu.vector_store %arg13[%swap3A_1881, %swap3A_1882], %mul3A_1879 {strides = array<i32>} : memref<8x128xf32, #tpu.memory_space<vmem>>, vector<16xf32>,
      %get3A_1884 = arith.constant 7 : i32
      %get3A_1885 = arith.index_cast %get3A_1884 : i32 to index
      %get3A_1886 = arith.constant 16 : index
      %get3A_1887 = tpu.vector_load %arg10[%get3A_1885, %get3A_1886] {strides = array<i32>} : memref<8x128xi32, #tpu.memory_space<vmem>>, vector<16xi32>,
      %get3A_1888 = arith.constant 7 : i32
      %get3A_1889 = arith.index_cast %get3A_1888 : i32 to index
      %get3A_1890 = arith.constant 16 : index
      %get3A_1891 = tpu.vector_load %arg11[%get3A_1889, %get3A_1890] {strides = array<i32>} : memref<8x128xi32, #tpu.memory_space<vmem>>, vector<16xi32>,
      %get3A_1892 = arith.constant 7 : i32
      %get3A_1893 = arith.index_cast %get3A_1892 : i32 to index
      %get3A_1894 = arith.constant 16 : index
      %get3A_1895 = tpu.vector_load %arg12[%get3A_1893, %get3A_1894] {strides = array<i32>} : memref<8x128xf32, #tpu.memory_space<vmem>>, vector<16xf32>,
      %gather3A_1896 = tpu.vector_load_idx %arg8[%get3A_1887] : memref<10000xf32, #tpu.memory_space<vmem>>[vector<16xi32>], vector<16xf32>,
      %gather3A_1897 = tpu.vector_load_idx %arg9[%get3A_1891] : memref<10000xf32, #tpu.memory_space<vmem>>[vector<16xi32>], vector<16xf32>,
      %add3A_1898 = arith.addf %gather3A_1896, %gather3A_1897 : vector<16xf32>
      %mul3A_1899 = arith.constant 2.000000e+00 : f32
      %mul3A_1900 = vector.broadcast %mul3A_1899 : f32 to vector<16xf32>
      %mul3A_1901 = arith.mulf %mul3A_1900, %add3A_1898 : vector<16xf32>
      %exp3A_1902 = math.exp %mul3A_1901 : vector<16xf32>
      %add3A_1903 = arith.constant 1.000000e+00 : f32
      %add3A_1904 = vector.broadcast %add3A_1903 : f32 to vector<16xf32>
      %add3A_1905 = arith.addf %add3A_1904, %exp3A_1902 : vector<16xf32>
      %div3A_1906 = arith.constant 2.000000e+00 : f32
      %div3A_1907 = vector.broadcast %div3A_1906 : f32 to vector<16xf32>
      %div3A_1908 = arith.divf %div3A_1907, %add3A_1905 : vector<16xf32>
      %sub3A_1909 = arith.constant 1.000000e+00 : f32
      %sub3A_1910 = vector.broadcast %sub3A_1909 : f32 to vector<16xf32>
      %sub3A_1911 = arith.subf %sub3A_1910, %div3A_1908 : vector<16xf32>
      %mul3A_1912 = arith.mulf %sub3A_1911, %get3A_1895 : vector<16xf32>
      %swap3A_1913 = arith.constant 7 : i32
      %swap3A_1914 = arith.index_cast %swap3A_1913 : i32 to index
      %swap3A_1915 = arith.constant 16 : index
      %swap3A_1916 = tpu.vector_load %arg13[%swap3A_1914, %swap3A_1915] {strides = array<i32>} : memref<8x128xf32, #tpu.memory_space<vmem>>, vector<16xf32>,
      tpu.vector_store %arg13[%swap3A_1914, %swap3A_1915], %mul3A_1912 {strides = array<i32>} : memref<8x128xf32, #tpu.memory_space<vmem>>, vector<16xf32>,
      %get3A_1917 = arith.constant 7 : i32
      %get3A_1918 = arith.index_cast %get3A_1917 : i32 to index
      %get3A_1919 = arith.constant 32 : index
      %get3A_1920 = tpu.vector_load %arg10[%get3A_1918, %get3A_1919] {strides = array<i32>} : memref<8x128xi32, #tpu.memory_space<vmem>>, vector<16xi32>,
      %get3A_1921 = arith.constant 7 : i32
      %get3A_1922 = arith.index_cast %get3A_1921 : i32 to index
      %get3A_1923 = arith.constant 32 : index
      %get3A_1924 = tpu.vector_load %arg11[%get3A_1922, %get3A_1923] {strides = array<i32>} : memref<8x128xi32, #tpu.memory_space<vmem>>, vector<16xi32>,
      %get3A_1925 = arith.constant 7 : i32
      %get3A_1926 = arith.index_cast %get3A_1925 : i32 to index
      %get3A_1927 = arith.constant 32 : index
      %get3A_1928 = tpu.vector_load %arg12[%get3A_1926, %get3A_1927] {strides = array<i32>} : memref<8x128xf32, #tpu.memory_space<vmem>>, vector<16xf32>,
      %gather3A_1929 = tpu.vector_load_idx %arg8[%get3A_1920] : memref<10000xf32, #tpu.memory_space<vmem>>[vector<16xi32>], vector<16xf32>,
      %gather3A_1930 = tpu.vector_load_idx %arg9[%get3A_1924] : memref<10000xf32, #tpu.memory_space<vmem>>[vector<16xi32>], vector<16xf32>,
      %add3A_1931 = arith.addf %gather3A_1929, %gather3A_1930 : vector<16xf32>
      %mul3A_1932 = arith.constant 2.000000e+00 : f32
      %mul3A_1933 = vector.broadcast %mul3A_1932 : f32 to vector<16xf32>
      %mul3A_1934 = arith.mulf %mul3A_1933, %add3A_1931 : vector<16xf32>
      %exp3A_1935 = math.exp %mul3A_1934 : vector<16xf32>
      %add3A_1936 = arith.constant 1.000000e+00 : f32
      %add3A_1937 = vector.broadcast %add3A_1936 : f32 to vector<16xf32>
      %add3A_1938 = arith.addf %add3A_1937, %exp3A_1935 : vector<16xf32>
      %div3A_1939 = arith.constant 2.000000e+00 : f32
      %div3A_1940 = vector.broadcast %div3A_1939 : f32 to vector<16xf32>
      %div3A_1941 = arith.divf %div3A_1940, %add3A_1938 : vector<16xf32>
      %sub3A_1942 = arith.constant 1.000000e+00 : f32
      %sub3A_1943 = vector.broadcast %sub3A_1942 : f32 to vector<16xf32>
      %sub3A_1944 = arith.subf %sub3A_1943, %div3A_1941 : vector<16xf32>
      %mul3A_1945 = arith.mulf %sub3A_1944, %get3A_1928 : vector<16xf32>
      %swap3A_1946 = arith.constant 7 : i32
      %swap3A_1947 = arith.index_cast %swap3A_1946 : i32 to index
      %swap3A_1948 = arith.constant 32 : index
      %swap3A_1949 = tpu.vector_load %arg13[%swap3A_1947, %swap3A_1948] {strides = array<i32>} : memref<8x128xf32, #tpu.memory_space<vmem>>, vector<16xf32>,
      tpu.vector_store %arg13[%swap3A_1947, %swap3A_1948], %mul3A_1945 {strides = array<i32>} : memref<8x128xf32, #tpu.memory_space<vmem>>, vector<16xf32>,
      %get3A_1950 = arith.constant 7 : i32
      %get3A_1951 = arith.index_cast %get3A_1950 : i32 to index
      %get3A_1952 = arith.constant 48 : index
      %get3A_1953 = tpu.vector_load %arg10[%get3A_1951, %get3A_1952] {strides = array<i32>} : memref<8x128xi32, #tpu.memory_space<vmem>>, vector<16xi32>,
      %get3A_1954 = arith.constant 7 : i32
      %get3A_1955 = arith.index_cast %get3A_1954 : i32 to index
      %get3A_1956 = arith.constant 48 : index
      %get3A_1957 = tpu.vector_load %arg11[%get3A_1955, %get3A_1956] {strides = array<i32>} : memref<8x128xi32, #tpu.memory_space<vmem>>, vector<16xi32>,
      %get3A_1958 = arith.constant 7 : i32
      %get3A_1959 = arith.index_cast %get3A_1958 : i32 to index
      %get3A_1960 = arith.constant 48 : index
      %get3A_1961 = tpu.vector_load %arg12[%get3A_1959, %get3A_1960] {strides = array<i32>} : memref<8x128xf32, #tpu.memory_space<vmem>>, vector<16xf32>,
      %gather3A_1962 = tpu.vector_load_idx %arg8[%get3A_1953] : memref<10000xf32, #tpu.memory_space<vmem>>[vector<16xi32>], vector<16xf32>,
      %gather3A_1963 = tpu.vector_load_idx %arg9[%get3A_1957] : memref<10000xf32, #tpu.memory_space<vmem>>[vector<16xi32>], vector<16xf32>,
      %add3A_1964 = arith.addf %gather3A_1962, %gather3A_1963 : vector<16xf32>
      %mul3A_1965 = arith.constant 2.000000e+00 : f32
      %mul3A_1966 = vector.broadcast %mul3A_1965 : f32 to vector<16xf32>
      %mul3A_1967 = arith.mulf %mul3A_1966, %add3A_1964 : vector<16xf32>
      %exp3A_1968 = math.exp %mul3A_1967 : vector<16xf32>
      %add3A_1969 = arith.constant 1.000000e+00 : f32
      %add3A_1970 = vector.broadcast %add3A_1969 : f32 to vector<16xf32>
      %add3A_1971 = arith.addf %add3A_1970, %exp3A_1968 : vector<16xf32>
      %div3A_1972 = arith.constant 2.000000e+00 : f32
      %div3A_1973 = vector.broadcast %div3A_1972 : f32 to vector<16xf32>
      %div3A_1974 = arith.divf %div3A_1973, %add3A_1971 : vector<16xf32>
      %sub3A_1975 = arith.constant 1.000000e+00 : f32
      %sub3A_1976 = vector.broadcast %sub3A_1975 : f32 to vector<16xf32>
      %sub3A_1977 = arith.subf %sub3A_1976, %div3A_1974 : vector<16xf32>
      %mul3A_1978 = arith.mulf %sub3A_1977, %get3A_1961 : vector<16xf32>
      %swap3A_1979 = arith.constant 7 : i32
      %swap3A_1980 = arith.index_cast %swap3A_1979 : i32 to index
      %swap3A_1981 = arith.constant 48 : index
      %swap3A_1982 = tpu.vector_load %arg13[%swap3A_1980, %swap3A_1981] {strides = array<i32>} : memref<8x128xf32, #tpu.memory_space<vmem>>, vector<16xf32>,
      tpu.vector_store %arg13[%swap3A_1980, %swap3A_1981], %mul3A_1978 {strides = array<i32>} : memref<8x128xf32, #tpu.memory_space<vmem>>, vector<16xf32>,
      %get3A_1983 = arith.constant 7 : i32
      %get3A_1984 = arith.index_cast %get3A_1983 : i32 to index
      %get3A_1985 = arith.constant 64 : index
      %get3A_1986 = tpu.vector_load %arg10[%get3A_1984, %get3A_1985] {strides = array<i32>} : memref<8x128xi32, #tpu.memory_space<vmem>>, vector<16xi32>,
      %get3A_1987 = arith.constant 7 : i32
      %get3A_1988 = arith.index_cast %get3A_1987 : i32 to index
      %get3A_1989 = arith.constant 64 : index
      %get3A_1990 = tpu.vector_load %arg11[%get3A_1988, %get3A_1989] {strides = array<i32>} : memref<8x128xi32, #tpu.memory_space<vmem>>, vector<16xi32>,
      %get3A_1991 = arith.constant 7 : i32
      %get3A_1992 = arith.index_cast %get3A_1991 : i32 to index
      %get3A_1993 = arith.constant 64 : index
      %get3A_1994 = tpu.vector_load %arg12[%get3A_1992, %get3A_1993] {strides = array<i32>} : memref<8x128xf32, #tpu.memory_space<vmem>>, vector<16xf32>,
      %gather3A_1995 = tpu.vector_load_idx %arg8[%get3A_1986] : memref<10000xf32, #tpu.memory_space<vmem>>[vector<16xi32>], vector<16xf32>,
      %gather3A_1996 = tpu.vector_load_idx %arg9[%get3A_1990] : memref<10000xf32, #tpu.memory_space<vmem>>[vector<16xi32>], vector<16xf32>,
      %add3A_1997 = arith.addf %gather3A_1995, %gather3A_1996 : vector<16xf32>
      %mul3A_1998 = arith.constant 2.000000e+00 : f32
      %mul3A_1999 = vector.broadcast %mul3A_1998 : f32 to vector<16xf32>
      %mul3A_2000 = arith.mulf %mul3A_1999, %add3A_1997 : vector<16xf32>
      %exp3A_2001 = math.exp %mul3A_2000 : vector<16xf32>
      %add3A_2002 = arith.constant 1.000000e+00 : f32
      %add3A_2003 = vector.broadcast %add3A_2002 : f32 to vector<16xf32>
      %add3A_2004 = arith.addf %add3A_2003, %exp3A_2001 : vector<16xf32>
      %div3A_2005 = arith.constant 2.000000e+00 : f32
      %div3A_2006 = vector.broadcast %div3A_2005 : f32 to vector<16xf32>
      %div3A_2007 = arith.divf %div3A_2006, %add3A_2004 : vector<16xf32>
      %sub3A_2008 = arith.constant 1.000000e+00 : f32
      %sub3A_2009 = vector.broadcast %sub3A_2008 : f32 to vector<16xf32>
      %sub3A_2010 = arith.subf %sub3A_2009, %div3A_2007 : vector<16xf32>
      %mul3A_2011 = arith.mulf %sub3A_2010, %get3A_1994 : vector<16xf32>
      %swap3A_2012 = arith.constant 7 : i32
      %swap3A_2013 = arith.index_cast %swap3A_2012 : i32 to index
      %swap3A_2014 = arith.constant 64 : index
      %swap3A_2015 = tpu.vector_load %arg13[%swap3A_2013, %swap3A_2014] {strides = array<i32>} : memref<8x128xf32, #tpu.memory_space<vmem>>, vector<16xf32>,
      tpu.vector_store %arg13[%swap3A_2013, %swap3A_2014], %mul3A_2011 {strides = array<i32>} : memref<8x128xf32, #tpu.memory_space<vmem>>, vector<16xf32>,
      %get3A_2016 = arith.constant 7 : i32
      %get3A_2017 = arith.index_cast %get3A_2016 : i32 to index
      %get3A_2018 = arith.constant 80 : index
      %get3A_2019 = tpu.vector_load %arg10[%get3A_2017, %get3A_2018] {strides = array<i32>} : memref<8x128xi32, #tpu.memory_space<vmem>>, vector<16xi32>,
      %get3A_2020 = arith.constant 7 : i32
      %get3A_2021 = arith.index_cast %get3A_2020 : i32 to index
      %get3A_2022 = arith.constant 80 : index
      %get3A_2023 = tpu.vector_load %arg11[%get3A_2021, %get3A_2022] {strides = array<i32>} : memref<8x128xi32, #tpu.memory_space<vmem>>, vector<16xi32>,
      %get3A_2024 = arith.constant 7 : i32
      %get3A_2025 = arith.index_cast %get3A_2024 : i32 to index
      %get3A_2026 = arith.constant 80 : index
      %get3A_2027 = tpu.vector_load %arg12[%get3A_2025, %get3A_2026] {strides = array<i32>} : memref<8x128xf32, #tpu.memory_space<vmem>>, vector<16xf32>,
      %gather3A_2028 = tpu.vector_load_idx %arg8[%get3A_2019] : memref<10000xf32, #tpu.memory_space<vmem>>[vector<16xi32>], vector<16xf32>,
      %gather3A_2029 = tpu.vector_load_idx %arg9[%get3A_2023] : memref<10000xf32, #tpu.memory_space<vmem>>[vector<16xi32>], vector<16xf32>,
      %add3A_2030 = arith.addf %gather3A_2028, %gather3A_2029 : vector<16xf32>
      %mul3A_2031 = arith.constant 2.000000e+00 : f32
      %mul3A_2032 = vector.broadcast %mul3A_2031 : f32 to vector<16xf32>
      %mul3A_2033 = arith.mulf %mul3A_2032, %add3A_2030 : vector<16xf32>
      %exp3A_2034 = math.exp %mul3A_2033 : vector<16xf32>
      %add3A_2035 = arith.constant 1.000000e+00 : f32
      %add3A_2036 = vector.broadcast %add3A_2035 : f32 to vector<16xf32>
      %add3A_2037 = arith.addf %add3A_2036, %exp3A_2034 : vector<16xf32>
      %div3A_2038 = arith.constant 2.000000e+00 : f32
      %div3A_2039 = vector.broadcast %div3A_2038 : f32 to vector<16xf32>
      %div3A_2040 = arith.divf %div3A_2039, %add3A_2037 : vector<16xf32>
      %sub3A_2041 = arith.constant 1.000000e+00 : f32
      %sub3A_2042 = vector.broadcast %sub3A_2041 : f32 to vector<16xf32>
      %sub3A_2043 = arith.subf %sub3A_2042, %div3A_2040 : vector<16xf32>
      %mul3A_2044 = arith.mulf %sub3A_2043, %get3A_2027 : vector<16xf32>
      %swap3A_2045 = arith.constant 7 : i32
      %swap3A_2046 = arith.index_cast %swap3A_2045 : i32 to index
      %swap3A_2047 = arith.constant 80 : index
      %swap3A_2048 = tpu.vector_load %arg13[%swap3A_2046, %swap3A_2047] {strides = array<i32>} : memref<8x128xf32, #tpu.memory_space<vmem>>, vector<16xf32>,
      tpu.vector_store %arg13[%swap3A_2046, %swap3A_2047], %mul3A_2044 {strides = array<i32>} : memref<8x128xf32, #tpu.memory_space<vmem>>, vector<16xf32>,
      %get3A_2049 = arith.constant 7 : i32
      %get3A_2050 = arith.index_cast %get3A_2049 : i32 to index
      %get3A_2051 = arith.constant 96 : index
      %get3A_2052 = tpu.vector_load %arg10[%get3A_2050, %get3A_2051] {strides = array<i32>} : memref<8x128xi32, #tpu.memory_space<vmem>>, vector<16xi32>,
      %get3A_2053 = arith.constant 7 : i32
      %get3A_2054 = arith.index_cast %get3A_2053 : i32 to index
      %get3A_2055 = arith.constant 96 : index
      %get3A_2056 = tpu.vector_load %arg11[%get3A_2054, %get3A_2055] {strides = array<i32>} : memref<8x128xi32, #tpu.memory_space<vmem>>, vector<16xi32>,
      %get3A_2057 = arith.constant 7 : i32
      %get3A_2058 = arith.index_cast %get3A_2057 : i32 to index
      %get3A_2059 = arith.constant 96 : index
      %get3A_2060 = tpu.vector_load %arg12[%get3A_2058, %get3A_2059] {strides = array<i32>} : memref<8x128xf32, #tpu.memory_space<vmem>>, vector<16xf32>,
      %gather3A_2061 = tpu.vector_load_idx %arg8[%get3A_2052] : memref<10000xf32, #tpu.memory_space<vmem>>[vector<16xi32>], vector<16xf32>,
      %gather3A_2062 = tpu.vector_load_idx %arg9[%get3A_2056] : memref<10000xf32, #tpu.memory_space<vmem>>[vector<16xi32>], vector<16xf32>,
      %add3A_2063 = arith.addf %gather3A_2061, %gather3A_2062 : vector<16xf32>
      %mul3A_2064 = arith.constant 2.000000e+00 : f32
      %mul3A_2065 = vector.broadcast %mul3A_2064 : f32 to vector<16xf32>
      %mul3A_2066 = arith.mulf %mul3A_2065, %add3A_2063 : vector<16xf32>
      %exp3A_2067 = math.exp %mul3A_2066 : vector<16xf32>
      %add3A_2068 = arith.constant 1.000000e+00 : f32
      %add3A_2069 = vector.broadcast %add3A_2068 : f32 to vector<16xf32>
      %add3A_2070 = arith.addf %add3A_2069, %exp3A_2067 : vector<16xf32>
      %div3A_2071 = arith.constant 2.000000e+00 : f32
      %div3A_2072 = vector.broadcast %div3A_2071 : f32 to vector<16xf32>
      %div3A_2073 = arith.divf %div3A_2072, %add3A_2070 : vector<16xf32>
      %sub3A_2074 = arith.constant 1.000000e+00 : f32
      %sub3A_2075 = vector.broadcast %sub3A_2074 : f32 to vector<16xf32>
      %sub3A_2076 = arith.subf %sub3A_2075, %div3A_2073 : vector<16xf32>
      %mul3A_2077 = arith.mulf %sub3A_2076, %get3A_2060 : vector<16xf32>
      %swap3A_2078 = arith.constant 7 : i32
      %swap3A_2079 = arith.index_cast %swap3A_2078 : i32 to index
      %swap3A_2080 = arith.constant 96 : index
      %swap3A_2081 = tpu.vector_load %arg13[%swap3A_2079, %swap3A_2080] {strides = array<i32>} : memref<8x128xf32, #tpu.memory_space<vmem>>, vector<16xf32>,
      tpu.vector_store %arg13[%swap3A_2079, %swap3A_2080], %mul3A_2077 {strides = array<i32>} : memref<8x128xf32, #tpu.memory_space<vmem>>, vector<16xf32>,
      %get3A_2082 = arith.constant 7 : i32
      %get3A_2083 = arith.index_cast %get3A_2082 : i32 to index
      %get3A_2084 = arith.constant 112 : index
      %get3A_2085 = tpu.vector_load %arg10[%get3A_2083, %get3A_2084] {strides = array<i32>} : memref<8x128xi32, #tpu.memory_space<vmem>>, vector<16xi32>,
      %get3A_2086 = arith.constant 7 : i32
      %get3A_2087 = arith.index_cast %get3A_2086 : i32 to index
      %get3A_2088 = arith.constant 112 : index
      %get3A_2089 = tpu.vector_load %arg11[%get3A_2087, %get3A_2088] {strides = array<i32>} : memref<8x128xi32, #tpu.memory_space<vmem>>, vector<16xi32>,
      %get3A_2090 = arith.constant 7 : i32
      %get3A_2091 = arith.index_cast %get3A_2090 : i32 to index
      %get3A_2092 = arith.constant 112 : index
      %get3A_2093 = tpu.vector_load %arg12[%get3A_2091, %get3A_2092] {strides = array<i32>} : memref<8x128xf32, #tpu.memory_space<vmem>>, vector<16xf32>,
      %gather3A_2094 = tpu.vector_load_idx %arg8[%get3A_2085] : memref<10000xf32, #tpu.memory_space<vmem>>[vector<16xi32>], vector<16xf32>,
      %gather3A_2095 = tpu.vector_load_idx %arg9[%get3A_2089] : memref<10000xf32, #tpu.memory_space<vmem>>[vector<16xi32>], vector<16xf32>,
      %add3A_2096 = arith.addf %gather3A_2094, %gather3A_2095 : vector<16xf32>
      %mul3A_2097 = arith.constant 2.000000e+00 : f32
      %mul3A_2098 = vector.broadcast %mul3A_2097 : f32 to vector<16xf32>
      %mul3A_2099 = arith.mulf %mul3A_2098, %add3A_2096 : vector<16xf32>
      %exp3A_2100 = math.exp %mul3A_2099 : vector<16xf32>
      %add3A_2101 = arith.constant 1.000000e+00 : f32
      %add3A_2102 = vector.broadcast %add3A_2101 : f32 to vector<16xf32>
      %add3A_2103 = arith.addf %add3A_2102, %exp3A_2100 : vector<16xf32>
      %div3A_2104 = arith.constant 2.000000e+00 : f32
      %div3A_2105 = vector.broadcast %div3A_2104 : f32 to vector<16xf32>
      %div3A_2106 = arith.divf %div3A_2105, %add3A_2103 : vector<16xf32>
      %sub3A_2107 = arith.constant 1.000000e+00 : f32
      %sub3A_2108 = vector.broadcast %sub3A_2107 : f32 to vector<16xf32>
      %sub3A_2109 = arith.subf %sub3A_2108, %div3A_2106 : vector<16xf32>
      %mul3A_2110 = arith.mulf %sub3A_2109, %get3A_2093 : vector<16xf32>
      %swap3A_2111 = arith.constant 7 : i32
      %swap3A_2112 = arith.index_cast %swap3A_2111 : i32 to index
      %swap3A_2113 = arith.constant 112 : index
      %swap3A_2114 = tpu.vector_load %arg13[%swap3A_2112, %swap3A_2113] {strides = array<i32>} : memref<8x128xf32, #tpu.memory_space<vmem>>, vector<16xf32>,
      tpu.vector_store %arg13[%swap3A_2112, %swap3A_2113], %mul3A_2110 {strides = array<i32>} : memref<8x128xf32, #tpu.memory_space<vmem>>, vector<16xf32>,
      "tpu.region"() ({
        %run_scoped3A = tpu.sem_alloc : memref<!tpu.dma_semaphore, #tpu.memory_space<semaphore_mem>>
        %dma_start3A = arith.constant 0 : i32
        %dma_start3A_2115 = tpu.memref_slice %arg7[%add3A, %mul3A_8, %dma_start3A] : memref<32x80x128xf32, #tpu.memory_space<hbm>> -> memref<1x8x128xf32, #tpu.memory_space<hbm>>
        %dma_start3A_2116 = tpu.memref_squeeze %dma_start3A_2115 : memref<1x8x128xf32, #tpu.memory_space<hbm>> -> memref<8x128xf32, #tpu.memory_space<hbm>>
        %dma_start3A_2117 = arith.constant 0 : i32
        %dma_start3A_2118 = tpu.memref_slice %arg7[%add3A, %mul3A_8, %dma_start3A_2117] : memref<32x80x128xf32, #tpu.memory_space<hbm>> -> memref<1x8x128xf32, #tpu.memory_space<hbm>>
        %dma_start3A_2119 = tpu.memref_squeeze %dma_start3A_2118 : memref<1x8x128xf32, #tpu.memory_space<hbm>> -> memref<8x128xf32, #tpu.memory_space<hbm>>
        tpu.enqueue_dma source(%arg13 : memref<8x128xf32, #tpu.memory_space<vmem>>) target(%dma_start3A_2119 : memref<8x128xf32, #tpu.memory_space<hbm>>) target_semaphore(%run_scoped3A : memref<!tpu.dma_semaphore, #tpu.memory_space<semaphore_mem>>)
        %dma_wait3A = arith.constant 0 : i32
        %dma_wait3A_2120 = tpu.memref_slice %arg7[%add3A, %mul3A_8, %dma_wait3A] : memref<32x80x128xf32, #tpu.memory_space<hbm>> -> memref<1x8x128xf32, #tpu.memory_space<hbm>>
        %dma_wait3A_2121 = tpu.memref_squeeze %dma_wait3A_2120 : memref<1x8x128xf32, #tpu.memory_space<hbm>> -> memref<8x128xf32, #tpu.memory_space<hbm>>
        %dma_wait3A_2122 = arith.constant 0 : i32
        %dma_wait3A_2123 = tpu.memref_slice %arg7[%add3A, %mul3A_8, %dma_wait3A_2122] : memref<32x80x128xf32, #tpu.memory_space<hbm>> -> memref<1x8x128xf32, #tpu.memory_space<hbm>>
        %dma_wait3A_2124 = tpu.memref_squeeze %dma_wait3A_2123 : memref<1x8x128xf32, #tpu.memory_space<hbm>> -> memref<8x128xf32, #tpu.memory_space<hbm>>
        tpu.wait_dma2 semaphore(%run_scoped3A : memref<!tpu.dma_semaphore, #tpu.memory_space<semaphore_mem>>) src(%arg13 : memref<8x128xf32, #tpu.memory_space<vmem>>) dst(%dma_wait3A_2124 : memref<8x128xf32, #tpu.memory_space<hbm>>)
        tpu.yield
      }) : () -> ()
    }
    %scan3A_5 = arith.constant 10 : i32
    return
  }
}

#map = affine_map<(d0, d1) -> (0, 0)>
#map1 = affine_map<(d0, d1) -> (0, 0, 0)>
module attributes {stable_mosaic.version = 14 : i64} {
  func.func @_sc_body(%arg0: i32, %arg1: i32, %arg2: memref<10000x128xf32, #tpu.memory_space<hbm>>, %arg3: memref<32x80x128xi32, #tpu.memory_space<hbm>>, %arg4: memref<32x80x128xi32, #tpu.memory_space<hbm>>, %arg5: memref<32x80x128xf32, #tpu.memory_space<hbm>>, %arg6: memref<20480x128xf32, #tpu.memory_space<hbm>>, %arg7: memref<80x128xi32, #tpu.memory_space<vmem>>, %arg8: memref<2x8x128xi32, #tpu.memory_space<vmem>>, %arg9: memref<2x8x128xf32, #tpu.memory_space<vmem>>, %arg10: memref<128x128xf32, #tpu.memory_space<vmem>>, %arg11: memref<128x128xf32, #tpu.memory_space<vmem>>, %arg12: memref<10240x128xf32, #tpu.memory_space<vmem_shared>>, %arg13: memref<!tpu.dma_semaphore, #tpu.memory_space<semaphore_mem>>, %arg14: memref<!tpu.dma_semaphore, #tpu.memory_space<semaphore_mem>>, %arg15: memref<!tpu.dma_semaphore, #tpu.memory_space<semaphore_mem>>) attributes {dimension_semantics = [#tpu.dimension_semantics<core_parallel>, #tpu.dimension_semantics<subcore_parallel>], iteration_bounds = array<i64: 2, 16>, scalar_prefetch = 0 : i64, scratch_operands = 9 : i64, tpu.core_type = #tpu.core_type<sc_vector_subcore>, window_params = [{transform_indices = #map}, {transform_indices = #map1}, {transform_indices = #map1}, {transform_indices = #map1}, {transform_indices = #map}]} {
    %mul3A = arith.constant 16 : i32
    %mul3A_0 = arith.muli %arg0, %mul3A : i32
    %add3A = arith.addi %mul3A_0, %arg1 : i32
    "tpu.region"() ({
      %run_scoped3A_36 = tpu.sem_alloc : memref<!tpu.dma_semaphore, #tpu.memory_space<semaphore_mem>>
      %dma_start3A_37 = arith.constant 0 : i32
      %dma_start3A_38 = arith.constant 0 : i32
      %dma_start3A_39 = tpu.memref_slice %arg3[%add3A, %dma_start3A_37, %dma_start3A_38] : memref<32x80x128xi32, #tpu.memory_space<hbm>> -> memref<1x80x128xi32, #tpu.memory_space<hbm>>
      %dma_start3A_40 = tpu.memref_squeeze %dma_start3A_39 : memref<1x80x128xi32, #tpu.memory_space<hbm>> -> memref<80x128xi32, #tpu.memory_space<hbm>>
      %dma_start3A_41 = arith.constant 0 : i32
      %dma_start3A_42 = arith.constant 0 : i32
      %dma_start3A_43 = tpu.memref_slice %arg3[%add3A, %dma_start3A_41, %dma_start3A_42] : memref<32x80x128xi32, #tpu.memory_space<hbm>> -> memref<1x80x128xi32, #tpu.memory_space<hbm>>
      %dma_start3A_44 = tpu.memref_squeeze %dma_start3A_43 : memref<1x80x128xi32, #tpu.memory_space<hbm>> -> memref<80x128xi32, #tpu.memory_space<hbm>>
      tpu.enqueue_dma source(%dma_start3A_44 : memref<80x128xi32, #tpu.memory_space<hbm>>) target(%arg7 : memref<80x128xi32, #tpu.memory_space<vmem>>) target_semaphore(%run_scoped3A_36 : memref<!tpu.dma_semaphore, #tpu.memory_space<semaphore_mem>>)
      %dma_wait3A = arith.constant 0 : i32
      %dma_wait3A_45 = arith.constant 0 : i32
      %dma_wait3A_46 = tpu.memref_slice %arg3[%add3A, %dma_wait3A, %dma_wait3A_45] : memref<32x80x128xi32, #tpu.memory_space<hbm>> -> memref<1x80x128xi32, #tpu.memory_space<hbm>>
      %dma_wait3A_47 = tpu.memref_squeeze %dma_wait3A_46 : memref<1x80x128xi32, #tpu.memory_space<hbm>> -> memref<80x128xi32, #tpu.memory_space<hbm>>
      %dma_wait3A_48 = arith.constant 0 : i32
      %dma_wait3A_49 = arith.constant 0 : i32
      %dma_wait3A_50 = tpu.memref_slice %arg3[%add3A, %dma_wait3A_48, %dma_wait3A_49] : memref<32x80x128xi32, #tpu.memory_space<hbm>> -> memref<1x80x128xi32, #tpu.memory_space<hbm>>
      %dma_wait3A_51 = tpu.memref_squeeze %dma_wait3A_50 : memref<1x80x128xi32, #tpu.memory_space<hbm>> -> memref<80x128xi32, #tpu.memory_space<hbm>>
      tpu.wait_dma2 semaphore(%run_scoped3A_36 : memref<!tpu.dma_semaphore, #tpu.memory_space<semaphore_mem>>) src(%dma_wait3A_51 : memref<80x128xi32, #tpu.memory_space<hbm>>) dst(%arg7 : memref<80x128xi32, #tpu.memory_space<vmem>>)
      tpu.yield
    }) : () -> ()
    %broadcast_in_dim3A = arith.constant 0.000000e+00 : f32
    %broadcast_in_dim3A_1 = vector.broadcast %broadcast_in_dim3A : f32 to vector<16xf32>
    %scan3A = arith.constant 0 : i32
    %scan3A_2 = arith.constant 0 : i32
    %scan3A_3 = arith.constant 128 : i32
    %scan3A_4 = arith.addi %scan3A_2, %scan3A_3 : i32
    %scan3A_5 = arith.constant 1 : i32
    scf.for %scan3A_36 = %scan3A_2 to %scan3A_4 step %scan3A_5  : i32 {
      %swap3A = arith.index_cast %scan3A_36 : i32 to index
      %swap3A_37 = arith.constant 0 : index
      %swap3A_38 = tpu.vector_load %arg10[%swap3A, %swap3A_37] {strides = array<i32>} : memref<128x128xf32, #tpu.memory_space<vmem>>, vector<16xf32>,
      tpu.vector_store %arg10[%swap3A, %swap3A_37], %broadcast_in_dim3A_1 {strides = array<i32>} : memref<128x128xf32, #tpu.memory_space<vmem>>, vector<16xf32>,
      %swap3A_39 = arith.index_cast %scan3A_36 : i32 to index
      %swap3A_40 = arith.constant 16 : index
      %swap3A_41 = tpu.vector_load %arg10[%swap3A_39, %swap3A_40] {strides = array<i32>} : memref<128x128xf32, #tpu.memory_space<vmem>>, vector<16xf32>,
      tpu.vector_store %arg10[%swap3A_39, %swap3A_40], %broadcast_in_dim3A_1 {strides = array<i32>} : memref<128x128xf32, #tpu.memory_space<vmem>>, vector<16xf32>,
      %swap3A_42 = arith.index_cast %scan3A_36 : i32 to index
      %swap3A_43 = arith.constant 32 : index
      %swap3A_44 = tpu.vector_load %arg10[%swap3A_42, %swap3A_43] {strides = array<i32>} : memref<128x128xf32, #tpu.memory_space<vmem>>, vector<16xf32>,
      tpu.vector_store %arg10[%swap3A_42, %swap3A_43], %broadcast_in_dim3A_1 {strides = array<i32>} : memref<128x128xf32, #tpu.memory_space<vmem>>, vector<16xf32>,
      %swap3A_45 = arith.index_cast %scan3A_36 : i32 to index
      %swap3A_46 = arith.constant 48 : index
      %swap3A_47 = tpu.vector_load %arg10[%swap3A_45, %swap3A_46] {strides = array<i32>} : memref<128x128xf32, #tpu.memory_space<vmem>>, vector<16xf32>,
      tpu.vector_store %arg10[%swap3A_45, %swap3A_46], %broadcast_in_dim3A_1 {strides = array<i32>} : memref<128x128xf32, #tpu.memory_space<vmem>>, vector<16xf32>,
      %swap3A_48 = arith.index_cast %scan3A_36 : i32 to index
      %swap3A_49 = arith.constant 64 : index
      %swap3A_50 = tpu.vector_load %arg10[%swap3A_48, %swap3A_49] {strides = array<i32>} : memref<128x128xf32, #tpu.memory_space<vmem>>, vector<16xf32>,
      tpu.vector_store %arg10[%swap3A_48, %swap3A_49], %broadcast_in_dim3A_1 {strides = array<i32>} : memref<128x128xf32, #tpu.memory_space<vmem>>, vector<16xf32>,
      %swap3A_51 = arith.index_cast %scan3A_36 : i32 to index
      %swap3A_52 = arith.constant 80 : index
      %swap3A_53 = tpu.vector_load %arg10[%swap3A_51, %swap3A_52] {strides = array<i32>} : memref<128x128xf32, #tpu.memory_space<vmem>>, vector<16xf32>,
      tpu.vector_store %arg10[%swap3A_51, %swap3A_52], %broadcast_in_dim3A_1 {strides = array<i32>} : memref<128x128xf32, #tpu.memory_space<vmem>>, vector<16xf32>,
      %swap3A_54 = arith.index_cast %scan3A_36 : i32 to index
      %swap3A_55 = arith.constant 96 : index
      %swap3A_56 = tpu.vector_load %arg10[%swap3A_54, %swap3A_55] {strides = array<i32>} : memref<128x128xf32, #tpu.memory_space<vmem>>, vector<16xf32>,
      tpu.vector_store %arg10[%swap3A_54, %swap3A_55], %broadcast_in_dim3A_1 {strides = array<i32>} : memref<128x128xf32, #tpu.memory_space<vmem>>, vector<16xf32>,
      %swap3A_57 = arith.index_cast %scan3A_36 : i32 to index
      %swap3A_58 = arith.constant 112 : index
      %swap3A_59 = tpu.vector_load %arg10[%swap3A_57, %swap3A_58] {strides = array<i32>} : memref<128x128xf32, #tpu.memory_space<vmem>>, vector<16xf32>,
      tpu.vector_store %arg10[%swap3A_57, %swap3A_58], %broadcast_in_dim3A_1 {strides = array<i32>} : memref<128x128xf32, #tpu.memory_space<vmem>>, vector<16xf32>,
    }
    %scan3A_6 = arith.constant 128 : i32
    %mul3A_7 = arith.constant 640 : i32
    %mul3A_8 = arith.muli %arg1, %mul3A_7 : i32
    %add3A_9 = arith.constant 0 : i32
    %add3A_10 = arith.addi %mul3A_8, %add3A_9 : i32
    "tpu.region"() ({
      %run_scoped3A_36 = tpu.sem_alloc : memref<!tpu.dma_semaphore, #tpu.memory_space<semaphore_mem>>
      %dma_start3A_37 = arith.constant 0 : i32
      %dma_start3A_38 = arith.constant 0 : i32
      %dma_start3A_39 = tpu.memref_slice %arg10[%dma_start3A_37, %dma_start3A_38] : memref<128x128xf32, #tpu.memory_space<vmem>> -> memref<128x128xf32, #tpu.memory_space<vmem>>
      %dma_start3A_40 = arith.constant 0 : i32
      %dma_start3A_41 = tpu.memref_slice %arg12[%add3A_10, %dma_start3A_40] : memref<10240x128xf32, #tpu.memory_space<vmem_shared>> -> memref<128x128xf32, #tpu.memory_space<vmem_shared>>
      %dma_start3A_42 = arith.constant 0 : i32
      %dma_start3A_43 = tpu.memref_slice %arg12[%add3A_10, %dma_start3A_42] : memref<10240x128xf32, #tpu.memory_space<vmem_shared>> -> memref<128x128xf32, #tpu.memory_space<vmem_shared>>
      %dma_start3A_44 = arith.constant 0 : i32
      %dma_start3A_45 = arith.constant 0 : i32
      %dma_start3A_46 = tpu.memref_slice %arg10[%dma_start3A_44, %dma_start3A_45] : memref<128x128xf32, #tpu.memory_space<vmem>> -> memref<128x128xf32, #tpu.memory_space<vmem>>
      tpu.enqueue_dma source(%dma_start3A_46 : memref<128x128xf32, #tpu.memory_space<vmem>>) target(%dma_start3A_43 : memref<128x128xf32, #tpu.memory_space<vmem_shared>>) target_semaphore(%run_scoped3A_36 : memref<!tpu.dma_semaphore, #tpu.memory_space<semaphore_mem>>)
      %dma_wait3A = arith.constant 0 : i32
      %dma_wait3A_47 = arith.constant 0 : i32
      %dma_wait3A_48 = tpu.memref_slice %arg10[%dma_wait3A, %dma_wait3A_47] : memref<128x128xf32, #tpu.memory_space<vmem>> -> memref<128x128xf32, #tpu.memory_space<vmem>>
      %dma_wait3A_49 = arith.constant 0 : i32
      %dma_wait3A_50 = tpu.memref_slice %arg12[%add3A_10, %dma_wait3A_49] : memref<10240x128xf32, #tpu.memory_space<vmem_shared>> -> memref<128x128xf32, #tpu.memory_space<vmem_shared>>
      %dma_wait3A_51 = arith.constant 0 : i32
      %dma_wait3A_52 = tpu.memref_slice %arg12[%add3A_10, %dma_wait3A_51] : memref<10240x128xf32, #tpu.memory_space<vmem_shared>> -> memref<128x128xf32, #tpu.memory_space<vmem_shared>>
      %dma_wait3A_53 = arith.constant 0 : i32
      %dma_wait3A_54 = arith.constant 0 : i32
      %dma_wait3A_55 = tpu.memref_slice %arg10[%dma_wait3A_53, %dma_wait3A_54] : memref<128x128xf32, #tpu.memory_space<vmem>> -> memref<128x128xf32, #tpu.memory_space<vmem>>
      tpu.wait_dma2 semaphore(%run_scoped3A_36 : memref<!tpu.dma_semaphore, #tpu.memory_space<semaphore_mem>>) src(%dma_wait3A_55 : memref<128x128xf32, #tpu.memory_space<vmem>>) dst(%dma_wait3A_52 : memref<128x128xf32, #tpu.memory_space<vmem_shared>>)
      tpu.yield
    }) : () -> ()
    %add3A_11 = arith.constant 128 : i32
    %add3A_12 = arith.addi %mul3A_8, %add3A_11 : i32
    "tpu.region"() ({
      %run_scoped3A_36 = tpu.sem_alloc : memref<!tpu.dma_semaphore, #tpu.memory_space<semaphore_mem>>
      %dma_start3A_37 = arith.constant 0 : i32
      %dma_start3A_38 = arith.constant 0 : i32
      %dma_start3A_39 = tpu.memref_slice %arg10[%dma_start3A_37, %dma_start3A_38] : memref<128x128xf32, #tpu.memory_space<vmem>> -> memref<128x128xf32, #tpu.memory_space<vmem>>
      %dma_start3A_40 = arith.constant 0 : i32
      %dma_start3A_41 = tpu.memref_slice %arg12[%add3A_12, %dma_start3A_40] : memref<10240x128xf32, #tpu.memory_space<vmem_shared>> -> memref<128x128xf32, #tpu.memory_space<vmem_shared>>
      %dma_start3A_42 = arith.constant 0 : i32
      %dma_start3A_43 = tpu.memref_slice %arg12[%add3A_12, %dma_start3A_42] : memref<10240x128xf32, #tpu.memory_space<vmem_shared>> -> memref<128x128xf32, #tpu.memory_space<vmem_shared>>
      %dma_start3A_44 = arith.constant 0 : i32
      %dma_start3A_45 = arith.constant 0 : i32
      %dma_start3A_46 = tpu.memref_slice %arg10[%dma_start3A_44, %dma_start3A_45] : memref<128x128xf32, #tpu.memory_space<vmem>> -> memref<128x128xf32, #tpu.memory_space<vmem>>
      tpu.enqueue_dma source(%dma_start3A_46 : memref<128x128xf32, #tpu.memory_space<vmem>>) target(%dma_start3A_43 : memref<128x128xf32, #tpu.memory_space<vmem_shared>>) target_semaphore(%run_scoped3A_36 : memref<!tpu.dma_semaphore, #tpu.memory_space<semaphore_mem>>)
      %dma_wait3A = arith.constant 0 : i32
      %dma_wait3A_47 = arith.constant 0 : i32
      %dma_wait3A_48 = tpu.memref_slice %arg10[%dma_wait3A, %dma_wait3A_47] : memref<128x128xf32, #tpu.memory_space<vmem>> -> memref<128x128xf32, #tpu.memory_space<vmem>>
      %dma_wait3A_49 = arith.constant 0 : i32
      %dma_wait3A_50 = tpu.memref_slice %arg12[%add3A_12, %dma_wait3A_49] : memref<10240x128xf32, #tpu.memory_space<vmem_shared>> -> memref<128x128xf32, #tpu.memory_space<vmem_shared>>
      %dma_wait3A_51 = arith.constant 0 : i32
      %dma_wait3A_52 = tpu.memref_slice %arg12[%add3A_12, %dma_wait3A_51] : memref<10240x128xf32, #tpu.memory_space<vmem_shared>> -> memref<128x128xf32, #tpu.memory_space<vmem_shared>>
      %dma_wait3A_53 = arith.constant 0 : i32
      %dma_wait3A_54 = arith.constant 0 : i32
      %dma_wait3A_55 = tpu.memref_slice %arg10[%dma_wait3A_53, %dma_wait3A_54] : memref<128x128xf32, #tpu.memory_space<vmem>> -> memref<128x128xf32, #tpu.memory_space<vmem>>
      tpu.wait_dma2 semaphore(%run_scoped3A_36 : memref<!tpu.dma_semaphore, #tpu.memory_space<semaphore_mem>>) src(%dma_wait3A_55 : memref<128x128xf32, #tpu.memory_space<vmem>>) dst(%dma_wait3A_52 : memref<128x128xf32, #tpu.memory_space<vmem_shared>>)
      tpu.yield
    }) : () -> ()
    %add3A_13 = arith.constant 256 : i32
    %add3A_14 = arith.addi %mul3A_8, %add3A_13 : i32
    "tpu.region"() ({
      %run_scoped3A_36 = tpu.sem_alloc : memref<!tpu.dma_semaphore, #tpu.memory_space<semaphore_mem>>
      %dma_start3A_37 = arith.constant 0 : i32
      %dma_start3A_38 = arith.constant 0 : i32
      %dma_start3A_39 = tpu.memref_slice %arg10[%dma_start3A_37, %dma_start3A_38] : memref<128x128xf32, #tpu.memory_space<vmem>> -> memref<128x128xf32, #tpu.memory_space<vmem>>
      %dma_start3A_40 = arith.constant 0 : i32
      %dma_start3A_41 = tpu.memref_slice %arg12[%add3A_14, %dma_start3A_40] : memref<10240x128xf32, #tpu.memory_space<vmem_shared>> -> memref<128x128xf32, #tpu.memory_space<vmem_shared>>
      %dma_start3A_42 = arith.constant 0 : i32
      %dma_start3A_43 = tpu.memref_slice %arg12[%add3A_14, %dma_start3A_42] : memref<10240x128xf32, #tpu.memory_space<vmem_shared>> -> memref<128x128xf32, #tpu.memory_space<vmem_shared>>
      %dma_start3A_44 = arith.constant 0 : i32
      %dma_start3A_45 = arith.constant 0 : i32
      %dma_start3A_46 = tpu.memref_slice %arg10[%dma_start3A_44, %dma_start3A_45] : memref<128x128xf32, #tpu.memory_space<vmem>> -> memref<128x128xf32, #tpu.memory_space<vmem>>
      tpu.enqueue_dma source(%dma_start3A_46 : memref<128x128xf32, #tpu.memory_space<vmem>>) target(%dma_start3A_43 : memref<128x128xf32, #tpu.memory_space<vmem_shared>>) target_semaphore(%run_scoped3A_36 : memref<!tpu.dma_semaphore, #tpu.memory_space<semaphore_mem>>)
      %dma_wait3A = arith.constant 0 : i32
      %dma_wait3A_47 = arith.constant 0 : i32
      %dma_wait3A_48 = tpu.memref_slice %arg10[%dma_wait3A, %dma_wait3A_47] : memref<128x128xf32, #tpu.memory_space<vmem>> -> memref<128x128xf32, #tpu.memory_space<vmem>>
      %dma_wait3A_49 = arith.constant 0 : i32
      %dma_wait3A_50 = tpu.memref_slice %arg12[%add3A_14, %dma_wait3A_49] : memref<10240x128xf32, #tpu.memory_space<vmem_shared>> -> memref<128x128xf32, #tpu.memory_space<vmem_shared>>
      %dma_wait3A_51 = arith.constant 0 : i32
      %dma_wait3A_52 = tpu.memref_slice %arg12[%add3A_14, %dma_wait3A_51] : memref<10240x128xf32, #tpu.memory_space<vmem_shared>> -> memref<128x128xf32, #tpu.memory_space<vmem_shared>>
      %dma_wait3A_53 = arith.constant 0 : i32
      %dma_wait3A_54 = arith.constant 0 : i32
      %dma_wait3A_55 = tpu.memref_slice %arg10[%dma_wait3A_53, %dma_wait3A_54] : memref<128x128xf32, #tpu.memory_space<vmem>> -> memref<128x128xf32, #tpu.memory_space<vmem>>
      tpu.wait_dma2 semaphore(%run_scoped3A_36 : memref<!tpu.dma_semaphore, #tpu.memory_space<semaphore_mem>>) src(%dma_wait3A_55 : memref<128x128xf32, #tpu.memory_space<vmem>>) dst(%dma_wait3A_52 : memref<128x128xf32, #tpu.memory_space<vmem_shared>>)
      tpu.yield
    }) : () -> ()
    %add3A_15 = arith.constant 384 : i32
    %add3A_16 = arith.addi %mul3A_8, %add3A_15 : i32
    "tpu.region"() ({
      %run_scoped3A_36 = tpu.sem_alloc : memref<!tpu.dma_semaphore, #tpu.memory_space<semaphore_mem>>
      %dma_start3A_37 = arith.constant 0 : i32
      %dma_start3A_38 = arith.constant 0 : i32
      %dma_start3A_39 = tpu.memref_slice %arg10[%dma_start3A_37, %dma_start3A_38] : memref<128x128xf32, #tpu.memory_space<vmem>> -> memref<128x128xf32, #tpu.memory_space<vmem>>
      %dma_start3A_40 = arith.constant 0 : i32
      %dma_start3A_41 = tpu.memref_slice %arg12[%add3A_16, %dma_start3A_40] : memref<10240x128xf32, #tpu.memory_space<vmem_shared>> -> memref<128x128xf32, #tpu.memory_space<vmem_shared>>
      %dma_start3A_42 = arith.constant 0 : i32
      %dma_start3A_43 = tpu.memref_slice %arg12[%add3A_16, %dma_start3A_42] : memref<10240x128xf32, #tpu.memory_space<vmem_shared>> -> memref<128x128xf32, #tpu.memory_space<vmem_shared>>
      %dma_start3A_44 = arith.constant 0 : i32
      %dma_start3A_45 = arith.constant 0 : i32
      %dma_start3A_46 = tpu.memref_slice %arg10[%dma_start3A_44, %dma_start3A_45] : memref<128x128xf32, #tpu.memory_space<vmem>> -> memref<128x128xf32, #tpu.memory_space<vmem>>
      tpu.enqueue_dma source(%dma_start3A_46 : memref<128x128xf32, #tpu.memory_space<vmem>>) target(%dma_start3A_43 : memref<128x128xf32, #tpu.memory_space<vmem_shared>>) target_semaphore(%run_scoped3A_36 : memref<!tpu.dma_semaphore, #tpu.memory_space<semaphore_mem>>)
      %dma_wait3A = arith.constant 0 : i32
      %dma_wait3A_47 = arith.constant 0 : i32
      %dma_wait3A_48 = tpu.memref_slice %arg10[%dma_wait3A, %dma_wait3A_47] : memref<128x128xf32, #tpu.memory_space<vmem>> -> memref<128x128xf32, #tpu.memory_space<vmem>>
      %dma_wait3A_49 = arith.constant 0 : i32
      %dma_wait3A_50 = tpu.memref_slice %arg12[%add3A_16, %dma_wait3A_49] : memref<10240x128xf32, #tpu.memory_space<vmem_shared>> -> memref<128x128xf32, #tpu.memory_space<vmem_shared>>
      %dma_wait3A_51 = arith.constant 0 : i32
      %dma_wait3A_52 = tpu.memref_slice %arg12[%add3A_16, %dma_wait3A_51] : memref<10240x128xf32, #tpu.memory_space<vmem_shared>> -> memref<128x128xf32, #tpu.memory_space<vmem_shared>>
      %dma_wait3A_53 = arith.constant 0 : i32
      %dma_wait3A_54 = arith.constant 0 : i32
      %dma_wait3A_55 = tpu.memref_slice %arg10[%dma_wait3A_53, %dma_wait3A_54] : memref<128x128xf32, #tpu.memory_space<vmem>> -> memref<128x128xf32, #tpu.memory_space<vmem>>
      tpu.wait_dma2 semaphore(%run_scoped3A_36 : memref<!tpu.dma_semaphore, #tpu.memory_space<semaphore_mem>>) src(%dma_wait3A_55 : memref<128x128xf32, #tpu.memory_space<vmem>>) dst(%dma_wait3A_52 : memref<128x128xf32, #tpu.memory_space<vmem_shared>>)
      tpu.yield
    }) : () -> ()
    %add3A_17 = arith.constant 512 : i32
    %add3A_18 = arith.addi %mul3A_8, %add3A_17 : i32
    "tpu.region"() ({
      %run_scoped3A_36 = tpu.sem_alloc : memref<!tpu.dma_semaphore, #tpu.memory_space<semaphore_mem>>
      %dma_start3A_37 = arith.constant 0 : i32
      %dma_start3A_38 = arith.constant 0 : i32
      %dma_start3A_39 = tpu.memref_slice %arg10[%dma_start3A_37, %dma_start3A_38] : memref<128x128xf32, #tpu.memory_space<vmem>> -> memref<128x128xf32, #tpu.memory_space<vmem>>
      %dma_start3A_40 = arith.constant 0 : i32
      %dma_start3A_41 = tpu.memref_slice %arg12[%add3A_18, %dma_start3A_40] : memref<10240x128xf32, #tpu.memory_space<vmem_shared>> -> memref<128x128xf32, #tpu.memory_space<vmem_shared>>
      %dma_start3A_42 = arith.constant 0 : i32
      %dma_start3A_43 = tpu.memref_slice %arg12[%add3A_18, %dma_start3A_42] : memref<10240x128xf32, #tpu.memory_space<vmem_shared>> -> memref<128x128xf32, #tpu.memory_space<vmem_shared>>
      %dma_start3A_44 = arith.constant 0 : i32
      %dma_start3A_45 = arith.constant 0 : i32
      %dma_start3A_46 = tpu.memref_slice %arg10[%dma_start3A_44, %dma_start3A_45] : memref<128x128xf32, #tpu.memory_space<vmem>> -> memref<128x128xf32, #tpu.memory_space<vmem>>
      tpu.enqueue_dma source(%dma_start3A_46 : memref<128x128xf32, #tpu.memory_space<vmem>>) target(%dma_start3A_43 : memref<128x128xf32, #tpu.memory_space<vmem_shared>>) target_semaphore(%run_scoped3A_36 : memref<!tpu.dma_semaphore, #tpu.memory_space<semaphore_mem>>)
      %dma_wait3A = arith.constant 0 : i32
      %dma_wait3A_47 = arith.constant 0 : i32
      %dma_wait3A_48 = tpu.memref_slice %arg10[%dma_wait3A, %dma_wait3A_47] : memref<128x128xf32, #tpu.memory_space<vmem>> -> memref<128x128xf32, #tpu.memory_space<vmem>>
      %dma_wait3A_49 = arith.constant 0 : i32
      %dma_wait3A_50 = tpu.memref_slice %arg12[%add3A_18, %dma_wait3A_49] : memref<10240x128xf32, #tpu.memory_space<vmem_shared>> -> memref<128x128xf32, #tpu.memory_space<vmem_shared>>
      %dma_wait3A_51 = arith.constant 0 : i32
      %dma_wait3A_52 = tpu.memref_slice %arg12[%add3A_18, %dma_wait3A_51] : memref<10240x128xf32, #tpu.memory_space<vmem_shared>> -> memref<128x128xf32, #tpu.memory_space<vmem_shared>>
      %dma_wait3A_53 = arith.constant 0 : i32
      %dma_wait3A_54 = arith.constant 0 : i32
      %dma_wait3A_55 = tpu.memref_slice %arg10[%dma_wait3A_53, %dma_wait3A_54] : memref<128x128xf32, #tpu.memory_space<vmem>> -> memref<128x128xf32, #tpu.memory_space<vmem>>
      tpu.wait_dma2 semaphore(%run_scoped3A_36 : memref<!tpu.dma_semaphore, #tpu.memory_space<semaphore_mem>>) src(%dma_wait3A_55 : memref<128x128xf32, #tpu.memory_space<vmem>>) dst(%dma_wait3A_52 : memref<128x128xf32, #tpu.memory_space<vmem_shared>>)
      tpu.yield
    }) : () -> ()
    %barrier3A = arith.constant 0 : index
    tpu.barrier barrier_id(%barrier3A)
    %run_scoped3A = arith.constant 0 : i32
    "tpu.region"() ({
      %run_scoped3A_36 = tpu.sem_alloc : memref<!tpu.dma_semaphore, #tpu.memory_space<semaphore_mem>>
      %dma_start3A_37 = arith.constant 0 : i32
      %dma_start3A_38 = arith.constant 0 : i32
      %dma_start3A_39 = tpu.memref_slice %arg8[%run_scoped3A, %dma_start3A_37, %dma_start3A_38] : memref<2x8x128xi32, #tpu.memory_space<vmem>> -> memref<1x8x128xi32, #tpu.memory_space<vmem>>
      %dma_start3A_40 = tpu.memref_squeeze %dma_start3A_39 : memref<1x8x128xi32, #tpu.memory_space<vmem>> -> memref<8x128xi32, #tpu.memory_space<vmem>>
      %dma_start3A_41 = arith.constant 0 : i32
      %dma_start3A_42 = arith.constant 0 : i32
      %dma_start3A_43 = tpu.memref_slice %arg4[%add3A, %dma_start3A_41, %dma_start3A_42] : memref<32x80x128xi32, #tpu.memory_space<hbm>> -> memref<1x8x128xi32, #tpu.memory_space<hbm>>
      %dma_start3A_44 = tpu.memref_squeeze %dma_start3A_43 : memref<1x8x128xi32, #tpu.memory_space<hbm>> -> memref<8x128xi32, #tpu.memory_space<hbm>>
      %dma_start3A_45 = arith.constant 0 : i32
      %dma_start3A_46 = arith.constant 0 : i32
      %dma_start3A_47 = tpu.memref_slice %arg8[%run_scoped3A, %dma_start3A_45, %dma_start3A_46] : memref<2x8x128xi32, #tpu.memory_space<vmem>> -> memref<1x8x128xi32, #tpu.memory_space<vmem>>
      %dma_start3A_48 = tpu.memref_squeeze %dma_start3A_47 : memref<1x8x128xi32, #tpu.memory_space<vmem>> -> memref<8x128xi32, #tpu.memory_space<vmem>>
      %dma_start3A_49 = arith.constant 0 : i32
      %dma_start3A_50 = arith.constant 0 : i32
      %dma_start3A_51 = tpu.memref_slice %arg4[%add3A, %dma_start3A_49, %dma_start3A_50] : memref<32x80x128xi32, #tpu.memory_space<hbm>> -> memref<1x8x128xi32, #tpu.memory_space<hbm>>
      %dma_start3A_52 = tpu.memref_squeeze %dma_start3A_51 : memref<1x8x128xi32, #tpu.memory_space<hbm>> -> memref<8x128xi32, #tpu.memory_space<hbm>>
      tpu.enqueue_dma source(%dma_start3A_52 : memref<8x128xi32, #tpu.memory_space<hbm>>) target(%dma_start3A_48 : memref<8x128xi32, #tpu.memory_space<vmem>>) target_semaphore(%run_scoped3A_36 : memref<!tpu.dma_semaphore, #tpu.memory_space<semaphore_mem>>)
      %dma_wait3A = arith.constant 0 : i32
      %dma_wait3A_53 = arith.constant 0 : i32
      %dma_wait3A_54 = tpu.memref_slice %arg8[%run_scoped3A, %dma_wait3A, %dma_wait3A_53] : memref<2x8x128xi32, #tpu.memory_space<vmem>> -> memref<1x8x128xi32, #tpu.memory_space<vmem>>
      %dma_wait3A_55 = tpu.memref_squeeze %dma_wait3A_54 : memref<1x8x128xi32, #tpu.memory_space<vmem>> -> memref<8x128xi32, #tpu.memory_space<vmem>>
      %dma_wait3A_56 = arith.constant 0 : i32
      %dma_wait3A_57 = arith.constant 0 : i32
      %dma_wait3A_58 = tpu.memref_slice %arg4[%add3A, %dma_wait3A_56, %dma_wait3A_57] : memref<32x80x128xi32, #tpu.memory_space<hbm>> -> memref<1x8x128xi32, #tpu.memory_space<hbm>>
      %dma_wait3A_59 = tpu.memref_squeeze %dma_wait3A_58 : memref<1x8x128xi32, #tpu.memory_space<hbm>> -> memref<8x128xi32, #tpu.memory_space<hbm>>
      %dma_wait3A_60 = arith.constant 0 : i32
      %dma_wait3A_61 = arith.constant 0 : i32
      %dma_wait3A_62 = tpu.memref_slice %arg8[%run_scoped3A, %dma_wait3A_60, %dma_wait3A_61] : memref<2x8x128xi32, #tpu.memory_space<vmem>> -> memref<1x8x128xi32, #tpu.memory_space<vmem>>
      %dma_wait3A_63 = tpu.memref_squeeze %dma_wait3A_62 : memref<1x8x128xi32, #tpu.memory_space<vmem>> -> memref<8x128xi32, #tpu.memory_space<vmem>>
      %dma_wait3A_64 = arith.constant 0 : i32
      %dma_wait3A_65 = arith.constant 0 : i32
      %dma_wait3A_66 = tpu.memref_slice %arg4[%add3A, %dma_wait3A_64, %dma_wait3A_65] : memref<32x80x128xi32, #tpu.memory_space<hbm>> -> memref<1x8x128xi32, #tpu.memory_space<hbm>>
      %dma_wait3A_67 = tpu.memref_squeeze %dma_wait3A_66 : memref<1x8x128xi32, #tpu.memory_space<hbm>> -> memref<8x128xi32, #tpu.memory_space<hbm>>
      tpu.wait_dma2 semaphore(%run_scoped3A_36 : memref<!tpu.dma_semaphore, #tpu.memory_space<semaphore_mem>>) src(%dma_wait3A_67 : memref<8x128xi32, #tpu.memory_space<hbm>>) dst(%dma_wait3A_63 : memref<8x128xi32, #tpu.memory_space<vmem>>)
      tpu.yield
    }) : () -> ()
    %run_scoped3A_19 = arith.constant 0 : i32
    "tpu.region"() ({
      %run_scoped3A_36 = tpu.sem_alloc : memref<!tpu.dma_semaphore, #tpu.memory_space<semaphore_mem>>
      %dma_start3A_37 = arith.constant 0 : i32
      %dma_start3A_38 = arith.constant 0 : i32
      %dma_start3A_39 = tpu.memref_slice %arg9[%run_scoped3A_19, %dma_start3A_37, %dma_start3A_38] : memref<2x8x128xf32, #tpu.memory_space<vmem>> -> memref<1x8x128xf32, #tpu.memory_space<vmem>>
      %dma_start3A_40 = tpu.memref_squeeze %dma_start3A_39 : memref<1x8x128xf32, #tpu.memory_space<vmem>> -> memref<8x128xf32, #tpu.memory_space<vmem>>
      %dma_start3A_41 = arith.constant 0 : i32
      %dma_start3A_42 = arith.constant 0 : i32
      %dma_start3A_43 = tpu.memref_slice %arg5[%add3A, %dma_start3A_41, %dma_start3A_42] : memref<32x80x128xf32, #tpu.memory_space<hbm>> -> memref<1x8x128xf32, #tpu.memory_space<hbm>>
      %dma_start3A_44 = tpu.memref_squeeze %dma_start3A_43 : memref<1x8x128xf32, #tpu.memory_space<hbm>> -> memref<8x128xf32, #tpu.memory_space<hbm>>
      %dma_start3A_45 = arith.constant 0 : i32
      %dma_start3A_46 = arith.constant 0 : i32
      %dma_start3A_47 = tpu.memref_slice %arg9[%run_scoped3A_19, %dma_start3A_45, %dma_start3A_46] : memref<2x8x128xf32, #tpu.memory_space<vmem>> -> memref<1x8x128xf32, #tpu.memory_space<vmem>>
      %dma_start3A_48 = tpu.memref_squeeze %dma_start3A_47 : memref<1x8x128xf32, #tpu.memory_space<vmem>> -> memref<8x128xf32, #tpu.memory_space<vmem>>
      %dma_start3A_49 = arith.constant 0 : i32
      %dma_start3A_50 = arith.constant 0 : i32
      %dma_start3A_51 = tpu.memref_slice %arg5[%add3A, %dma_start3A_49, %dma_start3A_50] : memref<32x80x128xf32, #tpu.memory_space<hbm>> -> memref<1x8x128xf32, #tpu.memory_space<hbm>>
      %dma_start3A_52 = tpu.memref_squeeze %dma_start3A_51 : memref<1x8x128xf32, #tpu.memory_space<hbm>> -> memref<8x128xf32, #tpu.memory_space<hbm>>
      tpu.enqueue_dma source(%dma_start3A_52 : memref<8x128xf32, #tpu.memory_space<hbm>>) target(%dma_start3A_48 : memref<8x128xf32, #tpu.memory_space<vmem>>) target_semaphore(%run_scoped3A_36 : memref<!tpu.dma_semaphore, #tpu.memory_space<semaphore_mem>>)
      %dma_wait3A = arith.constant 0 : i32
      %dma_wait3A_53 = arith.constant 0 : i32
      %dma_wait3A_54 = tpu.memref_slice %arg9[%run_scoped3A_19, %dma_wait3A, %dma_wait3A_53] : memref<2x8x128xf32, #tpu.memory_space<vmem>> -> memref<1x8x128xf32, #tpu.memory_space<vmem>>
      %dma_wait3A_55 = tpu.memref_squeeze %dma_wait3A_54 : memref<1x8x128xf32, #tpu.memory_space<vmem>> -> memref<8x128xf32, #tpu.memory_space<vmem>>
      %dma_wait3A_56 = arith.constant 0 : i32
      %dma_wait3A_57 = arith.constant 0 : i32
      %dma_wait3A_58 = tpu.memref_slice %arg5[%add3A, %dma_wait3A_56, %dma_wait3A_57] : memref<32x80x128xf32, #tpu.memory_space<hbm>> -> memref<1x8x128xf32, #tpu.memory_space<hbm>>
      %dma_wait3A_59 = tpu.memref_squeeze %dma_wait3A_58 : memref<1x8x128xf32, #tpu.memory_space<hbm>> -> memref<8x128xf32, #tpu.memory_space<hbm>>
      %dma_wait3A_60 = arith.constant 0 : i32
      %dma_wait3A_61 = arith.constant 0 : i32
      %dma_wait3A_62 = tpu.memref_slice %arg9[%run_scoped3A_19, %dma_wait3A_60, %dma_wait3A_61] : memref<2x8x128xf32, #tpu.memory_space<vmem>> -> memref<1x8x128xf32, #tpu.memory_space<vmem>>
      %dma_wait3A_63 = tpu.memref_squeeze %dma_wait3A_62 : memref<1x8x128xf32, #tpu.memory_space<vmem>> -> memref<8x128xf32, #tpu.memory_space<vmem>>
      %dma_wait3A_64 = arith.constant 0 : i32
      %dma_wait3A_65 = arith.constant 0 : i32
      %dma_wait3A_66 = tpu.memref_slice %arg5[%add3A, %dma_wait3A_64, %dma_wait3A_65] : memref<32x80x128xf32, #tpu.memory_space<hbm>> -> memref<1x8x128xf32, #tpu.memory_space<hbm>>
      %dma_wait3A_67 = tpu.memref_squeeze %dma_wait3A_66 : memref<1x8x128xf32, #tpu.memory_space<hbm>> -> memref<8x128xf32, #tpu.memory_space<hbm>>
      tpu.wait_dma2 semaphore(%run_scoped3A_36 : memref<!tpu.dma_semaphore, #tpu.memory_space<semaphore_mem>>) src(%dma_wait3A_67 : memref<8x128xf32, #tpu.memory_space<hbm>>) dst(%dma_wait3A_63 : memref<8x128xf32, #tpu.memory_space<vmem>>)
      tpu.yield
    }) : () -> ()
    %dma_start3A = arith.constant 0 : i32
    %dma_start3A_20 = arith.constant 0 : i32
    %dma_start3A_21 = tpu.memref_slice %arg7[%dma_start3A, %dma_start3A_20] : memref<80x128xi32, #tpu.memory_space<vmem>> -> memref<1x128xi32, #tpu.memory_space<vmem>>
    %dma_start3A_22 = tpu.memref_squeeze %dma_start3A_21 : memref<1x128xi32, #tpu.memory_space<vmem>> -> memref<128xi32, #tpu.memory_space<vmem>>
    %dma_start3A_23 = arith.constant 0 : i32
    %dma_start3A_24 = arith.constant 0 : i32
    %dma_start3A_25 = tpu.memref_slice %arg2[%dma_start3A_23, %dma_start3A_24] : memref<10000x128xf32, #tpu.memory_space<hbm>> -> memref<10000x128xf32, #tpu.memory_space<hbm>>
    tpu.enqueue_indirect_dma source(%dma_start3A_25 : memref<10000x128xf32, #tpu.memory_space<hbm>>) target(%arg10 : memref<128x128xf32, #tpu.memory_space<vmem>>) offsets(%dma_start3A_22 : memref<128xi32, #tpu.memory_space<vmem>>) semaphore(%arg13 : memref<!tpu.dma_semaphore, #tpu.memory_space<semaphore_mem>>)
    %scan3A_26 = arith.constant 0 : i32
    %scan3A_27 = arith.constant 0 : i32
    %scan3A_28 = arith.constant 10 : i32
    %scan3A_29 = arith.addi %scan3A_27, %scan3A_28 : i32
    %scan3A_30 = arith.constant 1 : i32
    scf.for %scan3A_36 = %scan3A_27 to %scan3A_29 step %scan3A_30  : i32 {
      %rem3A = arith.constant 2 : i32
      %rem3A_37 = arith.remsi %scan3A_36, %rem3A : i32
      %add3A_38 = arith.constant 1 : i32
      %add3A_39 = arith.addi %scan3A_36, %add3A_38 : i32
      %lt3A = arith.constant 10 : i32
      %lt3A_40 = arith.cmpi slt, %add3A_39, %lt3A : i32
      %convert_element_type3A = arith.extui %lt3A_40 : i1 to i32
      %cond3A = arith.constant 0 : i32
      %cond3A_41 = arith.cmpi ne, %convert_element_type3A, %cond3A : i32
      scf.if %cond3A_41 {
        %add3A_247 = arith.constant 1 : i32
        %add3A_248 = arith.addi %scan3A_36, %add3A_247 : i32
        %mul3A_249 = arith.constant 8 : i32
        %mul3A_250 = arith.muli %add3A_248, %mul3A_249 : i32
        %sub3A = arith.constant 1 : i32
        %sub3A_251 = arith.subi %sub3A, %rem3A_37 : i32
        %dma_start3A_252 = arith.constant 0 : i32
        %dma_start3A_253 = arith.constant 0 : i32
        %dma_start3A_254 = tpu.memref_slice %arg8[%sub3A_251, %dma_start3A_252, %dma_start3A_253] : memref<2x8x128xi32, #tpu.memory_space<vmem>> -> memref<1x8x128xi32, #tpu.memory_space<vmem>>
        %dma_start3A_255 = tpu.memref_squeeze %dma_start3A_254 : memref<1x8x128xi32, #tpu.memory_space<vmem>> -> memref<8x128xi32, #tpu.memory_space<vmem>>
        %dma_start3A_256 = arith.constant 0 : i32
        %dma_start3A_257 = tpu.memref_slice %arg4[%add3A, %mul3A_250, %dma_start3A_256] : memref<32x80x128xi32, #tpu.memory_space<hbm>> -> memref<1x8x128xi32, #tpu.memory_space<hbm>>
        %dma_start3A_258 = tpu.memref_squeeze %dma_start3A_257 : memref<1x8x128xi32, #tpu.memory_space<hbm>> -> memref<8x128xi32, #tpu.memory_space<hbm>>
        %dma_start3A_259 = arith.constant 0 : i32
        %dma_start3A_260 = arith.constant 0 : i32
        %dma_start3A_261 = tpu.memref_slice %arg8[%sub3A_251, %dma_start3A_259, %dma_start3A_260] : memref<2x8x128xi32, #tpu.memory_space<vmem>> -> memref<1x8x128xi32, #tpu.memory_space<vmem>>
        %dma_start3A_262 = tpu.memref_squeeze %dma_start3A_261 : memref<1x8x128xi32, #tpu.memory_space<vmem>> -> memref<8x128xi32, #tpu.memory_space<vmem>>
        %dma_start3A_263 = arith.constant 0 : i32
        %dma_start3A_264 = tpu.memref_slice %arg4[%add3A, %mul3A_250, %dma_start3A_263] : memref<32x80x128xi32, #tpu.memory_space<hbm>> -> memref<1x8x128xi32, #tpu.memory_space<hbm>>
        %dma_start3A_265 = tpu.memref_squeeze %dma_start3A_264 : memref<1x8x128xi32, #tpu.memory_space<hbm>> -> memref<8x128xi32, #tpu.memory_space<hbm>>
        tpu.enqueue_dma source(%dma_start3A_265 : memref<8x128xi32, #tpu.memory_space<hbm>>) target(%dma_start3A_262 : memref<8x128xi32, #tpu.memory_space<vmem>>) target_semaphore(%arg15 : memref<!tpu.dma_semaphore, #tpu.memory_space<semaphore_mem>>)
        %sub3A_266 = arith.constant 1 : i32
        %sub3A_267 = arith.subi %sub3A_266, %rem3A_37 : i32
        %dma_start3A_268 = arith.constant 0 : i32
        %dma_start3A_269 = arith.constant 0 : i32
        %dma_start3A_270 = tpu.memref_slice %arg9[%sub3A_267, %dma_start3A_268, %dma_start3A_269] : memref<2x8x128xf32, #tpu.memory_space<vmem>> -> memref<1x8x128xf32, #tpu.memory_space<vmem>>
        %dma_start3A_271 = tpu.memref_squeeze %dma_start3A_270 : memref<1x8x128xf32, #tpu.memory_space<vmem>> -> memref<8x128xf32, #tpu.memory_space<vmem>>
        %dma_start3A_272 = arith.constant 0 : i32
        %dma_start3A_273 = tpu.memref_slice %arg5[%add3A, %mul3A_250, %dma_start3A_272] : memref<32x80x128xf32, #tpu.memory_space<hbm>> -> memref<1x8x128xf32, #tpu.memory_space<hbm>>
        %dma_start3A_274 = tpu.memref_squeeze %dma_start3A_273 : memref<1x8x128xf32, #tpu.memory_space<hbm>> -> memref<8x128xf32, #tpu.memory_space<hbm>>
        %dma_start3A_275 = arith.constant 0 : i32
        %dma_start3A_276 = arith.constant 0 : i32
        %dma_start3A_277 = tpu.memref_slice %arg9[%sub3A_267, %dma_start3A_275, %dma_start3A_276] : memref<2x8x128xf32, #tpu.memory_space<vmem>> -> memref<1x8x128xf32, #tpu.memory_space<vmem>>
        %dma_start3A_278 = tpu.memref_squeeze %dma_start3A_277 : memref<1x8x128xf32, #tpu.memory_space<vmem>> -> memref<8x128xf32, #tpu.memory_space<vmem>>
        %dma_start3A_279 = arith.constant 0 : i32
        %dma_start3A_280 = tpu.memref_slice %arg5[%add3A, %mul3A_250, %dma_start3A_279] : memref<32x80x128xf32, #tpu.memory_space<hbm>> -> memref<1x8x128xf32, #tpu.memory_space<hbm>>
        %dma_start3A_281 = tpu.memref_squeeze %dma_start3A_280 : memref<1x8x128xf32, #tpu.memory_space<hbm>> -> memref<8x128xf32, #tpu.memory_space<hbm>>
        tpu.enqueue_dma source(%dma_start3A_281 : memref<8x128xf32, #tpu.memory_space<hbm>>) target(%dma_start3A_278 : memref<8x128xf32, #tpu.memory_space<vmem>>) target_semaphore(%arg15 : memref<!tpu.dma_semaphore, #tpu.memory_space<semaphore_mem>>)
      } else {
      }
      %mul3A_42 = arith.constant 8 : i32
      %mul3A_43 = arith.muli %scan3A_36, %mul3A_42 : i32
      %add3A_44 = arith.constant 0 : i32
      %add3A_45 = arith.addi %mul3A_43, %add3A_44 : i32
      %add3A_46 = arith.constant 1 : i32
      %add3A_47 = arith.addi %add3A_45, %add3A_46 : i32
      %dma_start3A_48 = arith.constant 0 : i32
      %dma_start3A_49 = tpu.memref_slice %arg7[%add3A_47, %dma_start3A_48] : memref<80x128xi32, #tpu.memory_space<vmem>> -> memref<1x128xi32, #tpu.memory_space<vmem>>
      %dma_start3A_50 = tpu.memref_squeeze %dma_start3A_49 : memref<1x128xi32, #tpu.memory_space<vmem>> -> memref<128xi32, #tpu.memory_space<vmem>>
      %dma_start3A_51 = arith.constant 0 : i32
      %dma_start3A_52 = arith.constant 0 : i32
      %dma_start3A_53 = tpu.memref_slice %arg2[%dma_start3A_51, %dma_start3A_52] : memref<10000x128xf32, #tpu.memory_space<hbm>> -> memref<10000x128xf32, #tpu.memory_space<hbm>>
      tpu.enqueue_indirect_dma source(%dma_start3A_53 : memref<10000x128xf32, #tpu.memory_space<hbm>>) target(%arg11 : memref<128x128xf32, #tpu.memory_space<vmem>>) offsets(%dma_start3A_50 : memref<128xi32, #tpu.memory_space<vmem>>) semaphore(%arg14 : memref<!tpu.dma_semaphore, #tpu.memory_space<semaphore_mem>>)
      %dma_wait3A = arith.constant 0 : i32
      %dma_wait3A_54 = tpu.memref_slice %arg7[%add3A_45, %dma_wait3A] : memref<80x128xi32, #tpu.memory_space<vmem>> -> memref<1x128xi32, #tpu.memory_space<vmem>>
      %dma_wait3A_55 = tpu.memref_squeeze %dma_wait3A_54 : memref<1x128xi32, #tpu.memory_space<vmem>> -> memref<128xi32, #tpu.memory_space<vmem>>
      %dma_wait3A_56 = arith.constant 0 : i32
      %dma_wait3A_57 = arith.constant 0 : i32
      %dma_wait3A_58 = tpu.memref_slice %arg2[%dma_wait3A_56, %dma_wait3A_57] : memref<10000x128xf32, #tpu.memory_space<hbm>> -> memref<10000x128xf32, #tpu.memory_space<hbm>>
      tpu.wait_indirect_dma semaphore(%arg13 : memref<!tpu.dma_semaphore, #tpu.memory_space<semaphore_mem>>) src(%dma_wait3A_58 : memref<10000x128xf32, #tpu.memory_space<hbm>>) dst(%arg10 : memref<128x128xf32, #tpu.memory_space<vmem>>)
      %scan3A_59 = arith.constant 0 : i32
      %scan3A_60 = arith.constant 0 : i32
      %scan3A_61 = arith.constant 128 : i32
      %scan3A_62 = arith.addi %scan3A_60, %scan3A_61 : i32
      %scan3A_63 = arith.constant 1 : i32
      scf.for %scan3A_247 = %scan3A_60 to %scan3A_62 step %scan3A_63  : i32 {
        %broadcast_in_dim3A_248 = vector.broadcast %rem3A_37 : i32 to vector<16xi32>
        %broadcast_in_dim3A_249 = arith.constant 0 : i32
        %broadcast_in_dim3A_250 = vector.broadcast %broadcast_in_dim3A_249 : i32 to vector<16xi32>
        %broadcast_in_dim3A_251 = vector.broadcast %scan3A_247 : i32 to vector<16xi32>
        %gather3A = tpu.vector_load_idx %arg9[%broadcast_in_dim3A_248, %broadcast_in_dim3A_250, %broadcast_in_dim3A_251] : memref<2x8x128xf32, #tpu.memory_space<vmem>>[vector<16xi32>, vector<16xi32>, vector<16xi32>], vector<16xf32>,
        %get3A = arith.index_cast %scan3A_247 : i32 to index
        %get3A_252 = arith.constant 0 : index
        %get3A_253 = tpu.vector_load %arg10[%get3A, %get3A_252] {strides = array<i32>} : memref<128x128xf32, #tpu.memory_space<vmem>>, vector<16xf32>,
        %mul3A_254 = arith.mulf %get3A_253, %gather3A : vector<16xf32>
        %swap3A = arith.index_cast %scan3A_247 : i32 to index
        %swap3A_255 = arith.constant 0 : index
        %swap3A_256 = tpu.vector_load %arg10[%swap3A, %swap3A_255] {strides = array<i32>} : memref<128x128xf32, #tpu.memory_space<vmem>>, vector<16xf32>,
        tpu.vector_store %arg10[%swap3A, %swap3A_255], %mul3A_254 {strides = array<i32>} : memref<128x128xf32, #tpu.memory_space<vmem>>, vector<16xf32>,
        %get3A_257 = arith.index_cast %scan3A_247 : i32 to index
        %get3A_258 = arith.constant 16 : index
        %get3A_259 = tpu.vector_load %arg10[%get3A_257, %get3A_258] {strides = array<i32>} : memref<128x128xf32, #tpu.memory_space<vmem>>, vector<16xf32>,
        %mul3A_260 = arith.mulf %get3A_259, %gather3A : vector<16xf32>
        %swap3A_261 = arith.index_cast %scan3A_247 : i32 to index
        %swap3A_262 = arith.constant 16 : index
        %swap3A_263 = tpu.vector_load %arg10[%swap3A_261, %swap3A_262] {strides = array<i32>} : memref<128x128xf32, #tpu.memory_space<vmem>>, vector<16xf32>,
        tpu.vector_store %arg10[%swap3A_261, %swap3A_262], %mul3A_260 {strides = array<i32>} : memref<128x128xf32, #tpu.memory_space<vmem>>, vector<16xf32>,
        %get3A_264 = arith.index_cast %scan3A_247 : i32 to index
        %get3A_265 = arith.constant 32 : index
        %get3A_266 = tpu.vector_load %arg10[%get3A_264, %get3A_265] {strides = array<i32>} : memref<128x128xf32, #tpu.memory_space<vmem>>, vector<16xf32>,
        %mul3A_267 = arith.mulf %get3A_266, %gather3A : vector<16xf32>
        %swap3A_268 = arith.index_cast %scan3A_247 : i32 to index
        %swap3A_269 = arith.constant 32 : index
        %swap3A_270 = tpu.vector_load %arg10[%swap3A_268, %swap3A_269] {strides = array<i32>} : memref<128x128xf32, #tpu.memory_space<vmem>>, vector<16xf32>,
        tpu.vector_store %arg10[%swap3A_268, %swap3A_269], %mul3A_267 {strides = array<i32>} : memref<128x128xf32, #tpu.memory_space<vmem>>, vector<16xf32>,
        %get3A_271 = arith.index_cast %scan3A_247 : i32 to index
        %get3A_272 = arith.constant 48 : index
        %get3A_273 = tpu.vector_load %arg10[%get3A_271, %get3A_272] {strides = array<i32>} : memref<128x128xf32, #tpu.memory_space<vmem>>, vector<16xf32>,
        %mul3A_274 = arith.mulf %get3A_273, %gather3A : vector<16xf32>
        %swap3A_275 = arith.index_cast %scan3A_247 : i32 to index
        %swap3A_276 = arith.constant 48 : index
        %swap3A_277 = tpu.vector_load %arg10[%swap3A_275, %swap3A_276] {strides = array<i32>} : memref<128x128xf32, #tpu.memory_space<vmem>>, vector<16xf32>,
        tpu.vector_store %arg10[%swap3A_275, %swap3A_276], %mul3A_274 {strides = array<i32>} : memref<128x128xf32, #tpu.memory_space<vmem>>, vector<16xf32>,
        %get3A_278 = arith.index_cast %scan3A_247 : i32 to index
        %get3A_279 = arith.constant 64 : index
        %get3A_280 = tpu.vector_load %arg10[%get3A_278, %get3A_279] {strides = array<i32>} : memref<128x128xf32, #tpu.memory_space<vmem>>, vector<16xf32>,
        %mul3A_281 = arith.mulf %get3A_280, %gather3A : vector<16xf32>
        %swap3A_282 = arith.index_cast %scan3A_247 : i32 to index
        %swap3A_283 = arith.constant 64 : index
        %swap3A_284 = tpu.vector_load %arg10[%swap3A_282, %swap3A_283] {strides = array<i32>} : memref<128x128xf32, #tpu.memory_space<vmem>>, vector<16xf32>,
        tpu.vector_store %arg10[%swap3A_282, %swap3A_283], %mul3A_281 {strides = array<i32>} : memref<128x128xf32, #tpu.memory_space<vmem>>, vector<16xf32>,
        %get3A_285 = arith.index_cast %scan3A_247 : i32 to index
        %get3A_286 = arith.constant 80 : index
        %get3A_287 = tpu.vector_load %arg10[%get3A_285, %get3A_286] {strides = array<i32>} : memref<128x128xf32, #tpu.memory_space<vmem>>, vector<16xf32>,
        %mul3A_288 = arith.mulf %get3A_287, %gather3A : vector<16xf32>
        %swap3A_289 = arith.index_cast %scan3A_247 : i32 to index
        %swap3A_290 = arith.constant 80 : index
        %swap3A_291 = tpu.vector_load %arg10[%swap3A_289, %swap3A_290] {strides = array<i32>} : memref<128x128xf32, #tpu.memory_space<vmem>>, vector<16xf32>,
        tpu.vector_store %arg10[%swap3A_289, %swap3A_290], %mul3A_288 {strides = array<i32>} : memref<128x128xf32, #tpu.memory_space<vmem>>, vector<16xf32>,
        %get3A_292 = arith.index_cast %scan3A_247 : i32 to index
        %get3A_293 = arith.constant 96 : index
        %get3A_294 = tpu.vector_load %arg10[%get3A_292, %get3A_293] {strides = array<i32>} : memref<128x128xf32, #tpu.memory_space<vmem>>, vector<16xf32>,
        %mul3A_295 = arith.mulf %get3A_294, %gather3A : vector<16xf32>
        %swap3A_296 = arith.index_cast %scan3A_247 : i32 to index
        %swap3A_297 = arith.constant 96 : index
        %swap3A_298 = tpu.vector_load %arg10[%swap3A_296, %swap3A_297] {strides = array<i32>} : memref<128x128xf32, #tpu.memory_space<vmem>>, vector<16xf32>,
        tpu.vector_store %arg10[%swap3A_296, %swap3A_297], %mul3A_295 {strides = array<i32>} : memref<128x128xf32, #tpu.memory_space<vmem>>, vector<16xf32>,
        %get3A_299 = arith.index_cast %scan3A_247 : i32 to index
        %get3A_300 = arith.constant 112 : index
        %get3A_301 = tpu.vector_load %arg10[%get3A_299, %get3A_300] {strides = array<i32>} : memref<128x128xf32, #tpu.memory_space<vmem>>, vector<16xf32>,
        %mul3A_302 = arith.mulf %get3A_301, %gather3A : vector<16xf32>
        %swap3A_303 = arith.index_cast %scan3A_247 : i32 to index
        %swap3A_304 = arith.constant 112 : index
        %swap3A_305 = tpu.vector_load %arg10[%swap3A_303, %swap3A_304] {strides = array<i32>} : memref<128x128xf32, #tpu.memory_space<vmem>>, vector<16xf32>,
        tpu.vector_store %arg10[%swap3A_303, %swap3A_304], %mul3A_302 {strides = array<i32>} : memref<128x128xf32, #tpu.memory_space<vmem>>, vector<16xf32>,
      }
      %scan3A_64 = arith.constant 128 : i32
      %run_scoped3A_65 = arith.constant 0 : i32
      "tpu.region"() ({
        %run_scoped3A_247 = tpu.sem_alloc : memref<!tpu.dma_semaphore, #tpu.memory_space<semaphore_mem>>
        %dma_start3A_248 = arith.constant 0 : i32
        %dma_start3A_249 = tpu.memref_slice %arg8[%rem3A_37, %run_scoped3A_65, %dma_start3A_248] : memref<2x8x128xi32, #tpu.memory_space<vmem>> -> memref<1x1x128xi32, #tpu.memory_space<vmem>>
        %dma_start3A_250 = tpu.memref_squeeze %dma_start3A_249 : memref<1x1x128xi32, #tpu.memory_space<vmem>> -> memref<128xi32, #tpu.memory_space<vmem>>
        %dma_start3A_251 = arith.constant 0 : i32
        %dma_start3A_252 = arith.constant 0 : i32
        %dma_start3A_253 = tpu.memref_slice %arg12[%dma_start3A_251, %dma_start3A_252] : memref<10240x128xf32, #tpu.memory_space<vmem_shared>> -> memref<10240x128xf32, #tpu.memory_space<vmem_shared>>
        tpu.enqueue_indirect_dma source(%arg10 : memref<128x128xf32, #tpu.memory_space<vmem>>) target(%dma_start3A_253 : memref<10240x128xf32, #tpu.memory_space<vmem_shared>>) offsets(%dma_start3A_250 : memref<128xi32, #tpu.memory_space<vmem>>) semaphore(%run_scoped3A_247 : memref<!tpu.dma_semaphore, #tpu.memory_space<semaphore_mem>>) {add = true}
        %dma_wait3A_254 = arith.constant 0 : i32
        %dma_wait3A_255 = tpu.memref_slice %arg8[%rem3A_37, %run_scoped3A_65, %dma_wait3A_254] : memref<2x8x128xi32, #tpu.memory_space<vmem>> -> memref<1x1x128xi32, #tpu.memory_space<vmem>>
        %dma_wait3A_256 = tpu.memref_squeeze %dma_wait3A_255 : memref<1x1x128xi32, #tpu.memory_space<vmem>> -> memref<128xi32, #tpu.memory_space<vmem>>
        %dma_wait3A_257 = arith.constant 0 : i32
        %dma_wait3A_258 = arith.constant 0 : i32
        %dma_wait3A_259 = tpu.memref_slice %arg12[%dma_wait3A_257, %dma_wait3A_258] : memref<10240x128xf32, #tpu.memory_space<vmem_shared>> -> memref<10240x128xf32, #tpu.memory_space<vmem_shared>>
        tpu.wait_indirect_dma semaphore(%run_scoped3A_247 : memref<!tpu.dma_semaphore, #tpu.memory_space<semaphore_mem>>) src(%arg10 : memref<128x128xf32, #tpu.memory_space<vmem>>) dst(%dma_wait3A_259 : memref<10240x128xf32, #tpu.memory_space<vmem_shared>>)
        tpu.yield
      }) : () -> ()
      %mul3A_66 = arith.constant 8 : i32
      %mul3A_67 = arith.muli %scan3A_36, %mul3A_66 : i32
      %add3A_68 = arith.constant 1 : i32
      %add3A_69 = arith.addi %mul3A_67, %add3A_68 : i32
      %add3A_70 = arith.constant 1 : i32
      %add3A_71 = arith.addi %add3A_69, %add3A_70 : i32
      %dma_start3A_72 = arith.constant 0 : i32
      %dma_start3A_73 = tpu.memref_slice %arg7[%add3A_71, %dma_start3A_72] : memref<80x128xi32, #tpu.memory_space<vmem>> -> memref<1x128xi32, #tpu.memory_space<vmem>>
      %dma_start3A_74 = tpu.memref_squeeze %dma_start3A_73 : memref<1x128xi32, #tpu.memory_space<vmem>> -> memref<128xi32, #tpu.memory_space<vmem>>
      %dma_start3A_75 = arith.constant 0 : i32
      %dma_start3A_76 = arith.constant 0 : i32
      %dma_start3A_77 = tpu.memref_slice %arg2[%dma_start3A_75, %dma_start3A_76] : memref<10000x128xf32, #tpu.memory_space<hbm>> -> memref<10000x128xf32, #tpu.memory_space<hbm>>
      tpu.enqueue_indirect_dma source(%dma_start3A_77 : memref<10000x128xf32, #tpu.memory_space<hbm>>) target(%arg10 : memref<128x128xf32, #tpu.memory_space<vmem>>) offsets(%dma_start3A_74 : memref<128xi32, #tpu.memory_space<vmem>>) semaphore(%arg13 : memref<!tpu.dma_semaphore, #tpu.memory_space<semaphore_mem>>)
      %dma_wait3A_78 = arith.constant 0 : i32
      %dma_wait3A_79 = tpu.memref_slice %arg7[%add3A_69, %dma_wait3A_78] : memref<80x128xi32, #tpu.memory_space<vmem>> -> memref<1x128xi32, #tpu.memory_space<vmem>>
      %dma_wait3A_80 = tpu.memref_squeeze %dma_wait3A_79 : memref<1x128xi32, #tpu.memory_space<vmem>> -> memref<128xi32, #tpu.memory_space<vmem>>
      %dma_wait3A_81 = arith.constant 0 : i32
      %dma_wait3A_82 = arith.constant 0 : i32
      %dma_wait3A_83 = tpu.memref_slice %arg2[%dma_wait3A_81, %dma_wait3A_82] : memref<10000x128xf32, #tpu.memory_space<hbm>> -> memref<10000x128xf32, #tpu.memory_space<hbm>>
      tpu.wait_indirect_dma semaphore(%arg14 : memref<!tpu.dma_semaphore, #tpu.memory_space<semaphore_mem>>) src(%dma_wait3A_83 : memref<10000x128xf32, #tpu.memory_space<hbm>>) dst(%arg11 : memref<128x128xf32, #tpu.memory_space<vmem>>)
      %scan3A_84 = arith.constant 0 : i32
      %scan3A_85 = arith.constant 0 : i32
      %scan3A_86 = arith.constant 128 : i32
      %scan3A_87 = arith.addi %scan3A_85, %scan3A_86 : i32
      %scan3A_88 = arith.constant 1 : i32
      scf.for %scan3A_247 = %scan3A_85 to %scan3A_87 step %scan3A_88  : i32 {
        %broadcast_in_dim3A_248 = vector.broadcast %rem3A_37 : i32 to vector<16xi32>
        %broadcast_in_dim3A_249 = arith.constant 1 : i32
        %broadcast_in_dim3A_250 = vector.broadcast %broadcast_in_dim3A_249 : i32 to vector<16xi32>
        %broadcast_in_dim3A_251 = vector.broadcast %scan3A_247 : i32 to vector<16xi32>
        %gather3A = tpu.vector_load_idx %arg9[%broadcast_in_dim3A_248, %broadcast_in_dim3A_250, %broadcast_in_dim3A_251] : memref<2x8x128xf32, #tpu.memory_space<vmem>>[vector<16xi32>, vector<16xi32>, vector<16xi32>], vector<16xf32>,
        %get3A = arith.index_cast %scan3A_247 : i32 to index
        %get3A_252 = arith.constant 0 : index
        %get3A_253 = tpu.vector_load %arg11[%get3A, %get3A_252] {strides = array<i32>} : memref<128x128xf32, #tpu.memory_space<vmem>>, vector<16xf32>,
        %mul3A_254 = arith.mulf %get3A_253, %gather3A : vector<16xf32>
        %swap3A = arith.index_cast %scan3A_247 : i32 to index
        %swap3A_255 = arith.constant 0 : index
        %swap3A_256 = tpu.vector_load %arg11[%swap3A, %swap3A_255] {strides = array<i32>} : memref<128x128xf32, #tpu.memory_space<vmem>>, vector<16xf32>,
        tpu.vector_store %arg11[%swap3A, %swap3A_255], %mul3A_254 {strides = array<i32>} : memref<128x128xf32, #tpu.memory_space<vmem>>, vector<16xf32>,
        %get3A_257 = arith.index_cast %scan3A_247 : i32 to index
        %get3A_258 = arith.constant 16 : index
        %get3A_259 = tpu.vector_load %arg11[%get3A_257, %get3A_258] {strides = array<i32>} : memref<128x128xf32, #tpu.memory_space<vmem>>, vector<16xf32>,
        %mul3A_260 = arith.mulf %get3A_259, %gather3A : vector<16xf32>
        %swap3A_261 = arith.index_cast %scan3A_247 : i32 to index
        %swap3A_262 = arith.constant 16 : index
        %swap3A_263 = tpu.vector_load %arg11[%swap3A_261, %swap3A_262] {strides = array<i32>} : memref<128x128xf32, #tpu.memory_space<vmem>>, vector<16xf32>,
        tpu.vector_store %arg11[%swap3A_261, %swap3A_262], %mul3A_260 {strides = array<i32>} : memref<128x128xf32, #tpu.memory_space<vmem>>, vector<16xf32>,
        %get3A_264 = arith.index_cast %scan3A_247 : i32 to index
        %get3A_265 = arith.constant 32 : index
        %get3A_266 = tpu.vector_load %arg11[%get3A_264, %get3A_265] {strides = array<i32>} : memref<128x128xf32, #tpu.memory_space<vmem>>, vector<16xf32>,
        %mul3A_267 = arith.mulf %get3A_266, %gather3A : vector<16xf32>
        %swap3A_268 = arith.index_cast %scan3A_247 : i32 to index
        %swap3A_269 = arith.constant 32 : index
        %swap3A_270 = tpu.vector_load %arg11[%swap3A_268, %swap3A_269] {strides = array<i32>} : memref<128x128xf32, #tpu.memory_space<vmem>>, vector<16xf32>,
        tpu.vector_store %arg11[%swap3A_268, %swap3A_269], %mul3A_267 {strides = array<i32>} : memref<128x128xf32, #tpu.memory_space<vmem>>, vector<16xf32>,
        %get3A_271 = arith.index_cast %scan3A_247 : i32 to index
        %get3A_272 = arith.constant 48 : index
        %get3A_273 = tpu.vector_load %arg11[%get3A_271, %get3A_272] {strides = array<i32>} : memref<128x128xf32, #tpu.memory_space<vmem>>, vector<16xf32>,
        %mul3A_274 = arith.mulf %get3A_273, %gather3A : vector<16xf32>
        %swap3A_275 = arith.index_cast %scan3A_247 : i32 to index
        %swap3A_276 = arith.constant 48 : index
        %swap3A_277 = tpu.vector_load %arg11[%swap3A_275, %swap3A_276] {strides = array<i32>} : memref<128x128xf32, #tpu.memory_space<vmem>>, vector<16xf32>,
        tpu.vector_store %arg11[%swap3A_275, %swap3A_276], %mul3A_274 {strides = array<i32>} : memref<128x128xf32, #tpu.memory_space<vmem>>, vector<16xf32>,
        %get3A_278 = arith.index_cast %scan3A_247 : i32 to index
        %get3A_279 = arith.constant 64 : index
        %get3A_280 = tpu.vector_load %arg11[%get3A_278, %get3A_279] {strides = array<i32>} : memref<128x128xf32, #tpu.memory_space<vmem>>, vector<16xf32>,
        %mul3A_281 = arith.mulf %get3A_280, %gather3A : vector<16xf32>
        %swap3A_282 = arith.index_cast %scan3A_247 : i32 to index
        %swap3A_283 = arith.constant 64 : index
        %swap3A_284 = tpu.vector_load %arg11[%swap3A_282, %swap3A_283] {strides = array<i32>} : memref<128x128xf32, #tpu.memory_space<vmem>>, vector<16xf32>,
        tpu.vector_store %arg11[%swap3A_282, %swap3A_283], %mul3A_281 {strides = array<i32>} : memref<128x128xf32, #tpu.memory_space<vmem>>, vector<16xf32>,
        %get3A_285 = arith.index_cast %scan3A_247 : i32 to index
        %get3A_286 = arith.constant 80 : index
        %get3A_287 = tpu.vector_load %arg11[%get3A_285, %get3A_286] {strides = array<i32>} : memref<128x128xf32, #tpu.memory_space<vmem>>, vector<16xf32>,
        %mul3A_288 = arith.mulf %get3A_287, %gather3A : vector<16xf32>
        %swap3A_289 = arith.index_cast %scan3A_247 : i32 to index
        %swap3A_290 = arith.constant 80 : index
        %swap3A_291 = tpu.vector_load %arg11[%swap3A_289, %swap3A_290] {strides = array<i32>} : memref<128x128xf32, #tpu.memory_space<vmem>>, vector<16xf32>,
        tpu.vector_store %arg11[%swap3A_289, %swap3A_290], %mul3A_288 {strides = array<i32>} : memref<128x128xf32, #tpu.memory_space<vmem>>, vector<16xf32>,
        %get3A_292 = arith.index_cast %scan3A_247 : i32 to index
        %get3A_293 = arith.constant 96 : index
        %get3A_294 = tpu.vector_load %arg11[%get3A_292, %get3A_293] {strides = array<i32>} : memref<128x128xf32, #tpu.memory_space<vmem>>, vector<16xf32>,
        %mul3A_295 = arith.mulf %get3A_294, %gather3A : vector<16xf32>
        %swap3A_296 = arith.index_cast %scan3A_247 : i32 to index
        %swap3A_297 = arith.constant 96 : index
        %swap3A_298 = tpu.vector_load %arg11[%swap3A_296, %swap3A_297] {strides = array<i32>} : memref<128x128xf32, #tpu.memory_space<vmem>>, vector<16xf32>,
        tpu.vector_store %arg11[%swap3A_296, %swap3A_297], %mul3A_295 {strides = array<i32>} : memref<128x128xf32, #tpu.memory_space<vmem>>, vector<16xf32>,
        %get3A_299 = arith.index_cast %scan3A_247 : i32 to index
        %get3A_300 = arith.constant 112 : index
        %get3A_301 = tpu.vector_load %arg11[%get3A_299, %get3A_300] {strides = array<i32>} : memref<128x128xf32, #tpu.memory_space<vmem>>, vector<16xf32>,
        %mul3A_302 = arith.mulf %get3A_301, %gather3A : vector<16xf32>
        %swap3A_303 = arith.index_cast %scan3A_247 : i32 to index
        %swap3A_304 = arith.constant 112 : index
        %swap3A_305 = tpu.vector_load %arg11[%swap3A_303, %swap3A_304] {strides = array<i32>} : memref<128x128xf32, #tpu.memory_space<vmem>>, vector<16xf32>,
        tpu.vector_store %arg11[%swap3A_303, %swap3A_304], %mul3A_302 {strides = array<i32>} : memref<128x128xf32, #tpu.memory_space<vmem>>, vector<16xf32>,
      }
      %scan3A_89 = arith.constant 128 : i32
      %run_scoped3A_90 = arith.constant 1 : i32
      "tpu.region"() ({
        %run_scoped3A_247 = tpu.sem_alloc : memref<!tpu.dma_semaphore, #tpu.memory_space<semaphore_mem>>
        %dma_start3A_248 = arith.constant 0 : i32
        %dma_start3A_249 = tpu.memref_slice %arg8[%rem3A_37, %run_scoped3A_90, %dma_start3A_248] : memref<2x8x128xi32, #tpu.memory_space<vmem>> -> memref<1x1x128xi32, #tpu.memory_space<vmem>>
        %dma_start3A_250 = tpu.memref_squeeze %dma_start3A_249 : memref<1x1x128xi32, #tpu.memory_space<vmem>> -> memref<128xi32, #tpu.memory_space<vmem>>
        %dma_start3A_251 = arith.constant 0 : i32
        %dma_start3A_252 = arith.constant 0 : i32
        %dma_start3A_253 = tpu.memref_slice %arg12[%dma_start3A_251, %dma_start3A_252] : memref<10240x128xf32, #tpu.memory_space<vmem_shared>> -> memref<10240x128xf32, #tpu.memory_space<vmem_shared>>
        tpu.enqueue_indirect_dma source(%arg11 : memref<128x128xf32, #tpu.memory_space<vmem>>) target(%dma_start3A_253 : memref<10240x128xf32, #tpu.memory_space<vmem_shared>>) offsets(%dma_start3A_250 : memref<128xi32, #tpu.memory_space<vmem>>) semaphore(%run_scoped3A_247 : memref<!tpu.dma_semaphore, #tpu.memory_space<semaphore_mem>>) {add = true}
        %dma_wait3A_254 = arith.constant 0 : i32
        %dma_wait3A_255 = tpu.memref_slice %arg8[%rem3A_37, %run_scoped3A_90, %dma_wait3A_254] : memref<2x8x128xi32, #tpu.memory_space<vmem>> -> memref<1x1x128xi32, #tpu.memory_space<vmem>>
        %dma_wait3A_256 = tpu.memref_squeeze %dma_wait3A_255 : memref<1x1x128xi32, #tpu.memory_space<vmem>> -> memref<128xi32, #tpu.memory_space<vmem>>
        %dma_wait3A_257 = arith.constant 0 : i32
        %dma_wait3A_258 = arith.constant 0 : i32
        %dma_wait3A_259 = tpu.memref_slice %arg12[%dma_wait3A_257, %dma_wait3A_258] : memref<10240x128xf32, #tpu.memory_space<vmem_shared>> -> memref<10240x128xf32, #tpu.memory_space<vmem_shared>>
        tpu.wait_indirect_dma semaphore(%run_scoped3A_247 : memref<!tpu.dma_semaphore, #tpu.memory_space<semaphore_mem>>) src(%arg11 : memref<128x128xf32, #tpu.memory_space<vmem>>) dst(%dma_wait3A_259 : memref<10240x128xf32, #tpu.memory_space<vmem_shared>>)
        tpu.yield
      }) : () -> ()
      %mul3A_91 = arith.constant 8 : i32
      %mul3A_92 = arith.muli %scan3A_36, %mul3A_91 : i32
      %add3A_93 = arith.constant 2 : i32
      %add3A_94 = arith.addi %mul3A_92, %add3A_93 : i32
      %add3A_95 = arith.constant 1 : i32
      %add3A_96 = arith.addi %add3A_94, %add3A_95 : i32
      %dma_start3A_97 = arith.constant 0 : i32
      %dma_start3A_98 = tpu.memref_slice %arg7[%add3A_96, %dma_start3A_97] : memref<80x128xi32, #tpu.memory_space<vmem>> -> memref<1x128xi32, #tpu.memory_space<vmem>>
      %dma_start3A_99 = tpu.memref_squeeze %dma_start3A_98 : memref<1x128xi32, #tpu.memory_space<vmem>> -> memref<128xi32, #tpu.memory_space<vmem>>
      %dma_start3A_100 = arith.constant 0 : i32
      %dma_start3A_101 = arith.constant 0 : i32
      %dma_start3A_102 = tpu.memref_slice %arg2[%dma_start3A_100, %dma_start3A_101] : memref<10000x128xf32, #tpu.memory_space<hbm>> -> memref<10000x128xf32, #tpu.memory_space<hbm>>
      tpu.enqueue_indirect_dma source(%dma_start3A_102 : memref<10000x128xf32, #tpu.memory_space<hbm>>) target(%arg11 : memref<128x128xf32, #tpu.memory_space<vmem>>) offsets(%dma_start3A_99 : memref<128xi32, #tpu.memory_space<vmem>>) semaphore(%arg14 : memref<!tpu.dma_semaphore, #tpu.memory_space<semaphore_mem>>)
      %dma_wait3A_103 = arith.constant 0 : i32
      %dma_wait3A_104 = tpu.memref_slice %arg7[%add3A_94, %dma_wait3A_103] : memref<80x128xi32, #tpu.memory_space<vmem>> -> memref<1x128xi32, #tpu.memory_space<vmem>>
      %dma_wait3A_105 = tpu.memref_squeeze %dma_wait3A_104 : memref<1x128xi32, #tpu.memory_space<vmem>> -> memref<128xi32, #tpu.memory_space<vmem>>
      %dma_wait3A_106 = arith.constant 0 : i32
      %dma_wait3A_107 = arith.constant 0 : i32
      %dma_wait3A_108 = tpu.memref_slice %arg2[%dma_wait3A_106, %dma_wait3A_107] : memref<10000x128xf32, #tpu.memory_space<hbm>> -> memref<10000x128xf32, #tpu.memory_space<hbm>>
      tpu.wait_indirect_dma semaphore(%arg13 : memref<!tpu.dma_semaphore, #tpu.memory_space<semaphore_mem>>) src(%dma_wait3A_108 : memref<10000x128xf32, #tpu.memory_space<hbm>>) dst(%arg10 : memref<128x128xf32, #tpu.memory_space<vmem>>)
      %scan3A_109 = arith.constant 0 : i32
      %scan3A_110 = arith.constant 0 : i32
      %scan3A_111 = arith.constant 128 : i32
      %scan3A_112 = arith.addi %scan3A_110, %scan3A_111 : i32
      %scan3A_113 = arith.constant 1 : i32
      scf.for %scan3A_247 = %scan3A_110 to %scan3A_112 step %scan3A_113  : i32 {
        %broadcast_in_dim3A_248 = vector.broadcast %rem3A_37 : i32 to vector<16xi32>
        %broadcast_in_dim3A_249 = arith.constant 2 : i32
        %broadcast_in_dim3A_250 = vector.broadcast %broadcast_in_dim3A_249 : i32 to vector<16xi32>
        %broadcast_in_dim3A_251 = vector.broadcast %scan3A_247 : i32 to vector<16xi32>
        %gather3A = tpu.vector_load_idx %arg9[%broadcast_in_dim3A_248, %broadcast_in_dim3A_250, %broadcast_in_dim3A_251] : memref<2x8x128xf32, #tpu.memory_space<vmem>>[vector<16xi32>, vector<16xi32>, vector<16xi32>], vector<16xf32>,
        %get3A = arith.index_cast %scan3A_247 : i32 to index
        %get3A_252 = arith.constant 0 : index
        %get3A_253 = tpu.vector_load %arg10[%get3A, %get3A_252] {strides = array<i32>} : memref<128x128xf32, #tpu.memory_space<vmem>>, vector<16xf32>,
        %mul3A_254 = arith.mulf %get3A_253, %gather3A : vector<16xf32>
        %swap3A = arith.index_cast %scan3A_247 : i32 to index
        %swap3A_255 = arith.constant 0 : index
        %swap3A_256 = tpu.vector_load %arg10[%swap3A, %swap3A_255] {strides = array<i32>} : memref<128x128xf32, #tpu.memory_space<vmem>>, vector<16xf32>,
        tpu.vector_store %arg10[%swap3A, %swap3A_255], %mul3A_254 {strides = array<i32>} : memref<128x128xf32, #tpu.memory_space<vmem>>, vector<16xf32>,
        %get3A_257 = arith.index_cast %scan3A_247 : i32 to index
        %get3A_258 = arith.constant 16 : index
        %get3A_259 = tpu.vector_load %arg10[%get3A_257, %get3A_258] {strides = array<i32>} : memref<128x128xf32, #tpu.memory_space<vmem>>, vector<16xf32>,
        %mul3A_260 = arith.mulf %get3A_259, %gather3A : vector<16xf32>
        %swap3A_261 = arith.index_cast %scan3A_247 : i32 to index
        %swap3A_262 = arith.constant 16 : index
        %swap3A_263 = tpu.vector_load %arg10[%swap3A_261, %swap3A_262] {strides = array<i32>} : memref<128x128xf32, #tpu.memory_space<vmem>>, vector<16xf32>,
        tpu.vector_store %arg10[%swap3A_261, %swap3A_262], %mul3A_260 {strides = array<i32>} : memref<128x128xf32, #tpu.memory_space<vmem>>, vector<16xf32>,
        %get3A_264 = arith.index_cast %scan3A_247 : i32 to index
        %get3A_265 = arith.constant 32 : index
        %get3A_266 = tpu.vector_load %arg10[%get3A_264, %get3A_265] {strides = array<i32>} : memref<128x128xf32, #tpu.memory_space<vmem>>, vector<16xf32>,
        %mul3A_267 = arith.mulf %get3A_266, %gather3A : vector<16xf32>
        %swap3A_268 = arith.index_cast %scan3A_247 : i32 to index
        %swap3A_269 = arith.constant 32 : index
        %swap3A_270 = tpu.vector_load %arg10[%swap3A_268, %swap3A_269] {strides = array<i32>} : memref<128x128xf32, #tpu.memory_space<vmem>>, vector<16xf32>,
        tpu.vector_store %arg10[%swap3A_268, %swap3A_269], %mul3A_267 {strides = array<i32>} : memref<128x128xf32, #tpu.memory_space<vmem>>, vector<16xf32>,
        %get3A_271 = arith.index_cast %scan3A_247 : i32 to index
        %get3A_272 = arith.constant 48 : index
        %get3A_273 = tpu.vector_load %arg10[%get3A_271, %get3A_272] {strides = array<i32>} : memref<128x128xf32, #tpu.memory_space<vmem>>, vector<16xf32>,
        %mul3A_274 = arith.mulf %get3A_273, %gather3A : vector<16xf32>
        %swap3A_275 = arith.index_cast %scan3A_247 : i32 to index
        %swap3A_276 = arith.constant 48 : index
        %swap3A_277 = tpu.vector_load %arg10[%swap3A_275, %swap3A_276] {strides = array<i32>} : memref<128x128xf32, #tpu.memory_space<vmem>>, vector<16xf32>,
        tpu.vector_store %arg10[%swap3A_275, %swap3A_276], %mul3A_274 {strides = array<i32>} : memref<128x128xf32, #tpu.memory_space<vmem>>, vector<16xf32>,
        %get3A_278 = arith.index_cast %scan3A_247 : i32 to index
        %get3A_279 = arith.constant 64 : index
        %get3A_280 = tpu.vector_load %arg10[%get3A_278, %get3A_279] {strides = array<i32>} : memref<128x128xf32, #tpu.memory_space<vmem>>, vector<16xf32>,
        %mul3A_281 = arith.mulf %get3A_280, %gather3A : vector<16xf32>
        %swap3A_282 = arith.index_cast %scan3A_247 : i32 to index
        %swap3A_283 = arith.constant 64 : index
        %swap3A_284 = tpu.vector_load %arg10[%swap3A_282, %swap3A_283] {strides = array<i32>} : memref<128x128xf32, #tpu.memory_space<vmem>>, vector<16xf32>,
        tpu.vector_store %arg10[%swap3A_282, %swap3A_283], %mul3A_281 {strides = array<i32>} : memref<128x128xf32, #tpu.memory_space<vmem>>, vector<16xf32>,
        %get3A_285 = arith.index_cast %scan3A_247 : i32 to index
        %get3A_286 = arith.constant 80 : index
        %get3A_287 = tpu.vector_load %arg10[%get3A_285, %get3A_286] {strides = array<i32>} : memref<128x128xf32, #tpu.memory_space<vmem>>, vector<16xf32>,
        %mul3A_288 = arith.mulf %get3A_287, %gather3A : vector<16xf32>
        %swap3A_289 = arith.index_cast %scan3A_247 : i32 to index
        %swap3A_290 = arith.constant 80 : index
        %swap3A_291 = tpu.vector_load %arg10[%swap3A_289, %swap3A_290] {strides = array<i32>} : memref<128x128xf32, #tpu.memory_space<vmem>>, vector<16xf32>,
        tpu.vector_store %arg10[%swap3A_289, %swap3A_290], %mul3A_288 {strides = array<i32>} : memref<128x128xf32, #tpu.memory_space<vmem>>, vector<16xf32>,
        %get3A_292 = arith.index_cast %scan3A_247 : i32 to index
        %get3A_293 = arith.constant 96 : index
        %get3A_294 = tpu.vector_load %arg10[%get3A_292, %get3A_293] {strides = array<i32>} : memref<128x128xf32, #tpu.memory_space<vmem>>, vector<16xf32>,
        %mul3A_295 = arith.mulf %get3A_294, %gather3A : vector<16xf32>
        %swap3A_296 = arith.index_cast %scan3A_247 : i32 to index
        %swap3A_297 = arith.constant 96 : index
        %swap3A_298 = tpu.vector_load %arg10[%swap3A_296, %swap3A_297] {strides = array<i32>} : memref<128x128xf32, #tpu.memory_space<vmem>>, vector<16xf32>,
        tpu.vector_store %arg10[%swap3A_296, %swap3A_297], %mul3A_295 {strides = array<i32>} : memref<128x128xf32, #tpu.memory_space<vmem>>, vector<16xf32>,
        %get3A_299 = arith.index_cast %scan3A_247 : i32 to index
        %get3A_300 = arith.constant 112 : index
        %get3A_301 = tpu.vector_load %arg10[%get3A_299, %get3A_300] {strides = array<i32>} : memref<128x128xf32, #tpu.memory_space<vmem>>, vector<16xf32>,
        %mul3A_302 = arith.mulf %get3A_301, %gather3A : vector<16xf32>
        %swap3A_303 = arith.index_cast %scan3A_247 : i32 to index
        %swap3A_304 = arith.constant 112 : index
        %swap3A_305 = tpu.vector_load %arg10[%swap3A_303, %swap3A_304] {strides = array<i32>} : memref<128x128xf32, #tpu.memory_space<vmem>>, vector<16xf32>,
        tpu.vector_store %arg10[%swap3A_303, %swap3A_304], %mul3A_302 {strides = array<i32>} : memref<128x128xf32, #tpu.memory_space<vmem>>, vector<16xf32>,
      }
      %scan3A_114 = arith.constant 128 : i32
      %run_scoped3A_115 = arith.constant 2 : i32
      "tpu.region"() ({
        %run_scoped3A_247 = tpu.sem_alloc : memref<!tpu.dma_semaphore, #tpu.memory_space<semaphore_mem>>
        %dma_start3A_248 = arith.constant 0 : i32
        %dma_start3A_249 = tpu.memref_slice %arg8[%rem3A_37, %run_scoped3A_115, %dma_start3A_248] : memref<2x8x128xi32, #tpu.memory_space<vmem>> -> memref<1x1x128xi32, #tpu.memory_space<vmem>>
        %dma_start3A_250 = tpu.memref_squeeze %dma_start3A_249 : memref<1x1x128xi32, #tpu.memory_space<vmem>> -> memref<128xi32, #tpu.memory_space<vmem>>
        %dma_start3A_251 = arith.constant 0 : i32
        %dma_start3A_252 = arith.constant 0 : i32
        %dma_start3A_253 = tpu.memref_slice %arg12[%dma_start3A_251, %dma_start3A_252] : memref<10240x128xf32, #tpu.memory_space<vmem_shared>> -> memref<10240x128xf32, #tpu.memory_space<vmem_shared>>
        tpu.enqueue_indirect_dma source(%arg10 : memref<128x128xf32, #tpu.memory_space<vmem>>) target(%dma_start3A_253 : memref<10240x128xf32, #tpu.memory_space<vmem_shared>>) offsets(%dma_start3A_250 : memref<128xi32, #tpu.memory_space<vmem>>) semaphore(%run_scoped3A_247 : memref<!tpu.dma_semaphore, #tpu.memory_space<semaphore_mem>>) {add = true}
        %dma_wait3A_254 = arith.constant 0 : i32
        %dma_wait3A_255 = tpu.memref_slice %arg8[%rem3A_37, %run_scoped3A_115, %dma_wait3A_254] : memref<2x8x128xi32, #tpu.memory_space<vmem>> -> memref<1x1x128xi32, #tpu.memory_space<vmem>>
        %dma_wait3A_256 = tpu.memref_squeeze %dma_wait3A_255 : memref<1x1x128xi32, #tpu.memory_space<vmem>> -> memref<128xi32, #tpu.memory_space<vmem>>
        %dma_wait3A_257 = arith.constant 0 : i32
        %dma_wait3A_258 = arith.constant 0 : i32
        %dma_wait3A_259 = tpu.memref_slice %arg12[%dma_wait3A_257, %dma_wait3A_258] : memref<10240x128xf32, #tpu.memory_space<vmem_shared>> -> memref<10240x128xf32, #tpu.memory_space<vmem_shared>>
        tpu.wait_indirect_dma semaphore(%run_scoped3A_247 : memref<!tpu.dma_semaphore, #tpu.memory_space<semaphore_mem>>) src(%arg10 : memref<128x128xf32, #tpu.memory_space<vmem>>) dst(%dma_wait3A_259 : memref<10240x128xf32, #tpu.memory_space<vmem_shared>>)
        tpu.yield
      }) : () -> ()
      %mul3A_116 = arith.constant 8 : i32
      %mul3A_117 = arith.muli %scan3A_36, %mul3A_116 : i32
      %add3A_118 = arith.constant 3 : i32
      %add3A_119 = arith.addi %mul3A_117, %add3A_118 : i32
      %add3A_120 = arith.constant 1 : i32
      %add3A_121 = arith.addi %add3A_119, %add3A_120 : i32
      %dma_start3A_122 = arith.constant 0 : i32
      %dma_start3A_123 = tpu.memref_slice %arg7[%add3A_121, %dma_start3A_122] : memref<80x128xi32, #tpu.memory_space<vmem>> -> memref<1x128xi32, #tpu.memory_space<vmem>>
      %dma_start3A_124 = tpu.memref_squeeze %dma_start3A_123 : memref<1x128xi32, #tpu.memory_space<vmem>> -> memref<128xi32, #tpu.memory_space<vmem>>
      %dma_start3A_125 = arith.constant 0 : i32
      %dma_start3A_126 = arith.constant 0 : i32
      %dma_start3A_127 = tpu.memref_slice %arg2[%dma_start3A_125, %dma_start3A_126] : memref<10000x128xf32, #tpu.memory_space<hbm>> -> memref<10000x128xf32, #tpu.memory_space<hbm>>
      tpu.enqueue_indirect_dma source(%dma_start3A_127 : memref<10000x128xf32, #tpu.memory_space<hbm>>) target(%arg10 : memref<128x128xf32, #tpu.memory_space<vmem>>) offsets(%dma_start3A_124 : memref<128xi32, #tpu.memory_space<vmem>>) semaphore(%arg13 : memref<!tpu.dma_semaphore, #tpu.memory_space<semaphore_mem>>)
      %dma_wait3A_128 = arith.constant 0 : i32
      %dma_wait3A_129 = tpu.memref_slice %arg7[%add3A_119, %dma_wait3A_128] : memref<80x128xi32, #tpu.memory_space<vmem>> -> memref<1x128xi32, #tpu.memory_space<vmem>>
      %dma_wait3A_130 = tpu.memref_squeeze %dma_wait3A_129 : memref<1x128xi32, #tpu.memory_space<vmem>> -> memref<128xi32, #tpu.memory_space<vmem>>
      %dma_wait3A_131 = arith.constant 0 : i32
      %dma_wait3A_132 = arith.constant 0 : i32
      %dma_wait3A_133 = tpu.memref_slice %arg2[%dma_wait3A_131, %dma_wait3A_132] : memref<10000x128xf32, #tpu.memory_space<hbm>> -> memref<10000x128xf32, #tpu.memory_space<hbm>>
      tpu.wait_indirect_dma semaphore(%arg14 : memref<!tpu.dma_semaphore, #tpu.memory_space<semaphore_mem>>) src(%dma_wait3A_133 : memref<10000x128xf32, #tpu.memory_space<hbm>>) dst(%arg11 : memref<128x128xf32, #tpu.memory_space<vmem>>)
      %scan3A_134 = arith.constant 0 : i32
      %scan3A_135 = arith.constant 0 : i32
      %scan3A_136 = arith.constant 128 : i32
      %scan3A_137 = arith.addi %scan3A_135, %scan3A_136 : i32
      %scan3A_138 = arith.constant 1 : i32
      scf.for %scan3A_247 = %scan3A_135 to %scan3A_137 step %scan3A_138  : i32 {
        %broadcast_in_dim3A_248 = vector.broadcast %rem3A_37 : i32 to vector<16xi32>
        %broadcast_in_dim3A_249 = arith.constant 3 : i32
        %broadcast_in_dim3A_250 = vector.broadcast %broadcast_in_dim3A_249 : i32 to vector<16xi32>
        %broadcast_in_dim3A_251 = vector.broadcast %scan3A_247 : i32 to vector<16xi32>
        %gather3A = tpu.vector_load_idx %arg9[%broadcast_in_dim3A_248, %broadcast_in_dim3A_250, %broadcast_in_dim3A_251] : memref<2x8x128xf32, #tpu.memory_space<vmem>>[vector<16xi32>, vector<16xi32>, vector<16xi32>], vector<16xf32>,
        %get3A = arith.index_cast %scan3A_247 : i32 to index
        %get3A_252 = arith.constant 0 : index
        %get3A_253 = tpu.vector_load %arg11[%get3A, %get3A_252] {strides = array<i32>} : memref<128x128xf32, #tpu.memory_space<vmem>>, vector<16xf32>,
        %mul3A_254 = arith.mulf %get3A_253, %gather3A : vector<16xf32>
        %swap3A = arith.index_cast %scan3A_247 : i32 to index
        %swap3A_255 = arith.constant 0 : index
        %swap3A_256 = tpu.vector_load %arg11[%swap3A, %swap3A_255] {strides = array<i32>} : memref<128x128xf32, #tpu.memory_space<vmem>>, vector<16xf32>,
        tpu.vector_store %arg11[%swap3A, %swap3A_255], %mul3A_254 {strides = array<i32>} : memref<128x128xf32, #tpu.memory_space<vmem>>, vector<16xf32>,
        %get3A_257 = arith.index_cast %scan3A_247 : i32 to index
        %get3A_258 = arith.constant 16 : index
        %get3A_259 = tpu.vector_load %arg11[%get3A_257, %get3A_258] {strides = array<i32>} : memref<128x128xf32, #tpu.memory_space<vmem>>, vector<16xf32>,
        %mul3A_260 = arith.mulf %get3A_259, %gather3A : vector<16xf32>
        %swap3A_261 = arith.index_cast %scan3A_247 : i32 to index
        %swap3A_262 = arith.constant 16 : index
        %swap3A_263 = tpu.vector_load %arg11[%swap3A_261, %swap3A_262] {strides = array<i32>} : memref<128x128xf32, #tpu.memory_space<vmem>>, vector<16xf32>,
        tpu.vector_store %arg11[%swap3A_261, %swap3A_262], %mul3A_260 {strides = array<i32>} : memref<128x128xf32, #tpu.memory_space<vmem>>, vector<16xf32>,
        %get3A_264 = arith.index_cast %scan3A_247 : i32 to index
        %get3A_265 = arith.constant 32 : index
        %get3A_266 = tpu.vector_load %arg11[%get3A_264, %get3A_265] {strides = array<i32>} : memref<128x128xf32, #tpu.memory_space<vmem>>, vector<16xf32>,
        %mul3A_267 = arith.mulf %get3A_266, %gather3A : vector<16xf32>
        %swap3A_268 = arith.index_cast %scan3A_247 : i32 to index
        %swap3A_269 = arith.constant 32 : index
        %swap3A_270 = tpu.vector_load %arg11[%swap3A_268, %swap3A_269] {strides = array<i32>} : memref<128x128xf32, #tpu.memory_space<vmem>>, vector<16xf32>,
        tpu.vector_store %arg11[%swap3A_268, %swap3A_269], %mul3A_267 {strides = array<i32>} : memref<128x128xf32, #tpu.memory_space<vmem>>, vector<16xf32>,
        %get3A_271 = arith.index_cast %scan3A_247 : i32 to index
        %get3A_272 = arith.constant 48 : index
        %get3A_273 = tpu.vector_load %arg11[%get3A_271, %get3A_272] {strides = array<i32>} : memref<128x128xf32, #tpu.memory_space<vmem>>, vector<16xf32>,
        %mul3A_274 = arith.mulf %get3A_273, %gather3A : vector<16xf32>
        %swap3A_275 = arith.index_cast %scan3A_247 : i32 to index
        %swap3A_276 = arith.constant 48 : index
        %swap3A_277 = tpu.vector_load %arg11[%swap3A_275, %swap3A_276] {strides = array<i32>} : memref<128x128xf32, #tpu.memory_space<vmem>>, vector<16xf32>,
        tpu.vector_store %arg11[%swap3A_275, %swap3A_276], %mul3A_274 {strides = array<i32>} : memref<128x128xf32, #tpu.memory_space<vmem>>, vector<16xf32>,
        %get3A_278 = arith.index_cast %scan3A_247 : i32 to index
        %get3A_279 = arith.constant 64 : index
        %get3A_280 = tpu.vector_load %arg11[%get3A_278, %get3A_279] {strides = array<i32>} : memref<128x128xf32, #tpu.memory_space<vmem>>, vector<16xf32>,
        %mul3A_281 = arith.mulf %get3A_280, %gather3A : vector<16xf32>
        %swap3A_282 = arith.index_cast %scan3A_247 : i32 to index
        %swap3A_283 = arith.constant 64 : index
        %swap3A_284 = tpu.vector_load %arg11[%swap3A_282, %swap3A_283] {strides = array<i32>} : memref<128x128xf32, #tpu.memory_space<vmem>>, vector<16xf32>,
        tpu.vector_store %arg11[%swap3A_282, %swap3A_283], %mul3A_281 {strides = array<i32>} : memref<128x128xf32, #tpu.memory_space<vmem>>, vector<16xf32>,
        %get3A_285 = arith.index_cast %scan3A_247 : i32 to index
        %get3A_286 = arith.constant 80 : index
        %get3A_287 = tpu.vector_load %arg11[%get3A_285, %get3A_286] {strides = array<i32>} : memref<128x128xf32, #tpu.memory_space<vmem>>, vector<16xf32>,
        %mul3A_288 = arith.mulf %get3A_287, %gather3A : vector<16xf32>
        %swap3A_289 = arith.index_cast %scan3A_247 : i32 to index
        %swap3A_290 = arith.constant 80 : index
        %swap3A_291 = tpu.vector_load %arg11[%swap3A_289, %swap3A_290] {strides = array<i32>} : memref<128x128xf32, #tpu.memory_space<vmem>>, vector<16xf32>,
        tpu.vector_store %arg11[%swap3A_289, %swap3A_290], %mul3A_288 {strides = array<i32>} : memref<128x128xf32, #tpu.memory_space<vmem>>, vector<16xf32>,
        %get3A_292 = arith.index_cast %scan3A_247 : i32 to index
        %get3A_293 = arith.constant 96 : index
        %get3A_294 = tpu.vector_load %arg11[%get3A_292, %get3A_293] {strides = array<i32>} : memref<128x128xf32, #tpu.memory_space<vmem>>, vector<16xf32>,
        %mul3A_295 = arith.mulf %get3A_294, %gather3A : vector<16xf32>
        %swap3A_296 = arith.index_cast %scan3A_247 : i32 to index
        %swap3A_297 = arith.constant 96 : index
        %swap3A_298 = tpu.vector_load %arg11[%swap3A_296, %swap3A_297] {strides = array<i32>} : memref<128x128xf32, #tpu.memory_space<vmem>>, vector<16xf32>,
        tpu.vector_store %arg11[%swap3A_296, %swap3A_297], %mul3A_295 {strides = array<i32>} : memref<128x128xf32, #tpu.memory_space<vmem>>, vector<16xf32>,
        %get3A_299 = arith.index_cast %scan3A_247 : i32 to index
        %get3A_300 = arith.constant 112 : index
        %get3A_301 = tpu.vector_load %arg11[%get3A_299, %get3A_300] {strides = array<i32>} : memref<128x128xf32, #tpu.memory_space<vmem>>, vector<16xf32>,
        %mul3A_302 = arith.mulf %get3A_301, %gather3A : vector<16xf32>
        %swap3A_303 = arith.index_cast %scan3A_247 : i32 to index
        %swap3A_304 = arith.constant 112 : index
        %swap3A_305 = tpu.vector_load %arg11[%swap3A_303, %swap3A_304] {strides = array<i32>} : memref<128x128xf32, #tpu.memory_space<vmem>>, vector<16xf32>,
        tpu.vector_store %arg11[%swap3A_303, %swap3A_304], %mul3A_302 {strides = array<i32>} : memref<128x128xf32, #tpu.memory_space<vmem>>, vector<16xf32>,
      }
      %scan3A_139 = arith.constant 128 : i32
      %run_scoped3A_140 = arith.constant 3 : i32
      "tpu.region"() ({
        %run_scoped3A_247 = tpu.sem_alloc : memref<!tpu.dma_semaphore, #tpu.memory_space<semaphore_mem>>
        %dma_start3A_248 = arith.constant 0 : i32
        %dma_start3A_249 = tpu.memref_slice %arg8[%rem3A_37, %run_scoped3A_140, %dma_start3A_248] : memref<2x8x128xi32, #tpu.memory_space<vmem>> -> memref<1x1x128xi32, #tpu.memory_space<vmem>>
        %dma_start3A_250 = tpu.memref_squeeze %dma_start3A_249 : memref<1x1x128xi32, #tpu.memory_space<vmem>> -> memref<128xi32, #tpu.memory_space<vmem>>
        %dma_start3A_251 = arith.constant 0 : i32
        %dma_start3A_252 = arith.constant 0 : i32
        %dma_start3A_253 = tpu.memref_slice %arg12[%dma_start3A_251, %dma_start3A_252] : memref<10240x128xf32, #tpu.memory_space<vmem_shared>> -> memref<10240x128xf32, #tpu.memory_space<vmem_shared>>
        tpu.enqueue_indirect_dma source(%arg11 : memref<128x128xf32, #tpu.memory_space<vmem>>) target(%dma_start3A_253 : memref<10240x128xf32, #tpu.memory_space<vmem_shared>>) offsets(%dma_start3A_250 : memref<128xi32, #tpu.memory_space<vmem>>) semaphore(%run_scoped3A_247 : memref<!tpu.dma_semaphore, #tpu.memory_space<semaphore_mem>>) {add = true}
        %dma_wait3A_254 = arith.constant 0 : i32
        %dma_wait3A_255 = tpu.memref_slice %arg8[%rem3A_37, %run_scoped3A_140, %dma_wait3A_254] : memref<2x8x128xi32, #tpu.memory_space<vmem>> -> memref<1x1x128xi32, #tpu.memory_space<vmem>>
        %dma_wait3A_256 = tpu.memref_squeeze %dma_wait3A_255 : memref<1x1x128xi32, #tpu.memory_space<vmem>> -> memref<128xi32, #tpu.memory_space<vmem>>
        %dma_wait3A_257 = arith.constant 0 : i32
        %dma_wait3A_258 = arith.constant 0 : i32
        %dma_wait3A_259 = tpu.memref_slice %arg12[%dma_wait3A_257, %dma_wait3A_258] : memref<10240x128xf32, #tpu.memory_space<vmem_shared>> -> memref<10240x128xf32, #tpu.memory_space<vmem_shared>>
        tpu.wait_indirect_dma semaphore(%run_scoped3A_247 : memref<!tpu.dma_semaphore, #tpu.memory_space<semaphore_mem>>) src(%arg11 : memref<128x128xf32, #tpu.memory_space<vmem>>) dst(%dma_wait3A_259 : memref<10240x128xf32, #tpu.memory_space<vmem_shared>>)
        tpu.yield
      }) : () -> ()
      %mul3A_141 = arith.constant 8 : i32
      %mul3A_142 = arith.muli %scan3A_36, %mul3A_141 : i32
      %add3A_143 = arith.constant 4 : i32
      %add3A_144 = arith.addi %mul3A_142, %add3A_143 : i32
      %add3A_145 = arith.constant 1 : i32
      %add3A_146 = arith.addi %add3A_144, %add3A_145 : i32
      %dma_start3A_147 = arith.constant 0 : i32
      %dma_start3A_148 = tpu.memref_slice %arg7[%add3A_146, %dma_start3A_147] : memref<80x128xi32, #tpu.memory_space<vmem>> -> memref<1x128xi32, #tpu.memory_space<vmem>>
      %dma_start3A_149 = tpu.memref_squeeze %dma_start3A_148 : memref<1x128xi32, #tpu.memory_space<vmem>> -> memref<128xi32, #tpu.memory_space<vmem>>
      %dma_start3A_150 = arith.constant 0 : i32
      %dma_start3A_151 = arith.constant 0 : i32
      %dma_start3A_152 = tpu.memref_slice %arg2[%dma_start3A_150, %dma_start3A_151] : memref<10000x128xf32, #tpu.memory_space<hbm>> -> memref<10000x128xf32, #tpu.memory_space<hbm>>
      tpu.enqueue_indirect_dma source(%dma_start3A_152 : memref<10000x128xf32, #tpu.memory_space<hbm>>) target(%arg11 : memref<128x128xf32, #tpu.memory_space<vmem>>) offsets(%dma_start3A_149 : memref<128xi32, #tpu.memory_space<vmem>>) semaphore(%arg14 : memref<!tpu.dma_semaphore, #tpu.memory_space<semaphore_mem>>)
      %dma_wait3A_153 = arith.constant 0 : i32
      %dma_wait3A_154 = tpu.memref_slice %arg7[%add3A_144, %dma_wait3A_153] : memref<80x128xi32, #tpu.memory_space<vmem>> -> memref<1x128xi32, #tpu.memory_space<vmem>>
      %dma_wait3A_155 = tpu.memref_squeeze %dma_wait3A_154 : memref<1x128xi32, #tpu.memory_space<vmem>> -> memref<128xi32, #tpu.memory_space<vmem>>
      %dma_wait3A_156 = arith.constant 0 : i32
      %dma_wait3A_157 = arith.constant 0 : i32
      %dma_wait3A_158 = tpu.memref_slice %arg2[%dma_wait3A_156, %dma_wait3A_157] : memref<10000x128xf32, #tpu.memory_space<hbm>> -> memref<10000x128xf32, #tpu.memory_space<hbm>>
      tpu.wait_indirect_dma semaphore(%arg13 : memref<!tpu.dma_semaphore, #tpu.memory_space<semaphore_mem>>) src(%dma_wait3A_158 : memref<10000x128xf32, #tpu.memory_space<hbm>>) dst(%arg10 : memref<128x128xf32, #tpu.memory_space<vmem>>)
      %scan3A_159 = arith.constant 0 : i32
      %scan3A_160 = arith.constant 0 : i32
      %scan3A_161 = arith.constant 128 : i32
      %scan3A_162 = arith.addi %scan3A_160, %scan3A_161 : i32
      %scan3A_163 = arith.constant 1 : i32
      scf.for %scan3A_247 = %scan3A_160 to %scan3A_162 step %scan3A_163  : i32 {
        %broadcast_in_dim3A_248 = vector.broadcast %rem3A_37 : i32 to vector<16xi32>
        %broadcast_in_dim3A_249 = arith.constant 4 : i32
        %broadcast_in_dim3A_250 = vector.broadcast %broadcast_in_dim3A_249 : i32 to vector<16xi32>
        %broadcast_in_dim3A_251 = vector.broadcast %scan3A_247 : i32 to vector<16xi32>
        %gather3A = tpu.vector_load_idx %arg9[%broadcast_in_dim3A_248, %broadcast_in_dim3A_250, %broadcast_in_dim3A_251] : memref<2x8x128xf32, #tpu.memory_space<vmem>>[vector<16xi32>, vector<16xi32>, vector<16xi32>], vector<16xf32>,
        %get3A = arith.index_cast %scan3A_247 : i32 to index
        %get3A_252 = arith.constant 0 : index
        %get3A_253 = tpu.vector_load %arg10[%get3A, %get3A_252] {strides = array<i32>} : memref<128x128xf32, #tpu.memory_space<vmem>>, vector<16xf32>,
        %mul3A_254 = arith.mulf %get3A_253, %gather3A : vector<16xf32>
        %swap3A = arith.index_cast %scan3A_247 : i32 to index
        %swap3A_255 = arith.constant 0 : index
        %swap3A_256 = tpu.vector_load %arg10[%swap3A, %swap3A_255] {strides = array<i32>} : memref<128x128xf32, #tpu.memory_space<vmem>>, vector<16xf32>,
        tpu.vector_store %arg10[%swap3A, %swap3A_255], %mul3A_254 {strides = array<i32>} : memref<128x128xf32, #tpu.memory_space<vmem>>, vector<16xf32>,
        %get3A_257 = arith.index_cast %scan3A_247 : i32 to index
        %get3A_258 = arith.constant 16 : index
        %get3A_259 = tpu.vector_load %arg10[%get3A_257, %get3A_258] {strides = array<i32>} : memref<128x128xf32, #tpu.memory_space<vmem>>, vector<16xf32>,
        %mul3A_260 = arith.mulf %get3A_259, %gather3A : vector<16xf32>
        %swap3A_261 = arith.index_cast %scan3A_247 : i32 to index
        %swap3A_262 = arith.constant 16 : index
        %swap3A_263 = tpu.vector_load %arg10[%swap3A_261, %swap3A_262] {strides = array<i32>} : memref<128x128xf32, #tpu.memory_space<vmem>>, vector<16xf32>,
        tpu.vector_store %arg10[%swap3A_261, %swap3A_262], %mul3A_260 {strides = array<i32>} : memref<128x128xf32, #tpu.memory_space<vmem>>, vector<16xf32>,
        %get3A_264 = arith.index_cast %scan3A_247 : i32 to index
        %get3A_265 = arith.constant 32 : index
        %get3A_266 = tpu.vector_load %arg10[%get3A_264, %get3A_265] {strides = array<i32>} : memref<128x128xf32, #tpu.memory_space<vmem>>, vector<16xf32>,
        %mul3A_267 = arith.mulf %get3A_266, %gather3A : vector<16xf32>
        %swap3A_268 = arith.index_cast %scan3A_247 : i32 to index
        %swap3A_269 = arith.constant 32 : index
        %swap3A_270 = tpu.vector_load %arg10[%swap3A_268, %swap3A_269] {strides = array<i32>} : memref<128x128xf32, #tpu.memory_space<vmem>>, vector<16xf32>,
        tpu.vector_store %arg10[%swap3A_268, %swap3A_269], %mul3A_267 {strides = array<i32>} : memref<128x128xf32, #tpu.memory_space<vmem>>, vector<16xf32>,
        %get3A_271 = arith.index_cast %scan3A_247 : i32 to index
        %get3A_272 = arith.constant 48 : index
        %get3A_273 = tpu.vector_load %arg10[%get3A_271, %get3A_272] {strides = array<i32>} : memref<128x128xf32, #tpu.memory_space<vmem>>, vector<16xf32>,
        %mul3A_274 = arith.mulf %get3A_273, %gather3A : vector<16xf32>
        %swap3A_275 = arith.index_cast %scan3A_247 : i32 to index
        %swap3A_276 = arith.constant 48 : index
        %swap3A_277 = tpu.vector_load %arg10[%swap3A_275, %swap3A_276] {strides = array<i32>} : memref<128x128xf32, #tpu.memory_space<vmem>>, vector<16xf32>,
        tpu.vector_store %arg10[%swap3A_275, %swap3A_276], %mul3A_274 {strides = array<i32>} : memref<128x128xf32, #tpu.memory_space<vmem>>, vector<16xf32>,
        %get3A_278 = arith.index_cast %scan3A_247 : i32 to index
        %get3A_279 = arith.constant 64 : index
        %get3A_280 = tpu.vector_load %arg10[%get3A_278, %get3A_279] {strides = array<i32>} : memref<128x128xf32, #tpu.memory_space<vmem>>, vector<16xf32>,
        %mul3A_281 = arith.mulf %get3A_280, %gather3A : vector<16xf32>
        %swap3A_282 = arith.index_cast %scan3A_247 : i32 to index
        %swap3A_283 = arith.constant 64 : index
        %swap3A_284 = tpu.vector_load %arg10[%swap3A_282, %swap3A_283] {strides = array<i32>} : memref<128x128xf32, #tpu.memory_space<vmem>>, vector<16xf32>,
        tpu.vector_store %arg10[%swap3A_282, %swap3A_283], %mul3A_281 {strides = array<i32>} : memref<128x128xf32, #tpu.memory_space<vmem>>, vector<16xf32>,
        %get3A_285 = arith.index_cast %scan3A_247 : i32 to index
        %get3A_286 = arith.constant 80 : index
        %get3A_287 = tpu.vector_load %arg10[%get3A_285, %get3A_286] {strides = array<i32>} : memref<128x128xf32, #tpu.memory_space<vmem>>, vector<16xf32>,
        %mul3A_288 = arith.mulf %get3A_287, %gather3A : vector<16xf32>
        %swap3A_289 = arith.index_cast %scan3A_247 : i32 to index
        %swap3A_290 = arith.constant 80 : index
        %swap3A_291 = tpu.vector_load %arg10[%swap3A_289, %swap3A_290] {strides = array<i32>} : memref<128x128xf32, #tpu.memory_space<vmem>>, vector<16xf32>,
        tpu.vector_store %arg10[%swap3A_289, %swap3A_290], %mul3A_288 {strides = array<i32>} : memref<128x128xf32, #tpu.memory_space<vmem>>, vector<16xf32>,
        %get3A_292 = arith.index_cast %scan3A_247 : i32 to index
        %get3A_293 = arith.constant 96 : index
        %get3A_294 = tpu.vector_load %arg10[%get3A_292, %get3A_293] {strides = array<i32>} : memref<128x128xf32, #tpu.memory_space<vmem>>, vector<16xf32>,
        %mul3A_295 = arith.mulf %get3A_294, %gather3A : vector<16xf32>
        %swap3A_296 = arith.index_cast %scan3A_247 : i32 to index
        %swap3A_297 = arith.constant 96 : index
        %swap3A_298 = tpu.vector_load %arg10[%swap3A_296, %swap3A_297] {strides = array<i32>} : memref<128x128xf32, #tpu.memory_space<vmem>>, vector<16xf32>,
        tpu.vector_store %arg10[%swap3A_296, %swap3A_297], %mul3A_295 {strides = array<i32>} : memref<128x128xf32, #tpu.memory_space<vmem>>, vector<16xf32>,
        %get3A_299 = arith.index_cast %scan3A_247 : i32 to index
        %get3A_300 = arith.constant 112 : index
        %get3A_301 = tpu.vector_load %arg10[%get3A_299, %get3A_300] {strides = array<i32>} : memref<128x128xf32, #tpu.memory_space<vmem>>, vector<16xf32>,
        %mul3A_302 = arith.mulf %get3A_301, %gather3A : vector<16xf32>
        %swap3A_303 = arith.index_cast %scan3A_247 : i32 to index
        %swap3A_304 = arith.constant 112 : index
        %swap3A_305 = tpu.vector_load %arg10[%swap3A_303, %swap3A_304] {strides = array<i32>} : memref<128x128xf32, #tpu.memory_space<vmem>>, vector<16xf32>,
        tpu.vector_store %arg10[%swap3A_303, %swap3A_304], %mul3A_302 {strides = array<i32>} : memref<128x128xf32, #tpu.memory_space<vmem>>, vector<16xf32>,
      }
      %scan3A_164 = arith.constant 128 : i32
      %run_scoped3A_165 = arith.constant 4 : i32
      "tpu.region"() ({
        %run_scoped3A_247 = tpu.sem_alloc : memref<!tpu.dma_semaphore, #tpu.memory_space<semaphore_mem>>
        %dma_start3A_248 = arith.constant 0 : i32
        %dma_start3A_249 = tpu.memref_slice %arg8[%rem3A_37, %run_scoped3A_165, %dma_start3A_248] : memref<2x8x128xi32, #tpu.memory_space<vmem>> -> memref<1x1x128xi32, #tpu.memory_space<vmem>>
        %dma_start3A_250 = tpu.memref_squeeze %dma_start3A_249 : memref<1x1x128xi32, #tpu.memory_space<vmem>> -> memref<128xi32, #tpu.memory_space<vmem>>
        %dma_start3A_251 = arith.constant 0 : i32
        %dma_start3A_252 = arith.constant 0 : i32
        %dma_start3A_253 = tpu.memref_slice %arg12[%dma_start3A_251, %dma_start3A_252] : memref<10240x128xf32, #tpu.memory_space<vmem_shared>> -> memref<10240x128xf32, #tpu.memory_space<vmem_shared>>
        tpu.enqueue_indirect_dma source(%arg10 : memref<128x128xf32, #tpu.memory_space<vmem>>) target(%dma_start3A_253 : memref<10240x128xf32, #tpu.memory_space<vmem_shared>>) offsets(%dma_start3A_250 : memref<128xi32, #tpu.memory_space<vmem>>) semaphore(%run_scoped3A_247 : memref<!tpu.dma_semaphore, #tpu.memory_space<semaphore_mem>>) {add = true}
        %dma_wait3A_254 = arith.constant 0 : i32
        %dma_wait3A_255 = tpu.memref_slice %arg8[%rem3A_37, %run_scoped3A_165, %dma_wait3A_254] : memref<2x8x128xi32, #tpu.memory_space<vmem>> -> memref<1x1x128xi32, #tpu.memory_space<vmem>>
        %dma_wait3A_256 = tpu.memref_squeeze %dma_wait3A_255 : memref<1x1x128xi32, #tpu.memory_space<vmem>> -> memref<128xi32, #tpu.memory_space<vmem>>
        %dma_wait3A_257 = arith.constant 0 : i32
        %dma_wait3A_258 = arith.constant 0 : i32
        %dma_wait3A_259 = tpu.memref_slice %arg12[%dma_wait3A_257, %dma_wait3A_258] : memref<10240x128xf32, #tpu.memory_space<vmem_shared>> -> memref<10240x128xf32, #tpu.memory_space<vmem_shared>>
        tpu.wait_indirect_dma semaphore(%run_scoped3A_247 : memref<!tpu.dma_semaphore, #tpu.memory_space<semaphore_mem>>) src(%arg10 : memref<128x128xf32, #tpu.memory_space<vmem>>) dst(%dma_wait3A_259 : memref<10240x128xf32, #tpu.memory_space<vmem_shared>>)
        tpu.yield
      }) : () -> ()
      %mul3A_166 = arith.constant 8 : i32
      %mul3A_167 = arith.muli %scan3A_36, %mul3A_166 : i32
      %add3A_168 = arith.constant 5 : i32
      %add3A_169 = arith.addi %mul3A_167, %add3A_168 : i32
      %add3A_170 = arith.constant 1 : i32
      %add3A_171 = arith.addi %add3A_169, %add3A_170 : i32
      %dma_start3A_172 = arith.constant 0 : i32
      %dma_start3A_173 = tpu.memref_slice %arg7[%add3A_171, %dma_start3A_172] : memref<80x128xi32, #tpu.memory_space<vmem>> -> memref<1x128xi32, #tpu.memory_space<vmem>>
      %dma_start3A_174 = tpu.memref_squeeze %dma_start3A_173 : memref<1x128xi32, #tpu.memory_space<vmem>> -> memref<128xi32, #tpu.memory_space<vmem>>
      %dma_start3A_175 = arith.constant 0 : i32
      %dma_start3A_176 = arith.constant 0 : i32
      %dma_start3A_177 = tpu.memref_slice %arg2[%dma_start3A_175, %dma_start3A_176] : memref<10000x128xf32, #tpu.memory_space<hbm>> -> memref<10000x128xf32, #tpu.memory_space<hbm>>
      tpu.enqueue_indirect_dma source(%dma_start3A_177 : memref<10000x128xf32, #tpu.memory_space<hbm>>) target(%arg10 : memref<128x128xf32, #tpu.memory_space<vmem>>) offsets(%dma_start3A_174 : memref<128xi32, #tpu.memory_space<vmem>>) semaphore(%arg13 : memref<!tpu.dma_semaphore, #tpu.memory_space<semaphore_mem>>)
      %dma_wait3A_178 = arith.constant 0 : i32
      %dma_wait3A_179 = tpu.memref_slice %arg7[%add3A_169, %dma_wait3A_178] : memref<80x128xi32, #tpu.memory_space<vmem>> -> memref<1x128xi32, #tpu.memory_space<vmem>>
      %dma_wait3A_180 = tpu.memref_squeeze %dma_wait3A_179 : memref<1x128xi32, #tpu.memory_space<vmem>> -> memref<128xi32, #tpu.memory_space<vmem>>
      %dma_wait3A_181 = arith.constant 0 : i32
      %dma_wait3A_182 = arith.constant 0 : i32
      %dma_wait3A_183 = tpu.memref_slice %arg2[%dma_wait3A_181, %dma_wait3A_182] : memref<10000x128xf32, #tpu.memory_space<hbm>> -> memref<10000x128xf32, #tpu.memory_space<hbm>>
      tpu.wait_indirect_dma semaphore(%arg14 : memref<!tpu.dma_semaphore, #tpu.memory_space<semaphore_mem>>) src(%dma_wait3A_183 : memref<10000x128xf32, #tpu.memory_space<hbm>>) dst(%arg11 : memref<128x128xf32, #tpu.memory_space<vmem>>)
      %scan3A_184 = arith.constant 0 : i32
      %scan3A_185 = arith.constant 0 : i32
      %scan3A_186 = arith.constant 128 : i32
      %scan3A_187 = arith.addi %scan3A_185, %scan3A_186 : i32
      %scan3A_188 = arith.constant 1 : i32
      scf.for %scan3A_247 = %scan3A_185 to %scan3A_187 step %scan3A_188  : i32 {
        %broadcast_in_dim3A_248 = vector.broadcast %rem3A_37 : i32 to vector<16xi32>
        %broadcast_in_dim3A_249 = arith.constant 5 : i32
        %broadcast_in_dim3A_250 = vector.broadcast %broadcast_in_dim3A_249 : i32 to vector<16xi32>
        %broadcast_in_dim3A_251 = vector.broadcast %scan3A_247 : i32 to vector<16xi32>
        %gather3A = tpu.vector_load_idx %arg9[%broadcast_in_dim3A_248, %broadcast_in_dim3A_250, %broadcast_in_dim3A_251] : memref<2x8x128xf32, #tpu.memory_space<vmem>>[vector<16xi32>, vector<16xi32>, vector<16xi32>], vector<16xf32>,
        %get3A = arith.index_cast %scan3A_247 : i32 to index
        %get3A_252 = arith.constant 0 : index
        %get3A_253 = tpu.vector_load %arg11[%get3A, %get3A_252] {strides = array<i32>} : memref<128x128xf32, #tpu.memory_space<vmem>>, vector<16xf32>,
        %mul3A_254 = arith.mulf %get3A_253, %gather3A : vector<16xf32>
        %swap3A = arith.index_cast %scan3A_247 : i32 to index
        %swap3A_255 = arith.constant 0 : index
        %swap3A_256 = tpu.vector_load %arg11[%swap3A, %swap3A_255] {strides = array<i32>} : memref<128x128xf32, #tpu.memory_space<vmem>>, vector<16xf32>,
        tpu.vector_store %arg11[%swap3A, %swap3A_255], %mul3A_254 {strides = array<i32>} : memref<128x128xf32, #tpu.memory_space<vmem>>, vector<16xf32>,
        %get3A_257 = arith.index_cast %scan3A_247 : i32 to index
        %get3A_258 = arith.constant 16 : index
        %get3A_259 = tpu.vector_load %arg11[%get3A_257, %get3A_258] {strides = array<i32>} : memref<128x128xf32, #tpu.memory_space<vmem>>, vector<16xf32>,
        %mul3A_260 = arith.mulf %get3A_259, %gather3A : vector<16xf32>
        %swap3A_261 = arith.index_cast %scan3A_247 : i32 to index
        %swap3A_262 = arith.constant 16 : index
        %swap3A_263 = tpu.vector_load %arg11[%swap3A_261, %swap3A_262] {strides = array<i32>} : memref<128x128xf32, #tpu.memory_space<vmem>>, vector<16xf32>,
        tpu.vector_store %arg11[%swap3A_261, %swap3A_262], %mul3A_260 {strides = array<i32>} : memref<128x128xf32, #tpu.memory_space<vmem>>, vector<16xf32>,
        %get3A_264 = arith.index_cast %scan3A_247 : i32 to index
        %get3A_265 = arith.constant 32 : index
        %get3A_266 = tpu.vector_load %arg11[%get3A_264, %get3A_265] {strides = array<i32>} : memref<128x128xf32, #tpu.memory_space<vmem>>, vector<16xf32>,
        %mul3A_267 = arith.mulf %get3A_266, %gather3A : vector<16xf32>
        %swap3A_268 = arith.index_cast %scan3A_247 : i32 to index
        %swap3A_269 = arith.constant 32 : index
        %swap3A_270 = tpu.vector_load %arg11[%swap3A_268, %swap3A_269] {strides = array<i32>} : memref<128x128xf32, #tpu.memory_space<vmem>>, vector<16xf32>,
        tpu.vector_store %arg11[%swap3A_268, %swap3A_269], %mul3A_267 {strides = array<i32>} : memref<128x128xf32, #tpu.memory_space<vmem>>, vector<16xf32>,
        %get3A_271 = arith.index_cast %scan3A_247 : i32 to index
        %get3A_272 = arith.constant 48 : index
        %get3A_273 = tpu.vector_load %arg11[%get3A_271, %get3A_272] {strides = array<i32>} : memref<128x128xf32, #tpu.memory_space<vmem>>, vector<16xf32>,
        %mul3A_274 = arith.mulf %get3A_273, %gather3A : vector<16xf32>
        %swap3A_275 = arith.index_cast %scan3A_247 : i32 to index
        %swap3A_276 = arith.constant 48 : index
        %swap3A_277 = tpu.vector_load %arg11[%swap3A_275, %swap3A_276] {strides = array<i32>} : memref<128x128xf32, #tpu.memory_space<vmem>>, vector<16xf32>,
        tpu.vector_store %arg11[%swap3A_275, %swap3A_276], %mul3A_274 {strides = array<i32>} : memref<128x128xf32, #tpu.memory_space<vmem>>, vector<16xf32>,
        %get3A_278 = arith.index_cast %scan3A_247 : i32 to index
        %get3A_279 = arith.constant 64 : index
        %get3A_280 = tpu.vector_load %arg11[%get3A_278, %get3A_279] {strides = array<i32>} : memref<128x128xf32, #tpu.memory_space<vmem>>, vector<16xf32>,
        %mul3A_281 = arith.mulf %get3A_280, %gather3A : vector<16xf32>
        %swap3A_282 = arith.index_cast %scan3A_247 : i32 to index
        %swap3A_283 = arith.constant 64 : index
        %swap3A_284 = tpu.vector_load %arg11[%swap3A_282, %swap3A_283] {strides = array<i32>} : memref<128x128xf32, #tpu.memory_space<vmem>>, vector<16xf32>,
        tpu.vector_store %arg11[%swap3A_282, %swap3A_283], %mul3A_281 {strides = array<i32>} : memref<128x128xf32, #tpu.memory_space<vmem>>, vector<16xf32>,
        %get3A_285 = arith.index_cast %scan3A_247 : i32 to index
        %get3A_286 = arith.constant 80 : index
        %get3A_287 = tpu.vector_load %arg11[%get3A_285, %get3A_286] {strides = array<i32>} : memref<128x128xf32, #tpu.memory_space<vmem>>, vector<16xf32>,
        %mul3A_288 = arith.mulf %get3A_287, %gather3A : vector<16xf32>
        %swap3A_289 = arith.index_cast %scan3A_247 : i32 to index
        %swap3A_290 = arith.constant 80 : index
        %swap3A_291 = tpu.vector_load %arg11[%swap3A_289, %swap3A_290] {strides = array<i32>} : memref<128x128xf32, #tpu.memory_space<vmem>>, vector<16xf32>,
        tpu.vector_store %arg11[%swap3A_289, %swap3A_290], %mul3A_288 {strides = array<i32>} : memref<128x128xf32, #tpu.memory_space<vmem>>, vector<16xf32>,
        %get3A_292 = arith.index_cast %scan3A_247 : i32 to index
        %get3A_293 = arith.constant 96 : index
        %get3A_294 = tpu.vector_load %arg11[%get3A_292, %get3A_293] {strides = array<i32>} : memref<128x128xf32, #tpu.memory_space<vmem>>, vector<16xf32>,
        %mul3A_295 = arith.mulf %get3A_294, %gather3A : vector<16xf32>
        %swap3A_296 = arith.index_cast %scan3A_247 : i32 to index
        %swap3A_297 = arith.constant 96 : index
        %swap3A_298 = tpu.vector_load %arg11[%swap3A_296, %swap3A_297] {strides = array<i32>} : memref<128x128xf32, #tpu.memory_space<vmem>>, vector<16xf32>,
        tpu.vector_store %arg11[%swap3A_296, %swap3A_297], %mul3A_295 {strides = array<i32>} : memref<128x128xf32, #tpu.memory_space<vmem>>, vector<16xf32>,
        %get3A_299 = arith.index_cast %scan3A_247 : i32 to index
        %get3A_300 = arith.constant 112 : index
        %get3A_301 = tpu.vector_load %arg11[%get3A_299, %get3A_300] {strides = array<i32>} : memref<128x128xf32, #tpu.memory_space<vmem>>, vector<16xf32>,
        %mul3A_302 = arith.mulf %get3A_301, %gather3A : vector<16xf32>
        %swap3A_303 = arith.index_cast %scan3A_247 : i32 to index
        %swap3A_304 = arith.constant 112 : index
        %swap3A_305 = tpu.vector_load %arg11[%swap3A_303, %swap3A_304] {strides = array<i32>} : memref<128x128xf32, #tpu.memory_space<vmem>>, vector<16xf32>,
        tpu.vector_store %arg11[%swap3A_303, %swap3A_304], %mul3A_302 {strides = array<i32>} : memref<128x128xf32, #tpu.memory_space<vmem>>, vector<16xf32>,
      }
      %scan3A_189 = arith.constant 128 : i32
      %run_scoped3A_190 = arith.constant 5 : i32
      "tpu.region"() ({
        %run_scoped3A_247 = tpu.sem_alloc : memref<!tpu.dma_semaphore, #tpu.memory_space<semaphore_mem>>
        %dma_start3A_248 = arith.constant 0 : i32
        %dma_start3A_249 = tpu.memref_slice %arg8[%rem3A_37, %run_scoped3A_190, %dma_start3A_248] : memref<2x8x128xi32, #tpu.memory_space<vmem>> -> memref<1x1x128xi32, #tpu.memory_space<vmem>>
        %dma_start3A_250 = tpu.memref_squeeze %dma_start3A_249 : memref<1x1x128xi32, #tpu.memory_space<vmem>> -> memref<128xi32, #tpu.memory_space<vmem>>
        %dma_start3A_251 = arith.constant 0 : i32
        %dma_start3A_252 = arith.constant 0 : i32
        %dma_start3A_253 = tpu.memref_slice %arg12[%dma_start3A_251, %dma_start3A_252] : memref<10240x128xf32, #tpu.memory_space<vmem_shared>> -> memref<10240x128xf32, #tpu.memory_space<vmem_shared>>
        tpu.enqueue_indirect_dma source(%arg11 : memref<128x128xf32, #tpu.memory_space<vmem>>) target(%dma_start3A_253 : memref<10240x128xf32, #tpu.memory_space<vmem_shared>>) offsets(%dma_start3A_250 : memref<128xi32, #tpu.memory_space<vmem>>) semaphore(%run_scoped3A_247 : memref<!tpu.dma_semaphore, #tpu.memory_space<semaphore_mem>>) {add = true}
        %dma_wait3A_254 = arith.constant 0 : i32
        %dma_wait3A_255 = tpu.memref_slice %arg8[%rem3A_37, %run_scoped3A_190, %dma_wait3A_254] : memref<2x8x128xi32, #tpu.memory_space<vmem>> -> memref<1x1x128xi32, #tpu.memory_space<vmem>>
        %dma_wait3A_256 = tpu.memref_squeeze %dma_wait3A_255 : memref<1x1x128xi32, #tpu.memory_space<vmem>> -> memref<128xi32, #tpu.memory_space<vmem>>
        %dma_wait3A_257 = arith.constant 0 : i32
        %dma_wait3A_258 = arith.constant 0 : i32
        %dma_wait3A_259 = tpu.memref_slice %arg12[%dma_wait3A_257, %dma_wait3A_258] : memref<10240x128xf32, #tpu.memory_space<vmem_shared>> -> memref<10240x128xf32, #tpu.memory_space<vmem_shared>>
        tpu.wait_indirect_dma semaphore(%run_scoped3A_247 : memref<!tpu.dma_semaphore, #tpu.memory_space<semaphore_mem>>) src(%arg11 : memref<128x128xf32, #tpu.memory_space<vmem>>) dst(%dma_wait3A_259 : memref<10240x128xf32, #tpu.memory_space<vmem_shared>>)
        tpu.yield
      }) : () -> ()
      %mul3A_191 = arith.constant 8 : i32
      %mul3A_192 = arith.muli %scan3A_36, %mul3A_191 : i32
      %add3A_193 = arith.constant 6 : i32
      %add3A_194 = arith.addi %mul3A_192, %add3A_193 : i32
      %add3A_195 = arith.constant 1 : i32
      %add3A_196 = arith.addi %add3A_194, %add3A_195 : i32
      %dma_start3A_197 = arith.constant 0 : i32
      %dma_start3A_198 = tpu.memref_slice %arg7[%add3A_196, %dma_start3A_197] : memref<80x128xi32, #tpu.memory_space<vmem>> -> memref<1x128xi32, #tpu.memory_space<vmem>>
      %dma_start3A_199 = tpu.memref_squeeze %dma_start3A_198 : memref<1x128xi32, #tpu.memory_space<vmem>> -> memref<128xi32, #tpu.memory_space<vmem>>
      %dma_start3A_200 = arith.constant 0 : i32
      %dma_start3A_201 = arith.constant 0 : i32
      %dma_start3A_202 = tpu.memref_slice %arg2[%dma_start3A_200, %dma_start3A_201] : memref<10000x128xf32, #tpu.memory_space<hbm>> -> memref<10000x128xf32, #tpu.memory_space<hbm>>
      tpu.enqueue_indirect_dma source(%dma_start3A_202 : memref<10000x128xf32, #tpu.memory_space<hbm>>) target(%arg11 : memref<128x128xf32, #tpu.memory_space<vmem>>) offsets(%dma_start3A_199 : memref<128xi32, #tpu.memory_space<vmem>>) semaphore(%arg14 : memref<!tpu.dma_semaphore, #tpu.memory_space<semaphore_mem>>)
      %dma_wait3A_203 = arith.constant 0 : i32
      %dma_wait3A_204 = tpu.memref_slice %arg7[%add3A_194, %dma_wait3A_203] : memref<80x128xi32, #tpu.memory_space<vmem>> -> memref<1x128xi32, #tpu.memory_space<vmem>>
      %dma_wait3A_205 = tpu.memref_squeeze %dma_wait3A_204 : memref<1x128xi32, #tpu.memory_space<vmem>> -> memref<128xi32, #tpu.memory_space<vmem>>
      %dma_wait3A_206 = arith.constant 0 : i32
      %dma_wait3A_207 = arith.constant 0 : i32
      %dma_wait3A_208 = tpu.memref_slice %arg2[%dma_wait3A_206, %dma_wait3A_207] : memref<10000x128xf32, #tpu.memory_space<hbm>> -> memref<10000x128xf32, #tpu.memory_space<hbm>>
      tpu.wait_indirect_dma semaphore(%arg13 : memref<!tpu.dma_semaphore, #tpu.memory_space<semaphore_mem>>) src(%dma_wait3A_208 : memref<10000x128xf32, #tpu.memory_space<hbm>>) dst(%arg10 : memref<128x128xf32, #tpu.memory_space<vmem>>)
      %scan3A_209 = arith.constant 0 : i32
      %scan3A_210 = arith.constant 0 : i32
      %scan3A_211 = arith.constant 128 : i32
      %scan3A_212 = arith.addi %scan3A_210, %scan3A_211 : i32
      %scan3A_213 = arith.constant 1 : i32
      scf.for %scan3A_247 = %scan3A_210 to %scan3A_212 step %scan3A_213  : i32 {
        %broadcast_in_dim3A_248 = vector.broadcast %rem3A_37 : i32 to vector<16xi32>
        %broadcast_in_dim3A_249 = arith.constant 6 : i32
        %broadcast_in_dim3A_250 = vector.broadcast %broadcast_in_dim3A_249 : i32 to vector<16xi32>
        %broadcast_in_dim3A_251 = vector.broadcast %scan3A_247 : i32 to vector<16xi32>
        %gather3A = tpu.vector_load_idx %arg9[%broadcast_in_dim3A_248, %broadcast_in_dim3A_250, %broadcast_in_dim3A_251] : memref<2x8x128xf32, #tpu.memory_space<vmem>>[vector<16xi32>, vector<16xi32>, vector<16xi32>], vector<16xf32>,
        %get3A = arith.index_cast %scan3A_247 : i32 to index
        %get3A_252 = arith.constant 0 : index
        %get3A_253 = tpu.vector_load %arg10[%get3A, %get3A_252] {strides = array<i32>} : memref<128x128xf32, #tpu.memory_space<vmem>>, vector<16xf32>,
        %mul3A_254 = arith.mulf %get3A_253, %gather3A : vector<16xf32>
        %swap3A = arith.index_cast %scan3A_247 : i32 to index
        %swap3A_255 = arith.constant 0 : index
        %swap3A_256 = tpu.vector_load %arg10[%swap3A, %swap3A_255] {strides = array<i32>} : memref<128x128xf32, #tpu.memory_space<vmem>>, vector<16xf32>,
        tpu.vector_store %arg10[%swap3A, %swap3A_255], %mul3A_254 {strides = array<i32>} : memref<128x128xf32, #tpu.memory_space<vmem>>, vector<16xf32>,
        %get3A_257 = arith.index_cast %scan3A_247 : i32 to index
        %get3A_258 = arith.constant 16 : index
        %get3A_259 = tpu.vector_load %arg10[%get3A_257, %get3A_258] {strides = array<i32>} : memref<128x128xf32, #tpu.memory_space<vmem>>, vector<16xf32>,
        %mul3A_260 = arith.mulf %get3A_259, %gather3A : vector<16xf32>
        %swap3A_261 = arith.index_cast %scan3A_247 : i32 to index
        %swap3A_262 = arith.constant 16 : index
        %swap3A_263 = tpu.vector_load %arg10[%swap3A_261, %swap3A_262] {strides = array<i32>} : memref<128x128xf32, #tpu.memory_space<vmem>>, vector<16xf32>,
        tpu.vector_store %arg10[%swap3A_261, %swap3A_262], %mul3A_260 {strides = array<i32>} : memref<128x128xf32, #tpu.memory_space<vmem>>, vector<16xf32>,
        %get3A_264 = arith.index_cast %scan3A_247 : i32 to index
        %get3A_265 = arith.constant 32 : index
        %get3A_266 = tpu.vector_load %arg10[%get3A_264, %get3A_265] {strides = array<i32>} : memref<128x128xf32, #tpu.memory_space<vmem>>, vector<16xf32>,
        %mul3A_267 = arith.mulf %get3A_266, %gather3A : vector<16xf32>
        %swap3A_268 = arith.index_cast %scan3A_247 : i32 to index
        %swap3A_269 = arith.constant 32 : index
        %swap3A_270 = tpu.vector_load %arg10[%swap3A_268, %swap3A_269] {strides = array<i32>} : memref<128x128xf32, #tpu.memory_space<vmem>>, vector<16xf32>,
        tpu.vector_store %arg10[%swap3A_268, %swap3A_269], %mul3A_267 {strides = array<i32>} : memref<128x128xf32, #tpu.memory_space<vmem>>, vector<16xf32>,
        %get3A_271 = arith.index_cast %scan3A_247 : i32 to index
        %get3A_272 = arith.constant 48 : index
        %get3A_273 = tpu.vector_load %arg10[%get3A_271, %get3A_272] {strides = array<i32>} : memref<128x128xf32, #tpu.memory_space<vmem>>, vector<16xf32>,
        %mul3A_274 = arith.mulf %get3A_273, %gather3A : vector<16xf32>
        %swap3A_275 = arith.index_cast %scan3A_247 : i32 to index
        %swap3A_276 = arith.constant 48 : index
        %swap3A_277 = tpu.vector_load %arg10[%swap3A_275, %swap3A_276] {strides = array<i32>} : memref<128x128xf32, #tpu.memory_space<vmem>>, vector<16xf32>,
        tpu.vector_store %arg10[%swap3A_275, %swap3A_276], %mul3A_274 {strides = array<i32>} : memref<128x128xf32, #tpu.memory_space<vmem>>, vector<16xf32>,
        %get3A_278 = arith.index_cast %scan3A_247 : i32 to index
        %get3A_279 = arith.constant 64 : index
        %get3A_280 = tpu.vector_load %arg10[%get3A_278, %get3A_279] {strides = array<i32>} : memref<128x128xf32, #tpu.memory_space<vmem>>, vector<16xf32>,
        %mul3A_281 = arith.mulf %get3A_280, %gather3A : vector<16xf32>
        %swap3A_282 = arith.index_cast %scan3A_247 : i32 to index
        %swap3A_283 = arith.constant 64 : index
        %swap3A_284 = tpu.vector_load %arg10[%swap3A_282, %swap3A_283] {strides = array<i32>} : memref<128x128xf32, #tpu.memory_space<vmem>>, vector<16xf32>,
        tpu.vector_store %arg10[%swap3A_282, %swap3A_283], %mul3A_281 {strides = array<i32>} : memref<128x128xf32, #tpu.memory_space<vmem>>, vector<16xf32>,
        %get3A_285 = arith.index_cast %scan3A_247 : i32 to index
        %get3A_286 = arith.constant 80 : index
        %get3A_287 = tpu.vector_load %arg10[%get3A_285, %get3A_286] {strides = array<i32>} : memref<128x128xf32, #tpu.memory_space<vmem>>, vector<16xf32>,
        %mul3A_288 = arith.mulf %get3A_287, %gather3A : vector<16xf32>
        %swap3A_289 = arith.index_cast %scan3A_247 : i32 to index
        %swap3A_290 = arith.constant 80 : index
        %swap3A_291 = tpu.vector_load %arg10[%swap3A_289, %swap3A_290] {strides = array<i32>} : memref<128x128xf32, #tpu.memory_space<vmem>>, vector<16xf32>,
        tpu.vector_store %arg10[%swap3A_289, %swap3A_290], %mul3A_288 {strides = array<i32>} : memref<128x128xf32, #tpu.memory_space<vmem>>, vector<16xf32>,
        %get3A_292 = arith.index_cast %scan3A_247 : i32 to index
        %get3A_293 = arith.constant 96 : index
        %get3A_294 = tpu.vector_load %arg10[%get3A_292, %get3A_293] {strides = array<i32>} : memref<128x128xf32, #tpu.memory_space<vmem>>, vector<16xf32>,
        %mul3A_295 = arith.mulf %get3A_294, %gather3A : vector<16xf32>
        %swap3A_296 = arith.index_cast %scan3A_247 : i32 to index
        %swap3A_297 = arith.constant 96 : index
        %swap3A_298 = tpu.vector_load %arg10[%swap3A_296, %swap3A_297] {strides = array<i32>} : memref<128x128xf32, #tpu.memory_space<vmem>>, vector<16xf32>,
        tpu.vector_store %arg10[%swap3A_296, %swap3A_297], %mul3A_295 {strides = array<i32>} : memref<128x128xf32, #tpu.memory_space<vmem>>, vector<16xf32>,
        %get3A_299 = arith.index_cast %scan3A_247 : i32 to index
        %get3A_300 = arith.constant 112 : index
        %get3A_301 = tpu.vector_load %arg10[%get3A_299, %get3A_300] {strides = array<i32>} : memref<128x128xf32, #tpu.memory_space<vmem>>, vector<16xf32>,
        %mul3A_302 = arith.mulf %get3A_301, %gather3A : vector<16xf32>
        %swap3A_303 = arith.index_cast %scan3A_247 : i32 to index
        %swap3A_304 = arith.constant 112 : index
        %swap3A_305 = tpu.vector_load %arg10[%swap3A_303, %swap3A_304] {strides = array<i32>} : memref<128x128xf32, #tpu.memory_space<vmem>>, vector<16xf32>,
        tpu.vector_store %arg10[%swap3A_303, %swap3A_304], %mul3A_302 {strides = array<i32>} : memref<128x128xf32, #tpu.memory_space<vmem>>, vector<16xf32>,
      }
      %scan3A_214 = arith.constant 128 : i32
      %run_scoped3A_215 = arith.constant 6 : i32
      "tpu.region"() ({
        %run_scoped3A_247 = tpu.sem_alloc : memref<!tpu.dma_semaphore, #tpu.memory_space<semaphore_mem>>
        %dma_start3A_248 = arith.constant 0 : i32
        %dma_start3A_249 = tpu.memref_slice %arg8[%rem3A_37, %run_scoped3A_215, %dma_start3A_248] : memref<2x8x128xi32, #tpu.memory_space<vmem>> -> memref<1x1x128xi32, #tpu.memory_space<vmem>>
        %dma_start3A_250 = tpu.memref_squeeze %dma_start3A_249 : memref<1x1x128xi32, #tpu.memory_space<vmem>> -> memref<128xi32, #tpu.memory_space<vmem>>
        %dma_start3A_251 = arith.constant 0 : i32
        %dma_start3A_252 = arith.constant 0 : i32
        %dma_start3A_253 = tpu.memref_slice %arg12[%dma_start3A_251, %dma_start3A_252] : memref<10240x128xf32, #tpu.memory_space<vmem_shared>> -> memref<10240x128xf32, #tpu.memory_space<vmem_shared>>
        tpu.enqueue_indirect_dma source(%arg10 : memref<128x128xf32, #tpu.memory_space<vmem>>) target(%dma_start3A_253 : memref<10240x128xf32, #tpu.memory_space<vmem_shared>>) offsets(%dma_start3A_250 : memref<128xi32, #tpu.memory_space<vmem>>) semaphore(%run_scoped3A_247 : memref<!tpu.dma_semaphore, #tpu.memory_space<semaphore_mem>>) {add = true}
        %dma_wait3A_254 = arith.constant 0 : i32
        %dma_wait3A_255 = tpu.memref_slice %arg8[%rem3A_37, %run_scoped3A_215, %dma_wait3A_254] : memref<2x8x128xi32, #tpu.memory_space<vmem>> -> memref<1x1x128xi32, #tpu.memory_space<vmem>>
        %dma_wait3A_256 = tpu.memref_squeeze %dma_wait3A_255 : memref<1x1x128xi32, #tpu.memory_space<vmem>> -> memref<128xi32, #tpu.memory_space<vmem>>
        %dma_wait3A_257 = arith.constant 0 : i32
        %dma_wait3A_258 = arith.constant 0 : i32
        %dma_wait3A_259 = tpu.memref_slice %arg12[%dma_wait3A_257, %dma_wait3A_258] : memref<10240x128xf32, #tpu.memory_space<vmem_shared>> -> memref<10240x128xf32, #tpu.memory_space<vmem_shared>>
        tpu.wait_indirect_dma semaphore(%run_scoped3A_247 : memref<!tpu.dma_semaphore, #tpu.memory_space<semaphore_mem>>) src(%arg10 : memref<128x128xf32, #tpu.memory_space<vmem>>) dst(%dma_wait3A_259 : memref<10240x128xf32, #tpu.memory_space<vmem_shared>>)
        tpu.yield
      }) : () -> ()
      %mul3A_216 = arith.constant 8 : i32
      %mul3A_217 = arith.muli %scan3A_36, %mul3A_216 : i32
      %add3A_218 = arith.constant 7 : i32
      %add3A_219 = arith.addi %mul3A_217, %add3A_218 : i32
      %add3A_220 = arith.constant 1 : i32
      %add3A_221 = arith.addi %scan3A_36, %add3A_220 : i32
      %lt3A_222 = arith.constant 10 : i32
      %lt3A_223 = arith.cmpi slt, %add3A_221, %lt3A_222 : i32
      %convert_element_type3A_224 = arith.extui %lt3A_223 : i1 to i32
      %cond3A_225 = arith.constant 0 : i32
      %cond3A_226 = arith.cmpi ne, %convert_element_type3A_224, %cond3A_225 : i32
      scf.if %cond3A_226 {
        %add3A_247 = arith.constant 1 : i32
        %add3A_248 = arith.addi %add3A_219, %add3A_247 : i32
        %dma_start3A_249 = arith.constant 0 : i32
        %dma_start3A_250 = tpu.memref_slice %arg7[%add3A_248, %dma_start3A_249] : memref<80x128xi32, #tpu.memory_space<vmem>> -> memref<1x128xi32, #tpu.memory_space<vmem>>
        %dma_start3A_251 = tpu.memref_squeeze %dma_start3A_250 : memref<1x128xi32, #tpu.memory_space<vmem>> -> memref<128xi32, #tpu.memory_space<vmem>>
        %dma_start3A_252 = arith.constant 0 : i32
        %dma_start3A_253 = arith.constant 0 : i32
        %dma_start3A_254 = tpu.memref_slice %arg2[%dma_start3A_252, %dma_start3A_253] : memref<10000x128xf32, #tpu.memory_space<hbm>> -> memref<10000x128xf32, #tpu.memory_space<hbm>>
        tpu.enqueue_indirect_dma source(%dma_start3A_254 : memref<10000x128xf32, #tpu.memory_space<hbm>>) target(%arg10 : memref<128x128xf32, #tpu.memory_space<vmem>>) offsets(%dma_start3A_251 : memref<128xi32, #tpu.memory_space<vmem>>) semaphore(%arg13 : memref<!tpu.dma_semaphore, #tpu.memory_space<semaphore_mem>>)
      } else {
      }
      %dma_wait3A_227 = arith.constant 0 : i32
      %dma_wait3A_228 = tpu.memref_slice %arg7[%add3A_219, %dma_wait3A_227] : memref<80x128xi32, #tpu.memory_space<vmem>> -> memref<1x128xi32, #tpu.memory_space<vmem>>
      %dma_wait3A_229 = tpu.memref_squeeze %dma_wait3A_228 : memref<1x128xi32, #tpu.memory_space<vmem>> -> memref<128xi32, #tpu.memory_space<vmem>>
      %dma_wait3A_230 = arith.constant 0 : i32
      %dma_wait3A_231 = arith.constant 0 : i32
      %dma_wait3A_232 = tpu.memref_slice %arg2[%dma_wait3A_230, %dma_wait3A_231] : memref<10000x128xf32, #tpu.memory_space<hbm>> -> memref<10000x128xf32, #tpu.memory_space<hbm>>
      tpu.wait_indirect_dma semaphore(%arg14 : memref<!tpu.dma_semaphore, #tpu.memory_space<semaphore_mem>>) src(%dma_wait3A_232 : memref<10000x128xf32, #tpu.memory_space<hbm>>) dst(%arg11 : memref<128x128xf32, #tpu.memory_space<vmem>>)
      %scan3A_233 = arith.constant 0 : i32
      %scan3A_234 = arith.constant 0 : i32
      %scan3A_235 = arith.constant 128 : i32
      %scan3A_236 = arith.addi %scan3A_234, %scan3A_235 : i32
      %scan3A_237 = arith.constant 1 : i32
      scf.for %scan3A_247 = %scan3A_234 to %scan3A_236 step %scan3A_237  : i32 {
        %broadcast_in_dim3A_248 = vector.broadcast %rem3A_37 : i32 to vector<16xi32>
        %broadcast_in_dim3A_249 = arith.constant 7 : i32
        %broadcast_in_dim3A_250 = vector.broadcast %broadcast_in_dim3A_249 : i32 to vector<16xi32>
        %broadcast_in_dim3A_251 = vector.broadcast %scan3A_247 : i32 to vector<16xi32>
        %gather3A = tpu.vector_load_idx %arg9[%broadcast_in_dim3A_248, %broadcast_in_dim3A_250, %broadcast_in_dim3A_251] : memref<2x8x128xf32, #tpu.memory_space<vmem>>[vector<16xi32>, vector<16xi32>, vector<16xi32>], vector<16xf32>,
        %get3A = arith.index_cast %scan3A_247 : i32 to index
        %get3A_252 = arith.constant 0 : index
        %get3A_253 = tpu.vector_load %arg11[%get3A, %get3A_252] {strides = array<i32>} : memref<128x128xf32, #tpu.memory_space<vmem>>, vector<16xf32>,
        %mul3A_254 = arith.mulf %get3A_253, %gather3A : vector<16xf32>
        %swap3A = arith.index_cast %scan3A_247 : i32 to index
        %swap3A_255 = arith.constant 0 : index
        %swap3A_256 = tpu.vector_load %arg11[%swap3A, %swap3A_255] {strides = array<i32>} : memref<128x128xf32, #tpu.memory_space<vmem>>, vector<16xf32>,
        tpu.vector_store %arg11[%swap3A, %swap3A_255], %mul3A_254 {strides = array<i32>} : memref<128x128xf32, #tpu.memory_space<vmem>>, vector<16xf32>,
        %get3A_257 = arith.index_cast %scan3A_247 : i32 to index
        %get3A_258 = arith.constant 16 : index
        %get3A_259 = tpu.vector_load %arg11[%get3A_257, %get3A_258] {strides = array<i32>} : memref<128x128xf32, #tpu.memory_space<vmem>>, vector<16xf32>,
        %mul3A_260 = arith.mulf %get3A_259, %gather3A : vector<16xf32>
        %swap3A_261 = arith.index_cast %scan3A_247 : i32 to index
        %swap3A_262 = arith.constant 16 : index
        %swap3A_263 = tpu.vector_load %arg11[%swap3A_261, %swap3A_262] {strides = array<i32>} : memref<128x128xf32, #tpu.memory_space<vmem>>, vector<16xf32>,
        tpu.vector_store %arg11[%swap3A_261, %swap3A_262], %mul3A_260 {strides = array<i32>} : memref<128x128xf32, #tpu.memory_space<vmem>>, vector<16xf32>,
        %get3A_264 = arith.index_cast %scan3A_247 : i32 to index
        %get3A_265 = arith.constant 32 : index
        %get3A_266 = tpu.vector_load %arg11[%get3A_264, %get3A_265] {strides = array<i32>} : memref<128x128xf32, #tpu.memory_space<vmem>>, vector<16xf32>,
        %mul3A_267 = arith.mulf %get3A_266, %gather3A : vector<16xf32>
        %swap3A_268 = arith.index_cast %scan3A_247 : i32 to index
        %swap3A_269 = arith.constant 32 : index
        %swap3A_270 = tpu.vector_load %arg11[%swap3A_268, %swap3A_269] {strides = array<i32>} : memref<128x128xf32, #tpu.memory_space<vmem>>, vector<16xf32>,
        tpu.vector_store %arg11[%swap3A_268, %swap3A_269], %mul3A_267 {strides = array<i32>} : memref<128x128xf32, #tpu.memory_space<vmem>>, vector<16xf32>,
        %get3A_271 = arith.index_cast %scan3A_247 : i32 to index
        %get3A_272 = arith.constant 48 : index
        %get3A_273 = tpu.vector_load %arg11[%get3A_271, %get3A_272] {strides = array<i32>} : memref<128x128xf32, #tpu.memory_space<vmem>>, vector<16xf32>,
        %mul3A_274 = arith.mulf %get3A_273, %gather3A : vector<16xf32>
        %swap3A_275 = arith.index_cast %scan3A_247 : i32 to index
        %swap3A_276 = arith.constant 48 : index
        %swap3A_277 = tpu.vector_load %arg11[%swap3A_275, %swap3A_276] {strides = array<i32>} : memref<128x128xf32, #tpu.memory_space<vmem>>, vector<16xf32>,
        tpu.vector_store %arg11[%swap3A_275, %swap3A_276], %mul3A_274 {strides = array<i32>} : memref<128x128xf32, #tpu.memory_space<vmem>>, vector<16xf32>,
        %get3A_278 = arith.index_cast %scan3A_247 : i32 to index
        %get3A_279 = arith.constant 64 : index
        %get3A_280 = tpu.vector_load %arg11[%get3A_278, %get3A_279] {strides = array<i32>} : memref<128x128xf32, #tpu.memory_space<vmem>>, vector<16xf32>,
        %mul3A_281 = arith.mulf %get3A_280, %gather3A : vector<16xf32>
        %swap3A_282 = arith.index_cast %scan3A_247 : i32 to index
        %swap3A_283 = arith.constant 64 : index
        %swap3A_284 = tpu.vector_load %arg11[%swap3A_282, %swap3A_283] {strides = array<i32>} : memref<128x128xf32, #tpu.memory_space<vmem>>, vector<16xf32>,
        tpu.vector_store %arg11[%swap3A_282, %swap3A_283], %mul3A_281 {strides = array<i32>} : memref<128x128xf32, #tpu.memory_space<vmem>>, vector<16xf32>,
        %get3A_285 = arith.index_cast %scan3A_247 : i32 to index
        %get3A_286 = arith.constant 80 : index
        %get3A_287 = tpu.vector_load %arg11[%get3A_285, %get3A_286] {strides = array<i32>} : memref<128x128xf32, #tpu.memory_space<vmem>>, vector<16xf32>,
        %mul3A_288 = arith.mulf %get3A_287, %gather3A : vector<16xf32>
        %swap3A_289 = arith.index_cast %scan3A_247 : i32 to index
        %swap3A_290 = arith.constant 80 : index
        %swap3A_291 = tpu.vector_load %arg11[%swap3A_289, %swap3A_290] {strides = array<i32>} : memref<128x128xf32, #tpu.memory_space<vmem>>, vector<16xf32>,
        tpu.vector_store %arg11[%swap3A_289, %swap3A_290], %mul3A_288 {strides = array<i32>} : memref<128x128xf32, #tpu.memory_space<vmem>>, vector<16xf32>,
        %get3A_292 = arith.index_cast %scan3A_247 : i32 to index
        %get3A_293 = arith.constant 96 : index
        %get3A_294 = tpu.vector_load %arg11[%get3A_292, %get3A_293] {strides = array<i32>} : memref<128x128xf32, #tpu.memory_space<vmem>>, vector<16xf32>,
        %mul3A_295 = arith.mulf %get3A_294, %gather3A : vector<16xf32>
        %swap3A_296 = arith.index_cast %scan3A_247 : i32 to index
        %swap3A_297 = arith.constant 96 : index
        %swap3A_298 = tpu.vector_load %arg11[%swap3A_296, %swap3A_297] {strides = array<i32>} : memref<128x128xf32, #tpu.memory_space<vmem>>, vector<16xf32>,
        tpu.vector_store %arg11[%swap3A_296, %swap3A_297], %mul3A_295 {strides = array<i32>} : memref<128x128xf32, #tpu.memory_space<vmem>>, vector<16xf32>,
        %get3A_299 = arith.index_cast %scan3A_247 : i32 to index
        %get3A_300 = arith.constant 112 : index
        %get3A_301 = tpu.vector_load %arg11[%get3A_299, %get3A_300] {strides = array<i32>} : memref<128x128xf32, #tpu.memory_space<vmem>>, vector<16xf32>,
        %mul3A_302 = arith.mulf %get3A_301, %gather3A : vector<16xf32>
        %swap3A_303 = arith.index_cast %scan3A_247 : i32 to index
        %swap3A_304 = arith.constant 112 : index
        %swap3A_305 = tpu.vector_load %arg11[%swap3A_303, %swap3A_304] {strides = array<i32>} : memref<128x128xf32, #tpu.memory_space<vmem>>, vector<16xf32>,
        tpu.vector_store %arg11[%swap3A_303, %swap3A_304], %mul3A_302 {strides = array<i32>} : memref<128x128xf32, #tpu.memory_space<vmem>>, vector<16xf32>,
      }
      %scan3A_238 = arith.constant 128 : i32
      %run_scoped3A_239 = arith.constant 7 : i32
      "tpu.region"() ({
        %run_scoped3A_247 = tpu.sem_alloc : memref<!tpu.dma_semaphore, #tpu.memory_space<semaphore_mem>>
        %dma_start3A_248 = arith.constant 0 : i32
        %dma_start3A_249 = tpu.memref_slice %arg8[%rem3A_37, %run_scoped3A_239, %dma_start3A_248] : memref<2x8x128xi32, #tpu.memory_space<vmem>> -> memref<1x1x128xi32, #tpu.memory_space<vmem>>
        %dma_start3A_250 = tpu.memref_squeeze %dma_start3A_249 : memref<1x1x128xi32, #tpu.memory_space<vmem>> -> memref<128xi32, #tpu.memory_space<vmem>>
        %dma_start3A_251 = arith.constant 0 : i32
        %dma_start3A_252 = arith.constant 0 : i32
        %dma_start3A_253 = tpu.memref_slice %arg12[%dma_start3A_251, %dma_start3A_252] : memref<10240x128xf32, #tpu.memory_space<vmem_shared>> -> memref<10240x128xf32, #tpu.memory_space<vmem_shared>>
        tpu.enqueue_indirect_dma source(%arg11 : memref<128x128xf32, #tpu.memory_space<vmem>>) target(%dma_start3A_253 : memref<10240x128xf32, #tpu.memory_space<vmem_shared>>) offsets(%dma_start3A_250 : memref<128xi32, #tpu.memory_space<vmem>>) semaphore(%run_scoped3A_247 : memref<!tpu.dma_semaphore, #tpu.memory_space<semaphore_mem>>) {add = true}
        %dma_wait3A_254 = arith.constant 0 : i32
        %dma_wait3A_255 = tpu.memref_slice %arg8[%rem3A_37, %run_scoped3A_239, %dma_wait3A_254] : memref<2x8x128xi32, #tpu.memory_space<vmem>> -> memref<1x1x128xi32, #tpu.memory_space<vmem>>
        %dma_wait3A_256 = tpu.memref_squeeze %dma_wait3A_255 : memref<1x1x128xi32, #tpu.memory_space<vmem>> -> memref<128xi32, #tpu.memory_space<vmem>>
        %dma_wait3A_257 = arith.constant 0 : i32
        %dma_wait3A_258 = arith.constant 0 : i32
        %dma_wait3A_259 = tpu.memref_slice %arg12[%dma_wait3A_257, %dma_wait3A_258] : memref<10240x128xf32, #tpu.memory_space<vmem_shared>> -> memref<10240x128xf32, #tpu.memory_space<vmem_shared>>
        tpu.wait_indirect_dma semaphore(%run_scoped3A_247 : memref<!tpu.dma_semaphore, #tpu.memory_space<semaphore_mem>>) src(%arg11 : memref<128x128xf32, #tpu.memory_space<vmem>>) dst(%dma_wait3A_259 : memref<10240x128xf32, #tpu.memory_space<vmem_shared>>)
        tpu.yield
      }) : () -> ()
      %add3A_240 = arith.constant 1 : i32
      %add3A_241 = arith.addi %scan3A_36, %add3A_240 : i32
      %lt3A_242 = arith.constant 10 : i32
      %lt3A_243 = arith.cmpi slt, %add3A_241, %lt3A_242 : i32
      %convert_element_type3A_244 = arith.extui %lt3A_243 : i1 to i32
      %cond3A_245 = arith.constant 0 : i32
      %cond3A_246 = arith.cmpi ne, %convert_element_type3A_244, %cond3A_245 : i32
      scf.if %cond3A_246 {
        %sub3A = arith.constant 1 : i32
        %sub3A_247 = arith.subi %sub3A, %rem3A_37 : i32
        %dma_wait3A_248 = arith.constant 0 : i32
        %dma_wait3A_249 = arith.constant 0 : i32
        %dma_wait3A_250 = tpu.memref_slice %arg8[%sub3A_247, %dma_wait3A_248, %dma_wait3A_249] : memref<2x8x128xi32, #tpu.memory_space<vmem>> -> memref<1x8x128xi32, #tpu.memory_space<vmem>>
        %dma_wait3A_251 = tpu.memref_squeeze %dma_wait3A_250 : memref<1x8x128xi32, #tpu.memory_space<vmem>> -> memref<8x128xi32, #tpu.memory_space<vmem>>
        %dma_wait3A_252 = arith.constant 0 : i32
        %dma_wait3A_253 = arith.constant 0 : i32
        %dma_wait3A_254 = tpu.memref_slice %arg4[%add3A, %dma_wait3A_252, %dma_wait3A_253] : memref<32x80x128xi32, #tpu.memory_space<hbm>> -> memref<1x8x128xi32, #tpu.memory_space<hbm>>
        %dma_wait3A_255 = tpu.memref_squeeze %dma_wait3A_254 : memref<1x8x128xi32, #tpu.memory_space<hbm>> -> memref<8x128xi32, #tpu.memory_space<hbm>>
        %dma_wait3A_256 = arith.constant 0 : i32
        %dma_wait3A_257 = arith.constant 0 : i32
        %dma_wait3A_258 = tpu.memref_slice %arg8[%sub3A_247, %dma_wait3A_256, %dma_wait3A_257] : memref<2x8x128xi32, #tpu.memory_space<vmem>> -> memref<1x8x128xi32, #tpu.memory_space<vmem>>
        %dma_wait3A_259 = tpu.memref_squeeze %dma_wait3A_258 : memref<1x8x128xi32, #tpu.memory_space<vmem>> -> memref<8x128xi32, #tpu.memory_space<vmem>>
        %dma_wait3A_260 = arith.constant 0 : i32
        %dma_wait3A_261 = arith.constant 0 : i32
        %dma_wait3A_262 = tpu.memref_slice %arg4[%add3A, %dma_wait3A_260, %dma_wait3A_261] : memref<32x80x128xi32, #tpu.memory_space<hbm>> -> memref<1x8x128xi32, #tpu.memory_space<hbm>>
        %dma_wait3A_263 = tpu.memref_squeeze %dma_wait3A_262 : memref<1x8x128xi32, #tpu.memory_space<hbm>> -> memref<8x128xi32, #tpu.memory_space<hbm>>
        tpu.wait_dma2 semaphore(%arg15 : memref<!tpu.dma_semaphore, #tpu.memory_space<semaphore_mem>>) src(%dma_wait3A_263 : memref<8x128xi32, #tpu.memory_space<hbm>>) dst(%dma_wait3A_259 : memref<8x128xi32, #tpu.memory_space<vmem>>)
        %sub3A_264 = arith.constant 1 : i32
        %sub3A_265 = arith.subi %sub3A_264, %rem3A_37 : i32
        %dma_wait3A_266 = arith.constant 0 : i32
        %dma_wait3A_267 = arith.constant 0 : i32
        %dma_wait3A_268 = tpu.memref_slice %arg9[%sub3A_265, %dma_wait3A_266, %dma_wait3A_267] : memref<2x8x128xf32, #tpu.memory_space<vmem>> -> memref<1x8x128xf32, #tpu.memory_space<vmem>>
        %dma_wait3A_269 = tpu.memref_squeeze %dma_wait3A_268 : memref<1x8x128xf32, #tpu.memory_space<vmem>> -> memref<8x128xf32, #tpu.memory_space<vmem>>
        %dma_wait3A_270 = arith.constant 0 : i32
        %dma_wait3A_271 = arith.constant 0 : i32
        %dma_wait3A_272 = tpu.memref_slice %arg5[%add3A, %dma_wait3A_270, %dma_wait3A_271] : memref<32x80x128xf32, #tpu.memory_space<hbm>> -> memref<1x8x128xf32, #tpu.memory_space<hbm>>
        %dma_wait3A_273 = tpu.memref_squeeze %dma_wait3A_272 : memref<1x8x128xf32, #tpu.memory_space<hbm>> -> memref<8x128xf32, #tpu.memory_space<hbm>>
        %dma_wait3A_274 = arith.constant 0 : i32
        %dma_wait3A_275 = arith.constant 0 : i32
        %dma_wait3A_276 = tpu.memref_slice %arg9[%sub3A_265, %dma_wait3A_274, %dma_wait3A_275] : memref<2x8x128xf32, #tpu.memory_space<vmem>> -> memref<1x8x128xf32, #tpu.memory_space<vmem>>
        %dma_wait3A_277 = tpu.memref_squeeze %dma_wait3A_276 : memref<1x8x128xf32, #tpu.memory_space<vmem>> -> memref<8x128xf32, #tpu.memory_space<vmem>>
        %dma_wait3A_278 = arith.constant 0 : i32
        %dma_wait3A_279 = arith.constant 0 : i32
        %dma_wait3A_280 = tpu.memref_slice %arg5[%add3A, %dma_wait3A_278, %dma_wait3A_279] : memref<32x80x128xf32, #tpu.memory_space<hbm>> -> memref<1x8x128xf32, #tpu.memory_space<hbm>>
        %dma_wait3A_281 = tpu.memref_squeeze %dma_wait3A_280 : memref<1x8x128xf32, #tpu.memory_space<hbm>> -> memref<8x128xf32, #tpu.memory_space<hbm>>
        tpu.wait_dma2 semaphore(%arg15 : memref<!tpu.dma_semaphore, #tpu.memory_space<semaphore_mem>>) src(%dma_wait3A_281 : memref<8x128xf32, #tpu.memory_space<hbm>>) dst(%dma_wait3A_277 : memref<8x128xf32, #tpu.memory_space<vmem>>)
      } else {
      }
    }
    %scan3A_31 = arith.constant 10 : i32
    %barrier3A_32 = arith.constant 0 : index
    tpu.barrier barrier_id(%barrier3A_32)
    %mul3A_33 = arith.constant 10240 : i32
    %mul3A_34 = arith.muli %arg0, %mul3A_33 : i32
    %add3A_35 = arith.addi %mul3A_34, %mul3A_8 : i32
    "tpu.region"() ({
      %run_scoped3A_36 = tpu.sem_alloc : memref<!tpu.dma_semaphore, #tpu.memory_space<semaphore_mem>>
      %dma_start3A_37 = arith.constant 0 : i32
      %dma_start3A_38 = tpu.memref_slice %arg6[%add3A_35, %dma_start3A_37] : memref<20480x128xf32, #tpu.memory_space<hbm>> -> memref<640x128xf32, #tpu.memory_space<hbm>>
      %dma_start3A_39 = arith.constant 0 : i32
      %dma_start3A_40 = tpu.memref_slice %arg12[%mul3A_8, %dma_start3A_39] : memref<10240x128xf32, #tpu.memory_space<vmem_shared>> -> memref<640x128xf32, #tpu.memory_space<vmem_shared>>
      tpu.enqueue_dma source(%dma_start3A_40 : memref<640x128xf32, #tpu.memory_space<vmem_shared>>) target(%dma_start3A_38 : memref<640x128xf32, #tpu.memory_space<hbm>>) target_semaphore(%run_scoped3A_36 : memref<!tpu.dma_semaphore, #tpu.memory_space<semaphore_mem>>)
      %dma_wait3A = arith.constant 0 : i32
      %dma_wait3A_41 = tpu.memref_slice %arg6[%add3A_35, %dma_wait3A] : memref<20480x128xf32, #tpu.memory_space<hbm>> -> memref<640x128xf32, #tpu.memory_space<hbm>>
      %dma_wait3A_42 = arith.constant 0 : i32
      %dma_wait3A_43 = tpu.memref_slice %arg12[%mul3A_8, %dma_wait3A_42] : memref<10240x128xf32, #tpu.memory_space<vmem_shared>> -> memref<640x128xf32, #tpu.memory_space<vmem_shared>>
      tpu.wait_dma2 semaphore(%run_scoped3A_36 : memref<!tpu.dma_semaphore, #tpu.memory_space<semaphore_mem>>) src(%dma_wait3A_43 : memref<640x128xf32, #tpu.memory_space<vmem_shared>>) dst(%dma_wait3A_41 : memref<640x128xf32, #tpu.memory_space<hbm>>)
      tpu.yield
    }) : () -> ()
    return
  }
}

module attributes {stable_mosaic.version = 14 : i64} {
  func.func @_alpha_body(%arg0: i32, %arg1: memref<1000x128xf32, #tpu.memory_space<vmem>>, %arg2: memref<128x128xf32, #tpu.memory_space<vmem>>, %arg3: memref<1000x128xf32, #tpu.memory_space<vmem>>) attributes {dimension_semantics = [#tpu.dimension_semantics<arbitrary>], iteration_bounds = array<i64: 10>, scalar_prefetch = 0 : i64, scratch_operands = 0 : i64, tpu.core_type = #tpu.core_type<tc>, window_params = [{transform_indices = @transform_0, window_bounds = array<i64: 1000, 128>}, {pipeline_mode = #tpu.pipeline_mode<synchronous>, transform_indices = @transform_1, window_bounds = array<i64: 128, 128>}, {transform_indices = @transform_2, window_bounds = array<i64: 1000, 128>}]} {
    %get3A = arith.constant 0 : index
    %get3A_0 = arith.constant 0 : index
    %get3A_1 = vector.load %arg1[%get3A, %get3A_0] : memref<1000x128xf32, #tpu.memory_space<vmem>>, vector<1000x128xf32>
    %get3A_2 = arith.constant 0 : index
    %get3A_3 = arith.constant 0 : index
    %get3A_4 = vector.load %arg2[%get3A_2, %get3A_3] : memref<128x128xf32, #tpu.memory_space<vmem>>, vector<128x128xf32>
    %dot_general3A = arith.constant dense<0.000000e+00> : vector<1000x128xf32>
    %dot_general3A_5 = tpu.matmul %get3A_1, %get3A_4, %dot_general3A {dimension_numbers = #tpu.dot_dimension_numbers<[1], [0], [0], [1], [0, 0, 1, 1], [], []>, transpose_lhs_hint = false} : vector<1000x128xf32>, vector<128x128xf32>, vector<1000x128xf32> -> vector<1000x128xf32>
    %swap3A = arith.constant 0 : index
    %swap3A_6 = arith.constant 0 : index
    %swap3A_7 = vector.load %arg3[%swap3A, %swap3A_6] : memref<1000x128xf32, #tpu.memory_space<vmem>>, vector<1000x128xf32>
    tpu.vector_store %arg3[%swap3A, %swap3A_6], %dot_general3A_5 {strides = array<i32>} : memref<1000x128xf32, #tpu.memory_space<vmem>>, vector<1000x128xf32>,
    return
  }
  func.func @transform_0(%arg0: i32) -> (i32, i32) {
    %c0_i32 = arith.constant 0 : i32
    %c0_i32_0 = arith.constant 0 : i32
    return %arg0, %c0_i32 : i32, i32
  }
  func.func @transform_1(%arg0: i32) -> (i32, i32) {
    %c0_i32 = arith.constant 0 : i32
    %c0_i32_0 = arith.constant 0 : i32
    %c0_i32_1 = arith.constant 0 : i32
    return %c0_i32, %c0_i32_0 : i32, i32
  }
  func.func @transform_2(%arg0: i32) -> (i32, i32) {
    %c0_i32 = arith.constant 0 : i32
    %c0_i32_0 = arith.constant 0 : i32
    return %arg0, %c0_i32 : i32, i32
  }
}

module attributes {stable_mosaic.version = 14 : i64} {
  func.func @_out_body(%arg0: i32, %arg1: memref<1x1000x128xf32, #tpu.memory_space<vmem>>, %arg2: memref<1x1000x128xf32, #tpu.memory_space<vmem>>, %arg3: memref<1000x128xf32, #tpu.memory_space<vmem>>, %arg4: memref<128x128xf32, #tpu.memory_space<vmem>>, %arg5: memref<1x128xf32, #tpu.memory_space<vmem>>, %arg6: memref<1000x128xf32, #tpu.memory_space<vmem>>) attributes {dimension_semantics = [#tpu.dimension_semantics<arbitrary>], iteration_bounds = array<i64: 10>, scalar_prefetch = 0 : i64, scratch_operands = 0 : i64, tpu.core_type = #tpu.core_type<tc>, window_params = [{transform_indices = @transform_0, window_bounds = array<i64: 1, 1000, 128>}, {transform_indices = @transform_1, window_bounds = array<i64: 1, 1000, 128>}, {transform_indices = @transform_2, window_bounds = array<i64: 1000, 128>}, {pipeline_mode = #tpu.pipeline_mode<synchronous>, transform_indices = @transform_3, window_bounds = array<i64: 128, 128>}, {pipeline_mode = #tpu.pipeline_mode<synchronous>, transform_indices = @transform_4, window_bounds = array<i64: 1, 128>}, {transform_indices = @transform_5, window_bounds = array<i64: 1000, 128>}]} {
    %get3A = arith.constant 0 : index
    %get3A_0 = arith.constant 0 : index
    %get3A_1 = arith.constant 0 : index
    %get3A_2 = vector.load %arg1[%get3A, %get3A_0, %get3A_1] : memref<1x1000x128xf32, #tpu.memory_space<vmem>>, vector<1x1000x128xf32>
    %get3A_3 = vector.shape_cast %get3A_2 : vector<1x1000x128xf32> to vector<1000x128xf32>
    %get3A_4 = arith.constant 0 : index
    %get3A_5 = arith.constant 0 : index
    %get3A_6 = arith.constant 0 : index
    %get3A_7 = vector.load %arg2[%get3A_4, %get3A_5, %get3A_6] : memref<1x1000x128xf32, #tpu.memory_space<vmem>>, vector<1x1000x128xf32>
    %get3A_8 = vector.shape_cast %get3A_7 : vector<1x1000x128xf32> to vector<1000x128xf32>
    %add3A = arith.addf %get3A_3, %get3A_8 : vector<1000x128xf32>
    %get3A_9 = arith.constant 0 : index
    %get3A_10 = arith.constant 0 : index
    %get3A_11 = vector.load %arg3[%get3A_9, %get3A_10] : memref<1000x128xf32, #tpu.memory_space<vmem>>, vector<1000x128xf32>
    %mul3A = arith.constant 1.000000e-01 : f32
    %mul3A_12 = vector.broadcast %mul3A : f32 to vector<1000x128xf32>
    %mul3A_13 = arith.mulf %mul3A_12, %get3A_11 : vector<1000x128xf32>
    %add3A_14 = arith.addf %add3A, %mul3A_13 : vector<1000x128xf32>
    %max3A = arith.constant 0.000000e+00 : f32
    %max3A_15 = vector.broadcast %max3A : f32 to vector<1000x128xf32>
    %max3A_16 = arith.maximumf %add3A_14, %max3A_15 : vector<1000x128xf32>
    %get3A_17 = arith.constant 0 : index
    %get3A_18 = arith.constant 0 : index
    %get3A_19 = vector.load %arg4[%get3A_17, %get3A_18] : memref<128x128xf32, #tpu.memory_space<vmem>>, vector<128x128xf32>
    %dot_general3A = arith.constant dense<0.000000e+00> : vector<1000x128xf32>
    %dot_general3A_20 = tpu.matmul %max3A_16, %get3A_19, %dot_general3A {dimension_numbers = #tpu.dot_dimension_numbers<[1], [0], [0], [1], [0, 0, 1, 1], [], []>, transpose_lhs_hint = false} : vector<1000x128xf32>, vector<128x128xf32>, vector<1000x128xf32> -> vector<1000x128xf32>
    %get3A_21 = arith.constant 0 : index
    %get3A_22 = arith.constant 0 : index
    %get3A_23 = vector.load %arg5[%get3A_21, %get3A_22] : memref<1x128xf32, #tpu.memory_space<vmem>>, vector<1x128xf32>
    %add3A_24 = vector.broadcast %get3A_23 : vector<1x128xf32> to vector<1000x128xf32>
    %add3A_25 = arith.addf %dot_general3A_20, %add3A_24 : vector<1000x128xf32>
    %swap3A = arith.constant 0 : index
    %swap3A_26 = arith.constant 0 : index
    %swap3A_27 = vector.load %arg6[%swap3A, %swap3A_26] : memref<1000x128xf32, #tpu.memory_space<vmem>>, vector<1000x128xf32>
    tpu.vector_store %arg6[%swap3A, %swap3A_26], %add3A_25 {strides = array<i32>} : memref<1000x128xf32, #tpu.memory_space<vmem>>, vector<1000x128xf32>,
    return
  }
  func.func @transform_0(%arg0: i32) -> (i32, i32, i32) {
    %c0_i32 = arith.constant 0 : i32
    %c0_i32_0 = arith.constant 0 : i32
    %c0_i32_1 = arith.constant 0 : i32
    return %c0_i32, %arg0, %c0_i32_0 : i32, i32, i32
  }
  func.func @transform_1(%arg0: i32) -> (i32, i32, i32) {
    %c1_i32 = arith.constant 1 : i32
    %c0_i32 = arith.constant 0 : i32
    %c0_i32_0 = arith.constant 0 : i32
    return %c1_i32, %arg0, %c0_i32 : i32, i32, i32
  }
  func.func @transform_2(%arg0: i32) -> (i32, i32) {
    %c0_i32 = arith.constant 0 : i32
    %c0_i32_0 = arith.constant 0 : i32
    return %arg0, %c0_i32 : i32, i32
  }
  func.func @transform_3(%arg0: i32) -> (i32, i32) {
    %c0_i32 = arith.constant 0 : i32
    %c0_i32_0 = arith.constant 0 : i32
    %c0_i32_1 = arith.constant 0 : i32
    return %c0_i32, %c0_i32_0 : i32, i32
  }
  func.func @transform_4(%arg0: i32) -> (i32, i32) {
    %c0_i32 = arith.constant 0 : i32
    %c0_i32_0 = arith.constant 0 : i32
    %c0_i32_1 = arith.constant 0 : i32
    return %c0_i32, %c0_i32_0 : i32, i32
  }
  func.func @transform_5(%arg0: i32) -> (i32, i32) {
    %c0_i32 = arith.constant 0 : i32
    %c0_i32_0 = arith.constant 0 : i32
    return %arg0, %c0_i32 : i32, i32
  }
}

</mosaic_0001>

<sc_bundles>
// kernel: kernel.6.cloned.1.call-start
scs
__scs_entry_jumppad:
0x0: {  	(pc) =	sbr.rel $0x88, $3  }
0x1: {  	(tag) =	ssettag $0x0;
	lr =	simm.s32 $0x1  }
0x2: {  	[smem:$0x3F99] =	sst lr;
	_ =	strace $0xD0000000  }
0x3: {  	_ = 	snop  }
0x4: {  	_ = 	snop  }
0x5: {  	_ = 	snop  }
0x6: {  	_ = 	snop  }
0x7: {  	_ = 	snop  }
__scs_overlays_trampoline_lowered:
0x8: {  	[smem:$0x3FA8] =	sst s0  }
0x9: {  	[smem:$0x3FA9] =	sst s1  }
0xa: {  	[smem:$0x3FAA] =	sst s2  }
0xb: {  	[smem:$0x3FAB] =	sst s3  }
0xc: {  	[smem:$0x3FAC] =	sst s4  }
0xd: {  	[smem:$0x3FAD] =	sst s5  }
0xe: {  	[smem:$0x3FAE] =	sst s6  }
0xf: {  	[smem:$0x3FAF] =	sst s7  }
0x10: {  	[smem:$0x3FB0] =	sst s8  }
0x11: {  	[smem:$0x3FB1] =	sst s9;
	s0 =	simm.s32 @!p0 $0x0  }
0x12: {  	s1 =	sld [smem:$0x3F97];
	s0 =	simm.s32 @p0 $0x1  }
0x13: {  	[smem:$0x3FB2] =	sst s0;
	s0 =	simm.s32 @!p1 $0x0  }
0x14: {  	s2 =	sld [smem:$0x3F96];
	s0 =	simm.s32 @p1 $0x1  }
0x15: {  	[smem:$0x3FB3] =	sst s0;
	s0 =	simm.s32 @!p2 $0x0  }
0x16: {  	s3 =	sld [smem:$0x3FDB];
	s0 =	simm.s32 @p2 $0x1  }
0x17: {  	s4 =	simm.s32 $0x1BF5;
	[smem:$0x3FB5] =	sst s0  }
0x18: {  	s0 =	sld [smem:$0x3F98];
	_ =	swait.ge [sflag:s4], $0x0  }
0x19: {  	s7 =	sld [smem:$0x3F99]  }
0x1a: {  	s8 =	sadd.s32 $0xFFFFE003, lr  }
0x1b: {  	s9 =	sadd.s32 $0xFFFFFEF7, lr;
	s5 =	simm.s32 $0xFFFFFFFF;
	p2 =	slt.u32 s8, $0xFFFFF086  }
0x1c: {  	p1 =	slt.u32 s9, $0xF7A;
	s5 =	simm.s32 @!p2 $0x0  }
0x1d: {  	s5 =	simm.s32 @p1 $0x1;
	p0 =	seq.s32 s7, s2  }
0x1e: {  	s7 =	smul.u32 @!p0 $0xF7A, s2;
	p2 =	seq.s32 @!p0 s5, $0x0  }
0x1f: {  	s9 =	smul.u32 $0xF7A, s1;
	s8 =	simm.s32 @!p0 $0x1BF5;
	p2 =	por !p2, p0  }
0x20: {  	[sflag:s8] =	ssyncset.s32 @!p0 $0xFFFFF086;
	s6 =	sadd.s32 @!p0 s3, s7;
	s7 =	simm.s32 @!p0 $0x108  }
0x21: {  	s3 =	sadd.s32 s3, s9;
	s6 =	sadd.s32 @!p0 $0x88, s6;
	s7 =	simm.s32 @p2 $0x1082  }
0x22: {  	[simem:s7], [sflag:s8] =	dma.local @!p0 [hbm:s6], $0xF7A  }
0x23: {  	s9 =	sor.u32 $0xD0000000, s2;
	s6 =	simm.s32 $0x108;
	_ =	swait.ge @!p0 [sflag:s8], $0x0  }
0x24: {  	s3 =	sadd.s32 $0x88, s3;
	s6 =	simm.s32 @!p1 $0x1082;
	[sflag:s4] =	ssyncset.s32 $0xFFFFF086  }
0x25: {  	[simem:s6], [sflag:s4] =	dma.local [hbm:s3], $0xF7A  }
0x26: {  	[smem:$0x3F99] =	sst s1;
	(tag) =	ssettag s2;
	_ =	strace s9  }
0x27: {  	s1 =	sld [smem:$0x3FA9]  }
0x28: {  	s2 =	sld [smem:$0x3FAA]  }
0x29: {  	s4 =	sld [smem:$0x3FAC]  }
0x2a: {  	p0 =	seq.s32 s5, $0x0;
	s5 =	sld [smem:$0x3FAD]  }
0x2b: {  	s6 =	sld [smem:$0x3FAE]  }
0x2c: {  	s7 =	sld [smem:$0x3FAF]  }
0x2d: {  	s3 =	simm.s32 $0x108;
	s8 =	sld [smem:$0x3FB0]  }
0x2e: {  	s3 =	simm.s32 @!p0 $0x1082;
	s9 =	sld [smem:$0x3FB1]  }
0x2f: {  	lr =	sadd.s32 s0, s3;
	s0 =	sld [smem:$0x3FA8]  }
0x30: {  	s3 =	sld [smem:$0x3FAB]  }
0x31: {  	[smem:$0x3FB4] =	sst s10  }
0x32: {  	s10 =	sld [smem:$0x3FB2];
	_ =	sdelay $0x3  }
0x33: {  	p0 =	seq.s32 s10, $0x1;
	s10 =	sld [smem:$0x3FB4];
	_ =	sdelay $0x3  }
0x34: {  	[smem:$0x3FB4] =	sst s10  }
0x35: {  	s10 =	sld [smem:$0x3FB3];
	_ =	sdelay $0x3  }
0x36: {  	p1 =	seq.s32 s10, $0x1;
	s10 =	sld [smem:$0x3FB4];
	_ =	sdelay $0x3  }
0x37: {  	[smem:$0x3FB4] =	sst s10  }
0x38: {  	s10 =	sld [smem:$0x3FB5]  }
0x39: {  	_ = 	snop;
	(pc) =	sbr.ind lr, $3  }
0x3a: {  	_ = 	snop  }
0x3b: {  	_ = 	snop  }
0x3c: {  	p2 =	seq.s32 s10, $0x1;
	s10 =	sld [smem:$0x3FB4]  }
0x3d: {  	_ =	shalt  }
0x3e: {  	_ =	shalt  }
0x3f: {  	_ =	shalt  }
0x40: {  	_ =	shalt  }
0x41: {  	_ =	shalt  }
0x42: {  	_ =	shalt  }
0x43: {  	_ =	shalt  }
0x44: {  	_ =	shalt  }
0x45: {  	_ =	shalt  }
0x46: {  	_ =	shalt  }
0x47: {  	_ =	shalt  }
0x48: {  	_ =	shalt  }
0x49: {  	_ =	shalt  }
0x4a: {  	_ =	shalt  }
0x4b: {  	_ =	shalt  }
0x4c: {  	_ =	shalt  }
0x4d: {  	_ =	shalt  }
0x4e: {  	_ =	shalt  }
0x4f: {  	_ =	shalt  }
0x50: {  	_ =	shalt  }
0x51: {  	_ =	shalt  }
0x52: {  	_ =	shalt  }
0x53: {  	_ =	shalt  }
0x54: {  	_ =	shalt  }
0x55: {  	_ =	shalt  }
0x56: {  	_ =	shalt  }
0x57: {  	_ =	shalt  }
0x58: {  	_ =	shalt  }
0x59: {  	_ =	shalt  }
0x5a: {  	_ =	shalt  }
0x5b: {  	_ =	shalt  }
0x5c: {  	_ =	shalt  }
0x5d: {  	_ =	shalt  }
0x5e: {  	_ =	shalt  }
0x5f: {  	_ =	shalt  }
0x60: {  	_ =	shalt  }
0x61: {  	_ =	shalt  }
0x62: {  	_ =	shalt  }
0x63: {  	_ =	shalt  }
0x64: {  	_ =	shalt  }
0x65: {  	_ =	shalt  }
0x66: {  	_ =	shalt  }
0x67: {  	_ =	shalt  }
0x68: {  	_ =	shalt  }
0x69: {  	_ =	shalt  }
0x6a: {  	_ =	shalt  }
0x6b: {  	_ =	shalt  }
0x6c: {  	_ =	shalt  }
0x6d: {  	_ =	shalt  }
0x6e: {  	_ =	shalt  }
0x6f: {  	_ =	shalt  }
0x70: {  	_ =	shalt  }
0x71: {  	_ =	shalt  }
0x72: {  	_ =	shalt  }
0x73: {  	_ =	shalt  }
0x74: {  	_ =	shalt  }
0x75: {  	_ =	shalt  }
0x76: {  	_ =	shalt  }
0x77: {  	_ =	shalt  }
0x78: {  	_ =	shalt  }
0x79: {  	_ =	shalt  }
0x7a: {  	_ =	shalt  }
0x7b: {  	_ =	shalt  }
0x7c: {  	_ =	shalt  }
0x7d: {  	_ =	shalt  }
0x7e: {  	_ =	shalt  }
0x7f: {  	_ =	shalt  }
0x80: {  	_ =	shalt  }
0x81: {  	_ =	shalt  }
0x82: {  	_ =	shalt  }
0x83: {  	_ =	shalt  }
0x84: {  	_ =	shalt  }
0x85: {  	_ =	shalt  }
0x86: {  	_ =	shalt  }
0x87: {  	_ =	shalt  }
.Lfunc_end0:
.L_simem_size_0:
called_computation_lowered:
.L_overlay_start_0:
0x88: {  	s2 =	sld [smem:$0x3FD9]  }
0x89: {  	s3 =	sld [smem:$0x3FFE];
	_ =	sdelay $0x1  }
0x8a: {  	s1 =	srdreg.scid  }
0x8b: {  	s0 =	sand.u32 $0x1, s1  }
0x8c: {  	s17 =	sshll.u32 s0, $0xA;
	s2 =	sadd.s32 s3, s2  }
0x8d: {  	s2 =	sadd.s32 s2, s17  }
0x8e: {  	[smem:$0x3FC0] =	sst s2  }
0x8f: {  	_ = 	snop  }
0x90: {  	s2 =	sld [smem:$0x3FD0];
	(tm) =	ssettm $0x1  }
0x91: {  	s18 =	sld [smem:$0x3FFB];
	_ =	sdelay $0x3  }
0x92: {  	_ =	strace s18  }
0x93: {  	s3 =	sld [smem:$0x3FFC];
	_ =	sdelay $0x3  }
0x94: {  	_ =	strace s3  }
0x95: {  	s3 =	sld [smem:$0x3FFD];
	_ =	sdelay $0x3  }
0x96: {  	_ =	strace s3  }
0x97: {  	_ =	strace $0x8FFFFFFF  }
0x98: {  	s19 =	sld [smem:$0x3FDB];
	_ =	sdelay $0x1  }
0x99: {  	s4 =	simm.s32 $_scs_section_size  }
0x9a: {  	s5 =	simm.s32 $_size__tile_overlayer_lowered;
	s6 =	simm.s32 $_tile_overlayer_lowered  }
0x9b: {  	s22 =	simm.s32 $0x1BFF;
	s21 =	sshll.u32 s6, $0x1;
	s3 =	sadd.s32 s4, s19  }
0x9c: {  	s7 =	simm.s32 $0x0;
	s20 =	sshll.u32 s5, $0x1;
	s5 =	sadd.s32 s21, s3  }
0x9d: {  	[timem:s7], [sflag:s22] =	dma.local [hbm:s5], s20  }
0x9e: {  	_ =	swait.ge [sflag:s22], s20  }
0x9f: {  	s4 =	ssub.s32 $0x0, s20;
	[sflag:s22] =	ssyncset.done $0x0  }
0xa0: {  	[sflag:s22] =	ssyncadd.s32 s4;
	_ =	sdelay $0x1  }
0xa1: {  	s23 =	simm.s32 $0x1B8B  }
0xa2: {  	_ =	swait.ge [sflag:s23], $0x1  }
0xa3: {  	[sflag:s23] =	ssyncset.done $0x0  }
0xa4: {  	s25 =	simm.s32 $0x1B8E;
	s24 =	sld [smem:$0x3FFE];
	[sflag:s23] =	ssyncadd.s32 $0xFFFFFFFF  }
0xa5: {  	s26 =	simm.s32 $execute0_lowered;
	[smem:$0x3FD2] =	sst s25  }
0xa6: {  	s5 =	sshll.u32 s26, $0x1;
	_ =	strace $0x80000046;
	[dreg:$0x1] =	wrdreg $0xFFFFFFFF  }
0xa7: {  	s28 =	simm.s32 $_size_execute0_lowered;
	s3 =	sadd.s32 s3, s5;
	[dreg:$0x0] =	wrdreg $0x0  }
0xa8: {  	s5 =	sshll.u32 s28, $0x1;
	[dreg:$0x2] =	wrdreg s3  }
0xa9: {  	[dreg:$0x3] =	wrdreg s5  }
0xaa: {  	[dreg:$0x4] =	wrdreg $0xC0  }
0xab: {  	_ =	task [dreg:s7], $0x5FFFF  }
0xac: {  	[dreg:$0x1] =	wrdreg $0xFFFFFFFF  }
0xad: {  	[dreg:$0x0] =	wrdreg $0x60  }
0xae: {  	[dreg:$0x2] =	wrdreg s24  }
0xaf: {  	[dreg:$0x3] =	wrdreg s2  }
0xb0: {  	[dreg:$0x4] =	wrdreg $0x9  }
0xb1: {  	_ =	task.clear_ibuf [dreg:s7], $0x5FFFF;
	_ =	strace $0x90000046  }
0xb2: {  	s29 =	simm.s32 $0x9;
	_ =	strace $0x80000048  }
0xb3: {  	_ =	swait.ge [sflag:s29], $0x1  }
0xb4: {  	[sflag:s29] =	ssyncadd.s32 $0xFFFFFFFF  }
0xb5: {  	_ =	strace $0x90000048  }
0xb6: {  	_ =	sfence  }
0xb7: {  	s30 =	sld [smem:$0x0];
	_ =	sdelay $0x2  }
0xb8: {  	s31 =	sshll.u32 s1, $0xD;
	s1 =	sshrl.u32 s1, $0x2  }
0xb9: {  	s3 =	sand.u32 $0x4000, s31;
	s1 =	sadd.s32 s1, s30  }
0xba: {  	s0 =	sor.u32 s3, s0;
	s1 =	sshll.u32 s1, $0x11  }
0xbb: {  	s0 =	sor.u32 s1, s0  }
0xbc: {  	s0 =	sadd.s32 $0x8F2B, s0  }
0xbd: {  	[sflag:s0] =	ssyncadd.remote.s32 $0x1  }
0xbe: {  	_ =	sfence.sel $0xFFFF  }
0xbf: {  	[dreg:$0x0] =	wrdreg $0xFFFFFFFF;
	(pc) =	sbr.abs _section_cstart, $3  }
0xc0: {  	[dreg:$0x1] =	wrdreg $0xFFFFFFFF  }
0xc1: {  	_ =	task.clear_ibuf [dreg:s7], $0x2FFFF;
	_ =	strace $0x9FFFFFFF  }
0xc2: {  	(tm) =	ssettm $0x7FFFFFFF  }
0xc3: {  	_ =	shalt  }
tec
execute0_lowered:
.L_overlay_start_1:
0x0: {  	(tag) =	ssettag $0x1  }
0x1: {  	s5 =	rddreg [dreg:$0x0];
	s0 =	srdreg.scid  }
0x2: {  	s9 =	rddreg [dreg:$0x1];
	s1 =	stileid.u32  }
0x3: {  	s2 =	simm.s32 $0x0;
	s11 =	simm.s32 $0x2780;
	s12 =	simm.s32 $0x4F00  }
0x4: {  	s13 =	simm.s32 $0x5300;
	s3 =	sand.u32 $0x1, s0;
	s6 =	smul.u32 $0x2800, s1  }
0x5: {  	s14 =	simm.s32 $0x5700;
	s0 =	rddreg [dreg:$0x2];
	s4 =	smul.u32 $0x28000, s3  }
0x6: {  	s15 =	simm.s32 $0x5B00;
	s16 =	simm.s32 $0x0;
	[smem:$0x7FF] =	sst s2  }
0x7: {  	_ =	strace $0x80000047;
	s30 =	ssub.s32 $0x2, s3;
	s4 =	sadd.s32 s6, s4  }
0x8: {  	s3 =	sadd.s32 $0x14800, s5;
	s7 =	sshrl.u32 s30, $0x1;
	s10 =	sshrl.u32 s4, $0x3  }
0x9: {  	s31 =	ssub.s32 s30, s7;
	s4 =	sadd.s32 $0x14200, s5;
	s8 =	sadd.s32 s10, s5  }
0xa: {  	s5 =	smax.u32 s31, $0x1;
	s9 =	sadd.s32 s10, s9;
	s10 =	simm.s32 $0x1  }
0xb: {  	s6 =	sadd.s32 $0x14E00, s8;
	s7 =	sadd.s32 $0x200, s8;
	s8 =	sadd.s32 $0xA200, s8  }
.LBB2_1:
0xc: {  	[tilespmem:s2], [sflag:$0x1] =	stream.linear.gather [hbm4b:s3+s2], $0x2780, $0x38;
	[tilespmem:$0x5F00] =	vst v63  }
0xd: {  	_ =	swait.ge [sflag:s10], $0x2780  }
0xe: {  	[sflag:s10] =	ssyncset.done $0x0  }
0xf: {  	[sflag:s10] =	ssyncadd.s32 $0xFFFFD880  }
0x10: {  	[tilespmem:s11], [sflag:$0x1] =	stream.linear.gather [hbm4b:s4+s2], $0x2780, $0x38;
	[tilespmem:$0x5F00] =	vst v63  }
0x11: {  	_ =	swait.ge [sflag:s10], $0x2780  }
0x12: {  	[sflag:s10] =	ssyncset.done $0x0  }
0x13: {  	s17 =	simm.s32 $0x0;
	[sflag:s10] =	ssyncadd.s32 $0xFFFFD880  }
.LBB2_2:
0x14: {  	s18 =	sadd.s32 s17, s9  }
0x15: {  	[tilespmem:s12], [sflag:$0x1] =	stream.linear.gather [hbm4b:s18+s2], $0x400, $0x38;
	[tilespmem:$0x5F00] =	vst v63  }
0x16: {  	_ =	swait.ge [sflag:s10], $0x400  }
0x17: {  	[sflag:s10] =	ssyncset.done $0x0  }
0x18: {  	s29 =	sadd.s32 s17, s8;
	[sflag:s10] =	ssyncadd.s32 $0xFFFFFC00  }
0x19: {  	[tilespmem:s13], [sflag:$0x1] =	stream.linear.gather [hbm4b:s29+s2], $0x400, $0x38;
	[tilespmem:$0x5F00] =	vst v63  }
0x1a: {  	_ =	swait.ge [sflag:s10], $0x400  }
0x1b: {  	[sflag:s10] =	ssyncset.done $0x0  }
0x1c: {  	s30 =	sadd.s32 s17, s7;
	[sflag:s10] =	ssyncadd.s32 $0xFFFFFC00  }
0x1d: {  	[tilespmem:s14], [sflag:$0x1] =	stream.linear.gather [hbm4b:s30+s2], $0x400, $0x38;
	[tilespmem:$0x5F00] =	vst v63  }
0x1e: {  	_ =	swait.ge [sflag:s10], $0x400  }
0x1f: {  	[sflag:s10] =	ssyncset.done $0x0  }
0x20: {  	[sflag:s10] =	ssyncadd.s32 $0xFFFFFC00  }
0x21: {  	v0 =	vld [tilespmem:$0x4F00]  }
0x22: {  	v1 =	vld [tilespmem:$0x5300];
	_ =	sdelay $0x6  }
0x23: {  	v0 =	vld.idx.msk [tilespmem:v0+s2+$0x0], $0xffff  }
0x24: {  	v1 =	vld.idx.msk [tilespmem:v1+s11+$0x0], $0xffff;
	_ =	sdelay $0x4  }
0x25: {  	v0 =	vadd.f32 v1, v0;
	_ =	sdelay $0x1  }
0x26: {  	v0 =	vadd.f32 v0, v0;
	_ =	sdelay $0x1  }
0x27: {  	v0 =	vmul.f32 $1.442695020e+00, v0;
	_ =	sdelay $0x1  }
0x28: {  	(erf) = vpow2.f32 v0;
	_ =	sdelay $0x8  }
0x29: {  	v0 =	vpop (erf)  }
0x2a: {  	v0 =	vadd.f32 $1.000000000e+00, v0;
	_ =	sdelay $0x1  }
0x2b: {  	(erf) = vrcp.f32 v0;
	_ =	sdelay $0x7  }
0x2c: {  	v42 =	vld [tilespmem:$0x5700]  }
0x2d: {  	v2 =	vld [tilespmem:$0x4F10];
	v43 =	vpop (erf)  }
0x2e: {  	v3 =	vld [tilespmem:$0x5310];
	v1 =	vadd.f32 v43, v43;
	_ =	sdelay $0x1  }
0x2f: {  	v1 =	vsub.f32 $1.000000000e+00, v1;
	_ =	sdelay $0x1  }
0x30: {  	v0 =	vmul.f32 v1, v42;
	_ =	sdelay $0x1  }
0x31: {  	[tilespmem:$0x5B00] =	vst v0  }
0x32: {  	v0 =	vld.idx.msk [tilespmem:v2+s2+$0x0], $0xffff  }
0x33: {  	v44 =	vld.idx.msk [tilespmem:v3+s11+$0x0], $0xffff;
	_ =	sdelay $0x4  }
0x34: {  	v0 =	vadd.f32 v44, v0;
	_ =	sdelay $0x1  }
0x35: {  	v0 =	vadd.f32 v0, v0;
	_ =	sdelay $0x1  }
0x36: {  	v0 =	vmul.f32 $1.442695020e+00, v0;
	_ =	sdelay $0x1  }
0x37: {  	(erf) = vpow2.f32 v0;
	_ =	sdelay $0x8  }
0x38: {  	v0 =	vpop (erf)  }
0x39: {  	v0 =	vadd.f32 $1.000000000e+00, v0;
	_ =	sdelay $0x1  }
0x3a: {  	(erf) = vrcp.f32 v0;
	_ =	sdelay $0x7  }
0x3b: {  	v45 =	vld [tilespmem:$0x5710]  }
0x3c: {  	v47 =	vld [tilespmem:$0x4F20];
	v46 =	vpop (erf)  }
0x3d: {  	v48 =	vld [tilespmem:$0x5320];
	v1 =	vadd.f32 v46, v46;
	_ =	sdelay $0x1  }
0x3e: {  	v1 =	vsub.f32 $1.000000000e+00, v1;
	_ =	sdelay $0x1  }
0x3f: {  	v0 =	vmul.f32 v1, v45;
	_ =	sdelay $0x1  }
0x40: {  	[tilespmem:$0x5B10] =	vst v0  }
0x41: {  	v0 =	vld.idx.msk [tilespmem:v47+s2+$0x0], $0xffff  }
0x42: {  	v49 =	vld.idx.msk [tilespmem:v48+s11+$0x0], $0xffff;
	_ =	sdelay $0x4  }
0x43: {  	v0 =	vadd.f32 v49, v0;
	_ =	sdelay $0x1  }
0x44: {  	v0 =	vadd.f32 v0, v0;
	_ =	sdelay $0x1  }
0x45: {  	v0 =	vmul.f32 $1.442695020e+00, v0;
	_ =	sdelay $0x1  }
0x46: {  	(erf) = vpow2.f32 v0;
	_ =	sdelay $0x8  }
0x47: {  	v0 =	vpop (erf)  }
0x48: {  	v0 =	vadd.f32 $1.000000000e+00, v0;
	_ =	sdelay $0x1  }
0x49: {  	(erf) = vrcp.f32 v0;
	_ =	sdelay $0x7  }
0x4a: {  	v50 =	vld [tilespmem:$0x5720]  }
0x4b: {  	v52 =	vld [tilespmem:$0x4F30];
	v51 =	vpop (erf)  }
0x4c: {  	v53 =	vld [tilespmem:$0x5330];
	v1 =	vadd.f32 v51, v51;
	_ =	sdelay $0x1  }
0x4d: {  	v1 =	vsub.f32 $1.000000000e+00, v1;
	_ =	sdelay $0x1  }
0x4e: {  	v0 =	vmul.f32 v1, v50;
	_ =	sdelay $0x1  }
0x4f: {  	[tilespmem:$0x5B20] =	vst v0  }
0x50: {  	v0 =	vld.idx.msk [tilespmem:v52+s2+$0x0], $0xffff  }
0x51: {  	v54 =	vld.idx.msk [tilespmem:v53+s11+$0x0], $0xffff;
	_ =	sdelay $0x4  }
0x52: {  	v0 =	vadd.f32 v54, v0;
	_ =	sdelay $0x1  }
0x53: {  	v0 =	vadd.f32 v0, v0;
	_ =	sdelay $0x1  }
0x54: {  	v0 =	vmul.f32 $1.442695020e+00, v0;
	_ =	sdelay $0x1  }
0x55: {  	(erf) = vpow2.f32 v0;
	_ =	sdelay $0x8  }
0x56: {  	v0 =	vpop (erf)  }
0x57: {  	v0 =	vadd.f32 $1.000000000e+00, v0;
	_ =	sdelay $0x1  }
0x58: {  	(erf) = vrcp.f32 v0;
	_ =	sdelay $0x7  }
0x59: {  	v55 =	vld [tilespmem:$0x5730]  }
0x5a: {  	v57 =	vld [tilespmem:$0x4F40];
	v56 =	vpop (erf)  }
0x5b: {  	v58 =	vld [tilespmem:$0x5340];
	v1 =	vadd.f32 v56, v56;
	_ =	sdelay $0x1  }
0x5c: {  	v1 =	vsub.f32 $1.000000000e+00, v1;
	_ =	sdelay $0x1  }
0x5d: {  	v0 =	vmul.f32 v1, v55;
	_ =	sdelay $0x1  }
0x5e: {  	[tilespmem:$0x5B30] =	vst v0  }
0x5f: {  	v0 =	vld.idx.msk [tilespmem:v57+s2+$0x0], $0xffff  }
0x60: {  	v59 =	vld.idx.msk [tilespmem:v58+s11+$0x0], $0xffff;
	_ =	sdelay $0x4  }
0x61: {  	v0 =	vadd.f32 v59, v0;
	_ =	sdelay $0x1  }
0x62: {  	v0 =	vadd.f32 v0, v0;
	_ =	sdelay $0x1  }
0x63: {  	v0 =	vmul.f32 $1.442695020e+00, v0;
	_ =	sdelay $0x1  }
0x64: {  	(erf) = vpow2.f32 v0;
	_ =	sdelay $0x8  }
0x65: {  	v0 =	vpop (erf)  }
0x66: {  	v0 =	vadd.f32 $1.000000000e+00, v0;
	_ =	sdelay $0x1  }
0x67: {  	(erf) = vrcp.f32 v0;
	_ =	sdelay $0x7  }
0x68: {  	v60 =	vld [tilespmem:$0x5740]  }
0x69: {  	v62 =	vld [tilespmem:$0x4F50];
	v61 =	vpop (erf)  }
0x6a: {  	v63 =	vld [tilespmem:$0x5350];
	v1 =	vadd.f32 v61, v61;
	_ =	sdelay $0x1  }
0x6b: {  	v1 =	vsub.f32 $1.000000000e+00, v1;
	_ =	sdelay $0x1  }
0x6c: {  	v0 =	vmul.f32 v1, v60;
	_ =	sdelay $0x1  }
0x6d: {  	[tilespmem:$0x5B40] =	vst v0  }
0x6e: {  	v0 =	vld.idx.msk [tilespmem:v62+s2+$0x0], $0xffff  }
0x6f: {  	v5 =	vld.idx.msk [tilespmem:v63+s11+$0x0], $0xffff;
	_ =	sdelay $0x4  }
0x70: {  	v0 =	vadd.f32 v5, v0;
	_ =	sdelay $0x1  }
0x71: {  	v0 =	vadd.f32 v0, v0;
	_ =	sdelay $0x1  }
0x72: {  	v0 =	vmul.f32 $1.442695020e+00, v0;
	_ =	sdelay $0x1  }
0x73: {  	(erf) = vpow2.f32 v0;
	_ =	sdelay $0x8  }
0x74: {  	v0 =	vpop (erf)  }
0x75: {  	v0 =	vadd.f32 $1.000000000e+00, v0;
	_ =	sdelay $0x1  }
0x76: {  	(erf) = vrcp.f32 v0;
	_ =	sdelay $0x7  }
0x77: {  	v6 =	vld [tilespmem:$0x5750]  }
0x78: {  	v8 =	vld [tilespmem:$0x4F60];
	v7 =	vpop (erf)  }
0x79: {  	v9 =	vld [tilespmem:$0x5360];
	v1 =	vadd.f32 v7, v7;
	_ =	sdelay $0x1  }
0x7a: {  	v1 =	vsub.f32 $1.000000000e+00, v1;
	_ =	sdelay $0x1  }
0x7b: {  	v0 =	vmul.f32 v1, v6;
	_ =	sdelay $0x1  }
0x7c: {  	[tilespmem:$0x5B50] =	vst v0  }
0x7d: {  	v0 =	vld.idx.msk [tilespmem:v8+s2+$0x0], $0xffff  }
0x7e: {  	v10 =	vld.idx.msk [tilespmem:v9+s11+$0x0], $0xffff;
	_ =	sdelay $0x4  }
0x7f: {  	v0 =	vadd.f32 v10, v0;
	_ =	sdelay $0x1  }
0x80: {  	v0 =	vadd.f32 v0, v0;
	_ =	sdelay $0x1  }
0x81: {  	v0 =	vmul.f32 $1.442695020e+00, v0;
	_ =	sdelay $0x1  }
0x82: {  	(erf) = vpow2.f32 v0;
	_ =	sdelay $0x8  }
0x83: {  	v0 =	vpop (erf)  }
0x84: {  	v0 =	vadd.f32 $1.000000000e+00, v0;
	_ =	sdelay $0x1  }
0x85: {  	(erf) = vrcp.f32 v0;
	_ =	sdelay $0x7  }
0x86: {  	v11 =	vld [tilespmem:$0x5760]  }
0x87: {  	v13 =	vld [tilespmem:$0x4F70];
	v12 =	vpop (erf)  }
0x88: {  	v14 =	vld [tilespmem:$0x5370];
	v1 =	vadd.f32 v12, v12;
	_ =	sdelay $0x1  }
0x89: {  	v1 =	vsub.f32 $1.000000000e+00, v1;
	_ =	sdelay $0x1  }
0x8a: {  	v0 =	vmul.f32 v1, v11;
	_ =	sdelay $0x1  }
0x8b: {  	[tilespmem:$0x5B60] =	vst v0  }
0x8c: {  	v0 =	vld.idx.msk [tilespmem:v13+s2+$0x0], $0xffff  }
0x8d: {  	v15 =	vld.idx.msk [tilespmem:v14+s11+$0x0], $0xffff;
	_ =	sdelay $0x4  }
0x8e: {  	v0 =	vadd.f32 v15, v0;
	_ =	sdelay $0x1  }
0x8f: {  	v0 =	vadd.f32 v0, v0;
	_ =	sdelay $0x1  }
0x90: {  	v0 =	vmul.f32 $1.442695020e+00, v0;
	_ =	sdelay $0x1  }
0x91: {  	(erf) = vpow2.f32 v0;
	_ =	sdelay $0x8  }
0x92: {  	v0 =	vpop (erf)  }
0x93: {  	v0 =	vadd.f32 $1.000000000e+00, v0;
	_ =	sdelay $0x1  }
0x94: {  	(erf) = vrcp.f32 v0;
	_ =	sdelay $0x7  }
0x95: {  	v16 =	vld [tilespmem:$0x5770]  }
0x96: {  	v18 =	vld [tilespmem:$0x4F80];
	v17 =	vpop (erf)  }
0x97: {  	v19 =	vld [tilespmem:$0x5380];
	v1 =	vadd.f32 v17, v17;
	_ =	sdelay $0x1  }
0x98: {  	v1 =	vsub.f32 $1.000000000e+00, v1;
	_ =	sdelay $0x1  }
0x99: {  	v0 =	vmul.f32 v1, v16;
	_ =	sdelay $0x1  }
0x9a: {  	[tilespmem:$0x5B70] =	vst v0  }
0x9b: {  	v0 =	vld.idx.msk [tilespmem:v18+s2+$0x0], $0xffff  }
0x9c: {  	v20 =	vld.idx.msk [tilespmem:v19+s11+$0x0], $0xffff;
	_ =	sdelay $0x4  }
0x9d: {  	v0 =	vadd.f32 v20, v0;
	_ =	sdelay $0x1  }
0x9e: {  	v0 =	vadd.f32 v0, v0;
	_ =	sdelay $0x1  }
0x9f: {  	v0 =	vmul.f32 $1.442695020e+00, v0;
	_ =	sdelay $0x1  }
0xa0: {  	(erf) = vpow2.f32 v0;
	_ =	sdelay $0x8  }
0xa1: {  	v0 =	vpop (erf)  }
0xa2: {  	v0 =	vadd.f32 $1.000000000e+00, v0;
	_ =	sdelay $0x1  }
0xa3: {  	(erf) = vrcp.f32 v0;
	_ =	sdelay $0x7  }
0xa4: {  	v21 =	vld [tilespmem:$0x5780]  }
0xa5: {  	v23 =	vld [tilespmem:$0x4F90];
	v22 =	vpop (erf)  }
0xa6: {  	v24 =	vld [tilespmem:$0x5390];
	v1 =	vadd.f32 v22, v22;
	_ =	sdelay $0x1  }
0xa7: {  	v1 =	vsub.f32 $1.000000000e+00, v1;
	_ =	sdelay $0x1  }
0xa8: {  	v0 =	vmul.f32 v1, v21;
	_ =	sdelay $0x1  }
0xa9: {  	[tilespmem:$0x5B80] =	vst v0  }
0xaa: {  	v0 =	vld.idx.msk [tilespmem:v23+s2+$0x0], $0xffff  }
0xab: {  	v25 =	vld.idx.msk [tilespmem:v24+s11+$0x0], $0xffff;
	_ =	sdelay $0x4  }
0xac: {  	v0 =	vadd.f32 v25, v0;
	_ =	sdelay $0x1  }
0xad: {  	v0 =	vadd.f32 v0, v0;
	_ =	sdelay $0x1  }
0xae: {  	v0 =	vmul.f32 $1.442695020e+00, v0;
	_ =	sdelay $0x1  }
0xaf: {  	(erf) = vpow2.f32 v0;
	_ =	sdelay $0x8  }
0xb0: {  	v0 =	vpop (erf)  }
0xb1: {  	v0 =	vadd.f32 $1.000000000e+00, v0;
	_ =	sdelay $0x1  }
0xb2: {  	(erf) = vrcp.f32 v0;
	_ =	sdelay $0x7  }
0xb3: {  	v26 =	vld [tilespmem:$0x5790]  }
0xb4: {  	v28 =	vld [tilespmem:$0x4FA0];
	v27 =	vpop (erf)  }
0xb5: {  	v29 =	vld [tilespmem:$0x53A0];
	v1 =	vadd.f32 v27, v27;
	_ =	sdelay $0x1  }
0xb6: {  	v1 =	vsub.f32 $1.000000000e+00, v1;
	_ =	sdelay $0x1  }
0xb7: {  	v0 =	vmul.f32 v1, v26;
	_ =	sdelay $0x1  }
0xb8: {  	[tilespmem:$0x5B90] =	vst v0  }
0xb9: {  	v0 =	vld.idx.msk [tilespmem:v28+s2+$0x0], $0xffff  }
0xba: {  	v30 =	vld.idx.msk [tilespmem:v29+s11+$0x0], $0xffff;
	_ =	sdelay $0x4  }
0xbb: {  	v0 =	vadd.f32 v30, v0;
	_ =	sdelay $0x1  }
0xbc: {  	v0 =	vadd.f32 v0, v0;
	_ =	sdelay $0x1  }
0xbd: {  	v0 =	vmul.f32 $1.442695020e+00, v0;
	_ =	sdelay $0x1  }
0xbe: {  	(erf) = vpow2.f32 v0;
	_ =	sdelay $0x8  }
0xbf: {  	v0 =	vpop (erf)  }
0xc0: {  	v0 =	vadd.f32 $1.000000000e+00, v0;
	_ =	sdelay $0x1  }
0xc1: {  	(erf) = vrcp.f32 v0;
	_ =	sdelay $0x7  }
0xc2: {  	v31 =	vld [tilespmem:$0x57A0]  }
0xc3: {  	v33 =	vld [tilespmem:$0x4FB0];
	v32 =	vpop (erf)  }
0xc4: {  	v34 =	vld [tilespmem:$0x53B0];
	v1 =	vadd.f32 v32, v32;
	_ =	sdelay $0x1  }
0xc5: {  	v1 =	vsub.f32 $1.000000000e+00, v1;
	_ =	sdelay $0x1  }
0xc6: {  	v0 =	vmul.f32 v1, v31;
	_ =	sdelay $0x1  }
0xc7: {  	[tilespmem:$0x5BA0] =	vst v0  }
0xc8: {  	v0 =	vld.idx.msk [tilespmem:v33+s2+$0x0], $0xffff  }
0xc9: {  	v35 =	vld.idx.msk [tilespmem:v34+s11+$0x0], $0xffff;
	_ =	sdelay $0x4  }
0xca: {  	v0 =	vadd.f32 v35, v0;
	_ =	sdelay $0x1  }
0xcb: {  	v0 =	vadd.f32 v0, v0;
	_ =	sdelay $0x1  }
0xcc: {  	v0 =	vmul.f32 $1.442695020e+00, v0;
	_ =	sdelay $0x1  }
0xcd: {  	(erf) = vpow2.f32 v0;
	_ =	sdelay $0x8  }
0xce: {  	v0 =	vpop (erf)  }
0xcf: {  	v0 =	vadd.f32 $1.000000000e+00, v0;
	_ =	sdelay $0x1  }
0xd0: {  	(erf) = vrcp.f32 v0;
	_ =	sdelay $0x7  }
0xd1: {  	v36 =	vld [tilespmem:$0x57B0]  }
0xd2: {  	v38 =	vld [tilespmem:$0x4FC0];
	v37 =	vpop (erf)  }
0xd3: {  	v39 =	vld [tilespmem:$0x53C0];
	v1 =	vadd.f32 v37, v37;
	_ =	sdelay $0x1  }
0xd4: {  	v1 =	vsub.f32 $1.000000000e+00, v1;
	_ =	sdelay $0x1  }
0xd5: {  	v0 =	vmul.f32 v1, v36;
	_ =	sdelay $0x1  }
0xd6: {  	[tilespmem:$0x5BB0] =	vst v0  }
0xd7: {  	v0 =	vld.idx.msk [tilespmem:v38+s2+$0x0], $0xffff  }
0xd8: {  	v40 =	vld.idx.msk [tilespmem:v39+s11+$0x0], $0xffff;
	_ =	sdelay $0x4  }
0xd9: {  	v0 =	vadd.f32 v40, v0;
	_ =	sdelay $0x1  }
0xda: {  	v0 =	vadd.f32 v0, v0;
	_ =	sdelay $0x1  }
0xdb: {  	v0 =	vmul.f32 $1.442695020e+00, v0;
	_ =	sdelay $0x1  }
0xdc: {  	(erf) = vpow2.f32 v0;
	_ =	sdelay $0x8  }
0xdd: {  	v0 =	vpop (erf)  }
0xde: {  	v0 =	vadd.f32 $1.000000000e+00, v0;
	_ =	sdelay $0x1  }
0xdf: {  	(erf) = vrcp.f32 v0;
	_ =	sdelay $0x7  }
0xe0: {  	v41 =	vld [tilespmem:$0x57C0]  }
0xe1: {  	v43 =	vld [tilespmem:$0x4FD0];
	v42 =	vpop (erf)  }
0xe2: {  	v44 =	vld [tilespmem:$0x53D0];
	v1 =	vadd.f32 v42, v42;
	_ =	sdelay $0x1  }
0xe3: {  	v1 =	vsub.f32 $1.000000000e+00, v1;
	_ =	sdelay $0x1  }
0xe4: {  	v0 =	vmul.f32 v1, v41;
	_ =	sdelay $0x1  }
0xe5: {  	[tilespmem:$0x5BC0] =	vst v0  }
0xe6: {  	v0 =	vld.idx.msk [tilespmem:v43+s2+$0x0], $0xffff  }
0xe7: {  	v45 =	vld.idx.msk [tilespmem:v44+s11+$0x0], $0xffff;
	_ =	sdelay $0x4  }
0xe8: {  	v0 =	vadd.f32 v45, v0;
	_ =	sdelay $0x1  }
0xe9: {  	v0 =	vadd.f32 v0, v0;
	_ =	sdelay $0x1  }
0xea: {  	v0 =	vmul.f32 $1.442695020e+00, v0;
	_ =	sdelay $0x1  }
0xeb: {  	(erf) = vpow2.f32 v0;
	_ =	sdelay $0x8  }
0xec: {  	v0 =	vpop (erf)  }
0xed: {  	v0 =	vadd.f32 $1.000000000e+00, v0;
	_ =	sdelay $0x1  }
0xee: {  	(erf) = vrcp.f32 v0;
	_ =	sdelay $0x7  }
0xef: {  	v46 =	vld [tilespmem:$0x57D0]  }
0xf0: {  	v48 =	vld [tilespmem:$0x4FE0];
	v47 =	vpop (erf)  }
0xf1: {  	v49 =	vld [tilespmem:$0x53E0];
	v1 =	vadd.f32 v47, v47;
	_ =	sdelay $0x1  }
0xf2: {  	v1 =	vsub.f32 $1.000000000e+00, v1;
	_ =	sdelay $0x1  }
0xf3: {  	v0 =	vmul.f32 v1, v46;
	_ =	sdelay $0x1  }
0xf4: {  	v50 =	vld [tilespmem:$0x57E0];
	[tilespmem:$0x5BD0] =	vst v0  }
0xf5: {  	v51 =	vld.idx.msk [tilespmem:v48+s2+$0x0], $0xffff  }
0xf6: {  	v2 =	vld.idx.msk [tilespmem:v49+s11+$0x0], $0xffff;
	_ =	sdelay $0x4  }
0xf7: {  	v1 =	vadd.f32 v2, v51;
	_ =	sdelay $0x1  }
0xf8: {  	v1 =	vadd.f32 v1, v1;
	_ =	sdelay $0x1  }
0xf9: {  	v1 =	vmul.f32 $1.442695020e+00, v1;
	_ =	sdelay $0x1  }
0xfa: {  	(erf) = vpow2.f32 v1;
	_ =	sdelay $0x8  }
0xfb: {  	v1 =	vpop (erf)  }
0xfc: {  	v1 =	vadd.f32 $1.000000000e+00, v1;
	_ =	sdelay $0x1  }
0xfd: {  	(erf) = vrcp.f32 v1;
	_ =	sdelay $0x8  }
0xfe: {  	v52 =	vld [tilespmem:$0x4FF0];
	v1 =	vpop (erf)  }
0xff: {  	v53 =	vld [tilespmem:$0x53F0];
	v1 =	vadd.f32 v1, v1;
	_ =	sdelay $0x1  }
0x100: {  	v1 =	vsub.f32 $1.000000000e+00, v1;
	_ =	sdelay $0x1  }
0x101: {  	v0 =	vmul.f32 v1, v50;
	_ =	sdelay $0x1  }
0x102: {  	[tilespmem:$0x5BE0] =	vst v0  }
0x103: {  	v0 =	vld.idx.msk [tilespmem:v52+s2+$0x0], $0xffff  }
0x104: {  	v54 =	vld.idx.msk [tilespmem:v53+s11+$0x0], $0xffff;
	_ =	sdelay $0x4  }
0x105: {  	v0 =	vadd.f32 v54, v0;
	_ =	sdelay $0x1  }
0x106: {  	v0 =	vadd.f32 v0, v0;
	_ =	sdelay $0x1  }
0x107: {  	v0 =	vmul.f32 $1.442695020e+00, v0;
	_ =	sdelay $0x1  }
0x108: {  	(erf) = vpow2.f32 v0;
	_ =	sdelay $0x8  }
0x109: {  	v0 =	vpop (erf)  }
0x10a: {  	v0 =	vadd.f32 $1.000000000e+00, v0;
	_ =	sdelay $0x1  }
0x10b: {  	(erf) = vrcp.f32 v0;
	_ =	sdelay $0x7  }
0x10c: {  	v55 =	vld [tilespmem:$0x57F0]  }
0x10d: {  	v57 =	vld [tilespmem:$0x5000];
	v56 =	vpop (erf)  }
0x10e: {  	v58 =	vld [tilespmem:$0x5400];
	v1 =	vadd.f32 v56, v56;
	_ =	sdelay $0x1  }
0x10f: {  	v1 =	vsub.f32 $1.000000000e+00, v1;
	_ =	sdelay $0x1  }
0x110: {  	v0 =	vmul.f32 v1, v55;
	_ =	sdelay $0x1  }
0x111: {  	[tilespmem:$0x5BF0] =	vst v0  }
0x112: {  	v0 =	vld.idx.msk [tilespmem:v57+s2+$0x0], $0xffff  }
0x113: {  	v59 =	vld.idx.msk [tilespmem:v58+s11+$0x0], $0xffff;
	_ =	sdelay $0x4  }
0x114: {  	v0 =	vadd.f32 v59, v0;
	_ =	sdelay $0x1  }
0x115: {  	v0 =	vadd.f32 v0, v0;
	_ =	sdelay $0x1  }
0x116: {  	v0 =	vmul.f32 $1.442695020e+00, v0;
	_ =	sdelay $0x1  }
0x117: {  	(erf) = vpow2.f32 v0;
	_ =	sdelay $0x8  }
0x118: {  	v0 =	vpop (erf)  }
0x119: {  	v0 =	vadd.f32 $1.000000000e+00, v0;
	_ =	sdelay $0x1  }
0x11a: {  	(erf) = vrcp.f32 v0;
	_ =	sdelay $0x7  }
0x11b: {  	v60 =	vld [tilespmem:$0x5800]  }
0x11c: {  	v62 =	vld [tilespmem:$0x5010];
	v61 =	vpop (erf)  }
0x11d: {  	v63 =	vld [tilespmem:$0x5410];
	v1 =	vadd.f32 v61, v61;
	_ =	sdelay $0x1  }
0x11e: {  	v1 =	vsub.f32 $1.000000000e+00, v1;
	_ =	sdelay $0x1  }
0x11f: {  	v0 =	vmul.f32 v1, v60;
	_ =	sdelay $0x1  }
0x120: {  	[tilespmem:$0x5C00] =	vst v0  }
0x121: {  	v0 =	vld.idx.msk [tilespmem:v62+s2+$0x0], $0xffff  }
0x122: {  	v5 =	vld.idx.msk [tilespmem:v63+s11+$0x0], $0xffff;
	_ =	sdelay $0x4  }
0x123: {  	v0 =	vadd.f32 v5, v0;
	_ =	sdelay $0x1  }
0x124: {  	v0 =	vadd.f32 v0, v0;
	_ =	sdelay $0x1  }
0x125: {  	v0 =	vmul.f32 $1.442695020e+00, v0;
	_ =	sdelay $0x1  }
0x126: {  	(erf) = vpow2.f32 v0;
	_ =	sdelay $0x8  }
0x127: {  	v0 =	vpop (erf)  }
0x128: {  	v0 =	vadd.f32 $1.000000000e+00, v0;
	_ =	sdelay $0x1  }
0x129: {  	(erf) = vrcp.f32 v0;
	_ =	sdelay $0x7  }
0x12a: {  	v6 =	vld [tilespmem:$0x5810]  }
0x12b: {  	v8 =	vld [tilespmem:$0x5020];
	v7 =	vpop (erf)  }
0x12c: {  	v9 =	vld [tilespmem:$0x5420];
	v1 =	vadd.f32 v7, v7;
	_ =	sdelay $0x1  }
0x12d: {  	v1 =	vsub.f32 $1.000000000e+00, v1;
	_ =	sdelay $0x1  }
0x12e: {  	v0 =	vmul.f32 v1, v6;
	_ =	sdelay $0x1  }
0x12f: {  	[tilespmem:$0x5C10] =	vst v0  }
0x130: {  	v0 =	vld.idx.msk [tilespmem:v8+s2+$0x0], $0xffff  }
0x131: {  	v10 =	vld.idx.msk [tilespmem:v9+s11+$0x0], $0xffff;
	_ =	sdelay $0x4  }
0x132: {  	v0 =	vadd.f32 v10, v0;
	_ =	sdelay $0x1  }
0x133: {  	v0 =	vadd.f32 v0, v0;
	_ =	sdelay $0x1  }
0x134: {  	v0 =	vmul.f32 $1.442695020e+00, v0;
	_ =	sdelay $0x1  }
0x135: {  	(erf) = vpow2.f32 v0;
	_ =	sdelay $0x8  }
0x136: {  	v0 =	vpop (erf)  }
0x137: {  	v0 =	vadd.f32 $1.000000000e+00, v0;
	_ =	sdelay $0x1  }
0x138: {  	(erf) = vrcp.f32 v0;
	_ =	sdelay $0x7  }
0x139: {  	v11 =	vld [tilespmem:$0x5820]  }
0x13a: {  	v13 =	vld [tilespmem:$0x5030];
	v12 =	vpop (erf)  }
0x13b: {  	v14 =	vld [tilespmem:$0x5430];
	v1 =	vadd.f32 v12, v12;
	_ =	sdelay $0x1  }
0x13c: {  	v1 =	vsub.f32 $1.000000000e+00, v1;
	_ =	sdelay $0x1  }
0x13d: {  	v0 =	vmul.f32 v1, v11;
	_ =	sdelay $0x1  }
0x13e: {  	[tilespmem:$0x5C20] =	vst v0  }
0x13f: {  	v0 =	vld.idx.msk [tilespmem:v13+s2+$0x0], $0xffff  }
0x140: {  	v15 =	vld.idx.msk [tilespmem:v14+s11+$0x0], $0xffff;
	_ =	sdelay $0x4  }
0x141: {  	v0 =	vadd.f32 v15, v0;
	_ =	sdelay $0x1  }
0x142: {  	v0 =	vadd.f32 v0, v0;
	_ =	sdelay $0x1  }
0x143: {  	v0 =	vmul.f32 $1.442695020e+00, v0;
	_ =	sdelay $0x1  }
0x144: {  	(erf) = vpow2.f32 v0;
	_ =	sdelay $0x8  }
0x145: {  	v0 =	vpop (erf)  }
0x146: {  	v0 =	vadd.f32 $1.000000000e+00, v0;
	_ =	sdelay $0x1  }
0x147: {  	(erf) = vrcp.f32 v0;
	_ =	sdelay $0x7  }
0x148: {  	v16 =	vld [tilespmem:$0x5830]  }
0x149: {  	v18 =	vld [tilespmem:$0x5040];
	v17 =	vpop (erf)  }
0x14a: {  	v19 =	vld [tilespmem:$0x5440];
	v1 =	vadd.f32 v17, v17;
	_ =	sdelay $0x1  }
0x14b: {  	v1 =	vsub.f32 $1.000000000e+00, v1;
	_ =	sdelay $0x1  }
0x14c: {  	v0 =	vmul.f32 v1, v16;
	_ =	sdelay $0x1  }
0x14d: {  	[tilespmem:$0x5C30] =	vst v0  }
0x14e: {  	v0 =	vld.idx.msk [tilespmem:v18+s2+$0x0], $0xffff  }
0x14f: {  	v20 =	vld.idx.msk [tilespmem:v19+s11+$0x0], $0xffff;
	_ =	sdelay $0x4  }
0x150: {  	v0 =	vadd.f32 v20, v0;
	_ =	sdelay $0x1  }
0x151: {  	v0 =	vadd.f32 v0, v0;
	_ =	sdelay $0x1  }
0x152: {  	v0 =	vmul.f32 $1.442695020e+00, v0;
	_ =	sdelay $0x1  }
0x153: {  	(erf) = vpow2.f32 v0;
	_ =	sdelay $0x8  }
0x154: {  	v0 =	vpop (erf)  }
0x155: {  	v0 =	vadd.f32 $1.000000000e+00, v0;
	_ =	sdelay $0x1  }
0x156: {  	(erf) = vrcp.f32 v0;
	_ =	sdelay $0x7  }
0x157: {  	v21 =	vld [tilespmem:$0x5840]  }
0x158: {  	v23 =	vld [tilespmem:$0x5050];
	v22 =	vpop (erf)  }
0x159: {  	v24 =	vld [tilespmem:$0x5450];
	v1 =	vadd.f32 v22, v22;
	_ =	sdelay $0x1  }
0x15a: {  	v1 =	vsub.f32 $1.000000000e+00, v1;
	_ =	sdelay $0x1  }
0x15b: {  	v0 =	vmul.f32 v1, v21;
	_ =	sdelay $0x1  }
0x15c: {  	[tilespmem:$0x5C40] =	vst v0  }
0x15d: {  	v0 =	vld.idx.msk [tilespmem:v23+s2+$0x0], $0xffff  }
0x15e: {  	v25 =	vld.idx.msk [tilespmem:v24+s11+$0x0], $0xffff;
	_ =	sdelay $0x4  }
0x15f: {  	v0 =	vadd.f32 v25, v0;
	_ =	sdelay $0x1  }
0x160: {  	v0 =	vadd.f32 v0, v0;
	_ =	sdelay $0x1  }
0x161: {  	v0 =	vmul.f32 $1.442695020e+00, v0;
	_ =	sdelay $0x1  }
0x162: {  	(erf) = vpow2.f32 v0;
	_ =	sdelay $0x8  }
0x163: {  	v0 =	vpop (erf)  }
0x164: {  	v0 =	vadd.f32 $1.000000000e+00, v0;
	_ =	sdelay $0x1  }
0x165: {  	(erf) = vrcp.f32 v0;
	_ =	sdelay $0x7  }
0x166: {  	v26 =	vld [tilespmem:$0x5850]  }
0x167: {  	v28 =	vld [tilespmem:$0x5060];
	v27 =	vpop (erf)  }
0x168: {  	v29 =	vld [tilespmem:$0x5460];
	v1 =	vadd.f32 v27, v27;
	_ =	sdelay $0x1  }
0x169: {  	v1 =	vsub.f32 $1.000000000e+00, v1;
	_ =	sdelay $0x1  }
0x16a: {  	v0 =	vmul.f32 v1, v26;
	_ =	sdelay $0x1  }
0x16b: {  	[tilespmem:$0x5C50] =	vst v0  }
0x16c: {  	v0 =	vld.idx.msk [tilespmem:v28+s2+$0x0], $0xffff  }
0x16d: {  	v30 =	vld.idx.msk [tilespmem:v29+s11+$0x0], $0xffff;
	_ =	sdelay $0x4  }
0x16e: {  	v0 =	vadd.f32 v30, v0;
	_ =	sdelay $0x1  }
0x16f: {  	v0 =	vadd.f32 v0, v0;
	_ =	sdelay $0x1  }
0x170: {  	v0 =	vmul.f32 $1.442695020e+00, v0;
	_ =	sdelay $0x1  }
0x171: {  	(erf) = vpow2.f32 v0;
	_ =	sdelay $0x8  }
0x172: {  	v0 =	vpop (erf)  }
0x173: {  	v0 =	vadd.f32 $1.000000000e+00, v0;
	_ =	sdelay $0x1  }
0x174: {  	(erf) = vrcp.f32 v0;
	_ =	sdelay $0x7  }
0x175: {  	v31 =	vld [tilespmem:$0x5860]  }
0x176: {  	v33 =	vld [tilespmem:$0x5070];
	v32 =	vpop (erf)  }
0x177: {  	v34 =	vld [tilespmem:$0x5470];
	v1 =	vadd.f32 v32, v32;
	_ =	sdelay $0x1  }
0x178: {  	v1 =	vsub.f32 $1.000000000e+00, v1;
	_ =	sdelay $0x1  }
0x179: {  	v0 =	vmul.f32 v1, v31;
	_ =	sdelay $0x1  }
0x17a: {  	[tilespmem:$0x5C60] =	vst v0  }
0x17b: {  	v0 =	vld.idx.msk [tilespmem:v33+s2+$0x0], $0xffff  }
0x17c: {  	v35 =	vld.idx.msk [tilespmem:v34+s11+$0x0], $0xffff;
	_ =	sdelay $0x4  }
0x17d: {  	v0 =	vadd.f32 v35, v0;
	_ =	sdelay $0x1  }
0x17e: {  	v0 =	vadd.f32 v0, v0;
	_ =	sdelay $0x1  }
0x17f: {  	v0 =	vmul.f32 $1.442695020e+00, v0;
	_ =	sdelay $0x1  }
0x180: {  	(erf) = vpow2.f32 v0;
	_ =	sdelay $0x8  }
0x181: {  	v0 =	vpop (erf)  }
0x182: {  	v0 =	vadd.f32 $1.000000000e+00, v0;
	_ =	sdelay $0x1  }
0x183: {  	(erf) = vrcp.f32 v0;
	_ =	sdelay $0x7  }
0x184: {  	v36 =	vld [tilespmem:$0x5870]  }
0x185: {  	v38 =	vld [tilespmem:$0x5080];
	v37 =	vpop (erf)  }
0x186: {  	v39 =	vld [tilespmem:$0x5480];
	v1 =	vadd.f32 v37, v37;
	_ =	sdelay $0x1  }
0x187: {  	v1 =	vsub.f32 $1.000000000e+00, v1;
	_ =	sdelay $0x1  }
0x188: {  	v0 =	vmul.f32 v1, v36;
	_ =	sdelay $0x1  }
0x189: {  	[tilespmem:$0x5C70] =	vst v0  }
0x18a: {  	v0 =	vld.idx.msk [tilespmem:v38+s2+$0x0], $0xffff  }
0x18b: {  	v40 =	vld.idx.msk [tilespmem:v39+s11+$0x0], $0xffff;
	_ =	sdelay $0x4  }
0x18c: {  	v0 =	vadd.f32 v40, v0;
	_ =	sdelay $0x1  }
0x18d: {  	v0 =	vadd.f32 v0, v0;
	_ =	sdelay $0x1  }
0x18e: {  	v0 =	vmul.f32 $1.442695020e+00, v0;
	_ =	sdelay $0x1  }
0x18f: {  	(erf) = vpow2.f32 v0;
	_ =	sdelay $0x8  }
0x190: {  	v0 =	vpop (erf)  }
0x191: {  	v0 =	vadd.f32 $1.000000000e+00, v0;
	_ =	sdelay $0x1  }
0x192: {  	(erf) = vrcp.f32 v0;
	_ =	sdelay $0x7  }
0x193: {  	v41 =	vld [tilespmem:$0x5880]  }
0x194: {  	v43 =	vld [tilespmem:$0x5090];
	v42 =	vpop (erf)  }
0x195: {  	v44 =	vld [tilespmem:$0x5490];
	v1 =	vadd.f32 v42, v42;
	_ =	sdelay $0x1  }
0x196: {  	v1 =	vsub.f32 $1.000000000e+00, v1;
	_ =	sdelay $0x1  }
0x197: {  	v0 =	vmul.f32 v1, v41;
	_ =	sdelay $0x1  }
0x198: {  	[tilespmem:$0x5C80] =	vst v0  }
0x199: {  	v0 =	vld.idx.msk [tilespmem:v43+s2+$0x0], $0xffff  }
0x19a: {  	v45 =	vld.idx.msk [tilespmem:v44+s11+$0x0], $0xffff;
	_ =	sdelay $0x4  }
0x19b: {  	v0 =	vadd.f32 v45, v0;
	_ =	sdelay $0x1  }
0x19c: {  	v0 =	vadd.f32 v0, v0;
	_ =	sdelay $0x1  }
0x19d: {  	v0 =	vmul.f32 $1.442695020e+00, v0;
	_ =	sdelay $0x1  }
0x19e: {  	(erf) = vpow2.f32 v0;
	_ =	sdelay $0x8  }
0x19f: {  	v0 =	vpop (erf)  }
0x1a0: {  	v0 =	vadd.f32 $1.000000000e+00, v0;
	_ =	sdelay $0x1  }
0x1a1: {  	(erf) = vrcp.f32 v0;
	_ =	sdelay $0x7  }
0x1a2: {  	v46 =	vld [tilespmem:$0x5890]  }
0x1a3: {  	v48 =	vld [tilespmem:$0x50A0];
	v47 =	vpop (erf)  }
0x1a4: {  	v49 =	vld [tilespmem:$0x54A0];
	v1 =	vadd.f32 v47, v47;
	_ =	sdelay $0x1  }
0x1a5: {  	v1 =	vsub.f32 $1.000000000e+00, v1;
	_ =	sdelay $0x1  }
0x1a6: {  	v0 =	vmul.f32 v1, v46;
	_ =	sdelay $0x1  }
0x1a7: {  	[tilespmem:$0x5C90] =	vst v0  }
0x1a8: {  	v0 =	vld.idx.msk [tilespmem:v48+s2+$0x0], $0xffff  }
0x1a9: {  	v50 =	vld.idx.msk [tilespmem:v49+s11+$0x0], $0xffff;
	_ =	sdelay $0x4  }
0x1aa: {  	v0 =	vadd.f32 v50, v0;
	_ =	sdelay $0x1  }
0x1ab: {  	v0 =	vadd.f32 v0, v0;
	_ =	sdelay $0x1  }
0x1ac: {  	v0 =	vmul.f32 $1.442695020e+00, v0;
	_ =	sdelay $0x1  }
0x1ad: {  	(erf) = vpow2.f32 v0;
	_ =	sdelay $0x8  }
0x1ae: {  	v0 =	vpop (erf)  }
0x1af: {  	v0 =	vadd.f32 $1.000000000e+00, v0;
	_ =	sdelay $0x1  }
0x1b0: {  	(erf) = vrcp.f32 v0;
	_ =	sdelay $0x7  }
0x1b1: {  	v51 =	vld [tilespmem:$0x58A0]  }
0x1b2: {  	v53 =	vld [tilespmem:$0x50B0];
	v52 =	vpop (erf)  }
0x1b3: {  	v54 =	vld [tilespmem:$0x54B0];
	v1 =	vadd.f32 v52, v52;
	_ =	sdelay $0x1  }
0x1b4: {  	v1 =	vsub.f32 $1.000000000e+00, v1;
	_ =	sdelay $0x1  }
0x1b5: {  	v0 =	vmul.f32 v1, v51;
	_ =	sdelay $0x1  }
0x1b6: {  	[tilespmem:$0x5CA0] =	vst v0  }
0x1b7: {  	v0 =	vld.idx.msk [tilespmem:v53+s2+$0x0], $0xffff  }
0x1b8: {  	v55 =	vld.idx.msk [tilespmem:v54+s11+$0x0], $0xffff;
	_ =	sdelay $0x4  }
0x1b9: {  	v0 =	vadd.f32 v55, v0;
	_ =	sdelay $0x1  }
0x1ba: {  	v0 =	vadd.f32 v0, v0;
	_ =	sdelay $0x1  }
0x1bb: {  	v0 =	vmul.f32 $1.442695020e+00, v0;
	_ =	sdelay $0x1  }
0x1bc: {  	(erf) = vpow2.f32 v0;
	_ =	sdelay $0x8  }
0x1bd: {  	v0 =	vpop (erf)  }
0x1be: {  	v0 =	vadd.f32 $1.000000000e+00, v0;
	_ =	sdelay $0x1  }
0x1bf: {  	(erf) = vrcp.f32 v0;
	_ =	sdelay $0x7  }
0x1c0: {  	v56 =	vld [tilespmem:$0x58B0]  }
0x1c1: {  	v58 =	vld [tilespmem:$0x50C0];
	v57 =	vpop (erf)  }
0x1c2: {  	v59 =	vld [tilespmem:$0x54C0];
	v1 =	vadd.f32 v57, v57;
	_ =	sdelay $0x1  }
0x1c3: {  	v1 =	vsub.f32 $1.000000000e+00, v1;
	_ =	sdelay $0x1  }
0x1c4: {  	v0 =	vmul.f32 v1, v56;
	_ =	sdelay $0x1  }
0x1c5: {  	[tilespmem:$0x5CB0] =	vst v0  }
0x1c6: {  	v0 =	vld.idx.msk [tilespmem:v58+s2+$0x0], $0xffff  }
0x1c7: {  	v60 =	vld.idx.msk [tilespmem:v59+s11+$0x0], $0xffff;
	_ =	sdelay $0x4  }
0x1c8: {  	v0 =	vadd.f32 v60, v0;
	_ =	sdelay $0x1  }
0x1c9: {  	v0 =	vadd.f32 v0, v0;
	_ =	sdelay $0x1  }
0x1ca: {  	v0 =	vmul.f32 $1.442695020e+00, v0;
	_ =	sdelay $0x1  }
0x1cb: {  	(erf) = vpow2.f32 v0;
	_ =	sdelay $0x8  }
0x1cc: {  	v0 =	vpop (erf)  }
0x1cd: {  	v0 =	vadd.f32 $1.000000000e+00, v0;
	_ =	sdelay $0x1  }
0x1ce: {  	(erf) = vrcp.f32 v0;
	_ =	sdelay $0x7  }
0x1cf: {  	v61 =	vld [tilespmem:$0x58C0]  }
0x1d0: {  	v63 =	vld [tilespmem:$0x50D0];
	v62 =	vpop (erf)  }
0x1d1: {  	v6 =	vld [tilespmem:$0x54D0];
	v1 =	vadd.f32 v62, v62;
	_ =	sdelay $0x1  }
0x1d2: {  	v1 =	vsub.f32 $1.000000000e+00, v1;
	_ =	sdelay $0x1  }
0x1d3: {  	v0 =	vmul.f32 v1, v61;
	_ =	sdelay $0x1  }
0x1d4: {  	[tilespmem:$0x5CC0] =	vst v0  }
0x1d5: {  	v0 =	vld.idx.msk [tilespmem:v63+s2+$0x0], $0xffff  }
0x1d6: {  	v7 =	vld.idx.msk [tilespmem:v6+s11+$0x0], $0xffff;
	_ =	sdelay $0x4  }
0x1d7: {  	v0 =	vadd.f32 v7, v0;
	_ =	sdelay $0x1  }
0x1d8: {  	v0 =	vadd.f32 v0, v0;
	_ =	sdelay $0x1  }
0x1d9: {  	v0 =	vmul.f32 $1.442695020e+00, v0;
	_ =	sdelay $0x1  }
0x1da: {  	(erf) = vpow2.f32 v0;
	_ =	sdelay $0x8  }
0x1db: {  	v0 =	vpop (erf)  }
0x1dc: {  	v0 =	vadd.f32 $1.000000000e+00, v0;
	_ =	sdelay $0x1  }
0x1dd: {  	(erf) = vrcp.f32 v0;
	_ =	sdelay $0x7  }
0x1de: {  	v8 =	vld [tilespmem:$0x58D0]  }
0x1df: {  	v10 =	vld [tilespmem:$0x50E0];
	v9 =	vpop (erf)  }
0x1e0: {  	v11 =	vld [tilespmem:$0x54E0];
	v1 =	vadd.f32 v9, v9;
	_ =	sdelay $0x1  }
0x1e1: {  	v1 =	vsub.f32 $1.000000000e+00, v1;
	_ =	sdelay $0x1  }
0x1e2: {  	v0 =	vmul.f32 v1, v8;
	_ =	sdelay $0x1  }
0x1e3: {  	[tilespmem:$0x5CD0] =	vst v0  }
0x1e4: {  	v0 =	vld.idx.msk [tilespmem:v10+s2+$0x0], $0xffff  }
0x1e5: {  	v12 =	vld.idx.msk [tilespmem:v11+s11+$0x0], $0xffff;
	_ =	sdelay $0x4  }
0x1e6: {  	v0 =	vadd.f32 v12, v0;
	_ =	sdelay $0x1  }
0x1e7: {  	v0 =	vadd.f32 v0, v0;
	_ =	sdelay $0x1  }
0x1e8: {  	v0 =	vmul.f32 $1.442695020e+00, v0;
	_ =	sdelay $0x1  }
0x1e9: {  	(erf) = vpow2.f32 v0;
	_ =	sdelay $0x8  }
0x1ea: {  	v0 =	vpop (erf)  }
0x1eb: {  	v0 =	vadd.f32 $1.000000000e+00, v0;
	_ =	sdelay $0x1  }
0x1ec: {  	(erf) = vrcp.f32 v0;
	_ =	sdelay $0x7  }
0x1ed: {  	v13 =	vld [tilespmem:$0x58E0]  }
0x1ee: {  	v15 =	vld [tilespmem:$0x50F0];
	v14 =	vpop (erf)  }
0x1ef: {  	v16 =	vld [tilespmem:$0x54F0];
	v1 =	vadd.f32 v14, v14;
	_ =	sdelay $0x1  }
0x1f0: {  	v1 =	vsub.f32 $1.000000000e+00, v1;
	_ =	sdelay $0x1  }
0x1f1: {  	v0 =	vmul.f32 v1, v13;
	_ =	sdelay $0x1  }
0x1f2: {  	[tilespmem:$0x5CE0] =	vst v0  }
0x1f3: {  	v0 =	vld.idx.msk [tilespmem:v15+s2+$0x0], $0xffff  }
0x1f4: {  	v17 =	vld.idx.msk [tilespmem:v16+s11+$0x0], $0xffff;
	_ =	sdelay $0x4  }
0x1f5: {  	v0 =	vadd.f32 v17, v0;
	_ =	sdelay $0x1  }
0x1f6: {  	v0 =	vadd.f32 v0, v0;
	_ =	sdelay $0x1  }
0x1f7: {  	v0 =	vmul.f32 $1.442695020e+00, v0;
	_ =	sdelay $0x1  }
0x1f8: {  	(erf) = vpow2.f32 v0;
	_ =	sdelay $0x8  }
0x1f9: {  	v0 =	vpop (erf)  }
0x1fa: {  	v0 =	vadd.f32 $1.000000000e+00, v0;
	_ =	sdelay $0x1  }
0x1fb: {  	(erf) = vrcp.f32 v0;
	_ =	sdelay $0x7  }
0x1fc: {  	v18 =	vld [tilespmem:$0x58F0]  }
0x1fd: {  	v20 =	vld [tilespmem:$0x5100];
	v19 =	vpop (erf)  }
0x1fe: {  	v21 =	vld [tilespmem:$0x5500];
	v1 =	vadd.f32 v19, v19;
	_ =	sdelay $0x1  }
0x1ff: {  	v1 =	vsub.f32 $1.000000000e+00, v1;
	_ =	sdelay $0x1  }
0x200: {  	v0 =	vmul.f32 v1, v18;
	_ =	sdelay $0x1  }
0x201: {  	[tilespmem:$0x5CF0] =	vst v0  }
0x202: {  	v0 =	vld.idx.msk [tilespmem:v20+s2+$0x0], $0xffff  }
0x203: {  	v22 =	vld.idx.msk [tilespmem:v21+s11+$0x0], $0xffff;
	_ =	sdelay $0x4  }
0x204: {  	v0 =	vadd.f32 v22, v0;
	_ =	sdelay $0x1  }
0x205: {  	v0 =	vadd.f32 v0, v0;
	_ =	sdelay $0x1  }
0x206: {  	v0 =	vmul.f32 $1.442695020e+00, v0;
	_ =	sdelay $0x1  }
0x207: {  	(erf) = vpow2.f32 v0;
	_ =	sdelay $0x8  }
0x208: {  	v0 =	vpop (erf)  }
0x209: {  	v0 =	vadd.f32 $1.000000000e+00, v0;
	_ =	sdelay $0x1  }
0x20a: {  	(erf) = vrcp.f32 v0;
	_ =	sdelay $0x7  }
0x20b: {  	v23 =	vld [tilespmem:$0x5900]  }
0x20c: {  	v25 =	vld [tilespmem:$0x5110];
	v24 =	vpop (erf)  }
0x20d: {  	v26 =	vld [tilespmem:$0x5510];
	v1 =	vadd.f32 v24, v24;
	_ =	sdelay $0x1  }
0x20e: {  	v1 =	vsub.f32 $1.000000000e+00, v1;
	_ =	sdelay $0x1  }
0x20f: {  	v0 =	vmul.f32 v1, v23;
	_ =	sdelay $0x1  }
0x210: {  	[tilespmem:$0x5D00] =	vst v0  }
0x211: {  	v0 =	vld.idx.msk [tilespmem:v25+s2+$0x0], $0xffff  }
0x212: {  	v27 =	vld.idx.msk [tilespmem:v26+s11+$0x0], $0xffff;
	_ =	sdelay $0x4  }
0x213: {  	v0 =	vadd.f32 v27, v0;
	_ =	sdelay $0x1  }
0x214: {  	v0 =	vadd.f32 v0, v0;
	_ =	sdelay $0x1  }
0x215: {  	v0 =	vmul.f32 $1.442695020e+00, v0;
	_ =	sdelay $0x1  }
0x216: {  	(erf) = vpow2.f32 v0;
	_ =	sdelay $0x8  }
0x217: {  	v0 =	vpop (erf)  }
0x218: {  	v0 =	vadd.f32 $1.000000000e+00, v0;
	_ =	sdelay $0x1  }
0x219: {  	(erf) = vrcp.f32 v0;
	_ =	sdelay $0x7  }
0x21a: {  	v28 =	vld [tilespmem:$0x5910]  }
0x21b: {  	v30 =	vld [tilespmem:$0x5120];
	v29 =	vpop (erf)  }
0x21c: {  	v31 =	vld [tilespmem:$0x5520];
	v1 =	vadd.f32 v29, v29;
	_ =	sdelay $0x1  }
0x21d: {  	v1 =	vsub.f32 $1.000000000e+00, v1;
	_ =	sdelay $0x1  }
0x21e: {  	v0 =	vmul.f32 v1, v28;
	_ =	sdelay $0x1  }
0x21f: {  	[tilespmem:$0x5D10] =	vst v0  }
0x220: {  	v0 =	vld.idx.msk [tilespmem:v30+s2+$0x0], $0xffff  }
0x221: {  	v32 =	vld.idx.msk [tilespmem:v31+s11+$0x0], $0xffff;
	_ =	sdelay $0x4  }
0x222: {  	v0 =	vadd.f32 v32, v0;
	_ =	sdelay $0x1  }
0x223: {  	v0 =	vadd.f32 v0, v0;
	_ =	sdelay $0x1  }
0x224: {  	v0 =	vmul.f32 $1.442695020e+00, v0;
	_ =	sdelay $0x1  }
0x225: {  	(erf) = vpow2.f32 v0;
	_ =	sdelay $0x8  }
0x226: {  	v0 =	vpop (erf)  }
0x227: {  	v0 =	vadd.f32 $1.000000000e+00, v0;
	_ =	sdelay $0x1  }
0x228: {  	(erf) = vrcp.f32 v0;
	_ =	sdelay $0x7  }
0x229: {  	v33 =	vld [tilespmem:$0x5920]  }
0x22a: {  	v35 =	vld [tilespmem:$0x5130];
	v34 =	vpop (erf)  }
0x22b: {  	v36 =	vld [tilespmem:$0x5530];
	v1 =	vadd.f32 v34, v34;
	_ =	sdelay $0x1  }
0x22c: {  	v1 =	vsub.f32 $1.000000000e+00, v1;
	_ =	sdelay $0x1  }
0x22d: {  	v0 =	vmul.f32 v1, v33;
	_ =	sdelay $0x1  }
0x22e: {  	[tilespmem:$0x5D20] =	vst v0  }
0x22f: {  	v0 =	vld.idx.msk [tilespmem:v35+s2+$0x0], $0xffff  }
0x230: {  	v37 =	vld.idx.msk [tilespmem:v36+s11+$0x0], $0xffff;
	_ =	sdelay $0x4  }
0x231: {  	v0 =	vadd.f32 v37, v0;
	_ =	sdelay $0x1  }
0x232: {  	v0 =	vadd.f32 v0, v0;
	_ =	sdelay $0x1  }
0x233: {  	v0 =	vmul.f32 $1.442695020e+00, v0;
	_ =	sdelay $0x1  }
0x234: {  	(erf) = vpow2.f32 v0;
	_ =	sdelay $0x8  }
0x235: {  	v0 =	vpop (erf)  }
0x236: {  	v0 =	vadd.f32 $1.000000000e+00, v0;
	_ =	sdelay $0x1  }
0x237: {  	(erf) = vrcp.f32 v0;
	_ =	sdelay $0x7  }
0x238: {  	v38 =	vld [tilespmem:$0x5930]  }
0x239: {  	v40 =	vld [tilespmem:$0x5140];
	v39 =	vpop (erf)  }
0x23a: {  	v41 =	vld [tilespmem:$0x5540];
	v1 =	vadd.f32 v39, v39;
	_ =	sdelay $0x1  }
0x23b: {  	v1 =	vsub.f32 $1.000000000e+00, v1;
	_ =	sdelay $0x1  }
0x23c: {  	v0 =	vmul.f32 v1, v38;
	_ =	sdelay $0x1  }
0x23d: {  	[tilespmem:$0x5D30] =	vst v0  }
0x23e: {  	v0 =	vld.idx.msk [tilespmem:v40+s2+$0x0], $0xffff  }
0x23f: {  	v42 =	vld.idx.msk [tilespmem:v41+s11+$0x0], $0xffff;
	_ =	sdelay $0x4  }
0x240: {  	v0 =	vadd.f32 v42, v0;
	_ =	sdelay $0x1  }
0x241: {  	v0 =	vadd.f32 v0, v0;
	_ =	sdelay $0x1  }
0x242: {  	v0 =	vmul.f32 $1.442695020e+00, v0;
	_ =	sdelay $0x1  }
0x243: {  	(erf) = vpow2.f32 v0;
	_ =	sdelay $0x8  }
0x244: {  	v0 =	vpop (erf)  }
0x245: {  	v0 =	vadd.f32 $1.000000000e+00, v0;
	_ =	sdelay $0x1  }
0x246: {  	(erf) = vrcp.f32 v0;
	_ =	sdelay $0x7  }
0x247: {  	v43 =	vld [tilespmem:$0x5940]  }
0x248: {  	v45 =	vld [tilespmem:$0x5150];
	v44 =	vpop (erf)  }
0x249: {  	v46 =	vld [tilespmem:$0x5550];
	v1 =	vadd.f32 v44, v44;
	_ =	sdelay $0x1  }
0x24a: {  	v1 =	vsub.f32 $1.000000000e+00, v1;
	_ =	sdelay $0x1  }
0x24b: {  	v0 =	vmul.f32 v1, v43;
	_ =	sdelay $0x1  }
0x24c: {  	[tilespmem:$0x5D40] =	vst v0  }
0x24d: {  	v0 =	vld.idx.msk [tilespmem:v45+s2+$0x0], $0xffff  }
0x24e: {  	v47 =	vld.idx.msk [tilespmem:v46+s11+$0x0], $0xffff;
	_ =	sdelay $0x4  }
0x24f: {  	v0 =	vadd.f32 v47, v0;
	_ =	sdelay $0x1  }
0x250: {  	v0 =	vadd.f32 v0, v0;
	_ =	sdelay $0x1  }
0x251: {  	v0 =	vmul.f32 $1.442695020e+00, v0;
	_ =	sdelay $0x1  }
0x252: {  	(erf) = vpow2.f32 v0;
	_ =	sdelay $0x8  }
0x253: {  	v0 =	vpop (erf)  }
0x254: {  	v0 =	vadd.f32 $1.000000000e+00, v0;
	_ =	sdelay $0x1  }
0x255: {  	(erf) = vrcp.f32 v0;
	_ =	sdelay $0x7  }
0x256: {  	v48 =	vld [tilespmem:$0x5950]  }
0x257: {  	v50 =	vld [tilespmem:$0x5160];
	v49 =	vpop (erf)  }
0x258: {  	v51 =	vld [tilespmem:$0x5560];
	v1 =	vadd.f32 v49, v49;
	_ =	sdelay $0x1  }
0x259: {  	v1 =	vsub.f32 $1.000000000e+00, v1;
	_ =	sdelay $0x1  }
0x25a: {  	v0 =	vmul.f32 v1, v48;
	_ =	sdelay $0x1  }
0x25b: {  	[tilespmem:$0x5D50] =	vst v0  }
0x25c: {  	v0 =	vld.idx.msk [tilespmem:v50+s2+$0x0], $0xffff  }
0x25d: {  	v52 =	vld.idx.msk [tilespmem:v51+s11+$0x0], $0xffff;
	_ =	sdelay $0x4  }
0x25e: {  	v0 =	vadd.f32 v52, v0;
	_ =	sdelay $0x1  }
0x25f: {  	v0 =	vadd.f32 v0, v0;
	_ =	sdelay $0x1  }
0x260: {  	v0 =	vmul.f32 $1.442695020e+00, v0;
	_ =	sdelay $0x1  }
0x261: {  	(erf) = vpow2.f32 v0;
	_ =	sdelay $0x8  }
0x262: {  	v0 =	vpop (erf)  }
0x263: {  	v0 =	vadd.f32 $1.000000000e+00, v0;
	_ =	sdelay $0x1  }
0x264: {  	(erf) = vrcp.f32 v0;
	_ =	sdelay $0x7  }
0x265: {  	v53 =	vld [tilespmem:$0x5960]  }
0x266: {  	v55 =	vld [tilespmem:$0x5170];
	v54 =	vpop (erf)  }
0x267: {  	v56 =	vld [tilespmem:$0x5570];
	v1 =	vadd.f32 v54, v54;
	_ =	sdelay $0x1  }
0x268: {  	v1 =	vsub.f32 $1.000000000e+00, v1;
	_ =	sdelay $0x1  }
0x269: {  	v0 =	vmul.f32 v1, v53;
	_ =	sdelay $0x1  }
0x26a: {  	[tilespmem:$0x5D60] =	vst v0  }
0x26b: {  	v0 =	vld.idx.msk [tilespmem:v55+s2+$0x0], $0xffff  }
0x26c: {  	v57 =	vld.idx.msk [tilespmem:v56+s11+$0x0], $0xffff;
	_ =	sdelay $0x4  }
0x26d: {  	v0 =	vadd.f32 v57, v0;
	_ =	sdelay $0x1  }
0x26e: {  	v0 =	vadd.f32 v0, v0;
	_ =	sdelay $0x1  }
0x26f: {  	v0 =	vmul.f32 $1.442695020e+00, v0;
	_ =	sdelay $0x1  }
0x270: {  	(erf) = vpow2.f32 v0;
	_ =	sdelay $0x8  }
0x271: {  	v0 =	vpop (erf)  }
0x272: {  	v0 =	vadd.f32 $1.000000000e+00, v0;
	_ =	sdelay $0x1  }
0x273: {  	(erf) = vrcp.f32 v0;
	_ =	sdelay $0x7  }
0x274: {  	v58 =	vld [tilespmem:$0x5970]  }
0x275: {  	v60 =	vld [tilespmem:$0x5180];
	v59 =	vpop (erf)  }
0x276: {  	v61 =	vld [tilespmem:$0x5580];
	v1 =	vadd.f32 v59, v59;
	_ =	sdelay $0x1  }
0x277: {  	v1 =	vsub.f32 $1.000000000e+00, v1;
	_ =	sdelay $0x1  }
0x278: {  	v0 =	vmul.f32 v1, v58;
	_ =	sdelay $0x1  }
0x279: {  	[tilespmem:$0x5D70] =	vst v0  }
0x27a: {  	v0 =	vld.idx.msk [tilespmem:v60+s2+$0x0], $0xffff  }
0x27b: {  	v62 =	vld.idx.msk [tilespmem:v61+s11+$0x0], $0xffff;
	_ =	sdelay $0x4  }
0x27c: {  	v0 =	vadd.f32 v62, v0;
	_ =	sdelay $0x1  }
0x27d: {  	v0 =	vadd.f32 v0, v0;
	_ =	sdelay $0x1  }
0x27e: {  	v0 =	vmul.f32 $1.442695020e+00, v0;
	_ =	sdelay $0x1  }
0x27f: {  	(erf) = vpow2.f32 v0;
	_ =	sdelay $0x8  }
0x280: {  	v0 =	vpop (erf)  }
0x281: {  	v0 =	vadd.f32 $1.000000000e+00, v0;
	_ =	sdelay $0x1  }
0x282: {  	(erf) = vrcp.f32 v0;
	_ =	sdelay $0x7  }
0x283: {  	v63 =	vld [tilespmem:$0x5980]  }
0x284: {  	v7 =	vld [tilespmem:$0x5190];
	v6 =	vpop (erf)  }
0x285: {  	v8 =	vld [tilespmem:$0x5590];
	v1 =	vadd.f32 v6, v6;
	_ =	sdelay $0x1  }
0x286: {  	v1 =	vsub.f32 $1.000000000e+00, v1;
	_ =	sdelay $0x1  }
0x287: {  	v0 =	vmul.f32 v1, v63;
	_ =	sdelay $0x1  }
0x288: {  	[tilespmem:$0x5D80] =	vst v0  }
0x289: {  	v0 =	vld.idx.msk [tilespmem:v7+s2+$0x0], $0xffff  }
0x28a: {  	v9 =	vld.idx.msk [tilespmem:v8+s11+$0x0], $0xffff;
	_ =	sdelay $0x4  }
0x28b: {  	v0 =	vadd.f32 v9, v0;
	_ =	sdelay $0x1  }
0x28c: {  	v0 =	vadd.f32 v0, v0;
	_ =	sdelay $0x1  }
0x28d: {  	v0 =	vmul.f32 $1.442695020e+00, v0;
	_ =	sdelay $0x1  }
0x28e: {  	(erf) = vpow2.f32 v0;
	_ =	sdelay $0x8  }
0x28f: {  	v0 =	vpop (erf)  }
0x290: {  	v0 =	vadd.f32 $1.000000000e+00, v0;
	_ =	sdelay $0x1  }
0x291: {  	(erf) = vrcp.f32 v0;
	_ =	sdelay $0x7  }
0x292: {  	v10 =	vld [tilespmem:$0x5990]  }
0x293: {  	v12 =	vld [tilespmem:$0x51A0];
	v11 =	vpop (erf)  }
0x294: {  	v13 =	vld [tilespmem:$0x55A0];
	v1 =	vadd.f32 v11, v11;
	_ =	sdelay $0x1  }
0x295: {  	v1 =	vsub.f32 $1.000000000e+00, v1;
	_ =	sdelay $0x1  }
0x296: {  	v0 =	vmul.f32 v1, v10;
	_ =	sdelay $0x1  }
0x297: {  	[tilespmem:$0x5D90] =	vst v0  }
0x298: {  	v0 =	vld.idx.msk [tilespmem:v12+s2+$0x0], $0xffff  }
0x299: {  	v14 =	vld.idx.msk [tilespmem:v13+s11+$0x0], $0xffff;
	_ =	sdelay $0x4  }
0x29a: {  	v0 =	vadd.f32 v14, v0;
	_ =	sdelay $0x1  }
0x29b: {  	v0 =	vadd.f32 v0, v0;
	_ =	sdelay $0x1  }
0x29c: {  	v0 =	vmul.f32 $1.442695020e+00, v0;
	_ =	sdelay $0x1  }
0x29d: {  	(erf) = vpow2.f32 v0;
	_ =	sdelay $0x8  }
0x29e: {  	v0 =	vpop (erf)  }
0x29f: {  	v0 =	vadd.f32 $1.000000000e+00, v0;
	_ =	sdelay $0x1  }
0x2a0: {  	(erf) = vrcp.f32 v0;
	_ =	sdelay $0x7  }
0x2a1: {  	v15 =	vld [tilespmem:$0x59A0]  }
0x2a2: {  	v17 =	vld [tilespmem:$0x51B0];
	v16 =	vpop (erf)  }
0x2a3: {  	v18 =	vld [tilespmem:$0x55B0];
	v1 =	vadd.f32 v16, v16;
	_ =	sdelay $0x1  }
0x2a4: {  	v1 =	vsub.f32 $1.000000000e+00, v1;
	_ =	sdelay $0x1  }
0x2a5: {  	v0 =	vmul.f32 v1, v15;
	_ =	sdelay $0x1  }
0x2a6: {  	[tilespmem:$0x5DA0] =	vst v0  }
0x2a7: {  	v0 =	vld.idx.msk [tilespmem:v17+s2+$0x0], $0xffff  }
0x2a8: {  	v19 =	vld.idx.msk [tilespmem:v18+s11+$0x0], $0xffff;
	_ =	sdelay $0x4  }
0x2a9: {  	v0 =	vadd.f32 v19, v0;
	_ =	sdelay $0x1  }
0x2aa: {  	v0 =	vadd.f32 v0, v0;
	_ =	sdelay $0x1  }
0x2ab: {  	v0 =	vmul.f32 $1.442695020e+00, v0;
	_ =	sdelay $0x1  }
0x2ac: {  	(erf) = vpow2.f32 v0;
	_ =	sdelay $0x8  }
0x2ad: {  	v0 =	vpop (erf)  }
0x2ae: {  	v0 =	vadd.f32 $1.000000000e+00, v0;
	_ =	sdelay $0x1  }
0x2af: {  	(erf) = vrcp.f32 v0;
	_ =	sdelay $0x7  }
0x2b0: {  	v20 =	vld [tilespmem:$0x59B0]  }
0x2b1: {  	v22 =	vld [tilespmem:$0x51C0];
	v21 =	vpop (erf)  }
0x2b2: {  	v23 =	vld [tilespmem:$0x55C0];
	v1 =	vadd.f32 v21, v21;
	_ =	sdelay $0x1  }
0x2b3: {  	v1 =	vsub.f32 $1.000000000e+00, v1;
	_ =	sdelay $0x1  }
0x2b4: {  	v0 =	vmul.f32 v1, v20;
	_ =	sdelay $0x1  }
0x2b5: {  	[tilespmem:$0x5DB0] =	vst v0  }
0x2b6: {  	v0 =	vld.idx.msk [tilespmem:v22+s2+$0x0], $0xffff  }
0x2b7: {  	v24 =	vld.idx.msk [tilespmem:v23+s11+$0x0], $0xffff;
	_ =	sdelay $0x4  }
0x2b8: {  	v0 =	vadd.f32 v24, v0;
	_ =	sdelay $0x1  }
0x2b9: {  	v0 =	vadd.f32 v0, v0;
	_ =	sdelay $0x1  }
0x2ba: {  	v0 =	vmul.f32 $1.442695020e+00, v0;
	_ =	sdelay $0x1  }
0x2bb: {  	(erf) = vpow2.f32 v0;
	_ =	sdelay $0x8  }
0x2bc: {  	v0 =	vpop (erf)  }
0x2bd: {  	v0 =	vadd.f32 $1.000000000e+00, v0;
	_ =	sdelay $0x1  }
0x2be: {  	(erf) = vrcp.f32 v0;
	_ =	sdelay $0x7  }
0x2bf: {  	v25 =	vld [tilespmem:$0x59C0]  }
0x2c0: {  	v27 =	vld [tilespmem:$0x51D0];
	v26 =	vpop (erf)  }
0x2c1: {  	v28 =	vld [tilespmem:$0x55D0];
	v1 =	vadd.f32 v26, v26;
	_ =	sdelay $0x1  }
0x2c2: {  	v1 =	vsub.f32 $1.000000000e+00, v1;
	_ =	sdelay $0x1  }
0x2c3: {  	v0 =	vmul.f32 v1, v25;
	_ =	sdelay $0x1  }
0x2c4: {  	[tilespmem:$0x5DC0] =	vst v0  }
0x2c5: {  	v0 =	vld.idx.msk [tilespmem:v27+s2+$0x0], $0xffff  }
0x2c6: {  	v29 =	vld.idx.msk [tilespmem:v28+s11+$0x0], $0xffff;
	_ =	sdelay $0x4  }
0x2c7: {  	v0 =	vadd.f32 v29, v0;
	_ =	sdelay $0x1  }
0x2c8: {  	v0 =	vadd.f32 v0, v0;
	_ =	sdelay $0x1  }
0x2c9: {  	v0 =	vmul.f32 $1.442695020e+00, v0;
	_ =	sdelay $0x1  }
0x2ca: {  	(erf) = vpow2.f32 v0;
	_ =	sdelay $0x8  }
0x2cb: {  	v0 =	vpop (erf)  }
0x2cc: {  	v0 =	vadd.f32 $1.000000000e+00, v0;
	_ =	sdelay $0x1  }
0x2cd: {  	(erf) = vrcp.f32 v0;
	_ =	sdelay $0x7  }
0x2ce: {  	v30 =	vld [tilespmem:$0x59D0]  }
0x2cf: {  	v32 =	vld [tilespmem:$0x51E0];
	v31 =	vpop (erf)  }
0x2d0: {  	v33 =	vld [tilespmem:$0x55E0];
	v1 =	vadd.f32 v31, v31;
	_ =	sdelay $0x1  }
0x2d1: {  	v1 =	vsub.f32 $1.000000000e+00, v1;
	_ =	sdelay $0x1  }
0x2d2: {  	v0 =	vmul.f32 v1, v30;
	_ =	sdelay $0x1  }
0x2d3: {  	[tilespmem:$0x5DD0] =	vst v0  }
0x2d4: {  	v0 =	vld.idx.msk [tilespmem:v32+s2+$0x0], $0xffff  }
0x2d5: {  	v34 =	vld.idx.msk [tilespmem:v33+s11+$0x0], $0xffff;
	_ =	sdelay $0x4  }
0x2d6: {  	v0 =	vadd.f32 v34, v0;
	_ =	sdelay $0x1  }
0x2d7: {  	v0 =	vadd.f32 v0, v0;
	_ =	sdelay $0x1  }
0x2d8: {  	v0 =	vmul.f32 $1.442695020e+00, v0;
	_ =	sdelay $0x1  }
0x2d9: {  	(erf) = vpow2.f32 v0;
	_ =	sdelay $0x8  }
0x2da: {  	v0 =	vpop (erf)  }
0x2db: {  	v0 =	vadd.f32 $1.000000000e+00, v0;
	_ =	sdelay $0x1  }
0x2dc: {  	(erf) = vrcp.f32 v0;
	_ =	sdelay $0x7  }
0x2dd: {  	v35 =	vld [tilespmem:$0x59E0]  }
0x2de: {  	v37 =	vld [tilespmem:$0x51F0];
	v36 =	vpop (erf)  }
0x2df: {  	v38 =	vld [tilespmem:$0x55F0];
	v1 =	vadd.f32 v36, v36;
	_ =	sdelay $0x1  }
0x2e0: {  	v1 =	vsub.f32 $1.000000000e+00, v1;
	_ =	sdelay $0x1  }
0x2e1: {  	v0 =	vmul.f32 v1, v35;
	_ =	sdelay $0x1  }
0x2e2: {  	[tilespmem:$0x5DE0] =	vst v0  }
0x2e3: {  	v0 =	vld.idx.msk [tilespmem:v37+s2+$0x0], $0xffff  }
0x2e4: {  	v39 =	vld.idx.msk [tilespmem:v38+s11+$0x0], $0xffff;
	_ =	sdelay $0x4  }
0x2e5: {  	v0 =	vadd.f32 v39, v0;
	_ =	sdelay $0x1  }
0x2e6: {  	v0 =	vadd.f32 v0, v0;
	_ =	sdelay $0x1  }
0x2e7: {  	v0 =	vmul.f32 $1.442695020e+00, v0;
	_ =	sdelay $0x1  }
0x2e8: {  	(erf) = vpow2.f32 v0;
	_ =	sdelay $0x8  }
0x2e9: {  	v0 =	vpop (erf)  }
0x2ea: {  	v0 =	vadd.f32 $1.000000000e+00, v0;
	_ =	sdelay $0x1  }
0x2eb: {  	(erf) = vrcp.f32 v0;
	_ =	sdelay $0x7  }
0x2ec: {  	v40 =	vld [tilespmem:$0x59F0]  }
0x2ed: {  	v42 =	vld [tilespmem:$0x5200];
	v41 =	vpop (erf)  }
0x2ee: {  	v43 =	vld [tilespmem:$0x5600];
	v1 =	vadd.f32 v41, v41;
	_ =	sdelay $0x1  }
0x2ef: {  	v1 =	vsub.f32 $1.000000000e+00, v1;
	_ =	sdelay $0x1  }
0x2f0: {  	v0 =	vmul.f32 v1, v40;
	_ =	sdelay $0x1  }
0x2f1: {  	[tilespmem:$0x5DF0] =	vst v0  }
0x2f2: {  	v0 =	vld.idx.msk [tilespmem:v42+s2+$0x0], $0xffff  }
0x2f3: {  	v44 =	vld.idx.msk [tilespmem:v43+s11+$0x0], $0xffff;
	_ =	sdelay $0x4  }
0x2f4: {  	v0 =	vadd.f32 v44, v0;
	_ =	sdelay $0x1  }
0x2f5: {  	v0 =	vadd.f32 v0, v0;
	_ =	sdelay $0x1  }
0x2f6: {  	v0 =	vmul.f32 $1.442695020e+00, v0;
	_ =	sdelay $0x1  }
0x2f7: {  	(erf) = vpow2.f32 v0;
	_ =	sdelay $0x8  }
0x2f8: {  	v0 =	vpop (erf)  }
0x2f9: {  	v0 =	vadd.f32 $1.000000000e+00, v0;
	_ =	sdelay $0x1  }
0x2fa: {  	(erf) = vrcp.f32 v0;
	_ =	sdelay $0x7  }
0x2fb: {  	v45 =	vld [tilespmem:$0x5A00]  }
0x2fc: {  	v47 =	vld [tilespmem:$0x5210];
	v46 =	vpop (erf)  }
0x2fd: {  	v48 =	vld [tilespmem:$0x5610];
	v1 =	vadd.f32 v46, v46;
	_ =	sdelay $0x1  }
0x2fe: {  	v1 =	vsub.f32 $1.000000000e+00, v1;
	_ =	sdelay $0x1  }
0x2ff: {  	v0 =	vmul.f32 v1, v45;
	_ =	sdelay $0x1  }
0x300: {  	[tilespmem:$0x5E00] =	vst v0  }
0x301: {  	v0 =	vld.idx.msk [tilespmem:v47+s2+$0x0], $0xffff  }
0x302: {  	v49 =	vld.idx.msk [tilespmem:v48+s11+$0x0], $0xffff;
	_ =	sdelay $0x4  }
0x303: {  	v0 =	vadd.f32 v49, v0;
	_ =	sdelay $0x1  }
0x304: {  	v0 =	vadd.f32 v0, v0;
	_ =	sdelay $0x1  }
0x305: {  	v0 =	vmul.f32 $1.442695020e+00, v0;
	_ =	sdelay $0x1  }
0x306: {  	(erf) = vpow2.f32 v0;
	_ =	sdelay $0x8  }
0x307: {  	v0 =	vpop (erf)  }
0x308: {  	v0 =	vadd.f32 $1.000000000e+00, v0;
	_ =	sdelay $0x1  }
0x309: {  	(erf) = vrcp.f32 v0;
	_ =	sdelay $0x7  }
0x30a: {  	v50 =	vld [tilespmem:$0x5A10]  }
0x30b: {  	v52 =	vld [tilespmem:$0x5220];
	v51 =	vpop (erf)  }
0x30c: {  	v53 =	vld [tilespmem:$0x5620];
	v1 =	vadd.f32 v51, v51;
	_ =	sdelay $0x1  }
0x30d: {  	v1 =	vsub.f32 $1.000000000e+00, v1;
	_ =	sdelay $0x1  }
0x30e: {  	v0 =	vmul.f32 v1, v50;
	_ =	sdelay $0x1  }
0x30f: {  	[tilespmem:$0x5E10] =	vst v0  }
0x310: {  	v0 =	vld.idx.msk [tilespmem:v52+s2+$0x0], $0xffff  }
0x311: {  	v54 =	vld.idx.msk [tilespmem:v53+s11+$0x0], $0xffff;
	_ =	sdelay $0x4  }
0x312: {  	v0 =	vadd.f32 v54, v0;
	_ =	sdelay $0x1  }
0x313: {  	v0 =	vadd.f32 v0, v0;
	_ =	sdelay $0x1  }
0x314: {  	v0 =	vmul.f32 $1.442695020e+00, v0;
	_ =	sdelay $0x1  }
0x315: {  	(erf) = vpow2.f32 v0;
	_ =	sdelay $0x8  }
0x316: {  	v0 =	vpop (erf)  }
0x317: {  	v0 =	vadd.f32 $1.000000000e+00, v0;
	_ =	sdelay $0x1  }
0x318: {  	(erf) = vrcp.f32 v0;
	_ =	sdelay $0x7  }
0x319: {  	v55 =	vld [tilespmem:$0x5A20]  }
0x31a: {  	v57 =	vld [tilespmem:$0x5230];
	v56 =	vpop (erf)  }
0x31b: {  	v58 =	vld [tilespmem:$0x5630];
	v1 =	vadd.f32 v56, v56;
	_ =	sdelay $0x1  }
0x31c: {  	v1 =	vsub.f32 $1.000000000e+00, v1;
	_ =	sdelay $0x1  }
0x31d: {  	v0 =	vmul.f32 v1, v55;
	_ =	sdelay $0x1  }
0x31e: {  	[tilespmem:$0x5E20] =	vst v0  }
0x31f: {  	v0 =	vld.idx.msk [tilespmem:v57+s2+$0x0], $0xffff  }
0x320: {  	v59 =	vld.idx.msk [tilespmem:v58+s11+$0x0], $0xffff;
	_ =	sdelay $0x4  }
0x321: {  	v0 =	vadd.f32 v59, v0;
	_ =	sdelay $0x1  }
0x322: {  	v0 =	vadd.f32 v0, v0;
	_ =	sdelay $0x1  }
0x323: {  	v0 =	vmul.f32 $1.442695020e+00, v0;
	_ =	sdelay $0x1  }
0x324: {  	(erf) = vpow2.f32 v0;
	_ =	sdelay $0x8  }
0x325: {  	v0 =	vpop (erf)  }
0x326: {  	v0 =	vadd.f32 $1.000000000e+00, v0;
	_ =	sdelay $0x1  }
0x327: {  	(erf) = vrcp.f32 v0;
	_ =	sdelay $0x7  }
0x328: {  	v60 =	vld [tilespmem:$0x5A30]  }
0x329: {  	v62 =	vld [tilespmem:$0x5240];
	v61 =	vpop (erf)  }
0x32a: {  	v63 =	vld [tilespmem:$0x5640];
	v1 =	vadd.f32 v61, v61;
	_ =	sdelay $0x1  }
0x32b: {  	v1 =	vsub.f32 $1.000000000e+00, v1;
	_ =	sdelay $0x1  }
0x32c: {  	v0 =	vmul.f32 v1, v60;
	_ =	sdelay $0x1  }
0x32d: {  	[tilespmem:$0x5E30] =	vst v0  }
0x32e: {  	v0 =	vld.idx.msk [tilespmem:v62+s2+$0x0], $0xffff  }
0x32f: {  	v6 =	vld.idx.msk [tilespmem:v63+s11+$0x0], $0xffff;
	_ =	sdelay $0x4  }
0x330: {  	v0 =	vadd.f32 v6, v0;
	_ =	sdelay $0x1  }
0x331: {  	v0 =	vadd.f32 v0, v0;
	_ =	sdelay $0x1  }
0x332: {  	v0 =	vmul.f32 $1.442695020e+00, v0;
	_ =	sdelay $0x1  }
0x333: {  	(erf) = vpow2.f32 v0;
	_ =	sdelay $0x8  }
0x334: {  	v0 =	vpop (erf)  }
0x335: {  	v0 =	vadd.f32 $1.000000000e+00, v0;
	_ =	sdelay $0x1  }
0x336: {  	(erf) = vrcp.f32 v0;
	_ =	sdelay $0x7  }
0x337: {  	v7 =	vld [tilespmem:$0x5A40]  }
0x338: {  	v9 =	vld [tilespmem:$0x5250];
	v8 =	vpop (erf)  }
0x339: {  	v10 =	vld [tilespmem:$0x5650];
	v1 =	vadd.f32 v8, v8;
	_ =	sdelay $0x1  }
0x33a: {  	v1 =	vsub.f32 $1.000000000e+00, v1;
	_ =	sdelay $0x1  }
0x33b: {  	v0 =	vmul.f32 v1, v7;
	_ =	sdelay $0x1  }
0x33c: {  	[tilespmem:$0x5E40] =	vst v0  }
0x33d: {  	v0 =	vld.idx.msk [tilespmem:v9+s2+$0x0], $0xffff  }
0x33e: {  	v11 =	vld.idx.msk [tilespmem:v10+s11+$0x0], $0xffff;
	_ =	sdelay $0x4  }
0x33f: {  	v0 =	vadd.f32 v11, v0;
	_ =	sdelay $0x1  }
0x340: {  	v0 =	vadd.f32 v0, v0;
	_ =	sdelay $0x1  }
0x341: {  	v0 =	vmul.f32 $1.442695020e+00, v0;
	_ =	sdelay $0x1  }
0x342: {  	(erf) = vpow2.f32 v0;
	_ =	sdelay $0x8  }
0x343: {  	v0 =	vpop (erf)  }
0x344: {  	v0 =	vadd.f32 $1.000000000e+00, v0;
	_ =	sdelay $0x1  }
0x345: {  	(erf) = vrcp.f32 v0;
	_ =	sdelay $0x7  }
0x346: {  	v12 =	vld [tilespmem:$0x5A50]  }
0x347: {  	v14 =	vld [tilespmem:$0x5260];
	v13 =	vpop (erf)  }
0x348: {  	v15 =	vld [tilespmem:$0x5660];
	v1 =	vadd.f32 v13, v13;
	_ =	sdelay $0x1  }
0x349: {  	v1 =	vsub.f32 $1.000000000e+00, v1;
	_ =	sdelay $0x1  }
0x34a: {  	v0 =	vmul.f32 v1, v12;
	_ =	sdelay $0x1  }
0x34b: {  	[tilespmem:$0x5E50] =	vst v0  }
0x34c: {  	v0 =	vld.idx.msk [tilespmem:v14+s2+$0x0], $0xffff  }
0x34d: {  	v16 =	vld.idx.msk [tilespmem:v15+s11+$0x0], $0xffff;
	_ =	sdelay $0x4  }
0x34e: {  	v0 =	vadd.f32 v16, v0;
	_ =	sdelay $0x1  }
0x34f: {  	v0 =	vadd.f32 v0, v0;
	_ =	sdelay $0x1  }
0x350: {  	v0 =	vmul.f32 $1.442695020e+00, v0;
	_ =	sdelay $0x1  }
0x351: {  	(erf) = vpow2.f32 v0;
	_ =	sdelay $0x8  }
0x352: {  	v0 =	vpop (erf)  }
0x353: {  	v0 =	vadd.f32 $1.000000000e+00, v0;
	_ =	sdelay $0x1  }
0x354: {  	(erf) = vrcp.f32 v0;
	_ =	sdelay $0x7  }
0x355: {  	v17 =	vld [tilespmem:$0x5A60]  }
0x356: {  	v19 =	vld [tilespmem:$0x5270];
	v18 =	vpop (erf)  }
0x357: {  	v20 =	vld [tilespmem:$0x5670];
	v1 =	vadd.f32 v18, v18;
	_ =	sdelay $0x1  }
0x358: {  	v1 =	vsub.f32 $1.000000000e+00, v1;
	_ =	sdelay $0x1  }
0x359: {  	v0 =	vmul.f32 v1, v17;
	_ =	sdelay $0x1  }
0x35a: {  	[tilespmem:$0x5E60] =	vst v0  }
0x35b: {  	v0 =	vld.idx.msk [tilespmem:v19+s2+$0x0], $0xffff  }
0x35c: {  	v21 =	vld.idx.msk [tilespmem:v20+s11+$0x0], $0xffff;
	_ =	sdelay $0x4  }
0x35d: {  	v0 =	vadd.f32 v21, v0;
	_ =	sdelay $0x1  }
0x35e: {  	v0 =	vadd.f32 v0, v0;
	_ =	sdelay $0x1  }
0x35f: {  	v0 =	vmul.f32 $1.442695020e+00, v0;
	_ =	sdelay $0x1  }
0x360: {  	(erf) = vpow2.f32 v0;
	_ =	sdelay $0x8  }
0x361: {  	v0 =	vpop (erf)  }
0x362: {  	v0 =	vadd.f32 $1.000000000e+00, v0;
	_ =	sdelay $0x1  }
0x363: {  	(erf) = vrcp.f32 v0;
	_ =	sdelay $0x7  }
0x364: {  	v22 =	vld [tilespmem:$0x5A70]  }
0x365: {  	v24 =	vld [tilespmem:$0x5280];
	v23 =	vpop (erf)  }
0x366: {  	v25 =	vld [tilespmem:$0x5680];
	v1 =	vadd.f32 v23, v23;
	_ =	sdelay $0x1  }
0x367: {  	v1 =	vsub.f32 $1.000000000e+00, v1;
	_ =	sdelay $0x1  }
0x368: {  	v0 =	vmul.f32 v1, v22;
	_ =	sdelay $0x1  }
0x369: {  	[tilespmem:$0x5E70] =	vst v0  }
0x36a: {  	v0 =	vld.idx.msk [tilespmem:v24+s2+$0x0], $0xffff  }
0x36b: {  	v26 =	vld.idx.msk [tilespmem:v25+s11+$0x0], $0xffff;
	_ =	sdelay $0x4  }
0x36c: {  	v0 =	vadd.f32 v26, v0;
	_ =	sdelay $0x1  }
0x36d: {  	v0 =	vadd.f32 v0, v0;
	_ =	sdelay $0x1  }
0x36e: {  	v0 =	vmul.f32 $1.442695020e+00, v0;
	_ =	sdelay $0x1  }
0x36f: {  	(erf) = vpow2.f32 v0;
	_ =	sdelay $0x8  }
0x370: {  	v0 =	vpop (erf)  }
0x371: {  	v0 =	vadd.f32 $1.000000000e+00, v0;
	_ =	sdelay $0x1  }
0x372: {  	(erf) = vrcp.f32 v0;
	_ =	sdelay $0x7  }
0x373: {  	v27 =	vld [tilespmem:$0x5A80]  }
0x374: {  	v29 =	vld [tilespmem:$0x5290];
	v28 =	vpop (erf)  }
0x375: {  	v30 =	vld [tilespmem:$0x5690];
	v1 =	vadd.f32 v28, v28;
	_ =	sdelay $0x1  }
0x376: {  	v1 =	vsub.f32 $1.000000000e+00, v1;
	_ =	sdelay $0x1  }
0x377: {  	v0 =	vmul.f32 v1, v27;
	_ =	sdelay $0x1  }
0x378: {  	[tilespmem:$0x5E80] =	vst v0  }
0x379: {  	v0 =	vld.idx.msk [tilespmem:v29+s2+$0x0], $0xffff  }
0x37a: {  	v31 =	vld.idx.msk [tilespmem:v30+s11+$0x0], $0xffff;
	_ =	sdelay $0x4  }
0x37b: {  	v0 =	vadd.f32 v31, v0;
	_ =	sdelay $0x1  }
0x37c: {  	v0 =	vadd.f32 v0, v0;
	_ =	sdelay $0x1  }
0x37d: {  	v0 =	vmul.f32 $1.442695020e+00, v0;
	_ =	sdelay $0x1  }
0x37e: {  	(erf) = vpow2.f32 v0;
	_ =	sdelay $0x8  }
0x37f: {  	v0 =	vpop (erf)  }
0x380: {  	v0 =	vadd.f32 $1.000000000e+00, v0;
	_ =	sdelay $0x1  }
0x381: {  	(erf) = vrcp.f32 v0;
	_ =	sdelay $0x7  }
0x382: {  	v32 =	vld [tilespmem:$0x5A90]  }
0x383: {  	v34 =	vld [tilespmem:$0x52A0];
	v33 =	vpop (erf)  }
0x384: {  	v35 =	vld [tilespmem:$0x56A0];
	v1 =	vadd.f32 v33, v33;
	_ =	sdelay $0x1  }
0x385: {  	v1 =	vsub.f32 $1.000000000e+00, v1;
	_ =	sdelay $0x1  }
0x386: {  	v0 =	vmul.f32 v1, v32;
	_ =	sdelay $0x1  }
0x387: {  	[tilespmem:$0x5E90] =	vst v0  }
0x388: {  	v0 =	vld.idx.msk [tilespmem:v34+s2+$0x0], $0xffff  }
0x389: {  	v36 =	vld.idx.msk [tilespmem:v35+s11+$0x0], $0xffff;
	_ =	sdelay $0x4  }
0x38a: {  	v0 =	vadd.f32 v36, v0;
	_ =	sdelay $0x1  }
0x38b: {  	v0 =	vadd.f32 v0, v0;
	_ =	sdelay $0x1  }
0x38c: {  	v0 =	vmul.f32 $1.442695020e+00, v0;
	_ =	sdelay $0x1  }
0x38d: {  	(erf) = vpow2.f32 v0;
	_ =	sdelay $0x8  }
0x38e: {  	v0 =	vpop (erf)  }
0x38f: {  	v0 =	vadd.f32 $1.000000000e+00, v0;
	_ =	sdelay $0x1  }
0x390: {  	(erf) = vrcp.f32 v0;
	_ =	sdelay $0x7  }
0x391: {  	v37 =	vld [tilespmem:$0x5AA0]  }
0x392: {  	v39 =	vld [tilespmem:$0x52B0];
	v38 =	vpop (erf)  }
0x393: {  	v40 =	vld [tilespmem:$0x56B0];
	v1 =	vadd.f32 v38, v38;
	_ =	sdelay $0x1  }
0x394: {  	v1 =	vsub.f32 $1.000000000e+00, v1;
	_ =	sdelay $0x1  }
0x395: {  	v0 =	vmul.f32 v1, v37;
	_ =	sdelay $0x1  }
0x396: {  	[tilespmem:$0x5EA0] =	vst v0  }
0x397: {  	v0 =	vld.idx.msk [tilespmem:v39+s2+$0x0], $0xffff  }
0x398: {  	v41 =	vld.idx.msk [tilespmem:v40+s11+$0x0], $0xffff;
	_ =	sdelay $0x4  }
0x399: {  	v0 =	vadd.f32 v41, v0;
	_ =	sdelay $0x1  }
0x39a: {  	v0 =	vadd.f32 v0, v0;
	_ =	sdelay $0x1  }
0x39b: {  	v0 =	vmul.f32 $1.442695020e+00, v0;
	_ =	sdelay $0x1  }
0x39c: {  	(erf) = vpow2.f32 v0;
	_ =	sdelay $0x8  }
0x39d: {  	v0 =	vpop (erf)  }
0x39e: {  	v0 =	vadd.f32 $1.000000000e+00, v0;
	_ =	sdelay $0x1  }
0x39f: {  	(erf) = vrcp.f32 v0;
	_ =	sdelay $0x7  }
0x3a0: {  	v42 =	vld [tilespmem:$0x5AB0]  }
0x3a1: {  	v44 =	vld [tilespmem:$0x52C0];
	v43 =	vpop (erf)  }
0x3a2: {  	v45 =	vld [tilespmem:$0x56C0];
	v1 =	vadd.f32 v43, v43;
	_ =	sdelay $0x1  }
0x3a3: {  	v1 =	vsub.f32 $1.000000000e+00, v1;
	_ =	sdelay $0x1  }
0x3a4: {  	v0 =	vmul.f32 v1, v42;
	_ =	sdelay $0x1  }
0x3a5: {  	[tilespmem:$0x5EB0] =	vst v0  }
0x3a6: {  	v0 =	vld.idx.msk [tilespmem:v44+s2+$0x0], $0xffff  }
0x3a7: {  	v46 =	vld.idx.msk [tilespmem:v45+s11+$0x0], $0xffff;
	_ =	sdelay $0x4  }
0x3a8: {  	v0 =	vadd.f32 v46, v0;
	_ =	sdelay $0x1  }
0x3a9: {  	v0 =	vadd.f32 v0, v0;
	_ =	sdelay $0x1  }
0x3aa: {  	v0 =	vmul.f32 $1.442695020e+00, v0;
	_ =	sdelay $0x1  }
0x3ab: {  	(erf) = vpow2.f32 v0;
	_ =	sdelay $0x8  }
0x3ac: {  	v0 =	vpop (erf)  }
0x3ad: {  	v0 =	vadd.f32 $1.000000000e+00, v0;
	_ =	sdelay $0x1  }
0x3ae: {  	(erf) = vrcp.f32 v0;
	_ =	sdelay $0x7  }
0x3af: {  	v47 =	vld [tilespmem:$0x5AC0]  }
0x3b0: {  	v49 =	vld [tilespmem:$0x52D0];
	v48 =	vpop (erf)  }
0x3b1: {  	v50 =	vld [tilespmem:$0x56D0];
	v1 =	vadd.f32 v48, v48;
	_ =	sdelay $0x1  }
0x3b2: {  	v1 =	vsub.f32 $1.000000000e+00, v1;
	_ =	sdelay $0x1  }
0x3b3: {  	v0 =	vmul.f32 v1, v47;
	_ =	sdelay $0x1  }
0x3b4: {  	[tilespmem:$0x5EC0] =	vst v0  }
0x3b5: {  	v0 =	vld.idx.msk [tilespmem:v49+s2+$0x0], $0xffff  }
0x3b6: {  	v51 =	vld.idx.msk [tilespmem:v50+s11+$0x0], $0xffff;
	_ =	sdelay $0x4  }
0x3b7: {  	v0 =	vadd.f32 v51, v0;
	_ =	sdelay $0x1  }
0x3b8: {  	v0 =	vadd.f32 v0, v0;
	_ =	sdelay $0x1  }
0x3b9: {  	v0 =	vmul.f32 $1.442695020e+00, v0;
	_ =	sdelay $0x1  }
0x3ba: {  	(erf) = vpow2.f32 v0;
	_ =	sdelay $0x8  }
0x3bb: {  	v0 =	vpop (erf)  }
0x3bc: {  	v0 =	vadd.f32 $1.000000000e+00, v0;
	_ =	sdelay $0x1  }
0x3bd: {  	(erf) = vrcp.f32 v0;
	_ =	sdelay $0x7  }
0x3be: {  	v52 =	vld [tilespmem:$0x5AD0]  }
0x3bf: {  	v54 =	vld [tilespmem:$0x52E0];
	v53 =	vpop (erf)  }
0x3c0: {  	v55 =	vld [tilespmem:$0x56E0];
	v1 =	vadd.f32 v53, v53;
	_ =	sdelay $0x1  }
0x3c1: {  	v1 =	vsub.f32 $1.000000000e+00, v1;
	_ =	sdelay $0x1  }
0x3c2: {  	v0 =	vmul.f32 v1, v52;
	_ =	sdelay $0x1  }
0x3c3: {  	[tilespmem:$0x5ED0] =	vst v0  }
0x3c4: {  	v0 =	vld.idx.msk [tilespmem:v54+s2+$0x0], $0xffff  }
0x3c5: {  	v56 =	vld.idx.msk [tilespmem:v55+s11+$0x0], $0xffff;
	_ =	sdelay $0x4  }
0x3c6: {  	v0 =	vadd.f32 v56, v0;
	_ =	sdelay $0x1  }
0x3c7: {  	v0 =	vadd.f32 v0, v0;
	_ =	sdelay $0x1  }
0x3c8: {  	v0 =	vmul.f32 $1.442695020e+00, v0;
	_ =	sdelay $0x1  }
0x3c9: {  	(erf) = vpow2.f32 v0;
	_ =	sdelay $0x8  }
0x3ca: {  	v0 =	vpop (erf)  }
0x3cb: {  	v0 =	vadd.f32 $1.000000000e+00, v0;
	_ =	sdelay $0x1  }
0x3cc: {  	(erf) = vrcp.f32 v0;
	_ =	sdelay $0x7  }
0x3cd: {  	v57 =	vld [tilespmem:$0x5AE0]  }
0x3ce: {  	v59 =	vld [tilespmem:$0x52F0];
	v58 =	vpop (erf)  }
0x3cf: {  	v60 =	vld [tilespmem:$0x56F0];
	v1 =	vadd.f32 v58, v58;
	_ =	sdelay $0x1  }
0x3d0: {  	v1 =	vsub.f32 $1.000000000e+00, v1;
	_ =	sdelay $0x1  }
0x3d1: {  	v0 =	vmul.f32 v1, v57;
	_ =	sdelay $0x1  }
0x3d2: {  	[tilespmem:$0x5EE0] =	vst v0  }
0x3d3: {  	v0 =	vld.idx.msk [tilespmem:v59+s2+$0x0], $0xffff  }
0x3d4: {  	v61 =	vld.idx.msk [tilespmem:v60+s11+$0x0], $0xffff;
	_ =	sdelay $0x4  }
0x3d5: {  	v0 =	vadd.f32 v61, v0;
	_ =	sdelay $0x1  }
0x3d6: {  	v0 =	vadd.f32 v0, v0;
	_ =	sdelay $0x1  }
0x3d7: {  	v0 =	vmul.f32 $1.442695020e+00, v0;
	_ =	sdelay $0x1  }
0x3d8: {  	(erf) = vpow2.f32 v0;
	_ =	sdelay $0x8  }
0x3d9: {  	v0 =	vpop (erf)  }
0x3da: {  	v0 =	vadd.f32 $1.000000000e+00, v0;
	_ =	sdelay $0x1  }
0x3db: {  	(erf) = vrcp.f32 v0;
	_ =	sdelay $0x8  }
0x3dc: {  	v62 =	vld [tilespmem:$0x5AF0];
	v63 =	vpop (erf)  }
0x3dd: {  	v1 =	vadd.f32 v63, v63;
	_ =	sdelay $0x1  }
0x3de: {  	v1 =	vsub.f32 $1.000000000e+00, v1;
	_ =	sdelay $0x1  }
0x3df: {  	v0 =	vmul.f32 v1, v62  }
0x3e0: {  	p0 =	sne.s32 s17, $0x480  }
.Ltmp0:
0x3e1: {  	s31 =	sadd.s32 s17, s6;
	[tilespmem:$0x5EF0] =	vst v0;
	(pc) =	sbr.rel @p0 .LBB2_2-.Ltmp0, $4  }
0x3e2: {  	[hbm4b:s31+s2] =	stream.linear.scatter [tilespmem:s15], [sflag:$0x1], $0x400, $0x38;
	[tilespmem:$0x5F00] =	vst v63  }
0x3e3: {  	_ =	swait.ge [sflag:s10], $0x400  }
0x3e4: {  	[sflag:s10] =	ssyncset.done $0x0  }
0x3e5: {  	s17 =	sadd.s32 $0x80, s17;
	[sflag:s10] =	ssyncadd.s32 $0xFFFFFC00  }
0x3e6: {  	s16 =	sadd.s32 $0x1, s16  }
0x3e7: {  	p0 =	sne.s32 s16, s5  }
.Ltmp1:
0x3e8: {  	_ = 	snop;
	(pc) =	sbr.rel @p0 .LBB2_1-.Ltmp1, $1  }
0x3e9: {  	_ =	sdelay $0x3  }
0x3ea: {  	_ =	sfence.sel $0x180000  }
0x3eb: {  	[bflag:$0x0] =	sbarrier.arrive $0xFFFF  }
0x3ec: {  	p0 =	sne.s32 s1, $0x0;
	_ =	strace $0x90000047  }
0x3ed: {  	s0 =	sadd.s32 @!p0 $0x100000, s0;
	[bflag:$0x2] =	sbarrier.arrive $0xFFFF  }
0x3ee: {  	[sflag:s0] =	ssyncadd.tile.s32 @!p0 $0x1;
	_ =	shalt  }
.Lfunc_end2:
_tile_overlayer_lowered:
.L_overlay_start_2:
0x3ef: {  	(tag) =	ssettag $0x2  }
0x3f0: {  	s0 =	rddreg [dreg:$0x0];
	s2 =	stileid.u32  }
0x3f1: {  	s1 =	rddreg [dreg:$0x1];
	p0 =	sne.s32 s2, $0x0  }
0x3f2: {  	s3 =	rddreg [dreg:$0x2];
	[bflag:$0x3] =	sbarrier.arrive $0xFFFF;
	s2 =	simm.s32 @!p0 $0x1C01  }
0x3f3: {  	[timem:s3], [sflag:s2] =	dma.local @!p0 [hbm:s0], s1  }
0x3f4: {  	s0 =	simm.s32 @!p0 $0x1  }
0x3f5: {  	_ =	swait.ge @!p0 [sflag:s0], s1  }
0x3f6: {  	s1 =	ssub.s32 @!p0 $0x0, s1;
	[sflag:s0] =	ssyncset.done @!p0 $0x0  }
0x3f7: {  	[sflag:s0] =	ssyncadd.s32 @!p0 s1  }
0x3f8: {  	[bflag:$0x3] =	sbarrier.arrive $0xFFFF  }
0x3f9: {  	_ =	shalt  }

// kernel: kernel.9.cloned.1.call-start
scs
__scs_entry_jumppad:
0x0: {  	(pc) =	sbr.rel $0x88, $3  }
0x1: {  	(tag) =	ssettag $0x0;
	lr =	simm.s32 $0x1  }
0x2: {  	[smem:$0x3F99] =	sst lr;
	_ =	strace $0xD0000000  }
0x3: {  	_ = 	snop  }
0x4: {  	_ = 	snop  }
0x5: {  	_ = 	snop  }
0x6: {  	_ = 	snop  }
0x7: {  	_ = 	snop  }
__scs_overlays_trampoline_lowered:
0x8: {  	[smem:$0x3FA8] =	sst s0  }
0x9: {  	[smem:$0x3FA9] =	sst s1  }
0xa: {  	[smem:$0x3FAA] =	sst s2  }
0xb: {  	[smem:$0x3FAB] =	sst s3  }
0xc: {  	[smem:$0x3FAC] =	sst s4  }
0xd: {  	[smem:$0x3FAD] =	sst s5  }
0xe: {  	[smem:$0x3FAE] =	sst s6  }
0xf: {  	[smem:$0x3FAF] =	sst s7  }
0x10: {  	[smem:$0x3FB0] =	sst s8  }
0x11: {  	[smem:$0x3FB1] =	sst s9;
	s0 =	simm.s32 @!p0 $0x0  }
0x12: {  	s1 =	sld [smem:$0x3F97];
	s0 =	simm.s32 @p0 $0x1  }
0x13: {  	[smem:$0x3FB2] =	sst s0;
	s0 =	simm.s32 @!p1 $0x0  }
0x14: {  	s2 =	sld [smem:$0x3F96];
	s0 =	simm.s32 @p1 $0x1  }
0x15: {  	[smem:$0x3FB3] =	sst s0;
	s0 =	simm.s32 @!p2 $0x0  }
0x16: {  	s3 =	sld [smem:$0x3FDB];
	s0 =	simm.s32 @p2 $0x1  }
0x17: {  	s4 =	simm.s32 $0x1BF5;
	[smem:$0x3FB5] =	sst s0  }
0x18: {  	s0 =	sld [smem:$0x3F98];
	_ =	swait.ge [sflag:s4], $0x0  }
0x19: {  	s7 =	sld [smem:$0x3F99]  }
0x1a: {  	s8 =	sadd.s32 $0xFFFFE003, lr  }
0x1b: {  	s9 =	sadd.s32 $0xFFFFFEF7, lr;
	s5 =	simm.s32 $0xFFFFFFFF;
	p2 =	slt.u32 s8, $0xFFFFF086  }
0x1c: {  	p1 =	slt.u32 s9, $0xF7A;
	s5 =	simm.s32 @!p2 $0x0  }
0x1d: {  	s5 =	simm.s32 @p1 $0x1;
	p0 =	seq.s32 s7, s2  }
0x1e: {  	s7 =	smul.u32 @!p0 $0xF7A, s2;
	p2 =	seq.s32 @!p0 s5, $0x0  }
0x1f: {  	s9 =	smul.u32 $0xF7A, s1;
	s8 =	simm.s32 @!p0 $0x1BF5;
	p2 =	por !p2, p0  }
0x20: {  	[sflag:s8] =	ssyncset.s32 @!p0 $0xFFFFF086;
	s6 =	sadd.s32 @!p0 s3, s7;
	s7 =	simm.s32 @!p0 $0x108  }
0x21: {  	s3 =	sadd.s32 s3, s9;
	s6 =	sadd.s32 @!p0 $0x88, s6;
	s7 =	simm.s32 @p2 $0x1082  }
0x22: {  	[simem:s7], [sflag:s8] =	dma.local @!p0 [hbm:s6], $0xF7A  }
0x23: {  	s9 =	sor.u32 $0xD0000000, s2;
	s6 =	simm.s32 $0x108;
	_ =	swait.ge @!p0 [sflag:s8], $0x0  }
0x24: {  	s3 =	sadd.s32 $0x88, s3;
	s6 =	simm.s32 @!p1 $0x1082;
	[sflag:s4] =	ssyncset.s32 $0xFFFFF086  }
0x25: {  	[simem:s6], [sflag:s4] =	dma.local [hbm:s3], $0xF7A  }
0x26: {  	[smem:$0x3F99] =	sst s1;
	(tag) =	ssettag s2;
	_ =	strace s9  }
0x27: {  	s1 =	sld [smem:$0x3FA9]  }
0x28: {  	s2 =	sld [smem:$0x3FAA]  }
0x29: {  	s4 =	sld [smem:$0x3FAC]  }
0x2a: {  	p0 =	seq.s32 s5, $0x0;
	s5 =	sld [smem:$0x3FAD]  }
0x2b: {  	s6 =	sld [smem:$0x3FAE]  }
0x2c: {  	s7 =	sld [smem:$0x3FAF]  }
0x2d: {  	s3 =	simm.s32 $0x108;
	s8 =	sld [smem:$0x3FB0]  }
0x2e: {  	s3 =	simm.s32 @!p0 $0x1082;
	s9 =	sld [smem:$0x3FB1]  }
0x2f: {  	lr =	sadd.s32 s0, s3;
	s0 =	sld [smem:$0x3FA8]  }
0x30: {  	s3 =	sld [smem:$0x3FAB]  }
0x31: {  	[smem:$0x3FB4] =	sst s10  }
0x32: {  	s10 =	sld [smem:$0x3FB2];
	_ =	sdelay $0x3  }
0x33: {  	p0 =	seq.s32 s10, $0x1;
	s10 =	sld [smem:$0x3FB4];
	_ =	sdelay $0x3  }
0x34: {  	[smem:$0x3FB4] =	sst s10  }
0x35: {  	s10 =	sld [smem:$0x3FB3];
	_ =	sdelay $0x3  }
0x36: {  	p1 =	seq.s32 s10, $0x1;
	s10 =	sld [smem:$0x3FB4];
	_ =	sdelay $0x3  }
0x37: {  	[smem:$0x3FB4] =	sst s10  }
0x38: {  	s10 =	sld [smem:$0x3FB5]  }
0x39: {  	_ = 	snop;
	(pc) =	sbr.ind lr, $3  }
0x3a: {  	_ = 	snop  }
0x3b: {  	_ = 	snop  }
0x3c: {  	p2 =	seq.s32 s10, $0x1;
	s10 =	sld [smem:$0x3FB4]  }
0x3d: {  	_ =	shalt  }
0x3e: {  	_ =	shalt  }
0x3f: {  	_ =	shalt  }
0x40: {  	_ =	shalt  }
0x41: {  	_ =	shalt  }
0x42: {  	_ =	shalt  }
0x43: {  	_ =	shalt  }
0x44: {  	_ =	shalt  }
0x45: {  	_ =	shalt  }
0x46: {  	_ =	shalt  }
0x47: {  	_ =	shalt  }
0x48: {  	_ =	shalt  }
0x49: {  	_ =	shalt  }
0x4a: {  	_ =	shalt  }
0x4b: {  	_ =	shalt  }
0x4c: {  	_ =	shalt  }
0x4d: {  	_ =	shalt  }
0x4e: {  	_ =	shalt  }
0x4f: {  	_ =	shalt  }
0x50: {  	_ =	shalt  }
0x51: {  	_ =	shalt  }
0x52: {  	_ =	shalt  }
0x53: {  	_ =	shalt  }
0x54: {  	_ =	shalt  }
0x55: {  	_ =	shalt  }
0x56: {  	_ =	shalt  }
0x57: {  	_ =	shalt  }
0x58: {  	_ =	shalt  }
0x59: {  	_ =	shalt  }
0x5a: {  	_ =	shalt  }
0x5b: {  	_ =	shalt  }
0x5c: {  	_ =	shalt  }
0x5d: {  	_ =	shalt  }
0x5e: {  	_ =	shalt  }
0x5f: {  	_ =	shalt  }
0x60: {  	_ =	shalt  }
0x61: {  	_ =	shalt  }
0x62: {  	_ =	shalt  }
0x63: {  	_ =	shalt  }
0x64: {  	_ =	shalt  }
0x65: {  	_ =	shalt  }
0x66: {  	_ =	shalt  }
0x67: {  	_ =	shalt  }
0x68: {  	_ =	shalt  }
0x69: {  	_ =	shalt  }
0x6a: {  	_ =	shalt  }
0x6b: {  	_ =	shalt  }
0x6c: {  	_ =	shalt  }
0x6d: {  	_ =	shalt  }
0x6e: {  	_ =	shalt  }
0x6f: {  	_ =	shalt  }
0x70: {  	_ =	shalt  }
0x71: {  	_ =	shalt  }
0x72: {  	_ =	shalt  }
0x73: {  	_ =	shalt  }
0x74: {  	_ =	shalt  }
0x75: {  	_ =	shalt  }
0x76: {  	_ =	shalt  }
0x77: {  	_ =	shalt  }
0x78: {  	_ =	shalt  }
0x79: {  	_ =	shalt  }
0x7a: {  	_ =	shalt  }
0x7b: {  	_ =	shalt  }
0x7c: {  	_ =	shalt  }
0x7d: {  	_ =	shalt  }
0x7e: {  	_ =	shalt  }
0x7f: {  	_ =	shalt  }
0x80: {  	_ =	shalt  }
0x81: {  	_ =	shalt  }
0x82: {  	_ =	shalt  }
0x83: {  	_ =	shalt  }
0x84: {  	_ =	shalt  }
0x85: {  	_ =	shalt  }
0x86: {  	_ =	shalt  }
0x87: {  	_ =	shalt  }
.Lfunc_end0:
.L_simem_size_0:
called_computation.1_lowered:
.L_overlay_start_0:
0x88: {  	s2 =	sld [smem:$0x3FD9]  }
0x89: {  	s3 =	sld [smem:$0x3FFE];
	_ =	sdelay $0x1  }
0x8a: {  	s1 =	srdreg.scid  }
0x8b: {  	s0 =	sand.u32 $0x1, s1  }
0x8c: {  	s17 =	sshll.u32 s0, $0xA;
	s2 =	sadd.s32 s3, s2  }
0x8d: {  	s2 =	sadd.s32 s2, s17  }
0x8e: {  	[smem:$0x3FC0] =	sst s2  }
0x8f: {  	_ = 	snop  }
0x90: {  	s2 =	sld [smem:$0x3FC9]  }
0x91: {  	s18 =	sld [smem:$0x3FD0];
	(tm) =	ssettm $0x1  }
0x92: {  	s4 =	sld [smem:$0x3FFB];
	_ =	sdelay $0x3  }
0x93: {  	_ =	strace s4  }
0x94: {  	s4 =	sld [smem:$0x3FFC];
	_ =	sdelay $0x3  }
0x95: {  	_ =	strace s4  }
0x96: {  	s4 =	sld [smem:$0x3FFD];
	_ =	sdelay $0x3  }
0x97: {  	_ =	strace s4  }
0x98: {  	_ =	strace $0x8FFFFFFF  }
0x99: {  	s19 =	sld [smem:$0x3FDB];
	_ =	sdelay $0x1  }
0x9a: {  	s5 =	simm.s32 $_scs_section_size  }
0x9b: {  	s6 =	simm.s32 $_size__tile_overlayer_lowered;
	s7 =	simm.s32 $_tile_overlayer_lowered  }
0x9c: {  	s22 =	simm.s32 $0x1BFF;
	s21 =	sshll.u32 s7, $0x1;
	s4 =	sadd.s32 s5, s19  }
0x9d: {  	s8 =	simm.s32 $0x0;
	s20 =	sshll.u32 s6, $0x1;
	s6 =	sadd.s32 s21, s4  }
0x9e: {  	[timem:s8], [sflag:s22] =	dma.local [hbm:s6], s20  }
0x9f: {  	_ =	swait.ge [sflag:s22], s20  }
0xa0: {  	s5 =	ssub.s32 $0x0, s20;
	[sflag:s22] =	ssyncset.done $0x0  }
0xa1: {  	[sflag:s22] =	ssyncadd.s32 s5;
	_ =	sdelay $0x1  }
0xa2: {  	s23 =	simm.s32 $0x1B8B  }
0xa3: {  	_ =	swait.ge [sflag:s23], $0x1  }
0xa4: {  	[sflag:s23] =	ssyncset.done $0x0  }
0xa5: {  	s25 =	simm.s32 $0x1B8E;
	s24 =	sld [smem:$0x3FFE];
	[sflag:s23] =	ssyncadd.s32 $0xFFFFFFFF  }
0xa6: {  	s26 =	simm.s32 $execute0_lowered;
	[smem:$0x3FD2] =	sst s25  }
0xa7: {  	s6 =	sshll.u32 s26, $0x1;
	_ =	strace $0x80000049;
	[dreg:$0x1] =	wrdreg $0xFFFFFFFF  }
0xa8: {  	s28 =	simm.s32 $_size_execute0_lowered;
	s4 =	sadd.s32 s4, s6;
	[dreg:$0x0] =	wrdreg $0x0  }
0xa9: {  	s6 =	sshll.u32 s28, $0x1;
	[dreg:$0x2] =	wrdreg s4  }
0xaa: {  	[dreg:$0x3] =	wrdreg s6  }
0xab: {  	[dreg:$0x4] =	wrdreg $0xC0  }
0xac: {  	_ =	task [dreg:s8], $0x5FFFF  }
0xad: {  	[dreg:$0x1] =	wrdreg $0xFFFFFFFF  }
0xae: {  	[dreg:$0x0] =	wrdreg $0x60  }
0xaf: {  	[dreg:$0x2] =	wrdreg s2  }
0xb0: {  	[dreg:$0x3] =	wrdreg s18  }
0xb1: {  	[dreg:$0x4] =	wrdreg s24  }
0xb2: {  	[dreg:$0x5] =	wrdreg $0xB8000  }
0xb3: {  	[dreg:$0x6] =	wrdreg $0x9  }
0xb4: {  	_ =	task.clear_ibuf [dreg:s8], $0x7FFFF;
	_ =	strace $0x90000049  }
0xb5: {  	s29 =	simm.s32 $0x9;
	_ =	strace $0x8000004B  }
0xb6: {  	_ =	swait.ge [sflag:s29], $0x1  }
0xb7: {  	[sflag:s29] =	ssyncadd.s32 $0xFFFFFFFF  }
0xb8: {  	_ =	strace $0x9000004B  }
0xb9: {  	_ =	sfence  }
0xba: {  	s30 =	sld [smem:$0x0];
	_ =	sdelay $0x2  }
0xbb: {  	s31 =	sshll.u32 s1, $0xD;
	s1 =	sshrl.u32 s1, $0x2  }
0xbc: {  	s3 =	sand.u32 $0x4000, s31;
	s1 =	sadd.s32 s1, s30  }
0xbd: {  	s0 =	sor.u32 s3, s0;
	s1 =	sshll.u32 s1, $0x11  }
0xbe: {  	s0 =	sor.u32 s1, s0  }
0xbf: {  	s0 =	sadd.s32 $0x8F2B, s0  }
0xc0: {  	[sflag:s0] =	ssyncadd.remote.s32 $0x1  }
0xc1: {  	_ =	sfence.sel $0xFFFF  }
0xc2: {  	[dreg:$0x0] =	wrdreg $0xFFFFFFFF;
	(pc) =	sbr.abs _section_cstart, $3  }
0xc3: {  	[dreg:$0x1] =	wrdreg $0xFFFFFFFF  }
0xc4: {  	_ =	task.clear_ibuf [dreg:s8], $0x2FFFF;
	_ =	strace $0x9FFFFFFF  }
0xc5: {  	(tm) =	ssettm $0x7FFFFFFF  }
tec
execute0_lowered:
.L_overlay_start_1:
0x0: {  	(tag) =	ssettag $0x1  }
0x1: {  	s1 =	rddreg [dreg:$0x0]  }
0x2: {  	s0 =	rddreg [dreg:$0x1]  }
0x3: {  	s4 =	rddreg [dreg:$0x2]  }
0x4: {  	s2 =	rddreg [dreg:$0x3];
	s3 =	simm.s32 $0x0;
	s5 =	srdreg.scid  }
0x5: {  	s26 =	stileid.u32;
	s18 =	simm.s32 $0x4;
	s19 =	simm.s32 $0x3800  }
0x6: {  	s21 =	simm.s32 $0x3000;
	s22 =	simm.s32 $0x80;
	s23 =	simm.s32 $0x7800  }
0x7: {  	s24 =	simm.s32 $0x1;
	s25 =	simm.s32 $0x2;
	s28 =	simm.s32 $0x0  }
0x8: {  	[smem:$0x7FF] =	sst s3;
	s7 =	sand.u32 $0x1, s5;
	s8 =	smul.u32 $0x2800, s26  }
0x9: {  	s5 =	sadd.s32 $0xA200, s4;
	s6 =	sadd.s32 $0x14E00, s4;
	s11 =	smul.u32 $0x50000, s26  }
0xa: {  	s9 =	smul.u32 $0x28000, s7;
	s10 =	sshll.u32 s7, $0x4;
	s29 =	ssub.s32 $0x2, s7  }
0xb: {  	_ =	strace $0x8000004A;
	s10 =	sor.u32 s26, s10;
	s30 =	sshrl.u32 s29, $0x1  }
0xc: {  	s31 =	sshrl.u32 s11, $0x2;
	s8 =	sadd.s32 s8, s9;
	s7 =	smul.u32 $0x2800, s10  }
0xd: {  	s26 =	simm.s32 $0x0;
	s17 =	ssub.s32 s29, s30;
	s4 =	sadd.s32 s8, s4  }
0xe: {  	s8 =	sadd.s32 s31, s2;
	s17 =	smax.u32 s17, $0x1;
	s15 =	sshrl.u32 s7, $0x3  }
0xf: {  	s10 =	sadd.s32 $0x4000, s8;
	s11 =	sadd.s32 $0x8000, s8;
	s12 =	sadd.s32 $0xC000, s8  }
0x10: {  	s13 =	sadd.s32 $0x10000, s8;
	s16 =	sadd.s32 $0x1EE00, s4;
	s0 =	sadd.s32 s0, s15  }
0x11: {  	v0 =	vimm.f32 $0.0e+00;
	s14 =	sadd.s32 s5, s15;
	s15 =	sadd.s32 s6, s15;
	[dreg:$0x5] =	wrdreg s0  }
.LBB2_1:
0x12: {  	s0 =	simm.s32 $0x0;
	s3 =	rddreg [dreg:$0x5]  }
0x13: {  	[tilespmem:s0], [sflag:$0x4] =	stream.linear.gather [hbm4b:s3+s0], $0x2800, $0x38;
	[tilespmem:$0x1F800] =	vst v63  }
0x14: {  	_ =	swait.ge [sflag:s18], $0x2800  }
0x15: {  	[sflag:s18] =	ssyncset.done $0x0  }
0x16: {  	s4 =	simm.s32 $0x200;
	s0 =	simm.s32 $0x0;
	[sflag:s18] =	ssyncadd.s32 $0xFFFFD800  }
.LBB2_2:
0x17: {  	p0 =	sne.s32 s4, $0xFE00;
	[tilespmem:s0+$0x3870] =	vst v0  }
0x18: {  	[tilespmem:s0+$0x3800] =	vst v0  }
0x19: {  	[tilespmem:s0+$0x3810] =	vst v0  }
.Ltmp0:
0x1a: {  	[tilespmem:s0+$0x3820] =	vst v0;
	(pc) =	sbr.rel @p0 .LBB2_2-.Ltmp0, $4  }
0x1b: {  	[tilespmem:s0+$0x3830] =	vst v0  }
0x1c: {  	[tilespmem:s0+$0x3840] =	vst v0  }
0x1d: {  	[tilespmem:s0+$0x3850] =	vst v0  }
0x1e: {  	[tilespmem:s0+$0x3860] =	vst v0;
	s0 =	sshra.s32 s4, $0x2;
	s4 =	sadd.s32 $0x200, s4  }
0x1f: {  	[tilespmem:s0+$0x3870] =	vst v0  }
0x20: {  	[tilespmem:s0+$0x3800] =	vst v0  }
0x21: {  	[tilespmem:s0+$0x3810] =	vst v0  }
0x22: {  	[tilespmem:s0+$0x3820] =	vst v0  }
0x23: {  	[tilespmem:s0+$0x3830] =	vst v0  }
0x24: {  	[tilespmem:s0+$0x3840] =	vst v0  }
0x25: {  	[tilespmem:s0+$0x3850] =	vst v0  }
0x26: {  	[tilespmem:s0+$0x3860] =	vst v0  }
0x27: {  	[spmem:s8] =	stream.linear.scatter [tilespmem:s19], [sflag:$0x4], $0x4000, $0x38;
	[tilespmem:$0x1F800] =	vst v63  }
0x28: {  	_ =	swait.ge [sflag:s18], $0x4000  }
0x29: {  	[sflag:s18] =	ssyncset.done $0x0  }
0x2a: {  	[sflag:s18] =	ssyncadd.s32 $0xFFFFC000  }
0x2b: {  	[spmem:s10] =	stream.linear.scatter [tilespmem:s19], [sflag:$0x4], $0x4000, $0x38;
	[tilespmem:$0x1F800] =	vst v63  }
0x2c: {  	_ =	swait.ge [sflag:s18], $0x4000  }
0x2d: {  	[sflag:s18] =	ssyncset.done $0x0  }
0x2e: {  	[sflag:s18] =	ssyncadd.s32 $0xFFFFC000  }
0x2f: {  	[spmem:s11] =	stream.linear.scatter [tilespmem:s19], [sflag:$0x4], $0x4000, $0x38;
	[tilespmem:$0x1F800] =	vst v63  }
0x30: {  	_ =	swait.ge [sflag:s18], $0x4000  }
0x31: {  	[sflag:s18] =	ssyncset.done $0x0  }
0x32: {  	[sflag:s18] =	ssyncadd.s32 $0xFFFFC000  }
0x33: {  	[spmem:s12] =	stream.linear.scatter [tilespmem:s19], [sflag:$0x4], $0x4000, $0x38;
	[tilespmem:$0x1F800] =	vst v63  }
0x34: {  	_ =	swait.ge [sflag:s18], $0x4000  }
0x35: {  	[sflag:s18] =	ssyncset.done $0x0  }
0x36: {  	[sflag:s18] =	ssyncadd.s32 $0xFFFFC000  }
0x37: {  	[spmem:s13] =	stream.linear.scatter [tilespmem:s19], [sflag:$0x4], $0x4000, $0x38;
	[tilespmem:$0x1F800] =	vst v63  }
0x38: {  	_ =	swait.ge [sflag:s18], $0x4000  }
0x39: {  	[sflag:s18] =	ssyncset.done $0x0  }
0x3a: {  	[sflag:s18] =	ssyncadd.s32 $0xFFFFC000  }
0x3b: {  	s31 =	simm.s32 $0x2800;
	[bflag:$0x0] =	sbarrier.arrive $0xFFFF  }
0x3c: {  	[tilespmem:s31], [sflag:$0x4] =	stream.linear.gather [hbm4b:s14+s28], $0x400, $0x38;
	[tilespmem:$0x1F800] =	vst v63  }
0x3d: {  	_ =	swait.ge [sflag:s18], $0x400  }
0x3e: {  	[sflag:s18] =	ssyncset.done $0x0  }
0x3f: {  	[sflag:s18] =	ssyncadd.s32 $0xFFFFFC00  }
0x40: {  	[tilespmem:s21], [sflag:$0x4] =	stream.linear.gather [hbm4b:s15+s28], $0x400, $0x38;
	[tilespmem:$0x1F800] =	vst v63  }
0x41: {  	_ =	swait.ge [sflag:s18], $0x400  }
0x42: {  	[sflag:s18] =	ssyncset.done $0x0  }
0x43: {  	s29 =	simm.s32 $0x0;
	[sflag:s18] =	ssyncadd.s32 $0xFFFFFC00  }
0x44: {  	[tilespmem:s19], [sflag:$0x1] =	stream.indirect.gather [hbm4b:s1+s22], $0x80, s28, s22, $0xb8;
	[tilespmem:$0x1F800] =	vst v63  }
.LBB2_4:
0x45: {  	s0 =	smov.u32 s29  }
0x46: {  	s29 =	sadd.s32 $0x1, s29;
	p0 =	seq.s32 s0, $0x9  }
0x47: {  	s4 =	sshll.u32 @!p0 s29, $0xA  }
0x48: {  	s20 =	sand.u32 $0x1, s0;
	s0 =	sshll.u32 s0, $0xA;
	s4 =	sadd.s32 @!p0 s7, s4  }
0x49: {  	s30 =	sshll.u32 @!p0 s20, $0xA;
	s9 =	simm.s32 @!p0 $0x0;
	s4 =	sshrl.u32 @!p0 s4, $0x3  }
0x4a: {  	s31 =	sxor.u32 @!p0 $0x2C00, s30;
	s3 =	sadd.s32 @!p0 s5, s4;
	s4 =	sadd.s32 @!p0 s6, s4  }
0x4b: {  	[tilespmem:s31], [sflag:$0x3] =	stream.linear.gather @!p0 [hbm4b:s3+s9], $0x400, $0x38;
	[tilespmem:$0x1F800] =	vst v63  }
0x4c: {  	s3 =	sxor.u32 @!p0 $0x3400, s30;
	s31 =	sand.u32 $0x3FFFFC00, s0;
	s30 =	sshll.u32 s20, $0xA  }
0x4d: {  	v2 =	vmov s28;
	[tilespmem:s3], [sflag:$0x3] =	stream.linear.gather @!p0 [hbm4b:s4+s9], $0x400, $0x38;
	[tilespmem:$0x1F800] =	vst v63  }
0x4e: {  	v2 =	vand.u32 $0x7F, v2;
	s0 =	sor.u32 $0x80, s31;
	v1 =	vmov s30  }
0x4f: {  	v2 =	vadd.s32 v1, v2;
	[tilespmem:s23], [sflag:$0x2] =	stream.indirect.gather [hbm4b:s1+s22], $0x80, s0, s22, $0xb8;
	[tilespmem:$0x1F800] =	vst v63  }
0x50: {  	v2 =	vbroadcast v2, $0x0;
	_ =	swait.ge [sflag:s24], $0x4000  }
0x51: {  	[sflag:s24] =	ssyncset.done $0x0  }
0x52: {  	s0 =	simm.s32 $0x3840;
	[sflag:s24] =	ssyncadd.s32 $0xFFFFC000  }
0x53: {  	v6 =	vld [tilespmem:s0+$0x30]  }
0x54: {  	v9 =	vld [tilespmem:s0+$0x10]  }
0x55: {  	v7 =	vld [tilespmem:s0+$0xFFFFFFC0]  }
0x56: {  	v3 =	vld.idx.msk [tilespmem:v2+s21+$0x0], $0xffff  }
0x57: {  	v12 =	vld [tilespmem:s0+$0xFFFFFFE0]  }
0x58: {  	v4 =	vld [tilespmem:s0+$0x20]  }
0x59: {  	v5 =	vld [tilespmem:s0+$0xFFFFFFD0]  }
0x5a: {  	v2 =	vld [tilespmem:s0+$0xFFFFFFF0]  }
0x5b: {  	v10 =	vmul.f32 v6, v3;
	v6 =	vld [tilespmem:s0+$0x0]  }
0x5c: {  	s20 =	simm.s32 $0x1;
	v8 =	vmul.f32 v7, v3  }
0x5d: {  	v11 =	vmov s20;
	s20 =	simm.s32 $0x3840;
	s4 =	simm.s32 $0x2;
	v7 =	vmul.f32 v12, v3;
	v9 =	vmul.f32 v9, v3  }
.LBB2_5:
0x5e: {  	p1 =	sne.s32 s4, $0x7F  }
0x5f: {  	v11 =	vand.u32 $0x7F, v11;
	v5 =	vmul.f32 v5, v3;
	v4 =	vmul.f32 v4, v3;
	[tilespmem:s0+$0x30] =	vst v10;
	s20 =	sadd.s32 $0x80, s20;
	s3 =	smov.u32 s4;
	s4 =	sadd.s32 $0x1, s4  }
0x60: {  	v10 =	vadd.s32 v1, v11;
	[tilespmem:s0+$0xFFFFFFC0] =	vst v8;
	v8 =	vmul.f32 v2, v3;
	v3 =	vmul.f32 v6, v3  }
0x61: {  	v6 =	vbroadcast v10, $0x0;
	[tilespmem:s0+$0x10] =	vst v9  }
0x62: {  	[tilespmem:s0+$0xFFFFFFE0] =	vst v7  }
0x63: {  	v2 =	vld [tilespmem:s20+$0xFFFFFFF0];
	[tilespmem:s0+$0xFFFFFFF0] =	vst v8  }
0x64: {  	v7 =	vld [tilespmem:s20+$0x30];
	[tilespmem:s0+$0x0] =	vst v3  }
0x65: {  	v9 =	vld [tilespmem:s20+$0x10];
	[tilespmem:s0+$0x20] =	vst v4  }
0x66: {  	v8 =	vld [tilespmem:s20+$0xFFFFFFC0];
	[tilespmem:s0+$0xFFFFFFD0] =	vst v5;
	s0 =	smov.u32 s20  }
0x67: {  	v3 =	vld.idx.msk [tilespmem:v6+s21+$0x0], $0xffff  }
0x68: {  	v12 =	vld [tilespmem:s20+$0xFFFFFFE0]  }
0x69: {  	v4 =	vld [tilespmem:s20+$0x20]  }
.Ltmp1:
0x6a: {  	v5 =	vld [tilespmem:s20+$0xFFFFFFD0];
	(pc) =	sbr.rel @p1 .LBB2_5-.Ltmp1, $3  }
0x6b: {  	v6 =	vld [tilespmem:s20+$0x0];
	_ =	sdelay $0x1  }
0x6c: {  	v8 =	vmul.f32 v8, v3;
	v10 =	vmul.f32 v7, v3  }
0x6d: {  	v11 =	vmov s3;
	v9 =	vmul.f32 v9, v3;
	v7 =	vmul.f32 v12, v3  }
0x6e: {  	[tilespmem:s0+$0xFFFFFFC0] =	vst v8;
	v8 =	vand.u32 $0x7F, v11  }
0x6f: {  	[tilespmem:s0+$0x30] =	vst v10;
	v8 =	vadd.s32 v1, v8  }
0x70: {  	v2 =	vmul.f32 v2, v3;
	[tilespmem:s0+$0xFFFFFFE0] =	vst v7;
	v7 =	vbroadcast v8, $0x0  }
0x71: {  	s3 =	sadd.s32 $0x80, s20;
	[tilespmem:s0+$0x10] =	vst v9;
	v6 =	vmul.f32 v6, v3  }
0x72: {  	v4 =	vmul.f32 v4, v3;
	v8 =	vld [tilespmem:s3+$0xFFFFFFF0];
	[tilespmem:s0+$0xFFFFFFF0] =	vst v2  }
0x73: {  	v3 =	vmul.f32 v5, v3;
	v2 =	vld [tilespmem:s3+$0x30];
	[tilespmem:s0+$0x0] =	vst v6  }
0x74: {  	v5 =	vld [tilespmem:s3+$0x10];
	[tilespmem:s0+$0x20] =	vst v4  }
0x75: {  	v4 =	vld [tilespmem:s3+$0xFFFFFFC0];
	[tilespmem:s0+$0xFFFFFFD0] =	vst v3  }
0x76: {  	v3 =	vld.idx.msk [tilespmem:v7+s21+$0x0], $0xffff;
	_ =	sdelay $0x2  }
0x77: {  	v6 =	vld [tilespmem:s3+$0xFFFFFFE0];
	_ =	sdelay $0x1  }
0x78: {  	v7 =	vld [tilespmem:s3+$0x0];
	v2 =	vmul.f32 v2, v3  }
0x79: {  	v9 =	vld [tilespmem:s3+$0x20];
	v4 =	vmul.f32 v4, v3  }
0x7a: {  	v10 =	vld [tilespmem:s3+$0xFFFFFFD0];
	v5 =	vmul.f32 v5, v3;
	[tilespmem:s3+$0x30] =	vst v2  }
0x7b: {  	v2 =	vmul.f32 v6, v3;
	[tilespmem:s3+$0xFFFFFFC0] =	vst v4  }
0x7c: {  	v4 =	vmul.f32 v8, v3;
	[tilespmem:s3+$0x10] =	vst v5  }
0x7d: {  	v5 =	vmul.f32 v7, v3;
	[tilespmem:s3+$0xFFFFFFE0] =	vst v2  }
0x7e: {  	v2 =	vmul.f32 v9, v3;
	[tilespmem:s3+$0xFFFFFFF0] =	vst v4  }
0x7f: {  	v3 =	vmul.f32 v10, v3;
	[tilespmem:s3+$0x0] =	vst v5  }
0x80: {  	[tilespmem:s3+$0x20] =	vst v2  }
0x81: {  	[tilespmem:s3+$0xFFFFFFD0] =	vst v3;
	s3 =	sor.u32 $0x2800, s30  }
0x82: {  	[spmem:s2] =	stream.indirect.scatter.add.f32 [tilespmem:s19], [sflag:$0x4], $0x80, s3, s22, $0xb8;
	[tilespmem:$0x1F800] =	vst v63  }
0x83: {  	s4 =	simm.s32 $0x0;
	_ =	swait.ge [sflag:s18], $0x4000  }
0x84: {  	v3 =	vmov s4;
	[sflag:s18] =	ssyncset.done $0x0  }
0x85: {  	s9 =	sadd.s32 $0x100, s31;
	v2 =	vadd.s32 $0x80, v1;
	v3 =	vand.u32 $0x7F, v3;
	[sflag:s18] =	ssyncadd.s32 $0xFFFFC000  }
0x86: {  	v3 =	vadd.s32 v2, v3;
	[tilespmem:s19], [sflag:$0x1] =	stream.indirect.gather [hbm4b:s1+s22], $0x80, s9, s22, $0xb8;
	[tilespmem:$0x1F800] =	vst v63  }
0x87: {  	v3 =	vbroadcast v3, $0x0;
	_ =	swait.ge [sflag:s25], $0x4000  }
0x88: {  	[sflag:s25] =	ssyncset.done $0x0  }
0x89: {  	s0 =	simm.s32 $0x7840;
	[sflag:s25] =	ssyncadd.s32 $0xFFFFC000  }
0x8a: {  	v7 =	vld [tilespmem:s0+$0x30]  }
0x8b: {  	v10 =	vld [tilespmem:s0+$0x10]  }
0x8c: {  	v8 =	vld [tilespmem:s0+$0xFFFFFFC0]  }
0x8d: {  	v4 =	vld.idx.msk [tilespmem:v3+s21+$0x0], $0xffff  }
0x8e: {  	v13 =	vld [tilespmem:s0+$0xFFFFFFE0]  }
0x8f: {  	v3 =	vld [tilespmem:s0+$0xFFFFFFF0]  }
0x90: {  	v5 =	vld [tilespmem:s0+$0x20]  }
0x91: {  	v6 =	vld [tilespmem:s0+$0xFFFFFFD0]  }
0x92: {  	v11 =	vmul.f32 v7, v4;
	v7 =	vld [tilespmem:s0+$0x0]  }
0x93: {  	s20 =	simm.s32 $0x1;
	v9 =	vmul.f32 v8, v4  }
0x94: {  	v12 =	vmov s20;
	s20 =	simm.s32 $0x7840;
	s4 =	simm.s32 $0x2;
	v8 =	vmul.f32 v13, v4;
	v10 =	vmul.f32 v10, v4  }
.LBB2_7:
0x95: {  	p1 =	sne.s32 s4, $0x7F  }
0x96: {  	v12 =	vand.u32 $0x7F, v12;
	v6 =	vmul.f32 v6, v4;
	v5 =	vmul.f32 v5, v4;
	[tilespmem:s0+$0x30] =	vst v11;
	s20 =	sadd.s32 $0x80, s20;
	s3 =	smov.u32 s4;
	s4 =	sadd.s32 $0x1, s4  }
0x97: {  	v11 =	vadd.s32 v2, v12;
	[tilespmem:s0+$0xFFFFFFC0] =	vst v9;
	v9 =	vmul.f32 v3, v4;
	v4 =	vmul.f32 v7, v4  }
0x98: {  	v7 =	vbroadcast v11, $0x0;
	[tilespmem:s0+$0x10] =	vst v10  }
0x99: {  	[tilespmem:s0+$0xFFFFFFE0] =	vst v8  }
0x9a: {  	v3 =	vld [tilespmem:s20+$0xFFFFFFF0];
	[tilespmem:s0+$0xFFFFFFF0] =	vst v9  }
0x9b: {  	v8 =	vld [tilespmem:s20+$0x30];
	[tilespmem:s0+$0x0] =	vst v4  }
0x9c: {  	v10 =	vld [tilespmem:s20+$0x10];
	[tilespmem:s0+$0x20] =	vst v5  }
0x9d: {  	v9 =	vld [tilespmem:s20+$0xFFFFFFC0];
	[tilespmem:s0+$0xFFFFFFD0] =	vst v6;
	s0 =	smov.u32 s20  }
0x9e: {  	v4 =	vld.idx.msk [tilespmem:v7+s21+$0x0], $0xffff  }
0x9f: {  	v13 =	vld [tilespmem:s20+$0xFFFFFFE0]  }
0xa0: {  	v5 =	vld [tilespmem:s20+$0x20]  }
.Ltmp2:
0xa1: {  	v6 =	vld [tilespmem:s20+$0xFFFFFFD0];
	(pc) =	sbr.rel @p1 .LBB2_7-.Ltmp2, $3  }
0xa2: {  	v7 =	vld [tilespmem:s20+$0x0];
	_ =	sdelay $0x1  }
0xa3: {  	v9 =	vmul.f32 v9, v4;
	v11 =	vmul.f32 v8, v4  }
0xa4: {  	v12 =	vmov s3;
	v10 =	vmul.f32 v10, v4;
	v8 =	vmul.f32 v13, v4  }
0xa5: {  	[tilespmem:s0+$0xFFFFFFC0] =	vst v9;
	v9 =	vand.u32 $0x7F, v12  }
0xa6: {  	[tilespmem:s0+$0x30] =	vst v11;
	v2 =	vadd.s32 v2, v9  }
0xa7: {  	v3 =	vmul.f32 v3, v4;
	[tilespmem:s0+$0x10] =	vst v10;
	v2 =	vbroadcast v2, $0x0  }
0xa8: {  	s3 =	sadd.s32 $0x80, s20;
	[tilespmem:s0+$0xFFFFFFE0] =	vst v8;
	v7 =	vmul.f32 v7, v4  }
0xa9: {  	v5 =	vmul.f32 v5, v4;
	v8 =	vld [tilespmem:s3+$0xFFFFFFF0];
	[tilespmem:s0+$0xFFFFFFF0] =	vst v3  }
0xaa: {  	v4 =	vmul.f32 v6, v4;
	v3 =	vld [tilespmem:s3+$0x30];
	[tilespmem:s0+$0x0] =	vst v7  }
0xab: {  	v6 =	vld [tilespmem:s3+$0x10];
	[tilespmem:s0+$0x20] =	vst v5  }
0xac: {  	v5 =	vld [tilespmem:s3+$0xFFFFFFC0];
	[tilespmem:s0+$0xFFFFFFD0] =	vst v4  }
0xad: {  	v2 =	vld.idx.msk [tilespmem:v2+s21+$0x0], $0xffff;
	_ =	sdelay $0x2  }
0xae: {  	v4 =	vld [tilespmem:s3+$0xFFFFFFE0];
	_ =	sdelay $0x1  }
0xaf: {  	v7 =	vld [tilespmem:s3+$0x0];
	v3 =	vmul.f32 v3, v2  }
0xb0: {  	v9 =	vld [tilespmem:s3+$0x20];
	v5 =	vmul.f32 v5, v2  }
0xb1: {  	v10 =	vld [tilespmem:s3+$0xFFFFFFD0];
	v6 =	vmul.f32 v6, v2;
	[tilespmem:s3+$0x30] =	vst v3  }
0xb2: {  	v3 =	vmul.f32 v4, v2;
	[tilespmem:s3+$0xFFFFFFC0] =	vst v5  }
0xb3: {  	v4 =	vmul.f32 v8, v2;
	[tilespmem:s3+$0x10] =	vst v6  }
0xb4: {  	v5 =	vmul.f32 v7, v2;
	[tilespmem:s3+$0xFFFFFFE0] =	vst v3  }
0xb5: {  	v3 =	vmul.f32 v9, v2;
	[tilespmem:s3+$0xFFFFFFF0] =	vst v4  }
0xb6: {  	v2 =	vmul.f32 v10, v2;
	[tilespmem:s3+$0x0] =	vst v5  }
0xb7: {  	[tilespmem:s3+$0x20] =	vst v3  }
0xb8: {  	[tilespmem:s3+$0xFFFFFFD0] =	vst v2;
	s3 =	sadd.s32 $0x2880, s30  }
0xb9: {  	[spmem:s2] =	stream.indirect.scatter.add.f32 [tilespmem:s23], [sflag:$0x4], $0x80, s3, s22, $0xb8;
	[tilespmem:$0x1F800] =	vst v63  }
0xba: {  	s4 =	simm.s32 $0x0;
	_ =	swait.ge [sflag:s18], $0x4000  }
0xbb: {  	v3 =	vmov s4;
	[sflag:s18] =	ssyncset.done $0x0  }
0xbc: {  	s9 =	sadd.s32 $0x180, s31;
	v2 =	vadd.s32 $0x100, v1;
	v3 =	vand.u32 $0x7F, v3;
	[sflag:s18] =	ssyncadd.s32 $0xFFFFC000  }
0xbd: {  	v3 =	vadd.s32 v2, v3;
	[tilespmem:s23], [sflag:$0x2] =	stream.indirect.gather [hbm4b:s1+s22], $0x80, s9, s22, $0xb8;
	[tilespmem:$0x1F800] =	vst v63  }
0xbe: {  	v3 =	vbroadcast v3, $0x0;
	_ =	swait.ge [sflag:s24], $0x4000  }
0xbf: {  	[sflag:s24] =	ssyncset.done $0x0  }
0xc0: {  	s0 =	simm.s32 $0x3840;
	[sflag:s24] =	ssyncadd.s32 $0xFFFFC000  }
0xc1: {  	v7 =	vld [tilespmem:s0+$0x30]  }
0xc2: {  	v10 =	vld [tilespmem:s0+$0x10]  }
0xc3: {  	v8 =	vld [tilespmem:s0+$0xFFFFFFC0]  }
0xc4: {  	v4 =	vld.idx.msk [tilespmem:v3+s21+$0x0], $0xffff  }
0xc5: {  	v13 =	vld [tilespmem:s0+$0xFFFFFFE0]  }
0xc6: {  	v3 =	vld [tilespmem:s0+$0xFFFFFFF0]  }
0xc7: {  	v5 =	vld [tilespmem:s0+$0x20]  }
0xc8: {  	v6 =	vld [tilespmem:s0+$0xFFFFFFD0]  }
0xc9: {  	v11 =	vmul.f32 v7, v4;
	v7 =	vld [tilespmem:s0+$0x0]  }
0xca: {  	s20 =	simm.s32 $0x1;
	v9 =	vmul.f32 v8, v4  }
0xcb: {  	v12 =	vmov s20;
	s20 =	simm.s32 $0x3840;
	s4 =	simm.s32 $0x2;
	v8 =	vmul.f32 v13, v4;
	v10 =	vmul.f32 v10, v4  }
.LBB2_9:
0xcc: {  	p1 =	sne.s32 s4, $0x7F  }
0xcd: {  	v12 =	vand.u32 $0x7F, v12;
	v6 =	vmul.f32 v6, v4;
	v5 =	vmul.f32 v5, v4;
	[tilespmem:s0+$0x30] =	vst v11;
	s20 =	sadd.s32 $0x80, s20;
	s3 =	smov.u32 s4;
	s4 =	sadd.s32 $0x1, s4  }
0xce: {  	v11 =	vadd.s32 v2, v12;
	[tilespmem:s0+$0xFFFFFFC0] =	vst v9;
	v9 =	vmul.f32 v3, v4;
	v4 =	vmul.f32 v7, v4  }
0xcf: {  	v7 =	vbroadcast v11, $0x0;
	[tilespmem:s0+$0x10] =	vst v10  }
0xd0: {  	[tilespmem:s0+$0xFFFFFFE0] =	vst v8  }
0xd1: {  	v3 =	vld [tilespmem:s20+$0xFFFFFFF0];
	[tilespmem:s0+$0xFFFFFFF0] =	vst v9  }
0xd2: {  	v8 =	vld [tilespmem:s20+$0x30];
	[tilespmem:s0+$0x0] =	vst v4  }
0xd3: {  	v10 =	vld [tilespmem:s20+$0x10];
	[tilespmem:s0+$0x20] =	vst v5  }
0xd4: {  	v9 =	vld [tilespmem:s20+$0xFFFFFFC0];
	[tilespmem:s0+$0xFFFFFFD0] =	vst v6;
	s0 =	smov.u32 s20  }
0xd5: {  	v4 =	vld.idx.msk [tilespmem:v7+s21+$0x0], $0xffff  }
0xd6: {  	v13 =	vld [tilespmem:s20+$0xFFFFFFE0]  }
0xd7: {  	v5 =	vld [tilespmem:s20+$0x20]  }
.Ltmp3:
0xd8: {  	v6 =	vld [tilespmem:s20+$0xFFFFFFD0];
	(pc) =	sbr.rel @p1 .LBB2_9-.Ltmp3, $3  }
0xd9: {  	v7 =	vld [tilespmem:s20+$0x0];
	_ =	sdelay $0x1  }
0xda: {  	v9 =	vmul.f32 v9, v4;
	v11 =	vmul.f32 v8, v4  }
0xdb: {  	v12 =	vmov s3;
	v10 =	vmul.f32 v10, v4;
	v8 =	vmul.f32 v13, v4  }
0xdc: {  	[tilespmem:s0+$0xFFFFFFC0] =	vst v9;
	v9 =	vand.u32 $0x7F, v12  }
0xdd: {  	[tilespmem:s0+$0x30] =	vst v11;
	v2 =	vadd.s32 v2, v9  }
0xde: {  	v3 =	vmul.f32 v3, v4;
	[tilespmem:s0+$0x10] =	vst v10;
	v2 =	vbroadcast v2, $0x0  }
0xdf: {  	s3 =	sadd.s32 $0x80, s20;
	[tilespmem:s0+$0xFFFFFFE0] =	vst v8;
	v7 =	vmul.f32 v7, v4  }
0xe0: {  	v5 =	vmul.f32 v5, v4;
	v8 =	vld [tilespmem:s3+$0xFFFFFFF0];
	[tilespmem:s0+$0xFFFFFFF0] =	vst v3  }
0xe1: {  	v4 =	vmul.f32 v6, v4;
	v3 =	vld [tilespmem:s3+$0x30];
	[tilespmem:s0+$0x0] =	vst v7  }
0xe2: {  	v6 =	vld [tilespmem:s3+$0x10];
	[tilespmem:s0+$0x20] =	vst v5  }
0xe3: {  	v5 =	vld [tilespmem:s3+$0xFFFFFFC0];
	[tilespmem:s0+$0xFFFFFFD0] =	vst v4  }
0xe4: {  	v2 =	vld.idx.msk [tilespmem:v2+s21+$0x0], $0xffff;
	_ =	sdelay $0x2  }
0xe5: {  	v4 =	vld [tilespmem:s3+$0xFFFFFFE0];
	_ =	sdelay $0x1  }
0xe6: {  	v7 =	vld [tilespmem:s3+$0x0];
	v3 =	vmul.f32 v3, v2  }
0xe7: {  	v9 =	vld [tilespmem:s3+$0x20];
	v5 =	vmul.f32 v5, v2  }
0xe8: {  	v10 =	vld [tilespmem:s3+$0xFFFFFFD0];
	v6 =	vmul.f32 v6, v2;
	[tilespmem:s3+$0x30] =	vst v3  }
0xe9: {  	v3 =	vmul.f32 v4, v2;
	[tilespmem:s3+$0xFFFFFFC0] =	vst v5  }
0xea: {  	v4 =	vmul.f32 v8, v2;
	[tilespmem:s3+$0x10] =	vst v6  }
0xeb: {  	v5 =	vmul.f32 v7, v2;
	[tilespmem:s3+$0xFFFFFFE0] =	vst v3  }
0xec: {  	v3 =	vmul.f32 v9, v2;
	[tilespmem:s3+$0xFFFFFFF0] =	vst v4  }
0xed: {  	v2 =	vmul.f32 v10, v2;
	[tilespmem:s3+$0x0] =	vst v5  }
0xee: {  	[tilespmem:s3+$0x20] =	vst v3  }
0xef: {  	[tilespmem:s3+$0xFFFFFFD0] =	vst v2;
	s3 =	sadd.s32 $0x2900, s30  }
0xf0: {  	[spmem:s2] =	stream.indirect.scatter.add.f32 [tilespmem:s19], [sflag:$0x4], $0x80, s3, s22, $0xb8;
	[tilespmem:$0x1F800] =	vst v63  }
0xf1: {  	s4 =	simm.s32 $0x0;
	_ =	swait.ge [sflag:s18], $0x4000  }
0xf2: {  	v3 =	vmov s4;
	[sflag:s18] =	ssyncset.done $0x0  }
0xf3: {  	s9 =	sadd.s32 $0x200, s31;
	v2 =	vadd.s32 $0x180, v1;
	v3 =	vand.u32 $0x7F, v3;
	[sflag:s18] =	ssyncadd.s32 $0xFFFFC000  }
0xf4: {  	v3 =	vadd.s32 v2, v3;
	[tilespmem:s19], [sflag:$0x1] =	stream.indirect.gather [hbm4b:s1+s22], $0x80, s9, s22, $0xb8;
	[tilespmem:$0x1F800] =	vst v63  }
0xf5: {  	v3 =	vbroadcast v3, $0x0;
	_ =	swait.ge [sflag:s25], $0x4000  }
0xf6: {  	[sflag:s25] =	ssyncset.done $0x0  }
0xf7: {  	s0 =	simm.s32 $0x7840;
	[sflag:s25] =	ssyncadd.s32 $0xFFFFC000  }
0xf8: {  	v7 =	vld [tilespmem:s0+$0x30]  }
0xf9: {  	v10 =	vld [tilespmem:s0+$0x10]  }
0xfa: {  	v8 =	vld [tilespmem:s0+$0xFFFFFFC0]  }
0xfb: {  	v4 =	vld.idx.msk [tilespmem:v3+s21+$0x0], $0xffff  }
0xfc: {  	v13 =	vld [tilespmem:s0+$0xFFFFFFE0]  }
0xfd: {  	v3 =	vld [tilespmem:s0+$0xFFFFFFF0]  }
0xfe: {  	v5 =	vld [tilespmem:s0+$0x20]  }
0xff: {  	v6 =	vld [tilespmem:s0+$0xFFFFFFD0]  }
0x100: {  	v11 =	vmul.f32 v7, v4;
	v7 =	vld [tilespmem:s0+$0x0]  }
0x101: {  	s20 =	simm.s32 $0x1;
	v9 =	vmul.f32 v8, v4  }
0x102: {  	v12 =	vmov s20;
	s20 =	simm.s32 $0x7840;
	s4 =	simm.s32 $0x2;
	v8 =	vmul.f32 v13, v4;
	v10 =	vmul.f32 v10, v4  }
.LBB2_11:
0x103: {  	p1 =	sne.s32 s4, $0x7F  }
0x104: {  	v12 =	vand.u32 $0x7F, v12;
	v6 =	vmul.f32 v6, v4;
	v5 =	vmul.f32 v5, v4;
	[tilespmem:s0+$0x30] =	vst v11;
	s20 =	sadd.s32 $0x80, s20;
	s3 =	smov.u32 s4;
	s4 =	sadd.s32 $0x1, s4  }
0x105: {  	v11 =	vadd.s32 v2, v12;
	[tilespmem:s0+$0xFFFFFFC0] =	vst v9;
	v9 =	vmul.f32 v3, v4;
	v4 =	vmul.f32 v7, v4  }
0x106: {  	v7 =	vbroadcast v11, $0x0;
	[tilespmem:s0+$0x10] =	vst v10  }
0x107: {  	[tilespmem:s0+$0xFFFFFFE0] =	vst v8  }
0x108: {  	v3 =	vld [tilespmem:s20+$0xFFFFFFF0];
	[tilespmem:s0+$0xFFFFFFF0] =	vst v9  }
0x109: {  	v8 =	vld [tilespmem:s20+$0x30];
	[tilespmem:s0+$0x0] =	vst v4  }
0x10a: {  	v10 =	vld [tilespmem:s20+$0x10];
	[tilespmem:s0+$0x20] =	vst v5  }
0x10b: {  	v9 =	vld [tilespmem:s20+$0xFFFFFFC0];
	[tilespmem:s0+$0xFFFFFFD0] =	vst v6;
	s0 =	smov.u32 s20  }
0x10c: {  	v4 =	vld.idx.msk [tilespmem:v7+s21+$0x0], $0xffff  }
0x10d: {  	v13 =	vld [tilespmem:s20+$0xFFFFFFE0]  }
0x10e: {  	v5 =	vld [tilespmem:s20+$0x20]  }
.Ltmp4:
0x10f: {  	v6 =	vld [tilespmem:s20+$0xFFFFFFD0];
	(pc) =	sbr.rel @p1 .LBB2_11-.Ltmp4, $3  }
0x110: {  	v7 =	vld [tilespmem:s20+$0x0];
	_ =	sdelay $0x1  }
0x111: {  	v9 =	vmul.f32 v9, v4;
	v11 =	vmul.f32 v8, v4  }
0x112: {  	v12 =	vmov s3;
	v10 =	vmul.f32 v10, v4;
	v8 =	vmul.f32 v13, v4  }
0x113: {  	[tilespmem:s0+$0xFFFFFFC0] =	vst v9;
	v9 =	vand.u32 $0x7F, v12  }
0x114: {  	[tilespmem:s0+$0x30] =	vst v11;
	v2 =	vadd.s32 v2, v9  }
0x115: {  	v3 =	vmul.f32 v3, v4;
	[tilespmem:s0+$0x10] =	vst v10;
	v2 =	vbroadcast v2, $0x0  }
0x116: {  	s3 =	sadd.s32 $0x80, s20;
	[tilespmem:s0+$0xFFFFFFE0] =	vst v8;
	v7 =	vmul.f32 v7, v4  }
0x117: {  	v5 =	vmul.f32 v5, v4;
	v8 =	vld [tilespmem:s3+$0xFFFFFFF0];
	[tilespmem:s0+$0xFFFFFFF0] =	vst v3  }
0x118: {  	v4 =	vmul.f32 v6, v4;
	v3 =	vld [tilespmem:s3+$0x30];
	[tilespmem:s0+$0x0] =	vst v7  }
0x119: {  	v6 =	vld [tilespmem:s3+$0x10];
	[tilespmem:s0+$0x20] =	vst v5  }
0x11a: {  	v5 =	vld [tilespmem:s3+$0xFFFFFFC0];
	[tilespmem:s0+$0xFFFFFFD0] =	vst v4  }
0x11b: {  	v2 =	vld.idx.msk [tilespmem:v2+s21+$0x0], $0xffff;
	_ =	sdelay $0x2  }
0x11c: {  	v4 =	vld [tilespmem:s3+$0xFFFFFFE0];
	_ =	sdelay $0x1  }
0x11d: {  	v7 =	vld [tilespmem:s3+$0x0];
	v3 =	vmul.f32 v3, v2  }
0x11e: {  	v9 =	vld [tilespmem:s3+$0x20];
	v5 =	vmul.f32 v5, v2  }
0x11f: {  	v10 =	vld [tilespmem:s3+$0xFFFFFFD0];
	v6 =	vmul.f32 v6, v2;
	[tilespmem:s3+$0x30] =	vst v3  }
0x120: {  	v3 =	vmul.f32 v4, v2;
	[tilespmem:s3+$0xFFFFFFC0] =	vst v5  }
0x121: {  	v4 =	vmul.f32 v8, v2;
	[tilespmem:s3+$0x10] =	vst v6  }
0x122: {  	v5 =	vmul.f32 v7, v2;
	[tilespmem:s3+$0xFFFFFFE0] =	vst v3  }
0x123: {  	v3 =	vmul.f32 v9, v2;
	[tilespmem:s3+$0xFFFFFFF0] =	vst v4  }
0x124: {  	v2 =	vmul.f32 v10, v2;
	[tilespmem:s3+$0x0] =	vst v5  }
0x125: {  	[tilespmem:s3+$0x20] =	vst v3  }
0x126: {  	[tilespmem:s3+$0xFFFFFFD0] =	vst v2;
	s3 =	sadd.s32 $0x2980, s30  }
0x127: {  	[spmem:s2] =	stream.indirect.scatter.add.f32 [tilespmem:s23], [sflag:$0x4], $0x80, s3, s22, $0xb8;
	[tilespmem:$0x1F800] =	vst v63  }
0x128: {  	s4 =	simm.s32 $0x0;
	_ =	swait.ge [sflag:s18], $0x4000  }
0x129: {  	v3 =	vmov s4;
	[sflag:s18] =	ssyncset.done $0x0  }
0x12a: {  	s9 =	sadd.s32 $0x280, s31;
	v2 =	vadd.s32 $0x200, v1;
	v3 =	vand.u32 $0x7F, v3;
	[sflag:s18] =	ssyncadd.s32 $0xFFFFC000  }
0x12b: {  	v3 =	vadd.s32 v2, v3;
	[tilespmem:s23], [sflag:$0x2] =	stream.indirect.gather [hbm4b:s1+s22], $0x80, s9, s22, $0xb8;
	[tilespmem:$0x1F800] =	vst v63  }
0x12c: {  	v3 =	vbroadcast v3, $0x0;
	_ =	swait.ge [sflag:s24], $0x4000  }
0x12d: {  	[sflag:s24] =	ssyncset.done $0x0  }
0x12e: {  	s0 =	simm.s32 $0x3840;
	[sflag:s24] =	ssyncadd.s32 $0xFFFFC000  }
0x12f: {  	v7 =	vld [tilespmem:s0+$0x30]  }
0x130: {  	v10 =	vld [tilespmem:s0+$0x10]  }
0x131: {  	v8 =	vld [tilespmem:s0+$0xFFFFFFC0]  }
0x132: {  	v4 =	vld.idx.msk [tilespmem:v3+s21+$0x0], $0xffff  }
0x133: {  	v13 =	vld [tilespmem:s0+$0xFFFFFFE0]  }
0x134: {  	v3 =	vld [tilespmem:s0+$0xFFFFFFF0]  }
0x135: {  	v5 =	vld [tilespmem:s0+$0x20]  }
0x136: {  	v6 =	vld [tilespmem:s0+$0xFFFFFFD0]  }
0x137: {  	v11 =	vmul.f32 v7, v4;
	v7 =	vld [tilespmem:s0+$0x0]  }
0x138: {  	s20 =	simm.s32 $0x1;
	v9 =	vmul.f32 v8, v4  }
0x139: {  	v12 =	vmov s20;
	s20 =	simm.s32 $0x3840;
	s4 =	simm.s32 $0x2;
	v8 =	vmul.f32 v13, v4;
	v10 =	vmul.f32 v10, v4  }
.LBB2_13:
0x13a: {  	p1 =	sne.s32 s4, $0x7F  }
0x13b: {  	v12 =	vand.u32 $0x7F, v12;
	v6 =	vmul.f32 v6, v4;
	v5 =	vmul.f32 v5, v4;
	[tilespmem:s0+$0x30] =	vst v11;
	s20 =	sadd.s32 $0x80, s20;
	s3 =	smov.u32 s4;
	s4 =	sadd.s32 $0x1, s4  }
0x13c: {  	v11 =	vadd.s32 v2, v12;
	[tilespmem:s0+$0xFFFFFFC0] =	vst v9;
	v9 =	vmul.f32 v3, v4;
	v4 =	vmul.f32 v7, v4  }
0x13d: {  	v7 =	vbroadcast v11, $0x0;
	[tilespmem:s0+$0x10] =	vst v10  }
0x13e: {  	[tilespmem:s0+$0xFFFFFFE0] =	vst v8  }
0x13f: {  	v3 =	vld [tilespmem:s20+$0xFFFFFFF0];
	[tilespmem:s0+$0xFFFFFFF0] =	vst v9  }
0x140: {  	v8 =	vld [tilespmem:s20+$0x30];
	[tilespmem:s0+$0x0] =	vst v4  }
0x141: {  	v10 =	vld [tilespmem:s20+$0x10];
	[tilespmem:s0+$0x20] =	vst v5  }
0x142: {  	v9 =	vld [tilespmem:s20+$0xFFFFFFC0];
	[tilespmem:s0+$0xFFFFFFD0] =	vst v6;
	s0 =	smov.u32 s20  }
0x143: {  	v4 =	vld.idx.msk [tilespmem:v7+s21+$0x0], $0xffff  }
0x144: {  	v13 =	vld [tilespmem:s20+$0xFFFFFFE0]  }
0x145: {  	v5 =	vld [tilespmem:s20+$0x20]  }
.Ltmp5:
0x146: {  	v6 =	vld [tilespmem:s20+$0xFFFFFFD0];
	(pc) =	sbr.rel @p1 .LBB2_13-.Ltmp5, $3  }
0x147: {  	v7 =	vld [tilespmem:s20+$0x0];
	_ =	sdelay $0x1  }
0x148: {  	v9 =	vmul.f32 v9, v4;
	v11 =	vmul.f32 v8, v4  }
0x149: {  	v12 =	vmov s3;
	v10 =	vmul.f32 v10, v4;
	v8 =	vmul.f32 v13, v4  }
0x14a: {  	[tilespmem:s0+$0xFFFFFFC0] =	vst v9;
	v9 =	vand.u32 $0x7F, v12  }
0x14b: {  	[tilespmem:s0+$0x30] =	vst v11;
	v2 =	vadd.s32 v2, v9  }
0x14c: {  	v3 =	vmul.f32 v3, v4;
	[tilespmem:s0+$0x10] =	vst v10;
	v2 =	vbroadcast v2, $0x0  }
0x14d: {  	s3 =	sadd.s32 $0x80, s20;
	[tilespmem:s0+$0xFFFFFFE0] =	vst v8;
	v7 =	vmul.f32 v7, v4  }
0x14e: {  	v5 =	vmul.f32 v5, v4;
	v8 =	vld [tilespmem:s3+$0xFFFFFFF0];
	[tilespmem:s0+$0xFFFFFFF0] =	vst v3  }
0x14f: {  	v4 =	vmul.f32 v6, v4;
	v3 =	vld [tilespmem:s3+$0x30];
	[tilespmem:s0+$0x0] =	vst v7  }
0x150: {  	v6 =	vld [tilespmem:s3+$0x10];
	[tilespmem:s0+$0x20] =	vst v5  }
0x151: {  	v5 =	vld [tilespmem:s3+$0xFFFFFFC0];
	[tilespmem:s0+$0xFFFFFFD0] =	vst v4  }
0x152: {  	v2 =	vld.idx.msk [tilespmem:v2+s21+$0x0], $0xffff;
	_ =	sdelay $0x2  }
0x153: {  	v4 =	vld [tilespmem:s3+$0xFFFFFFE0];
	_ =	sdelay $0x1  }
0x154: {  	v7 =	vld [tilespmem:s3+$0x0];
	v3 =	vmul.f32 v3, v2  }
0x155: {  	v9 =	vld [tilespmem:s3+$0x20];
	v5 =	vmul.f32 v5, v2  }
0x156: {  	v10 =	vld [tilespmem:s3+$0xFFFFFFD0];
	v6 =	vmul.f32 v6, v2;
	[tilespmem:s3+$0x30] =	vst v3  }
0x157: {  	v3 =	vmul.f32 v4, v2;
	[tilespmem:s3+$0xFFFFFFC0] =	vst v5  }
0x158: {  	v4 =	vmul.f32 v8, v2;
	[tilespmem:s3+$0x10] =	vst v6  }
0x159: {  	v5 =	vmul.f32 v7, v2;
	[tilespmem:s3+$0xFFFFFFE0] =	vst v3  }
0x15a: {  	v3 =	vmul.f32 v9, v2;
	[tilespmem:s3+$0xFFFFFFF0] =	vst v4  }
0x15b: {  	v2 =	vmul.f32 v10, v2;
	[tilespmem:s3+$0x0] =	vst v5  }
0x15c: {  	[tilespmem:s3+$0x20] =	vst v3  }
0x15d: {  	[tilespmem:s3+$0xFFFFFFD0] =	vst v2;
	s3 =	sadd.s32 $0x2A00, s30  }
0x15e: {  	[spmem:s2] =	stream.indirect.scatter.add.f32 [tilespmem:s19], [sflag:$0x4], $0x80, s3, s22, $0xb8;
	[tilespmem:$0x1F800] =	vst v63  }
0x15f: {  	s4 =	simm.s32 $0x0;
	_ =	swait.ge [sflag:s18], $0x4000  }
0x160: {  	v3 =	vmov s4;
	[sflag:s18] =	ssyncset.done $0x0  }
0x161: {  	s9 =	sadd.s32 $0x300, s31;
	v2 =	vadd.s32 $0x280, v1;
	v3 =	vand.u32 $0x7F, v3;
	[sflag:s18] =	ssyncadd.s32 $0xFFFFC000  }
0x162: {  	v3 =	vadd.s32 v2, v3;
	[tilespmem:s19], [sflag:$0x1] =	stream.indirect.gather [hbm4b:s1+s22], $0x80, s9, s22, $0xb8;
	[tilespmem:$0x1F800] =	vst v63  }
0x163: {  	v3 =	vbroadcast v3, $0x0;
	_ =	swait.ge [sflag:s25], $0x4000  }
0x164: {  	[sflag:s25] =	ssyncset.done $0x0  }
0x165: {  	s0 =	simm.s32 $0x7840;
	[sflag:s25] =	ssyncadd.s32 $0xFFFFC000  }
0x166: {  	v7 =	vld [tilespmem:s0+$0x30]  }
0x167: {  	v10 =	vld [tilespmem:s0+$0x10]  }
0x168: {  	v8 =	vld [tilespmem:s0+$0xFFFFFFC0]  }
0x169: {  	v4 =	vld.idx.msk [tilespmem:v3+s21+$0x0], $0xffff  }
0x16a: {  	v13 =	vld [tilespmem:s0+$0xFFFFFFE0]  }
0x16b: {  	v3 =	vld [tilespmem:s0+$0xFFFFFFF0]  }
0x16c: {  	v5 =	vld [tilespmem:s0+$0x20]  }
0x16d: {  	v6 =	vld [tilespmem:s0+$0xFFFFFFD0]  }
0x16e: {  	v11 =	vmul.f32 v7, v4;
	v7 =	vld [tilespmem:s0+$0x0]  }
0x16f: {  	s20 =	simm.s32 $0x1;
	v9 =	vmul.f32 v8, v4  }
0x170: {  	v12 =	vmov s20;
	s20 =	simm.s32 $0x7840;
	s4 =	simm.s32 $0x2;
	v8 =	vmul.f32 v13, v4;
	v10 =	vmul.f32 v10, v4  }
.LBB2_15:
0x171: {  	p1 =	sne.s32 s4, $0x7F  }
0x172: {  	v12 =	vand.u32 $0x7F, v12;
	v6 =	vmul.f32 v6, v4;
	v5 =	vmul.f32 v5, v4;
	[tilespmem:s0+$0x30] =	vst v11;
	s20 =	sadd.s32 $0x80, s20;
	s3 =	smov.u32 s4;
	s4 =	sadd.s32 $0x1, s4  }
0x173: {  	v11 =	vadd.s32 v2, v12;
	[tilespmem:s0+$0xFFFFFFC0] =	vst v9;
	v9 =	vmul.f32 v3, v4;
	v4 =	vmul.f32 v7, v4  }
0x174: {  	v7 =	vbroadcast v11, $0x0;
	[tilespmem:s0+$0x10] =	vst v10  }
0x175: {  	[tilespmem:s0+$0xFFFFFFE0] =	vst v8  }
0x176: {  	v3 =	vld [tilespmem:s20+$0xFFFFFFF0];
	[tilespmem:s0+$0xFFFFFFF0] =	vst v9  }
0x177: {  	v8 =	vld [tilespmem:s20+$0x30];
	[tilespmem:s0+$0x0] =	vst v4  }
0x178: {  	v10 =	vld [tilespmem:s20+$0x10];
	[tilespmem:s0+$0x20] =	vst v5  }
0x179: {  	v9 =	vld [tilespmem:s20+$0xFFFFFFC0];
	[tilespmem:s0+$0xFFFFFFD0] =	vst v6;
	s0 =	smov.u32 s20  }
0x17a: {  	v4 =	vld.idx.msk [tilespmem:v7+s21+$0x0], $0xffff  }
0x17b: {  	v13 =	vld [tilespmem:s20+$0xFFFFFFE0]  }
0x17c: {  	v5 =	vld [tilespmem:s20+$0x20]  }
.Ltmp6:
0x17d: {  	v6 =	vld [tilespmem:s20+$0xFFFFFFD0];
	(pc) =	sbr.rel @p1 .LBB2_15-.Ltmp6, $3  }
0x17e: {  	v7 =	vld [tilespmem:s20+$0x0];
	_ =	sdelay $0x1  }
0x17f: {  	v9 =	vmul.f32 v9, v4;
	v11 =	vmul.f32 v8, v4  }
0x180: {  	v12 =	vmov s3;
	v10 =	vmul.f32 v10, v4;
	v8 =	vmul.f32 v13, v4  }
0x181: {  	[tilespmem:s0+$0xFFFFFFC0] =	vst v9;
	v9 =	vand.u32 $0x7F, v12  }
0x182: {  	[tilespmem:s0+$0x30] =	vst v11;
	v2 =	vadd.s32 v2, v9  }
0x183: {  	v3 =	vmul.f32 v3, v4;
	[tilespmem:s0+$0x10] =	vst v10;
	v2 =	vbroadcast v2, $0x0  }
0x184: {  	s3 =	sadd.s32 $0x80, s20;
	[tilespmem:s0+$0xFFFFFFE0] =	vst v8;
	v7 =	vmul.f32 v7, v4  }
0x185: {  	v5 =	vmul.f32 v5, v4;
	v8 =	vld [tilespmem:s3+$0xFFFFFFF0];
	[tilespmem:s0+$0xFFFFFFF0] =	vst v3  }
0x186: {  	v4 =	vmul.f32 v6, v4;
	v3 =	vld [tilespmem:s3+$0x30];
	[tilespmem:s0+$0x0] =	vst v7  }
0x187: {  	v6 =	vld [tilespmem:s3+$0x10];
	[tilespmem:s0+$0x20] =	vst v5  }
0x188: {  	v5 =	vld [tilespmem:s3+$0xFFFFFFC0];
	[tilespmem:s0+$0xFFFFFFD0] =	vst v4  }
0x189: {  	v2 =	vld.idx.msk [tilespmem:v2+s21+$0x0], $0xffff;
	_ =	sdelay $0x2  }
0x18a: {  	v4 =	vld [tilespmem:s3+$0xFFFFFFE0];
	_ =	sdelay $0x1  }
0x18b: {  	v7 =	vld [tilespmem:s3+$0x0];
	v3 =	vmul.f32 v3, v2  }
0x18c: {  	v9 =	vld [tilespmem:s3+$0x20];
	v5 =	vmul.f32 v5, v2  }
0x18d: {  	v10 =	vld [tilespmem:s3+$0xFFFFFFD0];
	v6 =	vmul.f32 v6, v2;
	[tilespmem:s3+$0x30] =	vst v3  }
0x18e: {  	v3 =	vmul.f32 v4, v2;
	[tilespmem:s3+$0xFFFFFFC0] =	vst v5  }
0x18f: {  	v4 =	vmul.f32 v8, v2;
	[tilespmem:s3+$0x10] =	vst v6  }
0x190: {  	v5 =	vmul.f32 v7, v2;
	[tilespmem:s3+$0xFFFFFFE0] =	vst v3  }
0x191: {  	v3 =	vmul.f32 v9, v2;
	[tilespmem:s3+$0xFFFFFFF0] =	vst v4  }
0x192: {  	v2 =	vmul.f32 v10, v2;
	[tilespmem:s3+$0x0] =	vst v5  }
0x193: {  	[tilespmem:s3+$0x20] =	vst v3  }
0x194: {  	[tilespmem:s3+$0xFFFFFFD0] =	vst v2;
	s3 =	sadd.s32 $0x2A80, s30  }
0x195: {  	[spmem:s2] =	stream.indirect.scatter.add.f32 [tilespmem:s23], [sflag:$0x4], $0x80, s3, s22, $0xb8;
	[tilespmem:$0x1F800] =	vst v63  }
0x196: {  	s4 =	simm.s32 $0x0;
	_ =	swait.ge [sflag:s18], $0x4000  }
0x197: {  	v3 =	vmov s4;
	[sflag:s18] =	ssyncset.done $0x0  }
0x198: {  	s9 =	sadd.s32 $0x380, s31;
	v2 =	vadd.s32 $0x300, v1;
	v3 =	vand.u32 $0x7F, v3;
	[sflag:s18] =	ssyncadd.s32 $0xFFFFC000  }
0x199: {  	v3 =	vadd.s32 v2, v3;
	[tilespmem:s23], [sflag:$0x2] =	stream.indirect.gather [hbm4b:s1+s22], $0x80, s9, s22, $0xb8;
	[tilespmem:$0x1F800] =	vst v63  }
0x19a: {  	v3 =	vbroadcast v3, $0x0;
	_ =	swait.ge [sflag:s24], $0x4000  }
0x19b: {  	[sflag:s24] =	ssyncset.done $0x0  }
0x19c: {  	s0 =	simm.s32 $0x3840;
	[sflag:s24] =	ssyncadd.s32 $0xFFFFC000  }
0x19d: {  	v7 =	vld [tilespmem:s0+$0x30]  }
0x19e: {  	v10 =	vld [tilespmem:s0+$0x10]  }
0x19f: {  	v8 =	vld [tilespmem:s0+$0xFFFFFFC0]  }
0x1a0: {  	v4 =	vld.idx.msk [tilespmem:v3+s21+$0x0], $0xffff  }
0x1a1: {  	v13 =	vld [tilespmem:s0+$0xFFFFFFE0]  }
0x1a2: {  	v3 =	vld [tilespmem:s0+$0xFFFFFFF0]  }
0x1a3: {  	v5 =	vld [tilespmem:s0+$0x20]  }
0x1a4: {  	v6 =	vld [tilespmem:s0+$0xFFFFFFD0]  }
0x1a5: {  	v11 =	vmul.f32 v7, v4;
	v7 =	vld [tilespmem:s0+$0x0]  }
0x1a6: {  	s20 =	simm.s32 $0x1;
	v9 =	vmul.f32 v8, v4  }
0x1a7: {  	v12 =	vmov s20;
	s20 =	simm.s32 $0x3840;
	s4 =	simm.s32 $0x2;
	v8 =	vmul.f32 v13, v4;
	v10 =	vmul.f32 v10, v4  }
.LBB2_17:
0x1a8: {  	p1 =	sne.s32 s4, $0x7F  }
0x1a9: {  	v12 =	vand.u32 $0x7F, v12;
	v6 =	vmul.f32 v6, v4;
	v5 =	vmul.f32 v5, v4;
	[tilespmem:s0+$0x30] =	vst v11;
	s20 =	sadd.s32 $0x80, s20;
	s3 =	smov.u32 s4;
	s4 =	sadd.s32 $0x1, s4  }
0x1aa: {  	v11 =	vadd.s32 v2, v12;
	[tilespmem:s0+$0xFFFFFFC0] =	vst v9;
	v9 =	vmul.f32 v3, v4;
	v4 =	vmul.f32 v7, v4  }
0x1ab: {  	v7 =	vbroadcast v11, $0x0;
	[tilespmem:s0+$0x10] =	vst v10  }
0x1ac: {  	[tilespmem:s0+$0xFFFFFFE0] =	vst v8  }
0x1ad: {  	v3 =	vld [tilespmem:s20+$0xFFFFFFF0];
	[tilespmem:s0+$0xFFFFFFF0] =	vst v9  }
0x1ae: {  	v8 =	vld [tilespmem:s20+$0x30];
	[tilespmem:s0+$0x0] =	vst v4  }
0x1af: {  	v10 =	vld [tilespmem:s20+$0x10];
	[tilespmem:s0+$0x20] =	vst v5  }
0x1b0: {  	v9 =	vld [tilespmem:s20+$0xFFFFFFC0];
	[tilespmem:s0+$0xFFFFFFD0] =	vst v6;
	s0 =	smov.u32 s20  }
0x1b1: {  	v4 =	vld.idx.msk [tilespmem:v7+s21+$0x0], $0xffff  }
0x1b2: {  	v13 =	vld [tilespmem:s20+$0xFFFFFFE0]  }
0x1b3: {  	v5 =	vld [tilespmem:s20+$0x20]  }
.Ltmp7:
0x1b4: {  	v6 =	vld [tilespmem:s20+$0xFFFFFFD0];
	(pc) =	sbr.rel @p1 .LBB2_17-.Ltmp7, $3  }
0x1b5: {  	v7 =	vld [tilespmem:s20+$0x0];
	_ =	sdelay $0x1  }
0x1b6: {  	v9 =	vmul.f32 v9, v4;
	v11 =	vmul.f32 v8, v4  }
0x1b7: {  	v12 =	vmov s3;
	v10 =	vmul.f32 v10, v4;
	v8 =	vmul.f32 v13, v4  }
0x1b8: {  	[tilespmem:s0+$0xFFFFFFC0] =	vst v9;
	v9 =	vand.u32 $0x7F, v12  }
0x1b9: {  	[tilespmem:s0+$0x30] =	vst v11;
	v2 =	vadd.s32 v2, v9  }
0x1ba: {  	v3 =	vmul.f32 v3, v4;
	[tilespmem:s0+$0x10] =	vst v10;
	v2 =	vbroadcast v2, $0x0  }
0x1bb: {  	s3 =	sadd.s32 $0x80, s20;
	[tilespmem:s0+$0xFFFFFFE0] =	vst v8;
	v7 =	vmul.f32 v7, v4  }
0x1bc: {  	v5 =	vmul.f32 v5, v4;
	v8 =	vld [tilespmem:s3+$0xFFFFFFF0];
	[tilespmem:s0+$0xFFFFFFF0] =	vst v3  }
0x1bd: {  	v4 =	vmul.f32 v6, v4;
	v3 =	vld [tilespmem:s3+$0x30];
	[tilespmem:s0+$0x0] =	vst v7  }
0x1be: {  	v6 =	vld [tilespmem:s3+$0x10];
	[tilespmem:s0+$0x20] =	vst v5  }
0x1bf: {  	v5 =	vld [tilespmem:s3+$0xFFFFFFC0];
	[tilespmem:s0+$0xFFFFFFD0] =	vst v4  }
0x1c0: {  	v2 =	vld.idx.msk [tilespmem:v2+s21+$0x0], $0xffff;
	_ =	sdelay $0x2  }
0x1c1: {  	v4 =	vld [tilespmem:s3+$0xFFFFFFE0];
	_ =	sdelay $0x1  }
0x1c2: {  	v7 =	vld [tilespmem:s3+$0x0];
	v3 =	vmul.f32 v3, v2  }
0x1c3: {  	v9 =	vld [tilespmem:s3+$0x20];
	v5 =	vmul.f32 v5, v2  }
0x1c4: {  	v10 =	vld [tilespmem:s3+$0xFFFFFFD0];
	v6 =	vmul.f32 v6, v2;
	[tilespmem:s3+$0x30] =	vst v3  }
0x1c5: {  	v3 =	vmul.f32 v4, v2;
	[tilespmem:s3+$0xFFFFFFC0] =	vst v5  }
0x1c6: {  	v4 =	vmul.f32 v8, v2;
	[tilespmem:s3+$0x10] =	vst v6  }
0x1c7: {  	v5 =	vmul.f32 v7, v2;
	[tilespmem:s3+$0xFFFFFFE0] =	vst v3  }
0x1c8: {  	v3 =	vmul.f32 v9, v2;
	[tilespmem:s3+$0xFFFFFFF0] =	vst v4  }
0x1c9: {  	v2 =	vmul.f32 v10, v2;
	[tilespmem:s3+$0x0] =	vst v5  }
0x1ca: {  	[tilespmem:s3+$0x20] =	vst v3  }
0x1cb: {  	s9 =	sadd.s32 $0x2B00, s30;
	[tilespmem:s3+$0xFFFFFFD0] =	vst v2  }
0x1cc: {  	[spmem:s2] =	stream.indirect.scatter.add.f32 [tilespmem:s19], [sflag:$0x4], $0x80, s9, s22, $0xb8;
	[tilespmem:$0x1F800] =	vst v63  }
0x1cd: {  	s20 =	simm.s32 $0x0;
	_ =	swait.ge [sflag:s18], $0x4000  }
0x1ce: {  	s4 =	simm.s32 @!p0 $0x3800;
	v2 =	vmov s20;
	[sflag:s18] =	ssyncset.done $0x0  }
0x1cf: {  	v1 =	vadd.s32 $0x380, v1;
	s0 =	sadd.s32 @!p0 $0x400, s31;
	s3 =	simm.s32 @!p0 $0x80;
	v2 =	vand.u32 $0x7F, v2;
	[sflag:s18] =	ssyncadd.s32 $0xFFFFC000  }
0x1d0: {  	v2 =	vadd.s32 v1, v2;
	[tilespmem:s4], [sflag:$0x1] =	stream.indirect.gather @!p0 [hbm4b:s1+s3], $0x80, s0, s3, $0xb8;
	[tilespmem:$0x1F800] =	vst v63  }
0x1d1: {  	v2 =	vbroadcast v2, $0x0;
	_ =	swait.ge [sflag:s25], $0x4000  }
0x1d2: {  	[sflag:s25] =	ssyncset.done $0x0  }
0x1d3: {  	s0 =	simm.s32 $0x7840;
	[sflag:s25] =	ssyncadd.s32 $0xFFFFC000  }
0x1d4: {  	v6 =	vld [tilespmem:s0+$0x30]  }
0x1d5: {  	v9 =	vld [tilespmem:s0+$0x10]  }
0x1d6: {  	v7 =	vld [tilespmem:s0+$0xFFFFFFC0]  }
0x1d7: {  	v3 =	vld.idx.msk [tilespmem:v2+s21+$0x0], $0xffff  }
0x1d8: {  	v63 =	vld [tilespmem:s0+$0xFFFFFFE0]  }
0x1d9: {  	v2 =	vld [tilespmem:s0+$0xFFFFFFF0]  }
0x1da: {  	v4 =	vld [tilespmem:s0+$0x20]  }
0x1db: {  	v5 =	vld [tilespmem:s0+$0xFFFFFFD0]  }
0x1dc: {  	v10 =	vmul.f32 v6, v3;
	v6 =	vld [tilespmem:s0+$0x0]  }
0x1dd: {  	s31 =	simm.s32 $0x1;
	v8 =	vmul.f32 v7, v3  }
0x1de: {  	v11 =	vmov s31;
	s20 =	simm.s32 $0x7840;
	s4 =	simm.s32 $0x2;
	v7 =	vmul.f32 v63, v3;
	v9 =	vmul.f32 v9, v3  }
.LBB2_19:
0x1df: {  	p1 =	sne.s32 s4, $0x7F  }
0x1e0: {  	v11 =	vand.u32 $0x7F, v11;
	v5 =	vmul.f32 v5, v3;
	v4 =	vmul.f32 v4, v3;
	[tilespmem:s0+$0x30] =	vst v10;
	s20 =	sadd.s32 $0x80, s20;
	s3 =	smov.u32 s4;
	s4 =	sadd.s32 $0x1, s4  }
0x1e1: {  	v10 =	vadd.s32 v1, v11;
	[tilespmem:s0+$0xFFFFFFC0] =	vst v8;
	v8 =	vmul.f32 v2, v3;
	v3 =	vmul.f32 v6, v3  }
0x1e2: {  	v6 =	vbroadcast v10, $0x0;
	[tilespmem:s0+$0x10] =	vst v9  }
0x1e3: {  	[tilespmem:s0+$0xFFFFFFE0] =	vst v7  }
0x1e4: {  	v2 =	vld [tilespmem:s20+$0xFFFFFFF0];
	[tilespmem:s0+$0xFFFFFFF0] =	vst v8  }
0x1e5: {  	v7 =	vld [tilespmem:s20+$0x30];
	[tilespmem:s0+$0x0] =	vst v3  }
0x1e6: {  	v9 =	vld [tilespmem:s20+$0x10];
	[tilespmem:s0+$0x20] =	vst v4  }
0x1e7: {  	v8 =	vld [tilespmem:s20+$0xFFFFFFC0];
	[tilespmem:s0+$0xFFFFFFD0] =	vst v5;
	s0 =	smov.u32 s20  }
0x1e8: {  	v3 =	vld.idx.msk [tilespmem:v6+s21+$0x0], $0xffff  }
0x1e9: {  	v12 =	vld [tilespmem:s20+$0xFFFFFFE0]  }
0x1ea: {  	v4 =	vld [tilespmem:s20+$0x20]  }
.Ltmp8:
0x1eb: {  	v5 =	vld [tilespmem:s20+$0xFFFFFFD0];
	(pc) =	sbr.rel @p1 .LBB2_19-.Ltmp8, $3  }
0x1ec: {  	v6 =	vld [tilespmem:s20+$0x0];
	_ =	sdelay $0x1  }
0x1ed: {  	v8 =	vmul.f32 v8, v3;
	v10 =	vmul.f32 v7, v3  }
0x1ee: {  	v11 =	vmov s3;
	v9 =	vmul.f32 v9, v3;
	v7 =	vmul.f32 v12, v3  }
0x1ef: {  	[tilespmem:s0+$0x30] =	vst v10;
	v58 =	vand.u32 $0x7F, v11  }
0x1f0: {  	[tilespmem:s0+$0xFFFFFFC0] =	vst v8;
	v1 =	vadd.s32 v1, v58  }
0x1f1: {  	v2 =	vmul.f32 v2, v3;
	[tilespmem:s0+$0x10] =	vst v9;
	v1 =	vbroadcast v1, $0x0  }
0x1f2: {  	s3 =	sadd.s32 $0x80, s20;
	[tilespmem:s0+$0xFFFFFFE0] =	vst v7;
	v6 =	vmul.f32 v6, v3  }
0x1f3: {  	v4 =	vmul.f32 v4, v3;
	v3 =	vmul.f32 v5, v3;
	v7 =	vld [tilespmem:s3+$0xFFFFFFF0];
	[tilespmem:s0+$0xFFFFFFF0] =	vst v2  }
0x1f4: {  	v2 =	vld [tilespmem:s3+$0x30];
	[tilespmem:s0+$0x0] =	vst v6  }
0x1f5: {  	v60 =	vld [tilespmem:s3+$0xFFFFFFC0];
	[tilespmem:s0+$0xFFFFFFD0] =	vst v3  }
0x1f6: {  	v59 =	vld [tilespmem:s3+$0x10];
	[tilespmem:s0+$0x20] =	vst v4  }
0x1f7: {  	v1 =	vld.idx.msk [tilespmem:v1+s21+$0x0], $0xffff;
	_ =	sdelay $0x2  }
0x1f8: {  	v6 =	vld [tilespmem:s3+$0x0]  }
0x1f9: {  	v3 =	vld [tilespmem:s3+$0xFFFFFFE0]  }
0x1fa: {  	v2 =	vmul.f32 v2, v1  }
0x1fb: {  	v61 =	vld [tilespmem:s3+$0x20];
	v4 =	vmul.f32 v60, v1  }
0x1fc: {  	v62 =	vld [tilespmem:s3+$0xFFFFFFD0];
	v5 =	vmul.f32 v59, v1;
	[tilespmem:s3+$0x30] =	vst v2  }
0x1fd: {  	v63 =	vmul.f32 v6, v1;
	[tilespmem:s3+$0xFFFFFFC0] =	vst v4  }
0x1fe: {  	v2 =	vmul.f32 v3, v1;
	[tilespmem:s3+$0x10] =	vst v5  }
0x1ff: {  	v3 =	vmul.f32 v7, v1;
	[tilespmem:s3+$0x0] =	vst v63  }
0x200: {  	[tilespmem:s3+$0xFFFFFFE0] =	vst v2;
	v2 =	vmul.f32 v61, v1  }
0x201: {  	[tilespmem:s3+$0xFFFFFFF0] =	vst v3;
	v1 =	vmul.f32 v62, v1  }
0x202: {  	[tilespmem:s3+$0x20] =	vst v2  }
0x203: {  	s31 =	sadd.s32 $0x2B80, s30;
	[tilespmem:s3+$0xFFFFFFD0] =	vst v1  }
0x204: {  	[spmem:s2] =	stream.indirect.scatter.add.f32 [tilespmem:s23], [sflag:$0x4], $0x80, s31, s22, $0xb8;
	[tilespmem:$0x1F800] =	vst v63  }
0x205: {  	_ =	swait.ge [sflag:s18], $0x4000  }
0x206: {  	[sflag:s18] =	ssyncset.done $0x0  }
0x207: {  	p1 =	sne.s32 @!p0 s29, $0xA;
	s0 =	simm.s32 @!p0 $0x3;
	[sflag:s18] =	ssyncadd.s32 $0xFFFFC000  }
0x208: {  	p1 =	por p0, !p1;
	_ =	swait.ge @!p0 [sflag:s0], $0x400  }
.Ltmp9:
0x209: {  	[sflag:s0] =	ssyncset.done @!p0 $0x0;
	(pc) =	sbr.rel @!p1 .LBB2_4-.Ltmp9, $4  }
0x20a: {  	[sflag:s0] =	ssyncadd.s32 @!p0 $0xFFFFFC00  }
0x20b: {  	_ =	swait.ge @!p0 [sflag:s0], $0x400  }
0x20c: {  	[sflag:s0] =	ssyncset.done @!p0 $0x0  }
0x20d: {  	[sflag:s0] =	ssyncadd.s32 @!p0 $0xFFFFFC00  }
0x20e: {  	s0 =	stileid.u32;
	s26 =	sadd.s32 $0x1, s26  }
0x20f: {  	[bflag:$0x0] =	sbarrier.arrive $0xFFFF;
	s0 =	sshll.u32 s0, $0x6;
	p0 =	sne.s32 s26, s17  }
.Ltmp10:
0x210: {  	s3 =	sshrl.u32 s8, $0x3;
	s0 =	sor.u32 $0x1C04, s0;
	(pc) =	sbr.rel @p0 .LBB2_1-.Ltmp10, $4  }
0x211: {  	[hbm:s16], [sflag:s0] =	dma.local [spmem:s3], $0x2800  }
0x212: {  	_ =	swait.ge [sflag:s18], $0x2800  }
0x213: {  	[sflag:s18] =	ssyncset.done $0x0  }
0x214: {  	[sflag:s18] =	ssyncadd.s32 $0xFFFFD800  }
0x215: {  	_ =	sfence.sel $0x180000  }
0x216: {  	[bflag:$0x0] =	sbarrier.arrive $0xFFFF  }
0x217: {  	_ =	strace $0x9000004A  }
0x218: {  	s0 =	stileid.u32;
	[bflag:$0x2] =	sbarrier.arrive $0xFFFF  }
0x219: {  	p0 =	sne.s32 s0, $0x0;
	s0 =	rddreg [dreg:$0x4]  }
0x21a: {  	s0 =	sadd.s32 @!p0 $0x100000, s0  }
0x21b: {  	[sflag:s0] =	ssyncadd.tile.s32 @!p0 $0x1;
	_ =	shalt  }
.Lfunc_end2:
_tile_overlayer_lowered:
.L_overlay_start_2:
0x21c: {  	(tag) =	ssettag $0x2  }
0x21d: {  	s0 =	rddreg [dreg:$0x0];
	s2 =	stileid.u32  }
0x21e: {  	s1 =	rddreg [dreg:$0x1];
	p0 =	sne.s32 s2, $0x0  }
0x21f: {  	s3 =	rddreg [dreg:$0x2];
	[bflag:$0x3] =	sbarrier.arrive $0xFFFF;
	s2 =	simm.s32 @!p0 $0x1C04  }
0x220: {  	[timem:s3], [sflag:s2] =	dma.local @!p0 [hbm:s0], s1  }
0x221: {  	s0 =	simm.s32 @!p0 $0x4  }
0x222: {  	_ =	swait.ge @!p0 [sflag:s0], s1  }
0x223: {  	s1 =	ssub.s32 @!p0 $0x0, s1;
	[sflag:s0] =	ssyncset.done @!p0 $0x0  }
0x224: {  	[sflag:s0] =	ssyncadd.s32 @!p0 s1  }
0x225: {  	[bflag:$0x3] =	sbarrier.arrive $0xFFFF  }
0x226: {  	_ =	shalt  }

</sc_bundles>
